<compile_context>
chip_gen: v7x
topology: tpu7x:2x2x1
jax: 0.10.2.dev20260603
libtpu: 0.0.44.dev20260713+nightly
codegen_flags: <defaults>
</compile_context>

<pallas_src>
import jax
import jax.numpy as jnp
from jax import lax
from jax.experimental import pallas as pl
from jax.experimental.pallas import tpu as pltpu
from jax.experimental.pallas import tpu_sc as plsc

N = 10000
E = 320000
D = 128

NC = 2
NS = 16
NW = NC * NS
BLK = 64

TB = E // BLK
B0 = TB // 2
B1 = TB - B0

ROWS_PER_TILE = 640
N_PAD = NS * ROWS_PER_TILE
ZBLK = ROWS_PER_TILE // BLK

R = 5
Q = 8


def _make_seg(with_cnt):
    def body(*refs):
        if with_cnt:
            (x_hbm, ei_hbm, acc_out, cnt_out,
             acc_sh, cnt_sh, idxb, rows, ones, zcnt,
             isem, gsem, ssem, zsem, osem) = refs
        else:
            (x_hbm, ei_hbm, acc_out,
             acc_sh, idxb, rows, isem, gsem, ssem, zsem) = refs
        cid = lax.axis_index("c")
        sid = lax.axis_index("s")
        bc = jnp.where(cid == 0, B0, B1)
        base = jnp.where(cid == 0, 0, B0)
        start = base + lax.div(sid * bc, 16)
        cnt = base + lax.div((sid + 1) * bc, 16) - start
        zero16 = jnp.zeros((16,), jnp.float32)

        if with_cnt:
            one16 = jnp.ones((16,), jnp.float32)
            for i in range(BLK // 16):
                ones[pl.ds(i * 16, 16)] = one16
            for i in range(ROWS_PER_TILE // 16):
                zcnt[pl.ds(i * 16, 16)] = zero16

        def _zrow(rr, carry):
            for c in range(D // 16):
                rows[0, rr, pl.ds(c * 16, 16)] = zero16
            return carry
        lax.fori_loop(0, BLK, _zrow, 0)
        base_row = sid * ROWS_PER_TILE
        for j in range(ZBLK):
            pltpu.async_copy(rows.at[0], acc_sh.at[pl.ds(base_row + j * BLK, BLK)],
                             zsem)
        if with_cnt:
            pltpu.sync_copy(zcnt, cnt_sh.at[pl.ds(base_row, ROWS_PER_TILE)])
        for j in range(ZBLK):
            pltpu.make_async_copy(rows.at[0],
                                  acc_sh.at[pl.ds(base_row + j * BLK, BLK)],
                                  zsem).wait()
        plsc.subcore_barrier()

        def _prefetch(b, q):
            off = (start + b) * BLK
            pltpu.async_copy(ei_hbm.at[0, pl.ds(off, BLK)], idxb.at[q, 0], isem.at[q])
            pltpu.async_copy(ei_hbm.at[1, pl.ds(off, BLK)], idxb.at[q, 1], isem.at[q])

        def _wait_idx(q):
            pltpu.make_async_copy(ei_hbm.at[0, pl.ds(0, BLK)], idxb.at[q, 0], isem.at[q]).wait()
            pltpu.make_async_copy(ei_hbm.at[1, pl.ds(0, BLK)], idxb.at[q, 1], isem.at[q]).wait()

        def _gather(q, r):
            pltpu.async_copy(x_hbm.at[idxb.at[q, 0]], rows.at[r], gsem.at[r])

        def _wait_rows(r):
            pltpu.make_async_copy(x_hbm.at[pl.ds(0, BLK)], rows.at[r], gsem.at[r]).wait()

        def _scatter(q, r):
            pltpu.async_copy(rows.at[r], acc_sh.at[idxb.at[q, 1]], ssem.at[r], add=True)
            if with_cnt:
                pltpu.async_copy(ones, cnt_sh.at[idxb.at[q, 1]], osem.at[r], add=True)

        def _wait_scatter(r):
            pltpu.make_async_copy(x_hbm.at[pl.ds(0, BLK)], rows.at[r], ssem.at[r]).wait()
            if with_cnt:
                pltpu.make_async_copy(x_hbm.at[0, pl.ds(0, BLK)], ones, osem.at[r]).wait()

        for b in range(6):
            @pl.when(b < cnt)
            def _():
                _prefetch(b, b)
        for b in range(3):
            @pl.when(b < cnt)
            def _():
                _wait_idx(b)
                _gather(b, b)

        def _step(b, carry):
            r = lax.rem(b, R)
            q = lax.rem(b, Q)
            _wait_rows(r)
            _scatter(q, r)

            @pl.when(b >= 2)
            def _():
                _wait_scatter(lax.rem(b + R - 2, R))

            @pl.when(b + 3 < cnt)
            def _():
                q2 = lax.rem(b + 3, Q)
                _wait_idx(q2)
                _gather(q2, lax.rem(b + 3, R))

            @pl.when(b + 6 < cnt)
            def _():
                _prefetch(b + 6, lax.rem(b + 6, Q))
            return carry
        lax.fori_loop(0, cnt, _step, 0)

        @pl.when(cnt >= 2)
        def _():
            _wait_scatter(lax.rem(cnt - 2, R))

        @pl.when(cnt >= 1)
        def _():
            _wait_scatter(lax.rem(cnt - 1, R))
        plsc.subcore_barrier()

        for j in range(ZBLK):
            rr = base_row + j * BLK
            pltpu.async_copy(acc_sh.at[pl.ds(rr, BLK)],
                             acc_out.at[cid, pl.ds(rr, BLK)], zsem)
        if with_cnt:
            pltpu.sync_copy(cnt_sh.at[pl.ds(base_row, ROWS_PER_TILE)],
                            cnt_out.at[cid, pl.ds(base_row, ROWS_PER_TILE)])
        for j in range(ZBLK):
            rr = base_row + j * BLK
            pltpu.make_async_copy(acc_sh.at[pl.ds(rr, BLK)],
                                  acc_out.at[cid, pl.ds(rr, BLK)], zsem).wait()

    out_type = [jax.ShapeDtypeStruct((NC, N_PAD, D), jnp.float32)]
    scratch = [
        pltpu.VMEM_SHARED((N_PAD, D), jnp.float32),
        pltpu.VMEM((Q, 2, BLK), jnp.int32),
        pltpu.VMEM((R, BLK, D), jnp.float32),
        pltpu.SemaphoreType.DMA((Q,)),
        pltpu.SemaphoreType.DMA((R,)),
        pltpu.SemaphoreType.DMA((R,)),
        pltpu.SemaphoreType.DMA,
    ]
    if with_cnt:
        out_type.append(jax.ShapeDtypeStruct((NC, N_PAD), jnp.float32))
        scratch = ([scratch[0],
                    pltpu.VMEM_SHARED((N_PAD,), jnp.float32)]
                   + scratch[1:3]
                   + [pltpu.VMEM((BLK,), jnp.float32),
                      pltpu.VMEM((ROWS_PER_TILE,), jnp.float32)]
                   + scratch[3:]
                   + [pltpu.SemaphoreType.DMA((R,))])

    return pl.kernel(
        body,
        out_type=out_type,
        mesh=plsc.VectorSubcoreMesh(core_axis_name="c", subcore_axis_name="s",
                                    num_cores=NC, num_subcores=NS),
        scratch_types=scratch,
    )


_seg_sum_cnt = _make_seg(True)
_seg_sum = _make_seg(False)


_RB = 2000


def _self_body(x_ref, wr_ref, b_ref, o_ref):
    o_ref[...] = lax.dot_general(
        x_ref[...], wr_ref[...], (((1,), (1,)), ((), ())),
        preferred_element_type=jnp.float32) + b_ref[...]


_self_dense = pl.pallas_call(
    _self_body,
    grid=(N // _RB,),
    in_specs=[
        pl.BlockSpec((_RB, D), lambda i: (i, 0)),
        pl.BlockSpec((D, D), lambda i: (0, 0)),
        pl.BlockSpec((1, D), lambda i: (0, 0)),
    ],
    out_specs=pl.BlockSpec((_RB, D), lambda i: (i, 0)),
    out_shape=jax.ShapeDtypeStruct((N, D), jnp.float32),
)


def _combine_body(acc_ref, cnt_ref, s_ref, wl_ref, a_ref, o_ref):
    cnt = cnt_ref[0] + cnt_ref[1]
    mean = (acc_ref[0] + acc_ref[1]) / jnp.maximum(cnt, 1.0)
    h = lax.dot_general(mean, wl_ref[...], (((1,), (1,)), ((), ())),
                        preferred_element_type=jnp.float32) + s_ref[...]
    a = a_ref[0, 0]
    o_ref[...] = jnp.where(h > 0.0, h, a * h)


_combine = pl.pallas_call(
    _combine_body,
    grid=(N // _RB,),
    in_specs=[
        pl.BlockSpec((NC, _RB, D), lambda i: (0, i, 0)),
        pl.BlockSpec((NC, _RB, 1), lambda i: (0, i, 0)),
        pl.BlockSpec((_RB, D), lambda i: (i, 0)),
        pl.BlockSpec((D, D), lambda i: (0, 0)),
        pl.BlockSpec((1, 1), lambda i: (0, 0)),
    ],
    out_specs=pl.BlockSpec((_RB, D), lambda i: (i, 0)),
    out_shape=jax.ShapeDtypeStruct((N, D), jnp.float32),
)


def kernel(x, edge_index, W_l1, W_r1, b1, a1, W_l2, W_r2, b2, a2):
    h0 = x[0]
    ei = edge_index[0].astype(jnp.int32)

    acc1, cnt1 = _seg_sum_cnt(h0, ei)
    self1 = _self_dense(h0, W_r1, b1.reshape(1, D))
    cnt3 = cnt1.reshape(NC, N_PAD, 1)
    h1 = _combine(acc1, cnt3, self1, W_l1, a1.reshape(1, 1))
    acc2, = _seg_sum(h1, ei)
    self2 = _self_dense(h1, W_r2, b2.reshape(1, D))
    h2 = _combine(acc2, cnt3, self2, W_l2, a2.reshape(1, 1))
    return h2.reshape(x.shape[:-2] + (-1,))

# --- scband reference (transcript-rebuilt; emitter-appended) ---
"""Pipeline reference for scband-gnn-12799002542385 (READ-ONLY COPY).

The authoritative reference and input builder live on the scoring server;
editing this copy changes nothing except your own understanding.
"""

import jax, jax.numpy as jnp
import numpy as np

N_NODES = 10000
N_EDGES = 320000
D = 128


def _sage_conv(x, edge_index, W_l, W_r, b):
    # PyG SAGEConv with mean aggregation:
    #   out_i = W_l @ mean_{j in N(i)} x_j + W_r @ x_i + b
    src = edge_index[0]
    dst = edge_index[1]
    msgs = jnp.take(x, src, axis=0)                       # gather [E, D]
    agg = jax.ops.segment_sum(msgs, dst, num_segments=N_NODES)  # scatter-add [N, D]
    cnt = jax.ops.segment_sum(jnp.ones((msgs.shape[0],), dtype=x.dtype), dst, num_segments=N_NODES)
    agg = agg / jnp.clip(cnt, 1.0, None)[:, None]         # mean
    return agg @ W_l.T + x @ W_r.T + b


def _prelu(x, a):
    return jnp.where(x > 0, x, a * x)


def setup_inputs(seed: int = 0) -> dict:
    key = jax.random.key(seed)
    ks = jax.random.split(key, 10)
    x = jax.random.normal(ks[0], (1, N_NODES, D), dtype=jnp.float32)
    edge_index = jax.random.randint(ks[1], (1, 2, N_EDGES), 0, N_NODES, dtype=jnp.int64)
    s = 1.0 / np.sqrt(D)
    W_l1 = jax.random.normal(ks[2], (D, D), dtype=jnp.float32) * s
    W_r1 = jax.random.normal(ks[3], (D, D), dtype=jnp.float32) * s
    b1 = jnp.zeros((D,), dtype=jnp.float32)
    a1 = jnp.asarray(0.25, dtype=jnp.float32)  # PReLU param
    W_l2 = jax.random.normal(ks[4], (D, D), dtype=jnp.float32) * s
    W_r2 = jax.random.normal(ks[5], (D, D), dtype=jnp.float32) * s
    b2 = jnp.zeros((D,), dtype=jnp.float32)
    a2 = jnp.asarray(0.25, dtype=jnp.float32)
    return {"x": x, "edge_index": edge_index, "W_l1": W_l1, "W_r1": W_r1, "b1": b1, "a1": a1,
            "W_l2": W_l2, "W_r2": W_r2, "b2": b2, "a2": a2}


def reference(x, edge_index, W_l1, W_r1, b1, a1, W_l2, W_r2, b2, a2):
    # n_batch == 1 path: process whole graph in one go
    h = x[0]                      # [N, D]
    ei = edge_index[0]            # [2, E]
    h = _sage_conv(h, ei, W_l1, W_r1, b1)
    h = _prelu(h, a1)
    h = _sage_conv(h, ei, W_l2, W_r2, b2)
    h = _prelu(h, a2)             # end_activation=True
    # reshape to x.shape[:-2] + (-1,) -> (1, N*D)
    return h.reshape(x.shape[:-2] + (-1,))

if __name__ == "__main__":
    import jax
    _d = setup_inputs()
    print(jax.jit(kernel)(*tuple(_d.values())))

</pallas_src>

<mosaic_0001>
#map = affine_map<(d0, d1) -> (0, 0)>
#map1 = affine_map<(d0, d1) -> (0, 0, 0)>
module attributes {stable_mosaic.version = 14 : i64} {
  func.func @body(%arg0: i32, %arg1: i32, %arg2: memref<10000x128xf32, #tpu.memory_space<hbm>>, %arg3: memref<2x320000xi32, #tpu.memory_space<hbm>>, %arg4: memref<2x10240x128xf32, #tpu.memory_space<hbm>>, %arg5: memref<2x10240xf32, #tpu.memory_space<hbm>>, %arg6: memref<10240x128xf32, #tpu.memory_space<vmem_shared>>, %arg7: memref<10240xf32, #tpu.memory_space<vmem_shared>>, %arg8: memref<8x2x64xi32, #tpu.memory_space<vmem>>, %arg9: memref<5x64x128xf32, #tpu.memory_space<vmem>>, %arg10: memref<64xf32, #tpu.memory_space<vmem>>, %arg11: memref<640xf32, #tpu.memory_space<vmem>>, %arg12: memref<8x!tpu.dma_semaphore, #tpu.memory_space<semaphore_mem>>, %arg13: memref<5x!tpu.dma_semaphore, #tpu.memory_space<semaphore_mem>>, %arg14: memref<5x!tpu.dma_semaphore, #tpu.memory_space<semaphore_mem>>, %arg15: memref<!tpu.dma_semaphore, #tpu.memory_space<semaphore_mem>>, %arg16: memref<5x!tpu.dma_semaphore, #tpu.memory_space<semaphore_mem>>) attributes {dimension_semantics = [#tpu.dimension_semantics<core_parallel>, #tpu.dimension_semantics<subcore_parallel>], iteration_bounds = array<i64: 2, 16>, scalar_prefetch = 0 : i64, scratch_operands = 11 : i64, tpu.core_type = #tpu.core_type<sc_vector_subcore>, window_params = [{transform_indices = #map}, {transform_indices = #map}, {transform_indices = #map1}, {transform_indices = #map}]} {
    %eq3A = arith.constant 0 : i32
    %eq3A_0 = arith.cmpi eq, %arg0, %eq3A : i32
    %jit3A = arith.constant 2500 : i32
    %jit3A_1 = arith.constant 2500 : i32
    %select_n3A = arith.select %eq3A_0, %jit3A, %jit3A_1 : i32
    %eq3A_2 = arith.constant 0 : i32
    %eq3A_3 = arith.cmpi eq, %arg0, %eq3A_2 : i32
    %jit3A_4 = arith.constant 0 : i32
    %jit3A_5 = arith.constant 2500 : i32
    %select_n3A_6 = arith.select %eq3A_3, %jit3A_4, %jit3A_5 : i32
    %mul3A = arith.muli %arg1, %select_n3A : i32
    %div3A = arith.constant 16 : i32
    %div3A_7 = arith.divsi %mul3A, %div3A : i32
    %add3A = arith.addi %select_n3A_6, %div3A_7 : i32
    %add3A_8 = arith.constant 1 : i32
    %add3A_9 = arith.addi %arg1, %add3A_8 : i32
    %mul3A_10 = arith.muli %add3A_9, %select_n3A : i32
    %div3A_11 = arith.constant 16 : i32
    %div3A_12 = arith.divsi %mul3A_10, %div3A_11 : i32
    %add3A_13 = arith.addi %select_n3A_6, %div3A_12 : i32
    %sub3A = arith.subi %add3A_13, %add3A : i32
    %broadcast_in_dim3A = arith.constant 0.000000e+00 : f32
    %broadcast_in_dim3A_14 = vector.broadcast %broadcast_in_dim3A : f32 to vector<16xf32>
    %broadcast_in_dim3A_15 = arith.constant 1.000000e+00 : f32
    %broadcast_in_dim3A_16 = vector.broadcast %broadcast_in_dim3A_15 : f32 to vector<16xf32>
    %swap3A = arith.constant 0 : index
    %swap3A_17 = tpu.vector_load %arg10[%swap3A] {strides = array<i32>} : memref<64xf32, #tpu.memory_space<vmem>>, vector<16xf32>,
    %swap3A_18 = vector.shape_cast %swap3A_17 : vector<16xf32> to vector<16xf32>
    %swap3A_19 = vector.shape_cast %broadcast_in_dim3A_16 : vector<16xf32> to vector<16xf32>
    tpu.vector_store %arg10[%swap3A], %swap3A_19 {strides = array<i32>} : memref<64xf32, #tpu.memory_space<vmem>>, vector<16xf32>,
    %swap3A_20 = arith.constant 16 : index
    %swap3A_21 = tpu.vector_load %arg10[%swap3A_20] {strides = array<i32>} : memref<64xf32, #tpu.memory_space<vmem>>, vector<16xf32>,
    %swap3A_22 = vector.shape_cast %swap3A_21 : vector<16xf32> to vector<16xf32>
    %swap3A_23 = vector.shape_cast %broadcast_in_dim3A_16 : vector<16xf32> to vector<16xf32>
    tpu.vector_store %arg10[%swap3A_20], %swap3A_23 {strides = array<i32>} : memref<64xf32, #tpu.memory_space<vmem>>, vector<16xf32>,
    %swap3A_24 = arith.constant 32 : index
    %swap3A_25 = tpu.vector_load %arg10[%swap3A_24] {strides = array<i32>} : memref<64xf32, #tpu.memory_space<vmem>>, vector<16xf32>,
    %swap3A_26 = vector.shape_cast %swap3A_25 : vector<16xf32> to vector<16xf32>
    %swap3A_27 = vector.shape_cast %broadcast_in_dim3A_16 : vector<16xf32> to vector<16xf32>
    tpu.vector_store %arg10[%swap3A_24], %swap3A_27 {strides = array<i32>} : memref<64xf32, #tpu.memory_space<vmem>>, vector<16xf32>,
    %swap3A_28 = arith.constant 48 : index
    %swap3A_29 = tpu.vector_load %arg10[%swap3A_28] {strides = array<i32>} : memref<64xf32, #tpu.memory_space<vmem>>, vector<16xf32>,
    %swap3A_30 = vector.shape_cast %swap3A_29 : vector<16xf32> to vector<16xf32>
    %swap3A_31 = vector.shape_cast %broadcast_in_dim3A_16 : vector<16xf32> to vector<16xf32>
    tpu.vector_store %arg10[%swap3A_28], %swap3A_31 {strides = array<i32>} : memref<64xf32, #tpu.memory_space<vmem>>, vector<16xf32>,
    %swap3A_32 = arith.constant 0 : index
    %swap3A_33 = tpu.vector_load %arg11[%swap3A_32] {strides = array<i32>} : memref<640xf32, #tpu.memory_space<vmem>>, vector<16xf32>,
    %swap3A_34 = vector.shape_cast %swap3A_33 : vector<16xf32> to vector<16xf32>
    %swap3A_35 = vector.shape_cast %broadcast_in_dim3A_14 : vector<16xf32> to vector<16xf32>
    tpu.vector_store %arg11[%swap3A_32], %swap3A_35 {strides = array<i32>} : memref<640xf32, #tpu.memory_space<vmem>>, vector<16xf32>,
    %swap3A_36 = arith.constant 16 : index
    %swap3A_37 = tpu.vector_load %arg11[%swap3A_36] {strides = array<i32>} : memref<640xf32, #tpu.memory_space<vmem>>, vector<16xf32>,
    %swap3A_38 = vector.shape_cast %swap3A_37 : vector<16xf32> to vector<16xf32>
    %swap3A_39 = vector.shape_cast %broadcast_in_dim3A_14 : vector<16xf32> to vector<16xf32>
    tpu.vector_store %arg11[%swap3A_36], %swap3A_39 {strides = array<i32>} : memref<640xf32, #tpu.memory_space<vmem>>, vector<16xf32>,
    %swap3A_40 = arith.constant 32 : index
    %swap3A_41 = tpu.vector_load %arg11[%swap3A_40] {strides = array<i32>} : memref<640xf32, #tpu.memory_space<vmem>>, vector<16xf32>,
    %swap3A_42 = vector.shape_cast %swap3A_41 : vector<16xf32> to vector<16xf32>
    %swap3A_43 = vector.shape_cast %broadcast_in_dim3A_14 : vector<16xf32> to vector<16xf32>
    tpu.vector_store %arg11[%swap3A_40], %swap3A_43 {strides = array<i32>} : memref<640xf32, #tpu.memory_space<vmem>>, vector<16xf32>,
    %swap3A_44 = arith.constant 48 : index
    %swap3A_45 = tpu.vector_load %arg11[%swap3A_44] {strides = array<i32>} : memref<640xf32, #tpu.memory_space<vmem>>, vector<16xf32>,
    %swap3A_46 = vector.shape_cast %swap3A_45 : vector<16xf32> to vector<16xf32>
    %swap3A_47 = vector.shape_cast %broadcast_in_dim3A_14 : vector<16xf32> to vector<16xf32>
    tpu.vector_store %arg11[%swap3A_44], %swap3A_47 {strides = array<i32>} : memref<640xf32, #tpu.memory_space<vmem>>, vector<16xf32>,
    %swap3A_48 = arith.constant 64 : index
    %swap3A_49 = tpu.vector_load %arg11[%swap3A_48] {strides = array<i32>} : memref<640xf32, #tpu.memory_space<vmem>>, vector<16xf32>,
    %swap3A_50 = vector.shape_cast %swap3A_49 : vector<16xf32> to vector<16xf32>
    %swap3A_51 = vector.shape_cast %broadcast_in_dim3A_14 : vector<16xf32> to vector<16xf32>
    tpu.vector_store %arg11[%swap3A_48], %swap3A_51 {strides = array<i32>} : memref<640xf32, #tpu.memory_space<vmem>>, vector<16xf32>,
    %swap3A_52 = arith.constant 80 : index
    %swap3A_53 = tpu.vector_load %arg11[%swap3A_52] {strides = array<i32>} : memref<640xf32, #tpu.memory_space<vmem>>, vector<16xf32>,
    %swap3A_54 = vector.shape_cast %swap3A_53 : vector<16xf32> to vector<16xf32>
    %swap3A_55 = vector.shape_cast %broadcast_in_dim3A_14 : vector<16xf32> to vector<16xf32>
    tpu.vector_store %arg11[%swap3A_52], %swap3A_55 {strides = array<i32>} : memref<640xf32, #tpu.memory_space<vmem>>, vector<16xf32>,
    %swap3A_56 = arith.constant 96 : index
    %swap3A_57 = tpu.vector_load %arg11[%swap3A_56] {strides = array<i32>} : memref<640xf32, #tpu.memory_space<vmem>>, vector<16xf32>,
    %swap3A_58 = vector.shape_cast %swap3A_57 : vector<16xf32> to vector<16xf32>
    %swap3A_59 = vector.shape_cast %broadcast_in_dim3A_14 : vector<16xf32> to vector<16xf32>
    tpu.vector_store %arg11[%swap3A_56], %swap3A_59 {strides = array<i32>} : memref<640xf32, #tpu.memory_space<vmem>>, vector<16xf32>,
    %swap3A_60 = arith.constant 112 : index
    %swap3A_61 = tpu.vector_load %arg11[%swap3A_60] {strides = array<i32>} : memref<640xf32, #tpu.memory_space<vmem>>, vector<16xf32>,
    %swap3A_62 = vector.shape_cast %swap3A_61 : vector<16xf32> to vector<16xf32>
    %swap3A_63 = vector.shape_cast %broadcast_in_dim3A_14 : vector<16xf32> to vector<16xf32>
    tpu.vector_store %arg11[%swap3A_60], %swap3A_63 {strides = array<i32>} : memref<640xf32, #tpu.memory_space<vmem>>, vector<16xf32>,
    %swap3A_64 = arith.constant 128 : index
    %swap3A_65 = tpu.vector_load %arg11[%swap3A_64] {strides = array<i32>} : memref<640xf32, #tpu.memory_space<vmem>>, vector<16xf32>,
    %swap3A_66 = vector.shape_cast %swap3A_65 : vector<16xf32> to vector<16xf32>
    %swap3A_67 = vector.shape_cast %broadcast_in_dim3A_14 : vector<16xf32> to vector<16xf32>
    tpu.vector_store %arg11[%swap3A_64], %swap3A_67 {strides = array<i32>} : memref<640xf32, #tpu.memory_space<vmem>>, vector<16xf32>,
    %swap3A_68 = arith.constant 144 : index
    %swap3A_69 = tpu.vector_load %arg11[%swap3A_68] {strides = array<i32>} : memref<640xf32, #tpu.memory_space<vmem>>, vector<16xf32>,
    %swap3A_70 = vector.shape_cast %swap3A_69 : vector<16xf32> to vector<16xf32>
    %swap3A_71 = vector.shape_cast %broadcast_in_dim3A_14 : vector<16xf32> to vector<16xf32>
    tpu.vector_store %arg11[%swap3A_68], %swap3A_71 {strides = array<i32>} : memref<640xf32, #tpu.memory_space<vmem>>, vector<16xf32>,
    %swap3A_72 = arith.constant 160 : index
    %swap3A_73 = tpu.vector_load %arg11[%swap3A_72] {strides = array<i32>} : memref<640xf32, #tpu.memory_space<vmem>>, vector<16xf32>,
    %swap3A_74 = vector.shape_cast %swap3A_73 : vector<16xf32> to vector<16xf32>
    %swap3A_75 = vector.shape_cast %broadcast_in_dim3A_14 : vector<16xf32> to vector<16xf32>
    tpu.vector_store %arg11[%swap3A_72], %swap3A_75 {strides = array<i32>} : memref<640xf32, #tpu.memory_space<vmem>>, vector<16xf32>,
    %swap3A_76 = arith.constant 176 : index
    %swap3A_77 = tpu.vector_load %arg11[%swap3A_76] {strides = array<i32>} : memref<640xf32, #tpu.memory_space<vmem>>, vector<16xf32>,
    %swap3A_78 = vector.shape_cast %swap3A_77 : vector<16xf32> to vector<16xf32>
    %swap3A_79 = vector.shape_cast %broadcast_in_dim3A_14 : vector<16xf32> to vector<16xf32>
    tpu.vector_store %arg11[%swap3A_76], %swap3A_79 {strides = array<i32>} : memref<640xf32, #tpu.memory_space<vmem>>, vector<16xf32>,
    %swap3A_80 = arith.constant 192 : index
    %swap3A_81 = tpu.vector_load %arg11[%swap3A_80] {strides = array<i32>} : memref<640xf32, #tpu.memory_space<vmem>>, vector<16xf32>,
    %swap3A_82 = vector.shape_cast %swap3A_81 : vector<16xf32> to vector<16xf32>
    %swap3A_83 = vector.shape_cast %broadcast_in_dim3A_14 : vector<16xf32> to vector<16xf32>
    tpu.vector_store %arg11[%swap3A_80], %swap3A_83 {strides = array<i32>} : memref<640xf32, #tpu.memory_space<vmem>>, vector<16xf32>,
    %swap3A_84 = arith.constant 208 : index
    %swap3A_85 = tpu.vector_load %arg11[%swap3A_84] {strides = array<i32>} : memref<640xf32, #tpu.memory_space<vmem>>, vector<16xf32>,
    %swap3A_86 = vector.shape_cast %swap3A_85 : vector<16xf32> to vector<16xf32>
    %swap3A_87 = vector.shape_cast %broadcast_in_dim3A_14 : vector<16xf32> to vector<16xf32>
    tpu.vector_store %arg11[%swap3A_84], %swap3A_87 {strides = array<i32>} : memref<640xf32, #tpu.memory_space<vmem>>, vector<16xf32>,
    %swap3A_88 = arith.constant 224 : index
    %swap3A_89 = tpu.vector_load %arg11[%swap3A_88] {strides = array<i32>} : memref<640xf32, #tpu.memory_space<vmem>>, vector<16xf32>,
    %swap3A_90 = vector.shape_cast %swap3A_89 : vector<16xf32> to vector<16xf32>
    %swap3A_91 = vector.shape_cast %broadcast_in_dim3A_14 : vector<16xf32> to vector<16xf32>
    tpu.vector_store %arg11[%swap3A_88], %swap3A_91 {strides = array<i32>} : memref<640xf32, #tpu.memory_space<vmem>>, vector<16xf32>,
    %swap3A_92 = arith.constant 240 : index
    %swap3A_93 = tpu.vector_load %arg11[%swap3A_92] {strides = array<i32>} : memref<640xf32, #tpu.memory_space<vmem>>, vector<16xf32>,
    %swap3A_94 = vector.shape_cast %swap3A_93 : vector<16xf32> to vector<16xf32>
    %swap3A_95 = vector.shape_cast %broadcast_in_dim3A_14 : vector<16xf32> to vector<16xf32>
    tpu.vector_store %arg11[%swap3A_92], %swap3A_95 {strides = array<i32>} : memref<640xf32, #tpu.memory_space<vmem>>, vector<16xf32>,
    %swap3A_96 = arith.constant 256 : index
    %swap3A_97 = tpu.vector_load %arg11[%swap3A_96] {strides = array<i32>} : memref<640xf32, #tpu.memory_space<vmem>>, vector<16xf32>,
    %swap3A_98 = vector.shape_cast %swap3A_97 : vector<16xf32> to vector<16xf32>
    %swap3A_99 = vector.shape_cast %broadcast_in_dim3A_14 : vector<16xf32> to vector<16xf32>
    tpu.vector_store %arg11[%swap3A_96], %swap3A_99 {strides = array<i32>} : memref<640xf32, #tpu.memory_space<vmem>>, vector<16xf32>,
    %swap3A_100 = arith.constant 272 : index
    %swap3A_101 = tpu.vector_load %arg11[%swap3A_100] {strides = array<i32>} : memref<640xf32, #tpu.memory_space<vmem>>, vector<16xf32>,
    %swap3A_102 = vector.shape_cast %swap3A_101 : vector<16xf32> to vector<16xf32>
    %swap3A_103 = vector.shape_cast %broadcast_in_dim3A_14 : vector<16xf32> to vector<16xf32>
    tpu.vector_store %arg11[%swap3A_100], %swap3A_103 {strides = array<i32>} : memref<640xf32, #tpu.memory_space<vmem>>, vector<16xf32>,
    %swap3A_104 = arith.constant 288 : index
    %swap3A_105 = tpu.vector_load %arg11[%swap3A_104] {strides = array<i32>} : memref<640xf32, #tpu.memory_space<vmem>>, vector<16xf32>,
    %swap3A_106 = vector.shape_cast %swap3A_105 : vector<16xf32> to vector<16xf32>
    %swap3A_107 = vector.shape_cast %broadcast_in_dim3A_14 : vector<16xf32> to vector<16xf32>
    tpu.vector_store %arg11[%swap3A_104], %swap3A_107 {strides = array<i32>} : memref<640xf32, #tpu.memory_space<vmem>>, vector<16xf32>,
    %swap3A_108 = arith.constant 304 : index
    %swap3A_109 = tpu.vector_load %arg11[%swap3A_108] {strides = array<i32>} : memref<640xf32, #tpu.memory_space<vmem>>, vector<16xf32>,
    %swap3A_110 = vector.shape_cast %swap3A_109 : vector<16xf32> to vector<16xf32>
    %swap3A_111 = vector.shape_cast %broadcast_in_dim3A_14 : vector<16xf32> to vector<16xf32>
    tpu.vector_store %arg11[%swap3A_108], %swap3A_111 {strides = array<i32>} : memref<640xf32, #tpu.memory_space<vmem>>, vector<16xf32>,
    %swap3A_112 = arith.constant 320 : index
    %swap3A_113 = tpu.vector_load %arg11[%swap3A_112] {strides = array<i32>} : memref<640xf32, #tpu.memory_space<vmem>>, vector<16xf32>,
    %swap3A_114 = vector.shape_cast %swap3A_113 : vector<16xf32> to vector<16xf32>
    %swap3A_115 = vector.shape_cast %broadcast_in_dim3A_14 : vector<16xf32> to vector<16xf32>
    tpu.vector_store %arg11[%swap3A_112], %swap3A_115 {strides = array<i32>} : memref<640xf32, #tpu.memory_space<vmem>>, vector<16xf32>,
    %swap3A_116 = arith.constant 336 : index
    %swap3A_117 = tpu.vector_load %arg11[%swap3A_116] {strides = array<i32>} : memref<640xf32, #tpu.memory_space<vmem>>, vector<16xf32>,
    %swap3A_118 = vector.shape_cast %swap3A_117 : vector<16xf32> to vector<16xf32>
    %swap3A_119 = vector.shape_cast %broadcast_in_dim3A_14 : vector<16xf32> to vector<16xf32>
    tpu.vector_store %arg11[%swap3A_116], %swap3A_119 {strides = array<i32>} : memref<640xf32, #tpu.memory_space<vmem>>, vector<16xf32>,
    %swap3A_120 = arith.constant 352 : index
    %swap3A_121 = tpu.vector_load %arg11[%swap3A_120] {strides = array<i32>} : memref<640xf32, #tpu.memory_space<vmem>>, vector<16xf32>,
    %swap3A_122 = vector.shape_cast %swap3A_121 : vector<16xf32> to vector<16xf32>
    %swap3A_123 = vector.shape_cast %broadcast_in_dim3A_14 : vector<16xf32> to vector<16xf32>
    tpu.vector_store %arg11[%swap3A_120], %swap3A_123 {strides = array<i32>} : memref<640xf32, #tpu.memory_space<vmem>>, vector<16xf32>,
    %swap3A_124 = arith.constant 368 : index
    %swap3A_125 = tpu.vector_load %arg11[%swap3A_124] {strides = array<i32>} : memref<640xf32, #tpu.memory_space<vmem>>, vector<16xf32>,
    %swap3A_126 = vector.shape_cast %swap3A_125 : vector<16xf32> to vector<16xf32>
    %swap3A_127 = vector.shape_cast %broadcast_in_dim3A_14 : vector<16xf32> to vector<16xf32>
    tpu.vector_store %arg11[%swap3A_124], %swap3A_127 {strides = array<i32>} : memref<640xf32, #tpu.memory_space<vmem>>, vector<16xf32>,
    %swap3A_128 = arith.constant 384 : index
    %swap3A_129 = tpu.vector_load %arg11[%swap3A_128] {strides = array<i32>} : memref<640xf32, #tpu.memory_space<vmem>>, vector<16xf32>,
    %swap3A_130 = vector.shape_cast %swap3A_129 : vector<16xf32> to vector<16xf32>
    %swap3A_131 = vector.shape_cast %broadcast_in_dim3A_14 : vector<16xf32> to vector<16xf32>
    tpu.vector_store %arg11[%swap3A_128], %swap3A_131 {strides = array<i32>} : memref<640xf32, #tpu.memory_space<vmem>>, vector<16xf32>,
    %swap3A_132 = arith.constant 400 : index
    %swap3A_133 = tpu.vector_load %arg11[%swap3A_132] {strides = array<i32>} : memref<640xf32, #tpu.memory_space<vmem>>, vector<16xf32>,
    %swap3A_134 = vector.shape_cast %swap3A_133 : vector<16xf32> to vector<16xf32>
    %swap3A_135 = vector.shape_cast %broadcast_in_dim3A_14 : vector<16xf32> to vector<16xf32>
    tpu.vector_store %arg11[%swap3A_132], %swap3A_135 {strides = array<i32>} : memref<640xf32, #tpu.memory_space<vmem>>, vector<16xf32>,
    %swap3A_136 = arith.constant 416 : index
    %swap3A_137 = tpu.vector_load %arg11[%swap3A_136] {strides = array<i32>} : memref<640xf32, #tpu.memory_space<vmem>>, vector<16xf32>,
    %swap3A_138 = vector.shape_cast %swap3A_137 : vector<16xf32> to vector<16xf32>
    %swap3A_139 = vector.shape_cast %broadcast_in_dim3A_14 : vector<16xf32> to vector<16xf32>
    tpu.vector_store %arg11[%swap3A_136], %swap3A_139 {strides = array<i32>} : memref<640xf32, #tpu.memory_space<vmem>>, vector<16xf32>,
    %swap3A_140 = arith.constant 432 : index
    %swap3A_141 = tpu.vector_load %arg11[%swap3A_140] {strides = array<i32>} : memref<640xf32, #tpu.memory_space<vmem>>, vector<16xf32>,
    %swap3A_142 = vector.shape_cast %swap3A_141 : vector<16xf32> to vector<16xf32>
    %swap3A_143 = vector.shape_cast %broadcast_in_dim3A_14 : vector<16xf32> to vector<16xf32>
    tpu.vector_store %arg11[%swap3A_140], %swap3A_143 {strides = array<i32>} : memref<640xf32, #tpu.memory_space<vmem>>, vector<16xf32>,
    %swap3A_144 = arith.constant 448 : index
    %swap3A_145 = tpu.vector_load %arg11[%swap3A_144] {strides = array<i32>} : memref<640xf32, #tpu.memory_space<vmem>>, vector<16xf32>,
    %swap3A_146 = vector.shape_cast %swap3A_145 : vector<16xf32> to vector<16xf32>
    %swap3A_147 = vector.shape_cast %broadcast_in_dim3A_14 : vector<16xf32> to vector<16xf32>
    tpu.vector_store %arg11[%swap3A_144], %swap3A_147 {strides = array<i32>} : memref<640xf32, #tpu.memory_space<vmem>>, vector<16xf32>,
    %swap3A_148 = arith.constant 464 : index
    %swap3A_149 = tpu.vector_load %arg11[%swap3A_148] {strides = array<i32>} : memref<640xf32, #tpu.memory_space<vmem>>, vector<16xf32>,
    %swap3A_150 = vector.shape_cast %swap3A_149 : vector<16xf32> to vector<16xf32>
    %swap3A_151 = vector.shape_cast %broadcast_in_dim3A_14 : vector<16xf32> to vector<16xf32>
    tpu.vector_store %arg11[%swap3A_148], %swap3A_151 {strides = array<i32>} : memref<640xf32, #tpu.memory_space<vmem>>, vector<16xf32>,
    %swap3A_152 = arith.constant 480 : index
    %swap3A_153 = tpu.vector_load %arg11[%swap3A_152] {strides = array<i32>} : memref<640xf32, #tpu.memory_space<vmem>>, vector<16xf32>,
    %swap3A_154 = vector.shape_cast %swap3A_153 : vector<16xf32> to vector<16xf32>
    %swap3A_155 = vector.shape_cast %broadcast_in_dim3A_14 : vector<16xf32> to vector<16xf32>
    tpu.vector_store %arg11[%swap3A_152], %swap3A_155 {strides = array<i32>} : memref<640xf32, #tpu.memory_space<vmem>>, vector<16xf32>,
    %swap3A_156 = arith.constant 496 : index
    %swap3A_157 = tpu.vector_load %arg11[%swap3A_156] {strides = array<i32>} : memref<640xf32, #tpu.memory_space<vmem>>, vector<16xf32>,
    %swap3A_158 = vector.shape_cast %swap3A_157 : vector<16xf32> to vector<16xf32>
    %swap3A_159 = vector.shape_cast %broadcast_in_dim3A_14 : vector<16xf32> to vector<16xf32>
    tpu.vector_store %arg11[%swap3A_156], %swap3A_159 {strides = array<i32>} : memref<640xf32, #tpu.memory_space<vmem>>, vector<16xf32>,
    %swap3A_160 = arith.constant 512 : index
    %swap3A_161 = tpu.vector_load %arg11[%swap3A_160] {strides = array<i32>} : memref<640xf32, #tpu.memory_space<vmem>>, vector<16xf32>,
    %swap3A_162 = vector.shape_cast %swap3A_161 : vector<16xf32> to vector<16xf32>
    %swap3A_163 = vector.shape_cast %broadcast_in_dim3A_14 : vector<16xf32> to vector<16xf32>
    tpu.vector_store %arg11[%swap3A_160], %swap3A_163 {strides = array<i32>} : memref<640xf32, #tpu.memory_space<vmem>>, vector<16xf32>,
    %swap3A_164 = arith.constant 528 : index
    %swap3A_165 = tpu.vector_load %arg11[%swap3A_164] {strides = array<i32>} : memref<640xf32, #tpu.memory_space<vmem>>, vector<16xf32>,
    %swap3A_166 = vector.shape_cast %swap3A_165 : vector<16xf32> to vector<16xf32>
    %swap3A_167 = vector.shape_cast %broadcast_in_dim3A_14 : vector<16xf32> to vector<16xf32>
    tpu.vector_store %arg11[%swap3A_164], %swap3A_167 {strides = array<i32>} : memref<640xf32, #tpu.memory_space<vmem>>, vector<16xf32>,
    %swap3A_168 = arith.constant 544 : index
    %swap3A_169 = tpu.vector_load %arg11[%swap3A_168] {strides = array<i32>} : memref<640xf32, #tpu.memory_space<vmem>>, vector<16xf32>,
    %swap3A_170 = vector.shape_cast %swap3A_169 : vector<16xf32> to vector<16xf32>
    %swap3A_171 = vector.shape_cast %broadcast_in_dim3A_14 : vector<16xf32> to vector<16xf32>
    tpu.vector_store %arg11[%swap3A_168], %swap3A_171 {strides = array<i32>} : memref<640xf32, #tpu.memory_space<vmem>>, vector<16xf32>,
    %swap3A_172 = arith.constant 560 : index
    %swap3A_173 = tpu.vector_load %arg11[%swap3A_172] {strides = array<i32>} : memref<640xf32, #tpu.memory_space<vmem>>, vector<16xf32>,
    %swap3A_174 = vector.shape_cast %swap3A_173 : vector<16xf32> to vector<16xf32>
    %swap3A_175 = vector.shape_cast %broadcast_in_dim3A_14 : vector<16xf32> to vector<16xf32>
    tpu.vector_store %arg11[%swap3A_172], %swap3A_175 {strides = array<i32>} : memref<640xf32, #tpu.memory_space<vmem>>, vector<16xf32>,
    %swap3A_176 = arith.constant 576 : index
    %swap3A_177 = tpu.vector_load %arg11[%swap3A_176] {strides = array<i32>} : memref<640xf32, #tpu.memory_space<vmem>>, vector<16xf32>,
    %swap3A_178 = vector.shape_cast %swap3A_177 : vector<16xf32> to vector<16xf32>
    %swap3A_179 = vector.shape_cast %broadcast_in_dim3A_14 : vector<16xf32> to vector<16xf32>
    tpu.vector_store %arg11[%swap3A_176], %swap3A_179 {strides = array<i32>} : memref<640xf32, #tpu.memory_space<vmem>>, vector<16xf32>,
    %swap3A_180 = arith.constant 592 : index
    %swap3A_181 = tpu.vector_load %arg11[%swap3A_180] {strides = array<i32>} : memref<640xf32, #tpu.memory_space<vmem>>, vector<16xf32>,
    %swap3A_182 = vector.shape_cast %swap3A_181 : vector<16xf32> to vector<16xf32>
    %swap3A_183 = vector.shape_cast %broadcast_in_dim3A_14 : vector<16xf32> to vector<16xf32>
    tpu.vector_store %arg11[%swap3A_180], %swap3A_183 {strides = array<i32>} : memref<640xf32, #tpu.memory_space<vmem>>, vector<16xf32>,
    %swap3A_184 = arith.constant 608 : index
    %swap3A_185 = tpu.vector_load %arg11[%swap3A_184] {strides = array<i32>} : memref<640xf32, #tpu.memory_space<vmem>>, vector<16xf32>,
    %swap3A_186 = vector.shape_cast %swap3A_185 : vector<16xf32> to vector<16xf32>
    %swap3A_187 = vector.shape_cast %broadcast_in_dim3A_14 : vector<16xf32> to vector<16xf32>
    tpu.vector_store %arg11[%swap3A_184], %swap3A_187 {strides = array<i32>} : memref<640xf32, #tpu.memory_space<vmem>>, vector<16xf32>,
    %swap3A_188 = arith.constant 624 : index
    %swap3A_189 = tpu.vector_load %arg11[%swap3A_188] {strides = array<i32>} : memref<640xf32, #tpu.memory_space<vmem>>, vector<16xf32>,
    %swap3A_190 = vector.shape_cast %swap3A_189 : vector<16xf32> to vector<16xf32>
    %swap3A_191 = vector.shape_cast %broadcast_in_dim3A_14 : vector<16xf32> to vector<16xf32>
    tpu.vector_store %arg11[%swap3A_188], %swap3A_191 {strides = array<i32>} : memref<640xf32, #tpu.memory_space<vmem>>, vector<16xf32>,
    %scan3A = arith.constant 0 : i32
    %scan3A_192 = arith.constant 0 : i32
    %scan3A_193 = arith.constant 64 : i32
    %scan3A_194 = arith.addi %scan3A_192, %scan3A_193 : i32
    %scan3A_195 = arith.constant 1 : i32
    scf.for %scan3A_698 = %scan3A_192 to %scan3A_194 step %scan3A_195  : i32 {
      %swap3A_699 = arith.constant 0 : i32
      %swap3A_700 = arith.index_cast %swap3A_699 : i32 to index
      %swap3A_701 = arith.index_cast %scan3A_698 : i32 to index
      %swap3A_702 = arith.constant 0 : index
      %swap3A_703 = tpu.vector_load %arg9[%swap3A_700, %swap3A_701, %swap3A_702] {strides = array<i32>} : memref<5x64x128xf32, #tpu.memory_space<vmem>>, vector<1x1x16xf32>,
      %swap3A_704 = vector.shape_cast %swap3A_703 : vector<1x1x16xf32> to vector<16xf32>
      %swap3A_705 = vector.shape_cast %broadcast_in_dim3A_14 : vector<16xf32> to vector<1x1x16xf32>
      tpu.vector_store %arg9[%swap3A_700, %swap3A_701, %swap3A_702], %swap3A_705 {strides = array<i32>} : memref<5x64x128xf32, #tpu.memory_space<vmem>>, vector<1x1x16xf32>,
      %swap3A_706 = arith.constant 0 : i32
      %swap3A_707 = arith.index_cast %swap3A_706 : i32 to index
      %swap3A_708 = arith.index_cast %scan3A_698 : i32 to index
      %swap3A_709 = arith.constant 16 : index
      %swap3A_710 = tpu.vector_load %arg9[%swap3A_707, %swap3A_708, %swap3A_709] {strides = array<i32>} : memref<5x64x128xf32, #tpu.memory_space<vmem>>, vector<1x1x16xf32>,
      %swap3A_711 = vector.shape_cast %swap3A_710 : vector<1x1x16xf32> to vector<16xf32>
      %swap3A_712 = vector.shape_cast %broadcast_in_dim3A_14 : vector<16xf32> to vector<1x1x16xf32>
      tpu.vector_store %arg9[%swap3A_707, %swap3A_708, %swap3A_709], %swap3A_712 {strides = array<i32>} : memref<5x64x128xf32, #tpu.memory_space<vmem>>, vector<1x1x16xf32>,
      %swap3A_713 = arith.constant 0 : i32
      %swap3A_714 = arith.index_cast %swap3A_713 : i32 to index
      %swap3A_715 = arith.index_cast %scan3A_698 : i32 to index
      %swap3A_716 = arith.constant 32 : index
      %swap3A_717 = tpu.vector_load %arg9[%swap3A_714, %swap3A_715, %swap3A_716] {strides = array<i32>} : memref<5x64x128xf32, #tpu.memory_space<vmem>>, vector<1x1x16xf32>,
      %swap3A_718 = vector.shape_cast %swap3A_717 : vector<1x1x16xf32> to vector<16xf32>
      %swap3A_719 = vector.shape_cast %broadcast_in_dim3A_14 : vector<16xf32> to vector<1x1x16xf32>
      tpu.vector_store %arg9[%swap3A_714, %swap3A_715, %swap3A_716], %swap3A_719 {strides = array<i32>} : memref<5x64x128xf32, #tpu.memory_space<vmem>>, vector<1x1x16xf32>,
      %swap3A_720 = arith.constant 0 : i32
      %swap3A_721 = arith.index_cast %swap3A_720 : i32 to index
      %swap3A_722 = arith.index_cast %scan3A_698 : i32 to index
      %swap3A_723 = arith.constant 48 : index
      %swap3A_724 = tpu.vector_load %arg9[%swap3A_721, %swap3A_722, %swap3A_723] {strides = array<i32>} : memref<5x64x128xf32, #tpu.memory_space<vmem>>, vector<1x1x16xf32>,
      %swap3A_725 = vector.shape_cast %swap3A_724 : vector<1x1x16xf32> to vector<16xf32>
      %swap3A_726 = vector.shape_cast %broadcast_in_dim3A_14 : vector<16xf32> to vector<1x1x16xf32>
      tpu.vector_store %arg9[%swap3A_721, %swap3A_722, %swap3A_723], %swap3A_726 {strides = array<i32>} : memref<5x64x128xf32, #tpu.memory_space<vmem>>, vector<1x1x16xf32>,
      %swap3A_727 = arith.constant 0 : i32
      %swap3A_728 = arith.index_cast %swap3A_727 : i32 to index
      %swap3A_729 = arith.index_cast %scan3A_698 : i32 to index
      %swap3A_730 = arith.constant 64 : index
      %swap3A_731 = tpu.vector_load %arg9[%swap3A_728, %swap3A_729, %swap3A_730] {strides = array<i32>} : memref<5x64x128xf32, #tpu.memory_space<vmem>>, vector<1x1x16xf32>,
      %swap3A_732 = vector.shape_cast %swap3A_731 : vector<1x1x16xf32> to vector<16xf32>
      %swap3A_733 = vector.shape_cast %broadcast_in_dim3A_14 : vector<16xf32> to vector<1x1x16xf32>
      tpu.vector_store %arg9[%swap3A_728, %swap3A_729, %swap3A_730], %swap3A_733 {strides = array<i32>} : memref<5x64x128xf32, #tpu.memory_space<vmem>>, vector<1x1x16xf32>,
      %swap3A_734 = arith.constant 0 : i32
      %swap3A_735 = arith.index_cast %swap3A_734 : i32 to index
      %swap3A_736 = arith.index_cast %scan3A_698 : i32 to index
      %swap3A_737 = arith.constant 80 : index
      %swap3A_738 = tpu.vector_load %arg9[%swap3A_735, %swap3A_736, %swap3A_737] {strides = array<i32>} : memref<5x64x128xf32, #tpu.memory_space<vmem>>, vector<1x1x16xf32>,
      %swap3A_739 = vector.shape_cast %swap3A_738 : vector<1x1x16xf32> to vector<16xf32>
      %swap3A_740 = vector.shape_cast %broadcast_in_dim3A_14 : vector<16xf32> to vector<1x1x16xf32>
      tpu.vector_store %arg9[%swap3A_735, %swap3A_736, %swap3A_737], %swap3A_740 {strides = array<i32>} : memref<5x64x128xf32, #tpu.memory_space<vmem>>, vector<1x1x16xf32>,
      %swap3A_741 = arith.constant 0 : i32
      %swap3A_742 = arith.index_cast %swap3A_741 : i32 to index
      %swap3A_743 = arith.index_cast %scan3A_698 : i32 to index
      %swap3A_744 = arith.constant 96 : index
      %swap3A_745 = tpu.vector_load %arg9[%swap3A_742, %swap3A_743, %swap3A_744] {strides = array<i32>} : memref<5x64x128xf32, #tpu.memory_space<vmem>>, vector<1x1x16xf32>,
      %swap3A_746 = vector.shape_cast %swap3A_745 : vector<1x1x16xf32> to vector<16xf32>
      %swap3A_747 = vector.shape_cast %broadcast_in_dim3A_14 : vector<16xf32> to vector<1x1x16xf32>
      tpu.vector_store %arg9[%swap3A_742, %swap3A_743, %swap3A_744], %swap3A_747 {strides = array<i32>} : memref<5x64x128xf32, #tpu.memory_space<vmem>>, vector<1x1x16xf32>,
      %swap3A_748 = arith.constant 0 : i32
      %swap3A_749 = arith.index_cast %swap3A_748 : i32 to index
      %swap3A_750 = arith.index_cast %scan3A_698 : i32 to index
      %swap3A_751 = arith.constant 112 : index
      %swap3A_752 = tpu.vector_load %arg9[%swap3A_749, %swap3A_750, %swap3A_751] {strides = array<i32>} : memref<5x64x128xf32, #tpu.memory_space<vmem>>, vector<1x1x16xf32>,
      %swap3A_753 = vector.shape_cast %swap3A_752 : vector<1x1x16xf32> to vector<16xf32>
      %swap3A_754 = vector.shape_cast %broadcast_in_dim3A_14 : vector<16xf32> to vector<1x1x16xf32>
      tpu.vector_store %arg9[%swap3A_749, %swap3A_750, %swap3A_751], %swap3A_754 {strides = array<i32>} : memref<5x64x128xf32, #tpu.memory_space<vmem>>, vector<1x1x16xf32>,
    }
    %scan3A_196 = arith.constant 64 : i32
    %mul3A_197 = arith.constant 640 : i32
    %mul3A_198 = arith.muli %arg1, %mul3A_197 : i32
    %add3A_199 = arith.constant 0 : i32
    %add3A_200 = arith.addi %mul3A_198, %add3A_199 : i32
    %dma_start3A = arith.constant 0 : i32
    %dma_start3A_201 = arith.constant 0 : i32
    %dma_start3A_202 = arith.constant 0 : i32
    %dma_start3A_203 = tpu.memref_slice %arg9[%dma_start3A, %dma_start3A_201, %dma_start3A_202] : memref<5x64x128xf32, #tpu.memory_space<vmem>> -> memref<1x64x128xf32, #tpu.memory_space<vmem>>
    %dma_start3A_204 = tpu.memref_squeeze %dma_start3A_203 : memref<1x64x128xf32, #tpu.memory_space<vmem>> -> memref<64x128xf32, #tpu.memory_space<vmem>>
    %dma_start3A_205 = arith.constant 0 : i32
    %dma_start3A_206 = tpu.memref_slice %arg6[%add3A_200, %dma_start3A_205] : memref<10240x128xf32, #tpu.memory_space<vmem_shared>> -> memref<64x128xf32, #tpu.memory_space<vmem_shared>>
    %dma_start3A_207 = arith.constant 0 : i32
    %dma_start3A_208 = tpu.memref_slice %arg6[%add3A_200, %dma_start3A_207] : memref<10240x128xf32, #tpu.memory_space<vmem_shared>> -> memref<64x128xf32, #tpu.memory_space<vmem_shared>>
    %dma_start3A_209 = arith.constant 0 : i32
    %dma_start3A_210 = arith.constant 0 : i32
    %dma_start3A_211 = tpu.memref_slice %arg9[%dma_start3A, %dma_start3A_209, %dma_start3A_210] : memref<5x64x128xf32, #tpu.memory_space<vmem>> -> memref<1x64x128xf32, #tpu.memory_space<vmem>>
    %dma_start3A_212 = tpu.memref_squeeze %dma_start3A_211 : memref<1x64x128xf32, #tpu.memory_space<vmem>> -> memref<64x128xf32, #tpu.memory_space<vmem>>
    tpu.enqueue_dma source(%dma_start3A_212 : memref<64x128xf32, #tpu.memory_space<vmem>>) target(%dma_start3A_208 : memref<64x128xf32, #tpu.memory_space<vmem_shared>>) target_semaphore(%arg15 : memref<!tpu.dma_semaphore, #tpu.memory_space<semaphore_mem>>)
    %add3A_213 = arith.constant 64 : i32
    %add3A_214 = arith.addi %mul3A_198, %add3A_213 : i32
    %dma_start3A_215 = arith.constant 0 : i32
    %dma_start3A_216 = arith.constant 0 : i32
    %dma_start3A_217 = arith.constant 0 : i32
    %dma_start3A_218 = tpu.memref_slice %arg9[%dma_start3A_215, %dma_start3A_216, %dma_start3A_217] : memref<5x64x128xf32, #tpu.memory_space<vmem>> -> memref<1x64x128xf32, #tpu.memory_space<vmem>>
    %dma_start3A_219 = tpu.memref_squeeze %dma_start3A_218 : memref<1x64x128xf32, #tpu.memory_space<vmem>> -> memref<64x128xf32, #tpu.memory_space<vmem>>
    %dma_start3A_220 = arith.constant 0 : i32
    %dma_start3A_221 = tpu.memref_slice %arg6[%add3A_214, %dma_start3A_220] : memref<10240x128xf32, #tpu.memory_space<vmem_shared>> -> memref<64x128xf32, #tpu.memory_space<vmem_shared>>
    %dma_start3A_222 = arith.constant 0 : i32
    %dma_start3A_223 = tpu.memref_slice %arg6[%add3A_214, %dma_start3A_222] : memref<10240x128xf32, #tpu.memory_space<vmem_shared>> -> memref<64x128xf32, #tpu.memory_space<vmem_shared>>
    %dma_start3A_224 = arith.constant 0 : i32
    %dma_start3A_225 = arith.constant 0 : i32
    %dma_start3A_226 = tpu.memref_slice %arg9[%dma_start3A_215, %dma_start3A_224, %dma_start3A_225] : memref<5x64x128xf32, #tpu.memory_space<vmem>> -> memref<1x64x128xf32, #tpu.memory_space<vmem>>
    %dma_start3A_227 = tpu.memref_squeeze %dma_start3A_226 : memref<1x64x128xf32, #tpu.memory_space<vmem>> -> memref<64x128xf32, #tpu.memory_space<vmem>>
    tpu.enqueue_dma source(%dma_start3A_227 : memref<64x128xf32, #tpu.memory_space<vmem>>) target(%dma_start3A_223 : memref<64x128xf32, #tpu.memory_space<vmem_shared>>) target_semaphore(%arg15 : memref<!tpu.dma_semaphore, #tpu.memory_space<semaphore_mem>>)
    %add3A_228 = arith.constant 128 : i32
    %add3A_229 = arith.addi %mul3A_198, %add3A_228 : i32
    %dma_start3A_230 = arith.constant 0 : i32
    %dma_start3A_231 = arith.constant 0 : i32
    %dma_start3A_232 = arith.constant 0 : i32
    %dma_start3A_233 = tpu.memref_slice %arg9[%dma_start3A_230, %dma_start3A_231, %dma_start3A_232] : memref<5x64x128xf32, #tpu.memory_space<vmem>> -> memref<1x64x128xf32, #tpu.memory_space<vmem>>
    %dma_start3A_234 = tpu.memref_squeeze %dma_start3A_233 : memref<1x64x128xf32, #tpu.memory_space<vmem>> -> memref<64x128xf32, #tpu.memory_space<vmem>>
    %dma_start3A_235 = arith.constant 0 : i32
    %dma_start3A_236 = tpu.memref_slice %arg6[%add3A_229, %dma_start3A_235] : memref<10240x128xf32, #tpu.memory_space<vmem_shared>> -> memref<64x128xf32, #tpu.memory_space<vmem_shared>>
    %dma_start3A_237 = arith.constant 0 : i32
    %dma_start3A_238 = tpu.memref_slice %arg6[%add3A_229, %dma_start3A_237] : memref<10240x128xf32, #tpu.memory_space<vmem_shared>> -> memref<64x128xf32, #tpu.memory_space<vmem_shared>>
    %dma_start3A_239 = arith.constant 0 : i32
    %dma_start3A_240 = arith.constant 0 : i32
    %dma_start3A_241 = tpu.memref_slice %arg9[%dma_start3A_230, %dma_start3A_239, %dma_start3A_240] : memref<5x64x128xf32, #tpu.memory_space<vmem>> -> memref<1x64x128xf32, #tpu.memory_space<vmem>>
    %dma_start3A_242 = tpu.memref_squeeze %dma_start3A_241 : memref<1x64x128xf32, #tpu.memory_space<vmem>> -> memref<64x128xf32, #tpu.memory_space<vmem>>
    tpu.enqueue_dma source(%dma_start3A_242 : memref<64x128xf32, #tpu.memory_space<vmem>>) target(%dma_start3A_238 : memref<64x128xf32, #tpu.memory_space<vmem_shared>>) target_semaphore(%arg15 : memref<!tpu.dma_semaphore, #tpu.memory_space<semaphore_mem>>)
    %add3A_243 = arith.constant 192 : i32
    %add3A_244 = arith.addi %mul3A_198, %add3A_243 : i32
    %dma_start3A_245 = arith.constant 0 : i32
    %dma_start3A_246 = arith.constant 0 : i32
    %dma_start3A_247 = arith.constant 0 : i32
    %dma_start3A_248 = tpu.memref_slice %arg9[%dma_start3A_245, %dma_start3A_246, %dma_start3A_247] : memref<5x64x128xf32, #tpu.memory_space<vmem>> -> memref<1x64x128xf32, #tpu.memory_space<vmem>>
    %dma_start3A_249 = tpu.memref_squeeze %dma_start3A_248 : memref<1x64x128xf32, #tpu.memory_space<vmem>> -> memref<64x128xf32, #tpu.memory_space<vmem>>
    %dma_start3A_250 = arith.constant 0 : i32
    %dma_start3A_251 = tpu.memref_slice %arg6[%add3A_244, %dma_start3A_250] : memref<10240x128xf32, #tpu.memory_space<vmem_shared>> -> memref<64x128xf32, #tpu.memory_space<vmem_shared>>
    %dma_start3A_252 = arith.constant 0 : i32
    %dma_start3A_253 = tpu.memref_slice %arg6[%add3A_244, %dma_start3A_252] : memref<10240x128xf32, #tpu.memory_space<vmem_shared>> -> memref<64x128xf32, #tpu.memory_space<vmem_shared>>
    %dma_start3A_254 = arith.constant 0 : i32
    %dma_start3A_255 = arith.constant 0 : i32
    %dma_start3A_256 = tpu.memref_slice %arg9[%dma_start3A_245, %dma_start3A_254, %dma_start3A_255] : memref<5x64x128xf32, #tpu.memory_space<vmem>> -> memref<1x64x128xf32, #tpu.memory_space<vmem>>
    %dma_start3A_257 = tpu.memref_squeeze %dma_start3A_256 : memref<1x64x128xf32, #tpu.memory_space<vmem>> -> memref<64x128xf32, #tpu.memory_space<vmem>>
    tpu.enqueue_dma source(%dma_start3A_257 : memref<64x128xf32, #tpu.memory_space<vmem>>) target(%dma_start3A_253 : memref<64x128xf32, #tpu.memory_space<vmem_shared>>) target_semaphore(%arg15 : memref<!tpu.dma_semaphore, #tpu.memory_space<semaphore_mem>>)
    %add3A_258 = arith.constant 256 : i32
    %add3A_259 = arith.addi %mul3A_198, %add3A_258 : i32
    %dma_start3A_260 = arith.constant 0 : i32
    %dma_start3A_261 = arith.constant 0 : i32
    %dma_start3A_262 = arith.constant 0 : i32
    %dma_start3A_263 = tpu.memref_slice %arg9[%dma_start3A_260, %dma_start3A_261, %dma_start3A_262] : memref<5x64x128xf32, #tpu.memory_space<vmem>> -> memref<1x64x128xf32, #tpu.memory_space<vmem>>
    %dma_start3A_264 = tpu.memref_squeeze %dma_start3A_263 : memref<1x64x128xf32, #tpu.memory_space<vmem>> -> memref<64x128xf32, #tpu.memory_space<vmem>>
    %dma_start3A_265 = arith.constant 0 : i32
    %dma_start3A_266 = tpu.memref_slice %arg6[%add3A_259, %dma_start3A_265] : memref<10240x128xf32, #tpu.memory_space<vmem_shared>> -> memref<64x128xf32, #tpu.memory_space<vmem_shared>>
    %dma_start3A_267 = arith.constant 0 : i32
    %dma_start3A_268 = tpu.memref_slice %arg6[%add3A_259, %dma_start3A_267] : memref<10240x128xf32, #tpu.memory_space<vmem_shared>> -> memref<64x128xf32, #tpu.memory_space<vmem_shared>>
    %dma_start3A_269 = arith.constant 0 : i32
    %dma_start3A_270 = arith.constant 0 : i32
    %dma_start3A_271 = tpu.memref_slice %arg9[%dma_start3A_260, %dma_start3A_269, %dma_start3A_270] : memref<5x64x128xf32, #tpu.memory_space<vmem>> -> memref<1x64x128xf32, #tpu.memory_space<vmem>>
    %dma_start3A_272 = tpu.memref_squeeze %dma_start3A_271 : memref<1x64x128xf32, #tpu.memory_space<vmem>> -> memref<64x128xf32, #tpu.memory_space<vmem>>
    tpu.enqueue_dma source(%dma_start3A_272 : memref<64x128xf32, #tpu.memory_space<vmem>>) target(%dma_start3A_268 : memref<64x128xf32, #tpu.memory_space<vmem_shared>>) target_semaphore(%arg15 : memref<!tpu.dma_semaphore, #tpu.memory_space<semaphore_mem>>)
    %add3A_273 = arith.constant 320 : i32
    %add3A_274 = arith.addi %mul3A_198, %add3A_273 : i32
    %dma_start3A_275 = arith.constant 0 : i32
    %dma_start3A_276 = arith.constant 0 : i32
    %dma_start3A_277 = arith.constant 0 : i32
    %dma_start3A_278 = tpu.memref_slice %arg9[%dma_start3A_275, %dma_start3A_276, %dma_start3A_277] : memref<5x64x128xf32, #tpu.memory_space<vmem>> -> memref<1x64x128xf32, #tpu.memory_space<vmem>>
    %dma_start3A_279 = tpu.memref_squeeze %dma_start3A_278 : memref<1x64x128xf32, #tpu.memory_space<vmem>> -> memref<64x128xf32, #tpu.memory_space<vmem>>
    %dma_start3A_280 = arith.constant 0 : i32
    %dma_start3A_281 = tpu.memref_slice %arg6[%add3A_274, %dma_start3A_280] : memref<10240x128xf32, #tpu.memory_space<vmem_shared>> -> memref<64x128xf32, #tpu.memory_space<vmem_shared>>
    %dma_start3A_282 = arith.constant 0 : i32
    %dma_start3A_283 = tpu.memref_slice %arg6[%add3A_274, %dma_start3A_282] : memref<10240x128xf32, #tpu.memory_space<vmem_shared>> -> memref<64x128xf32, #tpu.memory_space<vmem_shared>>
    %dma_start3A_284 = arith.constant 0 : i32
    %dma_start3A_285 = arith.constant 0 : i32
    %dma_start3A_286 = tpu.memref_slice %arg9[%dma_start3A_275, %dma_start3A_284, %dma_start3A_285] : memref<5x64x128xf32, #tpu.memory_space<vmem>> -> memref<1x64x128xf32, #tpu.memory_space<vmem>>
    %dma_start3A_287 = tpu.memref_squeeze %dma_start3A_286 : memref<1x64x128xf32, #tpu.memory_space<vmem>> -> memref<64x128xf32, #tpu.memory_space<vmem>>
    tpu.enqueue_dma source(%dma_start3A_287 : memref<64x128xf32, #tpu.memory_space<vmem>>) target(%dma_start3A_283 : memref<64x128xf32, #tpu.memory_space<vmem_shared>>) target_semaphore(%arg15 : memref<!tpu.dma_semaphore, #tpu.memory_space<semaphore_mem>>)
    %add3A_288 = arith.constant 384 : i32
    %add3A_289 = arith.addi %mul3A_198, %add3A_288 : i32
    %dma_start3A_290 = arith.constant 0 : i32
    %dma_start3A_291 = arith.constant 0 : i32
    %dma_start3A_292 = arith.constant 0 : i32
    %dma_start3A_293 = tpu.memref_slice %arg9[%dma_start3A_290, %dma_start3A_291, %dma_start3A_292] : memref<5x64x128xf32, #tpu.memory_space<vmem>> -> memref<1x64x128xf32, #tpu.memory_space<vmem>>
    %dma_start3A_294 = tpu.memref_squeeze %dma_start3A_293 : memref<1x64x128xf32, #tpu.memory_space<vmem>> -> memref<64x128xf32, #tpu.memory_space<vmem>>
    %dma_start3A_295 = arith.constant 0 : i32
    %dma_start3A_296 = tpu.memref_slice %arg6[%add3A_289, %dma_start3A_295] : memref<10240x128xf32, #tpu.memory_space<vmem_shared>> -> memref<64x128xf32, #tpu.memory_space<vmem_shared>>
    %dma_start3A_297 = arith.constant 0 : i32
    %dma_start3A_298 = tpu.memref_slice %arg6[%add3A_289, %dma_start3A_297] : memref<10240x128xf32, #tpu.memory_space<vmem_shared>> -> memref<64x128xf32, #tpu.memory_space<vmem_shared>>
    %dma_start3A_299 = arith.constant 0 : i32
    %dma_start3A_300 = arith.constant 0 : i32
    %dma_start3A_301 = tpu.memref_slice %arg9[%dma_start3A_290, %dma_start3A_299, %dma_start3A_300] : memref<5x64x128xf32, #tpu.memory_space<vmem>> -> memref<1x64x128xf32, #tpu.memory_space<vmem>>
    %dma_start3A_302 = tpu.memref_squeeze %dma_start3A_301 : memref<1x64x128xf32, #tpu.memory_space<vmem>> -> memref<64x128xf32, #tpu.memory_space<vmem>>
    tpu.enqueue_dma source(%dma_start3A_302 : memref<64x128xf32, #tpu.memory_space<vmem>>) target(%dma_start3A_298 : memref<64x128xf32, #tpu.memory_space<vmem_shared>>) target_semaphore(%arg15 : memref<!tpu.dma_semaphore, #tpu.memory_space<semaphore_mem>>)
    %add3A_303 = arith.constant 448 : i32
    %add3A_304 = arith.addi %mul3A_198, %add3A_303 : i32
    %dma_start3A_305 = arith.constant 0 : i32
    %dma_start3A_306 = arith.constant 0 : i32
    %dma_start3A_307 = arith.constant 0 : i32
    %dma_start3A_308 = tpu.memref_slice %arg9[%dma_start3A_305, %dma_start3A_306, %dma_start3A_307] : memref<5x64x128xf32, #tpu.memory_space<vmem>> -> memref<1x64x128xf32, #tpu.memory_space<vmem>>
    %dma_start3A_309 = tpu.memref_squeeze %dma_start3A_308 : memref<1x64x128xf32, #tpu.memory_space<vmem>> -> memref<64x128xf32, #tpu.memory_space<vmem>>
    %dma_start3A_310 = arith.constant 0 : i32
    %dma_start3A_311 = tpu.memref_slice %arg6[%add3A_304, %dma_start3A_310] : memref<10240x128xf32, #tpu.memory_space<vmem_shared>> -> memref<64x128xf32, #tpu.memory_space<vmem_shared>>
    %dma_start3A_312 = arith.constant 0 : i32
    %dma_start3A_313 = tpu.memref_slice %arg6[%add3A_304, %dma_start3A_312] : memref<10240x128xf32, #tpu.memory_space<vmem_shared>> -> memref<64x128xf32, #tpu.memory_space<vmem_shared>>
    %dma_start3A_314 = arith.constant 0 : i32
    %dma_start3A_315 = arith.constant 0 : i32
    %dma_start3A_316 = tpu.memref_slice %arg9[%dma_start3A_305, %dma_start3A_314, %dma_start3A_315] : memref<5x64x128xf32, #tpu.memory_space<vmem>> -> memref<1x64x128xf32, #tpu.memory_space<vmem>>
    %dma_start3A_317 = tpu.memref_squeeze %dma_start3A_316 : memref<1x64x128xf32, #tpu.memory_space<vmem>> -> memref<64x128xf32, #tpu.memory_space<vmem>>
    tpu.enqueue_dma source(%dma_start3A_317 : memref<64x128xf32, #tpu.memory_space<vmem>>) target(%dma_start3A_313 : memref<64x128xf32, #tpu.memory_space<vmem_shared>>) target_semaphore(%arg15 : memref<!tpu.dma_semaphore, #tpu.memory_space<semaphore_mem>>)
    %add3A_318 = arith.constant 512 : i32
    %add3A_319 = arith.addi %mul3A_198, %add3A_318 : i32
    %dma_start3A_320 = arith.constant 0 : i32
    %dma_start3A_321 = arith.constant 0 : i32
    %dma_start3A_322 = arith.constant 0 : i32
    %dma_start3A_323 = tpu.memref_slice %arg9[%dma_start3A_320, %dma_start3A_321, %dma_start3A_322] : memref<5x64x128xf32, #tpu.memory_space<vmem>> -> memref<1x64x128xf32, #tpu.memory_space<vmem>>
    %dma_start3A_324 = tpu.memref_squeeze %dma_start3A_323 : memref<1x64x128xf32, #tpu.memory_space<vmem>> -> memref<64x128xf32, #tpu.memory_space<vmem>>
    %dma_start3A_325 = arith.constant 0 : i32
    %dma_start3A_326 = tpu.memref_slice %arg6[%add3A_319, %dma_start3A_325] : memref<10240x128xf32, #tpu.memory_space<vmem_shared>> -> memref<64x128xf32, #tpu.memory_space<vmem_shared>>
    %dma_start3A_327 = arith.constant 0 : i32
    %dma_start3A_328 = tpu.memref_slice %arg6[%add3A_319, %dma_start3A_327] : memref<10240x128xf32, #tpu.memory_space<vmem_shared>> -> memref<64x128xf32, #tpu.memory_space<vmem_shared>>
    %dma_start3A_329 = arith.constant 0 : i32
    %dma_start3A_330 = arith.constant 0 : i32
    %dma_start3A_331 = tpu.memref_slice %arg9[%dma_start3A_320, %dma_start3A_329, %dma_start3A_330] : memref<5x64x128xf32, #tpu.memory_space<vmem>> -> memref<1x64x128xf32, #tpu.memory_space<vmem>>
    %dma_start3A_332 = tpu.memref_squeeze %dma_start3A_331 : memref<1x64x128xf32, #tpu.memory_space<vmem>> -> memref<64x128xf32, #tpu.memory_space<vmem>>
    tpu.enqueue_dma source(%dma_start3A_332 : memref<64x128xf32, #tpu.memory_space<vmem>>) target(%dma_start3A_328 : memref<64x128xf32, #tpu.memory_space<vmem_shared>>) target_semaphore(%arg15 : memref<!tpu.dma_semaphore, #tpu.memory_space<semaphore_mem>>)
    %add3A_333 = arith.constant 576 : i32
    %add3A_334 = arith.addi %mul3A_198, %add3A_333 : i32
    %dma_start3A_335 = arith.constant 0 : i32
    %dma_start3A_336 = arith.constant 0 : i32
    %dma_start3A_337 = arith.constant 0 : i32
    %dma_start3A_338 = tpu.memref_slice %arg9[%dma_start3A_335, %dma_start3A_336, %dma_start3A_337] : memref<5x64x128xf32, #tpu.memory_space<vmem>> -> memref<1x64x128xf32, #tpu.memory_space<vmem>>
    %dma_start3A_339 = tpu.memref_squeeze %dma_start3A_338 : memref<1x64x128xf32, #tpu.memory_space<vmem>> -> memref<64x128xf32, #tpu.memory_space<vmem>>
    %dma_start3A_340 = arith.constant 0 : i32
    %dma_start3A_341 = tpu.memref_slice %arg6[%add3A_334, %dma_start3A_340] : memref<10240x128xf32, #tpu.memory_space<vmem_shared>> -> memref<64x128xf32, #tpu.memory_space<vmem_shared>>
    %dma_start3A_342 = arith.constant 0 : i32
    %dma_start3A_343 = tpu.memref_slice %arg6[%add3A_334, %dma_start3A_342] : memref<10240x128xf32, #tpu.memory_space<vmem_shared>> -> memref<64x128xf32, #tpu.memory_space<vmem_shared>>
    %dma_start3A_344 = arith.constant 0 : i32
    %dma_start3A_345 = arith.constant 0 : i32
    %dma_start3A_346 = tpu.memref_slice %arg9[%dma_start3A_335, %dma_start3A_344, %dma_start3A_345] : memref<5x64x128xf32, #tpu.memory_space<vmem>> -> memref<1x64x128xf32, #tpu.memory_space<vmem>>
    %dma_start3A_347 = tpu.memref_squeeze %dma_start3A_346 : memref<1x64x128xf32, #tpu.memory_space<vmem>> -> memref<64x128xf32, #tpu.memory_space<vmem>>
    tpu.enqueue_dma source(%dma_start3A_347 : memref<64x128xf32, #tpu.memory_space<vmem>>) target(%dma_start3A_343 : memref<64x128xf32, #tpu.memory_space<vmem_shared>>) target_semaphore(%arg15 : memref<!tpu.dma_semaphore, #tpu.memory_space<semaphore_mem>>)
    "tpu.region"() ({
      %run_scoped3A = tpu.sem_alloc : memref<!tpu.dma_semaphore, #tpu.memory_space<semaphore_mem>>
      %dma_start3A_698 = tpu.memref_slice %arg7[%mul3A_198] : memref<10240xf32, #tpu.memory_space<vmem_shared>> -> memref<640xf32, #tpu.memory_space<vmem_shared>>
      %dma_start3A_699 = tpu.memref_slice %arg7[%mul3A_198] : memref<10240xf32, #tpu.memory_space<vmem_shared>> -> memref<640xf32, #tpu.memory_space<vmem_shared>>
      tpu.enqueue_dma source(%arg11 : memref<640xf32, #tpu.memory_space<vmem>>) target(%dma_start3A_699 : memref<640xf32, #tpu.memory_space<vmem_shared>>) target_semaphore(%run_scoped3A : memref<!tpu.dma_semaphore, #tpu.memory_space<semaphore_mem>>)
      %dma_wait3A_700 = tpu.memref_slice %arg7[%mul3A_198] : memref<10240xf32, #tpu.memory_space<vmem_shared>> -> memref<640xf32, #tpu.memory_space<vmem_shared>>
      %dma_wait3A_701 = tpu.memref_slice %arg7[%mul3A_198] : memref<10240xf32, #tpu.memory_space<vmem_shared>> -> memref<640xf32, #tpu.memory_space<vmem_shared>>
      tpu.wait_dma2 semaphore(%run_scoped3A : memref<!tpu.dma_semaphore, #tpu.memory_space<semaphore_mem>>) src(%arg11 : memref<640xf32, #tpu.memory_space<vmem>>) dst(%dma_wait3A_701 : memref<640xf32, #tpu.memory_space<vmem_shared>>)
      tpu.yield
    }) : () -> ()
    %add3A_348 = arith.constant 0 : i32
    %add3A_349 = arith.addi %mul3A_198, %add3A_348 : i32
    %dma_wait3A = arith.constant 0 : i32
    %dma_wait3A_350 = arith.constant 0 : i32
    %dma_wait3A_351 = arith.constant 0 : i32
    %dma_wait3A_352 = tpu.memref_slice %arg9[%dma_wait3A, %dma_wait3A_350, %dma_wait3A_351] : memref<5x64x128xf32, #tpu.memory_space<vmem>> -> memref<1x64x128xf32, #tpu.memory_space<vmem>>
    %dma_wait3A_353 = tpu.memref_squeeze %dma_wait3A_352 : memref<1x64x128xf32, #tpu.memory_space<vmem>> -> memref<64x128xf32, #tpu.memory_space<vmem>>
    %dma_wait3A_354 = arith.constant 0 : i32
    %dma_wait3A_355 = tpu.memref_slice %arg6[%add3A_349, %dma_wait3A_354] : memref<10240x128xf32, #tpu.memory_space<vmem_shared>> -> memref<64x128xf32, #tpu.memory_space<vmem_shared>>
    %dma_wait3A_356 = arith.constant 0 : i32
    %dma_wait3A_357 = tpu.memref_slice %arg6[%add3A_349, %dma_wait3A_356] : memref<10240x128xf32, #tpu.memory_space<vmem_shared>> -> memref<64x128xf32, #tpu.memory_space<vmem_shared>>
    %dma_wait3A_358 = arith.constant 0 : i32
    %dma_wait3A_359 = arith.constant 0 : i32
    %dma_wait3A_360 = tpu.memref_slice %arg9[%dma_wait3A, %dma_wait3A_358, %dma_wait3A_359] : memref<5x64x128xf32, #tpu.memory_space<vmem>> -> memref<1x64x128xf32, #tpu.memory_space<vmem>>
    %dma_wait3A_361 = tpu.memref_squeeze %dma_wait3A_360 : memref<1x64x128xf32, #tpu.memory_space<vmem>> -> memref<64x128xf32, #tpu.memory_space<vmem>>
    tpu.wait_dma2 semaphore(%arg15 : memref<!tpu.dma_semaphore, #tpu.memory_space<semaphore_mem>>) src(%dma_wait3A_361 : memref<64x128xf32, #tpu.memory_space<vmem>>) dst(%dma_wait3A_357 : memref<64x128xf32, #tpu.memory_space<vmem_shared>>)
    %add3A_362 = arith.constant 64 : i32
    %add3A_363 = arith.addi %mul3A_198, %add3A_362 : i32
    %dma_wait3A_364 = arith.constant 0 : i32
    %dma_wait3A_365 = arith.constant 0 : i32
    %dma_wait3A_366 = arith.constant 0 : i32
    %dma_wait3A_367 = tpu.memref_slice %arg9[%dma_wait3A_364, %dma_wait3A_365, %dma_wait3A_366] : memref<5x64x128xf32, #tpu.memory_space<vmem>> -> memref<1x64x128xf32, #tpu.memory_space<vmem>>
    %dma_wait3A_368 = tpu.memref_squeeze %dma_wait3A_367 : memref<1x64x128xf32, #tpu.memory_space<vmem>> -> memref<64x128xf32, #tpu.memory_space<vmem>>
    %dma_wait3A_369 = arith.constant 0 : i32
    %dma_wait3A_370 = tpu.memref_slice %arg6[%add3A_363, %dma_wait3A_369] : memref<10240x128xf32, #tpu.memory_space<vmem_shared>> -> memref<64x128xf32, #tpu.memory_space<vmem_shared>>
    %dma_wait3A_371 = arith.constant 0 : i32
    %dma_wait3A_372 = tpu.memref_slice %arg6[%add3A_363, %dma_wait3A_371] : memref<10240x128xf32, #tpu.memory_space<vmem_shared>> -> memref<64x128xf32, #tpu.memory_space<vmem_shared>>
    %dma_wait3A_373 = arith.constant 0 : i32
    %dma_wait3A_374 = arith.constant 0 : i32
    %dma_wait3A_375 = tpu.memref_slice %arg9[%dma_wait3A_364, %dma_wait3A_373, %dma_wait3A_374] : memref<5x64x128xf32, #tpu.memory_space<vmem>> -> memref<1x64x128xf32, #tpu.memory_space<vmem>>
    %dma_wait3A_376 = tpu.memref_squeeze %dma_wait3A_375 : memref<1x64x128xf32, #tpu.memory_space<vmem>> -> memref<64x128xf32, #tpu.memory_space<vmem>>
    tpu.wait_dma2 semaphore(%arg15 : memref<!tpu.dma_semaphore, #tpu.memory_space<semaphore_mem>>) src(%dma_wait3A_376 : memref<64x128xf32, #tpu.memory_space<vmem>>) dst(%dma_wait3A_372 : memref<64x128xf32, #tpu.memory_space<vmem_shared>>)
    %add3A_377 = arith.constant 128 : i32
    %add3A_378 = arith.addi %mul3A_198, %add3A_377 : i32
    %dma_wait3A_379 = arith.constant 0 : i32
    %dma_wait3A_380 = arith.constant 0 : i32
    %dma_wait3A_381 = arith.constant 0 : i32
    %dma_wait3A_382 = tpu.memref_slice %arg9[%dma_wait3A_379, %dma_wait3A_380, %dma_wait3A_381] : memref<5x64x128xf32, #tpu.memory_space<vmem>> -> memref<1x64x128xf32, #tpu.memory_space<vmem>>
    %dma_wait3A_383 = tpu.memref_squeeze %dma_wait3A_382 : memref<1x64x128xf32, #tpu.memory_space<vmem>> -> memref<64x128xf32, #tpu.memory_space<vmem>>
    %dma_wait3A_384 = arith.constant 0 : i32
    %dma_wait3A_385 = tpu.memref_slice %arg6[%add3A_378, %dma_wait3A_384] : memref<10240x128xf32, #tpu.memory_space<vmem_shared>> -> memref<64x128xf32, #tpu.memory_space<vmem_shared>>
    %dma_wait3A_386 = arith.constant 0 : i32
    %dma_wait3A_387 = tpu.memref_slice %arg6[%add3A_378, %dma_wait3A_386] : memref<10240x128xf32, #tpu.memory_space<vmem_shared>> -> memref<64x128xf32, #tpu.memory_space<vmem_shared>>
    %dma_wait3A_388 = arith.constant 0 : i32
    %dma_wait3A_389 = arith.constant 0 : i32
    %dma_wait3A_390 = tpu.memref_slice %arg9[%dma_wait3A_379, %dma_wait3A_388, %dma_wait3A_389] : memref<5x64x128xf32, #tpu.memory_space<vmem>> -> memref<1x64x128xf32, #tpu.memory_space<vmem>>
    %dma_wait3A_391 = tpu.memref_squeeze %dma_wait3A_390 : memref<1x64x128xf32, #tpu.memory_space<vmem>> -> memref<64x128xf32, #tpu.memory_space<vmem>>
    tpu.wait_dma2 semaphore(%arg15 : memref<!tpu.dma_semaphore, #tpu.memory_space<semaphore_mem>>) src(%dma_wait3A_391 : memref<64x128xf32, #tpu.memory_space<vmem>>) dst(%dma_wait3A_387 : memref<64x128xf32, #tpu.memory_space<vmem_shared>>)
    %add3A_392 = arith.constant 192 : i32
    %add3A_393 = arith.addi %mul3A_198, %add3A_392 : i32
    %dma_wait3A_394 = arith.constant 0 : i32
    %dma_wait3A_395 = arith.constant 0 : i32
    %dma_wait3A_396 = arith.constant 0 : i32
    %dma_wait3A_397 = tpu.memref_slice %arg9[%dma_wait3A_394, %dma_wait3A_395, %dma_wait3A_396] : memref<5x64x128xf32, #tpu.memory_space<vmem>> -> memref<1x64x128xf32, #tpu.memory_space<vmem>>
    %dma_wait3A_398 = tpu.memref_squeeze %dma_wait3A_397 : memref<1x64x128xf32, #tpu.memory_space<vmem>> -> memref<64x128xf32, #tpu.memory_space<vmem>>
    %dma_wait3A_399 = arith.constant 0 : i32
    %dma_wait3A_400 = tpu.memref_slice %arg6[%add3A_393, %dma_wait3A_399] : memref<10240x128xf32, #tpu.memory_space<vmem_shared>> -> memref<64x128xf32, #tpu.memory_space<vmem_shared>>
    %dma_wait3A_401 = arith.constant 0 : i32
    %dma_wait3A_402 = tpu.memref_slice %arg6[%add3A_393, %dma_wait3A_401] : memref<10240x128xf32, #tpu.memory_space<vmem_shared>> -> memref<64x128xf32, #tpu.memory_space<vmem_shared>>
    %dma_wait3A_403 = arith.constant 0 : i32
    %dma_wait3A_404 = arith.constant 0 : i32
    %dma_wait3A_405 = tpu.memref_slice %arg9[%dma_wait3A_394, %dma_wait3A_403, %dma_wait3A_404] : memref<5x64x128xf32, #tpu.memory_space<vmem>> -> memref<1x64x128xf32, #tpu.memory_space<vmem>>
    %dma_wait3A_406 = tpu.memref_squeeze %dma_wait3A_405 : memref<1x64x128xf32, #tpu.memory_space<vmem>> -> memref<64x128xf32, #tpu.memory_space<vmem>>
    tpu.wait_dma2 semaphore(%arg15 : memref<!tpu.dma_semaphore, #tpu.memory_space<semaphore_mem>>) src(%dma_wait3A_406 : memref<64x128xf32, #tpu.memory_space<vmem>>) dst(%dma_wait3A_402 : memref<64x128xf32, #tpu.memory_space<vmem_shared>>)
    %add3A_407 = arith.constant 256 : i32
    %add3A_408 = arith.addi %mul3A_198, %add3A_407 : i32
    %dma_wait3A_409 = arith.constant 0 : i32
    %dma_wait3A_410 = arith.constant 0 : i32
    %dma_wait3A_411 = arith.constant 0 : i32
    %dma_wait3A_412 = tpu.memref_slice %arg9[%dma_wait3A_409, %dma_wait3A_410, %dma_wait3A_411] : memref<5x64x128xf32, #tpu.memory_space<vmem>> -> memref<1x64x128xf32, #tpu.memory_space<vmem>>
    %dma_wait3A_413 = tpu.memref_squeeze %dma_wait3A_412 : memref<1x64x128xf32, #tpu.memory_space<vmem>> -> memref<64x128xf32, #tpu.memory_space<vmem>>
    %dma_wait3A_414 = arith.constant 0 : i32
    %dma_wait3A_415 = tpu.memref_slice %arg6[%add3A_408, %dma_wait3A_414] : memref<10240x128xf32, #tpu.memory_space<vmem_shared>> -> memref<64x128xf32, #tpu.memory_space<vmem_shared>>
    %dma_wait3A_416 = arith.constant 0 : i32
    %dma_wait3A_417 = tpu.memref_slice %arg6[%add3A_408, %dma_wait3A_416] : memref<10240x128xf32, #tpu.memory_space<vmem_shared>> -> memref<64x128xf32, #tpu.memory_space<vmem_shared>>
    %dma_wait3A_418 = arith.constant 0 : i32
    %dma_wait3A_419 = arith.constant 0 : i32
    %dma_wait3A_420 = tpu.memref_slice %arg9[%dma_wait3A_409, %dma_wait3A_418, %dma_wait3A_419] : memref<5x64x128xf32, #tpu.memory_space<vmem>> -> memref<1x64x128xf32, #tpu.memory_space<vmem>>
    %dma_wait3A_421 = tpu.memref_squeeze %dma_wait3A_420 : memref<1x64x128xf32, #tpu.memory_space<vmem>> -> memref<64x128xf32, #tpu.memory_space<vmem>>
    tpu.wait_dma2 semaphore(%arg15 : memref<!tpu.dma_semaphore, #tpu.memory_space<semaphore_mem>>) src(%dma_wait3A_421 : memref<64x128xf32, #tpu.memory_space<vmem>>) dst(%dma_wait3A_417 : memref<64x128xf32, #tpu.memory_space<vmem_shared>>)
    %add3A_422 = arith.constant 320 : i32
    %add3A_423 = arith.addi %mul3A_198, %add3A_422 : i32
    %dma_wait3A_424 = arith.constant 0 : i32
    %dma_wait3A_425 = arith.constant 0 : i32
    %dma_wait3A_426 = arith.constant 0 : i32
    %dma_wait3A_427 = tpu.memref_slice %arg9[%dma_wait3A_424, %dma_wait3A_425, %dma_wait3A_426] : memref<5x64x128xf32, #tpu.memory_space<vmem>> -> memref<1x64x128xf32, #tpu.memory_space<vmem>>
    %dma_wait3A_428 = tpu.memref_squeeze %dma_wait3A_427 : memref<1x64x128xf32, #tpu.memory_space<vmem>> -> memref<64x128xf32, #tpu.memory_space<vmem>>
    %dma_wait3A_429 = arith.constant 0 : i32
    %dma_wait3A_430 = tpu.memref_slice %arg6[%add3A_423, %dma_wait3A_429] : memref<10240x128xf32, #tpu.memory_space<vmem_shared>> -> memref<64x128xf32, #tpu.memory_space<vmem_shared>>
    %dma_wait3A_431 = arith.constant 0 : i32
    %dma_wait3A_432 = tpu.memref_slice %arg6[%add3A_423, %dma_wait3A_431] : memref<10240x128xf32, #tpu.memory_space<vmem_shared>> -> memref<64x128xf32, #tpu.memory_space<vmem_shared>>
    %dma_wait3A_433 = arith.constant 0 : i32
    %dma_wait3A_434 = arith.constant 0 : i32
    %dma_wait3A_435 = tpu.memref_slice %arg9[%dma_wait3A_424, %dma_wait3A_433, %dma_wait3A_434] : memref<5x64x128xf32, #tpu.memory_space<vmem>> -> memref<1x64x128xf32, #tpu.memory_space<vmem>>
    %dma_wait3A_436 = tpu.memref_squeeze %dma_wait3A_435 : memref<1x64x128xf32, #tpu.memory_space<vmem>> -> memref<64x128xf32, #tpu.memory_space<vmem>>
    tpu.wait_dma2 semaphore(%arg15 : memref<!tpu.dma_semaphore, #tpu.memory_space<semaphore_mem>>) src(%dma_wait3A_436 : memref<64x128xf32, #tpu.memory_space<vmem>>) dst(%dma_wait3A_432 : memref<64x128xf32, #tpu.memory_space<vmem_shared>>)
    %add3A_437 = arith.constant 384 : i32
    %add3A_438 = arith.addi %mul3A_198, %add3A_437 : i32
    %dma_wait3A_439 = arith.constant 0 : i32
    %dma_wait3A_440 = arith.constant 0 : i32
    %dma_wait3A_441 = arith.constant 0 : i32
    %dma_wait3A_442 = tpu.memref_slice %arg9[%dma_wait3A_439, %dma_wait3A_440, %dma_wait3A_441] : memref<5x64x128xf32, #tpu.memory_space<vmem>> -> memref<1x64x128xf32, #tpu.memory_space<vmem>>
    %dma_wait3A_443 = tpu.memref_squeeze %dma_wait3A_442 : memref<1x64x128xf32, #tpu.memory_space<vmem>> -> memref<64x128xf32, #tpu.memory_space<vmem>>
    %dma_wait3A_444 = arith.constant 0 : i32
    %dma_wait3A_445 = tpu.memref_slice %arg6[%add3A_438, %dma_wait3A_444] : memref<10240x128xf32, #tpu.memory_space<vmem_shared>> -> memref<64x128xf32, #tpu.memory_space<vmem_shared>>
    %dma_wait3A_446 = arith.constant 0 : i32
    %dma_wait3A_447 = tpu.memref_slice %arg6[%add3A_438, %dma_wait3A_446] : memref<10240x128xf32, #tpu.memory_space<vmem_shared>> -> memref<64x128xf32, #tpu.memory_space<vmem_shared>>
    %dma_wait3A_448 = arith.constant 0 : i32
    %dma_wait3A_449 = arith.constant 0 : i32
    %dma_wait3A_450 = tpu.memref_slice %arg9[%dma_wait3A_439, %dma_wait3A_448, %dma_wait3A_449] : memref<5x64x128xf32, #tpu.memory_space<vmem>> -> memref<1x64x128xf32, #tpu.memory_space<vmem>>
    %dma_wait3A_451 = tpu.memref_squeeze %dma_wait3A_450 : memref<1x64x128xf32, #tpu.memory_space<vmem>> -> memref<64x128xf32, #tpu.memory_space<vmem>>
    tpu.wait_dma2 semaphore(%arg15 : memref<!tpu.dma_semaphore, #tpu.memory_space<semaphore_mem>>) src(%dma_wait3A_451 : memref<64x128xf32, #tpu.memory_space<vmem>>) dst(%dma_wait3A_447 : memref<64x128xf32, #tpu.memory_space<vmem_shared>>)
    %add3A_452 = arith.constant 448 : i32
    %add3A_453 = arith.addi %mul3A_198, %add3A_452 : i32
    %dma_wait3A_454 = arith.constant 0 : i32
    %dma_wait3A_455 = arith.constant 0 : i32
    %dma_wait3A_456 = arith.constant 0 : i32
    %dma_wait3A_457 = tpu.memref_slice %arg9[%dma_wait3A_454, %dma_wait3A_455, %dma_wait3A_456] : memref<5x64x128xf32, #tpu.memory_space<vmem>> -> memref<1x64x128xf32, #tpu.memory_space<vmem>>
    %dma_wait3A_458 = tpu.memref_squeeze %dma_wait3A_457 : memref<1x64x128xf32, #tpu.memory_space<vmem>> -> memref<64x128xf32, #tpu.memory_space<vmem>>
    %dma_wait3A_459 = arith.constant 0 : i32
    %dma_wait3A_460 = tpu.memref_slice %arg6[%add3A_453, %dma_wait3A_459] : memref<10240x128xf32, #tpu.memory_space<vmem_shared>> -> memref<64x128xf32, #tpu.memory_space<vmem_shared>>
    %dma_wait3A_461 = arith.constant 0 : i32
    %dma_wait3A_462 = tpu.memref_slice %arg6[%add3A_453, %dma_wait3A_461] : memref<10240x128xf32, #tpu.memory_space<vmem_shared>> -> memref<64x128xf32, #tpu.memory_space<vmem_shared>>
    %dma_wait3A_463 = arith.constant 0 : i32
    %dma_wait3A_464 = arith.constant 0 : i32
    %dma_wait3A_465 = tpu.memref_slice %arg9[%dma_wait3A_454, %dma_wait3A_463, %dma_wait3A_464] : memref<5x64x128xf32, #tpu.memory_space<vmem>> -> memref<1x64x128xf32, #tpu.memory_space<vmem>>
    %dma_wait3A_466 = tpu.memref_squeeze %dma_wait3A_465 : memref<1x64x128xf32, #tpu.memory_space<vmem>> -> memref<64x128xf32, #tpu.memory_space<vmem>>
    tpu.wait_dma2 semaphore(%arg15 : memref<!tpu.dma_semaphore, #tpu.memory_space<semaphore_mem>>) src(%dma_wait3A_466 : memref<64x128xf32, #tpu.memory_space<vmem>>) dst(%dma_wait3A_462 : memref<64x128xf32, #tpu.memory_space<vmem_shared>>)
    %add3A_467 = arith.constant 512 : i32
    %add3A_468 = arith.addi %mul3A_198, %add3A_467 : i32
    %dma_wait3A_469 = arith.constant 0 : i32
    %dma_wait3A_470 = arith.constant 0 : i32
    %dma_wait3A_471 = arith.constant 0 : i32
    %dma_wait3A_472 = tpu.memref_slice %arg9[%dma_wait3A_469, %dma_wait3A_470, %dma_wait3A_471] : memref<5x64x128xf32, #tpu.memory_space<vmem>> -> memref<1x64x128xf32, #tpu.memory_space<vmem>>
    %dma_wait3A_473 = tpu.memref_squeeze %dma_wait3A_472 : memref<1x64x128xf32, #tpu.memory_space<vmem>> -> memref<64x128xf32, #tpu.memory_space<vmem>>
    %dma_wait3A_474 = arith.constant 0 : i32
    %dma_wait3A_475 = tpu.memref_slice %arg6[%add3A_468, %dma_wait3A_474] : memref<10240x128xf32, #tpu.memory_space<vmem_shared>> -> memref<64x128xf32, #tpu.memory_space<vmem_shared>>
    %dma_wait3A_476 = arith.constant 0 : i32
    %dma_wait3A_477 = tpu.memref_slice %arg6[%add3A_468, %dma_wait3A_476] : memref<10240x128xf32, #tpu.memory_space<vmem_shared>> -> memref<64x128xf32, #tpu.memory_space<vmem_shared>>
    %dma_wait3A_478 = arith.constant 0 : i32
    %dma_wait3A_479 = arith.constant 0 : i32
    %dma_wait3A_480 = tpu.memref_slice %arg9[%dma_wait3A_469, %dma_wait3A_478, %dma_wait3A_479] : memref<5x64x128xf32, #tpu.memory_space<vmem>> -> memref<1x64x128xf32, #tpu.memory_space<vmem>>
    %dma_wait3A_481 = tpu.memref_squeeze %dma_wait3A_480 : memref<1x64x128xf32, #tpu.memory_space<vmem>> -> memref<64x128xf32, #tpu.memory_space<vmem>>
    tpu.wait_dma2 semaphore(%arg15 : memref<!tpu.dma_semaphore, #tpu.memory_space<semaphore_mem>>) src(%dma_wait3A_481 : memref<64x128xf32, #tpu.memory_space<vmem>>) dst(%dma_wait3A_477 : memref<64x128xf32, #tpu.memory_space<vmem_shared>>)
    %add3A_482 = arith.constant 576 : i32
    %add3A_483 = arith.addi %mul3A_198, %add3A_482 : i32
    %dma_wait3A_484 = arith.constant 0 : i32
    %dma_wait3A_485 = arith.constant 0 : i32
    %dma_wait3A_486 = arith.constant 0 : i32
    %dma_wait3A_487 = tpu.memref_slice %arg9[%dma_wait3A_484, %dma_wait3A_485, %dma_wait3A_486] : memref<5x64x128xf32, #tpu.memory_space<vmem>> -> memref<1x64x128xf32, #tpu.memory_space<vmem>>
    %dma_wait3A_488 = tpu.memref_squeeze %dma_wait3A_487 : memref<1x64x128xf32, #tpu.memory_space<vmem>> -> memref<64x128xf32, #tpu.memory_space<vmem>>
    %dma_wait3A_489 = arith.constant 0 : i32
    %dma_wait3A_490 = tpu.memref_slice %arg6[%add3A_483, %dma_wait3A_489] : memref<10240x128xf32, #tpu.memory_space<vmem_shared>> -> memref<64x128xf32, #tpu.memory_space<vmem_shared>>
    %dma_wait3A_491 = arith.constant 0 : i32
    %dma_wait3A_492 = tpu.memref_slice %arg6[%add3A_483, %dma_wait3A_491] : memref<10240x128xf32, #tpu.memory_space<vmem_shared>> -> memref<64x128xf32, #tpu.memory_space<vmem_shared>>
    %dma_wait3A_493 = arith.constant 0 : i32
    %dma_wait3A_494 = arith.constant 0 : i32
    %dma_wait3A_495 = tpu.memref_slice %arg9[%dma_wait3A_484, %dma_wait3A_493, %dma_wait3A_494] : memref<5x64x128xf32, #tpu.memory_space<vmem>> -> memref<1x64x128xf32, #tpu.memory_space<vmem>>
    %dma_wait3A_496 = tpu.memref_squeeze %dma_wait3A_495 : memref<1x64x128xf32, #tpu.memory_space<vmem>> -> memref<64x128xf32, #tpu.memory_space<vmem>>
    tpu.wait_dma2 semaphore(%arg15 : memref<!tpu.dma_semaphore, #tpu.memory_space<semaphore_mem>>) src(%dma_wait3A_496 : memref<64x128xf32, #tpu.memory_space<vmem>>) dst(%dma_wait3A_492 : memref<64x128xf32, #tpu.memory_space<vmem_shared>>)
    %barrier3A = arith.constant 0 : index
    tpu.barrier barrier_id(%barrier3A)
    %gt3A = arith.constant 0 : i32
    %gt3A_497 = arith.cmpi sgt, %sub3A, %gt3A : i32
    %convert_element_type3A = arith.extui %gt3A_497 : i1 to i32
    %cond3A = arith.constant 0 : i32
    %cond3A_498 = arith.cmpi ne, %convert_element_type3A, %cond3A : i32
    scf.if %cond3A_498 {
      %add3A_698 = arith.constant 0 : i32
      %add3A_699 = arith.addi %add3A, %add3A_698 : i32
      %mul3A_700 = arith.constant 64 : i32
      %mul3A_701 = arith.muli %add3A_699, %mul3A_700 : i32
      %dma_start3A_702 = arith.constant 0 : i32
      %dma_start3A_703 = arith.constant 0 : i32
      %dma_start3A_704 = arith.constant 0 : i32
      %dma_start3A_705 = arith.constant 0 : i32
      %dma_start3A_706 = arith.constant 0 : i32
      %dma_start3A_707 = tpu.memref_slice %arg8[%dma_start3A_703, %dma_start3A_704, %dma_start3A_706] : memref<8x2x64xi32, #tpu.memory_space<vmem>> -> memref<1x1x64xi32, #tpu.memory_space<vmem>>
      %dma_start3A_708 = tpu.memref_squeeze %dma_start3A_707 : memref<1x1x64xi32, #tpu.memory_space<vmem>> -> memref<64xi32, #tpu.memory_space<vmem>>
      %dma_start3A_709 = tpu.memref_slice %arg3[%dma_start3A_702, %mul3A_701] : memref<2x320000xi32, #tpu.memory_space<hbm>> -> memref<1x64xi32, #tpu.memory_space<hbm>>
      %dma_start3A_710 = tpu.memref_squeeze %dma_start3A_709 : memref<1x64xi32, #tpu.memory_space<hbm>> -> memref<64xi32, #tpu.memory_space<hbm>>
      %dma_start3A_711 = tpu.memref_slice %arg12[%dma_start3A_705] : memref<8x!tpu.dma_semaphore, #tpu.memory_space<semaphore_mem>> -> memref<1x!tpu.dma_semaphore, #tpu.memory_space<semaphore_mem>>
      %dma_start3A_712 = tpu.memref_squeeze %dma_start3A_711 : memref<1x!tpu.dma_semaphore, #tpu.memory_space<semaphore_mem>> -> memref<!tpu.dma_semaphore, #tpu.memory_space<semaphore_mem>>
      %dma_start3A_713 = arith.constant 0 : i32
      %dma_start3A_714 = tpu.memref_slice %arg8[%dma_start3A_703, %dma_start3A_704, %dma_start3A_713] : memref<8x2x64xi32, #tpu.memory_space<vmem>> -> memref<1x1x64xi32, #tpu.memory_space<vmem>>
      %dma_start3A_715 = tpu.memref_squeeze %dma_start3A_714 : memref<1x1x64xi32, #tpu.memory_space<vmem>> -> memref<64xi32, #tpu.memory_space<vmem>>
      %dma_start3A_716 = tpu.memref_slice %arg3[%dma_start3A_702, %mul3A_701] : memref<2x320000xi32, #tpu.memory_space<hbm>> -> memref<1x64xi32, #tpu.memory_space<hbm>>
      %dma_start3A_717 = tpu.memref_squeeze %dma_start3A_716 : memref<1x64xi32, #tpu.memory_space<hbm>> -> memref<64xi32, #tpu.memory_space<hbm>>
      tpu.enqueue_dma source(%dma_start3A_717 : memref<64xi32, #tpu.memory_space<hbm>>) target(%dma_start3A_715 : memref<64xi32, #tpu.memory_space<vmem>>) target_semaphore(%dma_start3A_712 : memref<!tpu.dma_semaphore, #tpu.memory_space<semaphore_mem>>)
      %dma_start3A_718 = arith.constant 1 : i32
      %dma_start3A_719 = arith.constant 0 : i32
      %dma_start3A_720 = arith.constant 1 : i32
      %dma_start3A_721 = arith.constant 0 : i32
      %dma_start3A_722 = arith.constant 0 : i32
      %dma_start3A_723 = tpu.memref_slice %arg8[%dma_start3A_719, %dma_start3A_720, %dma_start3A_722] : memref<8x2x64xi32, #tpu.memory_space<vmem>> -> memref<1x1x64xi32, #tpu.memory_space<vmem>>
      %dma_start3A_724 = tpu.memref_squeeze %dma_start3A_723 : memref<1x1x64xi32, #tpu.memory_space<vmem>> -> memref<64xi32, #tpu.memory_space<vmem>>
      %dma_start3A_725 = tpu.memref_slice %arg3[%dma_start3A_718, %mul3A_701] : memref<2x320000xi32, #tpu.memory_space<hbm>> -> memref<1x64xi32, #tpu.memory_space<hbm>>
      %dma_start3A_726 = tpu.memref_squeeze %dma_start3A_725 : memref<1x64xi32, #tpu.memory_space<hbm>> -> memref<64xi32, #tpu.memory_space<hbm>>
      %dma_start3A_727 = tpu.memref_slice %arg12[%dma_start3A_721] : memref<8x!tpu.dma_semaphore, #tpu.memory_space<semaphore_mem>> -> memref<1x!tpu.dma_semaphore, #tpu.memory_space<semaphore_mem>>
      %dma_start3A_728 = tpu.memref_squeeze %dma_start3A_727 : memref<1x!tpu.dma_semaphore, #tpu.memory_space<semaphore_mem>> -> memref<!tpu.dma_semaphore, #tpu.memory_space<semaphore_mem>>
      %dma_start3A_729 = arith.constant 0 : i32
      %dma_start3A_730 = tpu.memref_slice %arg8[%dma_start3A_719, %dma_start3A_720, %dma_start3A_729] : memref<8x2x64xi32, #tpu.memory_space<vmem>> -> memref<1x1x64xi32, #tpu.memory_space<vmem>>
      %dma_start3A_731 = tpu.memref_squeeze %dma_start3A_730 : memref<1x1x64xi32, #tpu.memory_space<vmem>> -> memref<64xi32, #tpu.memory_space<vmem>>
      %dma_start3A_732 = tpu.memref_slice %arg3[%dma_start3A_718, %mul3A_701] : memref<2x320000xi32, #tpu.memory_space<hbm>> -> memref<1x64xi32, #tpu.memory_space<hbm>>
      %dma_start3A_733 = tpu.memref_squeeze %dma_start3A_732 : memref<1x64xi32, #tpu.memory_space<hbm>> -> memref<64xi32, #tpu.memory_space<hbm>>
      tpu.enqueue_dma source(%dma_start3A_733 : memref<64xi32, #tpu.memory_space<hbm>>) target(%dma_start3A_731 : memref<64xi32, #tpu.memory_space<vmem>>) target_semaphore(%dma_start3A_728 : memref<!tpu.dma_semaphore, #tpu.memory_space<semaphore_mem>>)
    } else {
    }
    %gt3A_499 = arith.constant 1 : i32
    %gt3A_500 = arith.cmpi sgt, %sub3A, %gt3A_499 : i32
    %convert_element_type3A_501 = arith.extui %gt3A_500 : i1 to i32
    %cond3A_502 = arith.constant 0 : i32
    %cond3A_503 = arith.cmpi ne, %convert_element_type3A_501, %cond3A_502 : i32
    scf.if %cond3A_503 {
      %add3A_698 = arith.constant 1 : i32
      %add3A_699 = arith.addi %add3A, %add3A_698 : i32
      %mul3A_700 = arith.constant 64 : i32
      %mul3A_701 = arith.muli %add3A_699, %mul3A_700 : i32
      %dma_start3A_702 = arith.constant 0 : i32
      %dma_start3A_703 = arith.constant 1 : i32
      %dma_start3A_704 = arith.constant 0 : i32
      %dma_start3A_705 = arith.constant 1 : i32
      %dma_start3A_706 = arith.constant 0 : i32
      %dma_start3A_707 = tpu.memref_slice %arg8[%dma_start3A_703, %dma_start3A_704, %dma_start3A_706] : memref<8x2x64xi32, #tpu.memory_space<vmem>> -> memref<1x1x64xi32, #tpu.memory_space<vmem>>
      %dma_start3A_708 = tpu.memref_squeeze %dma_start3A_707 : memref<1x1x64xi32, #tpu.memory_space<vmem>> -> memref<64xi32, #tpu.memory_space<vmem>>
      %dma_start3A_709 = tpu.memref_slice %arg3[%dma_start3A_702, %mul3A_701] : memref<2x320000xi32, #tpu.memory_space<hbm>> -> memref<1x64xi32, #tpu.memory_space<hbm>>
      %dma_start3A_710 = tpu.memref_squeeze %dma_start3A_709 : memref<1x64xi32, #tpu.memory_space<hbm>> -> memref<64xi32, #tpu.memory_space<hbm>>
      %dma_start3A_711 = tpu.memref_slice %arg12[%dma_start3A_705] : memref<8x!tpu.dma_semaphore, #tpu.memory_space<semaphore_mem>> -> memref<1x!tpu.dma_semaphore, #tpu.memory_space<semaphore_mem>>
      %dma_start3A_712 = tpu.memref_squeeze %dma_start3A_711 : memref<1x!tpu.dma_semaphore, #tpu.memory_space<semaphore_mem>> -> memref<!tpu.dma_semaphore, #tpu.memory_space<semaphore_mem>>
      %dma_start3A_713 = arith.constant 0 : i32
      %dma_start3A_714 = tpu.memref_slice %arg8[%dma_start3A_703, %dma_start3A_704, %dma_start3A_713] : memref<8x2x64xi32, #tpu.memory_space<vmem>> -> memref<1x1x64xi32, #tpu.memory_space<vmem>>
      %dma_start3A_715 = tpu.memref_squeeze %dma_start3A_714 : memref<1x1x64xi32, #tpu.memory_space<vmem>> -> memref<64xi32, #tpu.memory_space<vmem>>
      %dma_start3A_716 = tpu.memref_slice %arg3[%dma_start3A_702, %mul3A_701] : memref<2x320000xi32, #tpu.memory_space<hbm>> -> memref<1x64xi32, #tpu.memory_space<hbm>>
      %dma_start3A_717 = tpu.memref_squeeze %dma_start3A_716 : memref<1x64xi32, #tpu.memory_space<hbm>> -> memref<64xi32, #tpu.memory_space<hbm>>
      tpu.enqueue_dma source(%dma_start3A_717 : memref<64xi32, #tpu.memory_space<hbm>>) target(%dma_start3A_715 : memref<64xi32, #tpu.memory_space<vmem>>) target_semaphore(%dma_start3A_712 : memref<!tpu.dma_semaphore, #tpu.memory_space<semaphore_mem>>)
      %dma_start3A_718 = arith.constant 1 : i32
      %dma_start3A_719 = arith.constant 1 : i32
      %dma_start3A_720 = arith.constant 1 : i32
      %dma_start3A_721 = arith.constant 1 : i32
      %dma_start3A_722 = arith.constant 0 : i32
      %dma_start3A_723 = tpu.memref_slice %arg8[%dma_start3A_719, %dma_start3A_720, %dma_start3A_722] : memref<8x2x64xi32, #tpu.memory_space<vmem>> -> memref<1x1x64xi32, #tpu.memory_space<vmem>>
      %dma_start3A_724 = tpu.memref_squeeze %dma_start3A_723 : memref<1x1x64xi32, #tpu.memory_space<vmem>> -> memref<64xi32, #tpu.memory_space<vmem>>
      %dma_start3A_725 = tpu.memref_slice %arg3[%dma_start3A_718, %mul3A_701] : memref<2x320000xi32, #tpu.memory_space<hbm>> -> memref<1x64xi32, #tpu.memory_space<hbm>>
      %dma_start3A_726 = tpu.memref_squeeze %dma_start3A_725 : memref<1x64xi32, #tpu.memory_space<hbm>> -> memref<64xi32, #tpu.memory_space<hbm>>
      %dma_start3A_727 = tpu.memref_slice %arg12[%dma_start3A_721] : memref<8x!tpu.dma_semaphore, #tpu.memory_space<semaphore_mem>> -> memref<1x!tpu.dma_semaphore, #tpu.memory_space<semaphore_mem>>
      %dma_start3A_728 = tpu.memref_squeeze %dma_start3A_727 : memref<1x!tpu.dma_semaphore, #tpu.memory_space<semaphore_mem>> -> memref<!tpu.dma_semaphore, #tpu.memory_space<semaphore_mem>>
      %dma_start3A_729 = arith.constant 0 : i32
      %dma_start3A_730 = tpu.memref_slice %arg8[%dma_start3A_719, %dma_start3A_720, %dma_start3A_729] : memref<8x2x64xi32, #tpu.memory_space<vmem>> -> memref<1x1x64xi32, #tpu.memory_space<vmem>>
      %dma_start3A_731 = tpu.memref_squeeze %dma_start3A_730 : memref<1x1x64xi32, #tpu.memory_space<vmem>> -> memref<64xi32, #tpu.memory_space<vmem>>
      %dma_start3A_732 = tpu.memref_slice %arg3[%dma_start3A_718, %mul3A_701] : memref<2x320000xi32, #tpu.memory_space<hbm>> -> memref<1x64xi32, #tpu.memory_space<hbm>>
      %dma_start3A_733 = tpu.memref_squeeze %dma_start3A_732 : memref<1x64xi32, #tpu.memory_space<hbm>> -> memref<64xi32, #tpu.memory_space<hbm>>
      tpu.enqueue_dma source(%dma_start3A_733 : memref<64xi32, #tpu.memory_space<hbm>>) target(%dma_start3A_731 : memref<64xi32, #tpu.memory_space<vmem>>) target_semaphore(%dma_start3A_728 : memref<!tpu.dma_semaphore, #tpu.memory_space<semaphore_mem>>)
    } else {
    }
    %gt3A_504 = arith.constant 2 : i32
    %gt3A_505 = arith.cmpi sgt, %sub3A, %gt3A_504 : i32
    %convert_element_type3A_506 = arith.extui %gt3A_505 : i1 to i32
    %cond3A_507 = arith.constant 0 : i32
    %cond3A_508 = arith.cmpi ne, %convert_element_type3A_506, %cond3A_507 : i32
    scf.if %cond3A_508 {
      %add3A_698 = arith.constant 2 : i32
      %add3A_699 = arith.addi %add3A, %add3A_698 : i32
      %mul3A_700 = arith.constant 64 : i32
      %mul3A_701 = arith.muli %add3A_699, %mul3A_700 : i32
      %dma_start3A_702 = arith.constant 0 : i32
      %dma_start3A_703 = arith.constant 2 : i32
      %dma_start3A_704 = arith.constant 0 : i32
      %dma_start3A_705 = arith.constant 2 : i32
      %dma_start3A_706 = arith.constant 0 : i32
      %dma_start3A_707 = tpu.memref_slice %arg8[%dma_start3A_703, %dma_start3A_704, %dma_start3A_706] : memref<8x2x64xi32, #tpu.memory_space<vmem>> -> memref<1x1x64xi32, #tpu.memory_space<vmem>>
      %dma_start3A_708 = tpu.memref_squeeze %dma_start3A_707 : memref<1x1x64xi32, #tpu.memory_space<vmem>> -> memref<64xi32, #tpu.memory_space<vmem>>
      %dma_start3A_709 = tpu.memref_slice %arg3[%dma_start3A_702, %mul3A_701] : memref<2x320000xi32, #tpu.memory_space<hbm>> -> memref<1x64xi32, #tpu.memory_space<hbm>>
      %dma_start3A_710 = tpu.memref_squeeze %dma_start3A_709 : memref<1x64xi32, #tpu.memory_space<hbm>> -> memref<64xi32, #tpu.memory_space<hbm>>
      %dma_start3A_711 = tpu.memref_slice %arg12[%dma_start3A_705] : memref<8x!tpu.dma_semaphore, #tpu.memory_space<semaphore_mem>> -> memref<1x!tpu.dma_semaphore, #tpu.memory_space<semaphore_mem>>
      %dma_start3A_712 = tpu.memref_squeeze %dma_start3A_711 : memref<1x!tpu.dma_semaphore, #tpu.memory_space<semaphore_mem>> -> memref<!tpu.dma_semaphore, #tpu.memory_space<semaphore_mem>>
      %dma_start3A_713 = arith.constant 0 : i32
      %dma_start3A_714 = tpu.memref_slice %arg8[%dma_start3A_703, %dma_start3A_704, %dma_start3A_713] : memref<8x2x64xi32, #tpu.memory_space<vmem>> -> memref<1x1x64xi32, #tpu.memory_space<vmem>>
      %dma_start3A_715 = tpu.memref_squeeze %dma_start3A_714 : memref<1x1x64xi32, #tpu.memory_space<vmem>> -> memref<64xi32, #tpu.memory_space<vmem>>
      %dma_start3A_716 = tpu.memref_slice %arg3[%dma_start3A_702, %mul3A_701] : memref<2x320000xi32, #tpu.memory_space<hbm>> -> memref<1x64xi32, #tpu.memory_space<hbm>>
      %dma_start3A_717 = tpu.memref_squeeze %dma_start3A_716 : memref<1x64xi32, #tpu.memory_space<hbm>> -> memref<64xi32, #tpu.memory_space<hbm>>
      tpu.enqueue_dma source(%dma_start3A_717 : memref<64xi32, #tpu.memory_space<hbm>>) target(%dma_start3A_715 : memref<64xi32, #tpu.memory_space<vmem>>) target_semaphore(%dma_start3A_712 : memref<!tpu.dma_semaphore, #tpu.memory_space<semaphore_mem>>)
      %dma_start3A_718 = arith.constant 1 : i32
      %dma_start3A_719 = arith.constant 2 : i32
      %dma_start3A_720 = arith.constant 1 : i32
      %dma_start3A_721 = arith.constant 2 : i32
      %dma_start3A_722 = arith.constant 0 : i32
      %dma_start3A_723 = tpu.memref_slice %arg8[%dma_start3A_719, %dma_start3A_720, %dma_start3A_722] : memref<8x2x64xi32, #tpu.memory_space<vmem>> -> memref<1x1x64xi32, #tpu.memory_space<vmem>>
      %dma_start3A_724 = tpu.memref_squeeze %dma_start3A_723 : memref<1x1x64xi32, #tpu.memory_space<vmem>> -> memref<64xi32, #tpu.memory_space<vmem>>
      %dma_start3A_725 = tpu.memref_slice %arg3[%dma_start3A_718, %mul3A_701] : memref<2x320000xi32, #tpu.memory_space<hbm>> -> memref<1x64xi32, #tpu.memory_space<hbm>>
      %dma_start3A_726 = tpu.memref_squeeze %dma_start3A_725 : memref<1x64xi32, #tpu.memory_space<hbm>> -> memref<64xi32, #tpu.memory_space<hbm>>
      %dma_start3A_727 = tpu.memref_slice %arg12[%dma_start3A_721] : memref<8x!tpu.dma_semaphore, #tpu.memory_space<semaphore_mem>> -> memref<1x!tpu.dma_semaphore, #tpu.memory_space<semaphore_mem>>
      %dma_start3A_728 = tpu.memref_squeeze %dma_start3A_727 : memref<1x!tpu.dma_semaphore, #tpu.memory_space<semaphore_mem>> -> memref<!tpu.dma_semaphore, #tpu.memory_space<semaphore_mem>>
      %dma_start3A_729 = arith.constant 0 : i32
      %dma_start3A_730 = tpu.memref_slice %arg8[%dma_start3A_719, %dma_start3A_720, %dma_start3A_729] : memref<8x2x64xi32, #tpu.memory_space<vmem>> -> memref<1x1x64xi32, #tpu.memory_space<vmem>>
      %dma_start3A_731 = tpu.memref_squeeze %dma_start3A_730 : memref<1x1x64xi32, #tpu.memory_space<vmem>> -> memref<64xi32, #tpu.memory_space<vmem>>
      %dma_start3A_732 = tpu.memref_slice %arg3[%dma_start3A_718, %mul3A_701] : memref<2x320000xi32, #tpu.memory_space<hbm>> -> memref<1x64xi32, #tpu.memory_space<hbm>>
      %dma_start3A_733 = tpu.memref_squeeze %dma_start3A_732 : memref<1x64xi32, #tpu.memory_space<hbm>> -> memref<64xi32, #tpu.memory_space<hbm>>
      tpu.enqueue_dma source(%dma_start3A_733 : memref<64xi32, #tpu.memory_space<hbm>>) target(%dma_start3A_731 : memref<64xi32, #tpu.memory_space<vmem>>) target_semaphore(%dma_start3A_728 : memref<!tpu.dma_semaphore, #tpu.memory_space<semaphore_mem>>)
    } else {
    }
    %gt3A_509 = arith.constant 3 : i32
    %gt3A_510 = arith.cmpi sgt, %sub3A, %gt3A_509 : i32
    %convert_element_type3A_511 = arith.extui %gt3A_510 : i1 to i32
    %cond3A_512 = arith.constant 0 : i32
    %cond3A_513 = arith.cmpi ne, %convert_element_type3A_511, %cond3A_512 : i32
    scf.if %cond3A_513 {
      %add3A_698 = arith.constant 3 : i32
      %add3A_699 = arith.addi %add3A, %add3A_698 : i32
      %mul3A_700 = arith.constant 64 : i32
      %mul3A_701 = arith.muli %add3A_699, %mul3A_700 : i32
      %dma_start3A_702 = arith.constant 0 : i32
      %dma_start3A_703 = arith.constant 3 : i32
      %dma_start3A_704 = arith.constant 0 : i32
      %dma_start3A_705 = arith.constant 3 : i32
      %dma_start3A_706 = arith.constant 0 : i32
      %dma_start3A_707 = tpu.memref_slice %arg8[%dma_start3A_703, %dma_start3A_704, %dma_start3A_706] : memref<8x2x64xi32, #tpu.memory_space<vmem>> -> memref<1x1x64xi32, #tpu.memory_space<vmem>>
      %dma_start3A_708 = tpu.memref_squeeze %dma_start3A_707 : memref<1x1x64xi32, #tpu.memory_space<vmem>> -> memref<64xi32, #tpu.memory_space<vmem>>
      %dma_start3A_709 = tpu.memref_slice %arg3[%dma_start3A_702, %mul3A_701] : memref<2x320000xi32, #tpu.memory_space<hbm>> -> memref<1x64xi32, #tpu.memory_space<hbm>>
      %dma_start3A_710 = tpu.memref_squeeze %dma_start3A_709 : memref<1x64xi32, #tpu.memory_space<hbm>> -> memref<64xi32, #tpu.memory_space<hbm>>
      %dma_start3A_711 = tpu.memref_slice %arg12[%dma_start3A_705] : memref<8x!tpu.dma_semaphore, #tpu.memory_space<semaphore_mem>> -> memref<1x!tpu.dma_semaphore, #tpu.memory_space<semaphore_mem>>
      %dma_start3A_712 = tpu.memref_squeeze %dma_start3A_711 : memref<1x!tpu.dma_semaphore, #tpu.memory_space<semaphore_mem>> -> memref<!tpu.dma_semaphore, #tpu.memory_space<semaphore_mem>>
      %dma_start3A_713 = arith.constant 0 : i32
      %dma_start3A_714 = tpu.memref_slice %arg8[%dma_start3A_703, %dma_start3A_704, %dma_start3A_713] : memref<8x2x64xi32, #tpu.memory_space<vmem>> -> memref<1x1x64xi32, #tpu.memory_space<vmem>>
      %dma_start3A_715 = tpu.memref_squeeze %dma_start3A_714 : memref<1x1x64xi32, #tpu.memory_space<vmem>> -> memref<64xi32, #tpu.memory_space<vmem>>
      %dma_start3A_716 = tpu.memref_slice %arg3[%dma_start3A_702, %mul3A_701] : memref<2x320000xi32, #tpu.memory_space<hbm>> -> memref<1x64xi32, #tpu.memory_space<hbm>>
      %dma_start3A_717 = tpu.memref_squeeze %dma_start3A_716 : memref<1x64xi32, #tpu.memory_space<hbm>> -> memref<64xi32, #tpu.memory_space<hbm>>
      tpu.enqueue_dma source(%dma_start3A_717 : memref<64xi32, #tpu.memory_space<hbm>>) target(%dma_start3A_715 : memref<64xi32, #tpu.memory_space<vmem>>) target_semaphore(%dma_start3A_712 : memref<!tpu.dma_semaphore, #tpu.memory_space<semaphore_mem>>)
      %dma_start3A_718 = arith.constant 1 : i32
      %dma_start3A_719 = arith.constant 3 : i32
      %dma_start3A_720 = arith.constant 1 : i32
      %dma_start3A_721 = arith.constant 3 : i32
      %dma_start3A_722 = arith.constant 0 : i32
      %dma_start3A_723 = tpu.memref_slice %arg8[%dma_start3A_719, %dma_start3A_720, %dma_start3A_722] : memref<8x2x64xi32, #tpu.memory_space<vmem>> -> memref<1x1x64xi32, #tpu.memory_space<vmem>>
      %dma_start3A_724 = tpu.memref_squeeze %dma_start3A_723 : memref<1x1x64xi32, #tpu.memory_space<vmem>> -> memref<64xi32, #tpu.memory_space<vmem>>
      %dma_start3A_725 = tpu.memref_slice %arg3[%dma_start3A_718, %mul3A_701] : memref<2x320000xi32, #tpu.memory_space<hbm>> -> memref<1x64xi32, #tpu.memory_space<hbm>>
      %dma_start3A_726 = tpu.memref_squeeze %dma_start3A_725 : memref<1x64xi32, #tpu.memory_space<hbm>> -> memref<64xi32, #tpu.memory_space<hbm>>
      %dma_start3A_727 = tpu.memref_slice %arg12[%dma_start3A_721] : memref<8x!tpu.dma_semaphore, #tpu.memory_space<semaphore_mem>> -> memref<1x!tpu.dma_semaphore, #tpu.memory_space<semaphore_mem>>
      %dma_start3A_728 = tpu.memref_squeeze %dma_start3A_727 : memref<1x!tpu.dma_semaphore, #tpu.memory_space<semaphore_mem>> -> memref<!tpu.dma_semaphore, #tpu.memory_space<semaphore_mem>>
      %dma_start3A_729 = arith.constant 0 : i32
      %dma_start3A_730 = tpu.memref_slice %arg8[%dma_start3A_719, %dma_start3A_720, %dma_start3A_729] : memref<8x2x64xi32, #tpu.memory_space<vmem>> -> memref<1x1x64xi32, #tpu.memory_space<vmem>>
      %dma_start3A_731 = tpu.memref_squeeze %dma_start3A_730 : memref<1x1x64xi32, #tpu.memory_space<vmem>> -> memref<64xi32, #tpu.memory_space<vmem>>
      %dma_start3A_732 = tpu.memref_slice %arg3[%dma_start3A_718, %mul3A_701] : memref<2x320000xi32, #tpu.memory_space<hbm>> -> memref<1x64xi32, #tpu.memory_space<hbm>>
      %dma_start3A_733 = tpu.memref_squeeze %dma_start3A_732 : memref<1x64xi32, #tpu.memory_space<hbm>> -> memref<64xi32, #tpu.memory_space<hbm>>
      tpu.enqueue_dma source(%dma_start3A_733 : memref<64xi32, #tpu.memory_space<hbm>>) target(%dma_start3A_731 : memref<64xi32, #tpu.memory_space<vmem>>) target_semaphore(%dma_start3A_728 : memref<!tpu.dma_semaphore, #tpu.memory_space<semaphore_mem>>)
    } else {
    }
    %gt3A_514 = arith.constant 4 : i32
    %gt3A_515 = arith.cmpi sgt, %sub3A, %gt3A_514 : i32
    %convert_element_type3A_516 = arith.extui %gt3A_515 : i1 to i32
    %cond3A_517 = arith.constant 0 : i32
    %cond3A_518 = arith.cmpi ne, %convert_element_type3A_516, %cond3A_517 : i32
    scf.if %cond3A_518 {
      %add3A_698 = arith.constant 4 : i32
      %add3A_699 = arith.addi %add3A, %add3A_698 : i32
      %mul3A_700 = arith.constant 64 : i32
      %mul3A_701 = arith.muli %add3A_699, %mul3A_700 : i32
      %dma_start3A_702 = arith.constant 0 : i32
      %dma_start3A_703 = arith.constant 4 : i32
      %dma_start3A_704 = arith.constant 0 : i32
      %dma_start3A_705 = arith.constant 4 : i32
      %dma_start3A_706 = arith.constant 0 : i32
      %dma_start3A_707 = tpu.memref_slice %arg8[%dma_start3A_703, %dma_start3A_704, %dma_start3A_706] : memref<8x2x64xi32, #tpu.memory_space<vmem>> -> memref<1x1x64xi32, #tpu.memory_space<vmem>>
      %dma_start3A_708 = tpu.memref_squeeze %dma_start3A_707 : memref<1x1x64xi32, #tpu.memory_space<vmem>> -> memref<64xi32, #tpu.memory_space<vmem>>
      %dma_start3A_709 = tpu.memref_slice %arg3[%dma_start3A_702, %mul3A_701] : memref<2x320000xi32, #tpu.memory_space<hbm>> -> memref<1x64xi32, #tpu.memory_space<hbm>>
      %dma_start3A_710 = tpu.memref_squeeze %dma_start3A_709 : memref<1x64xi32, #tpu.memory_space<hbm>> -> memref<64xi32, #tpu.memory_space<hbm>>
      %dma_start3A_711 = tpu.memref_slice %arg12[%dma_start3A_705] : memref<8x!tpu.dma_semaphore, #tpu.memory_space<semaphore_mem>> -> memref<1x!tpu.dma_semaphore, #tpu.memory_space<semaphore_mem>>
      %dma_start3A_712 = tpu.memref_squeeze %dma_start3A_711 : memref<1x!tpu.dma_semaphore, #tpu.memory_space<semaphore_mem>> -> memref<!tpu.dma_semaphore, #tpu.memory_space<semaphore_mem>>
      %dma_start3A_713 = arith.constant 0 : i32
      %dma_start3A_714 = tpu.memref_slice %arg8[%dma_start3A_703, %dma_start3A_704, %dma_start3A_713] : memref<8x2x64xi32, #tpu.memory_space<vmem>> -> memref<1x1x64xi32, #tpu.memory_space<vmem>>
      %dma_start3A_715 = tpu.memref_squeeze %dma_start3A_714 : memref<1x1x64xi32, #tpu.memory_space<vmem>> -> memref<64xi32, #tpu.memory_space<vmem>>
      %dma_start3A_716 = tpu.memref_slice %arg3[%dma_start3A_702, %mul3A_701] : memref<2x320000xi32, #tpu.memory_space<hbm>> -> memref<1x64xi32, #tpu.memory_space<hbm>>
      %dma_start3A_717 = tpu.memref_squeeze %dma_start3A_716 : memref<1x64xi32, #tpu.memory_space<hbm>> -> memref<64xi32, #tpu.memory_space<hbm>>
      tpu.enqueue_dma source(%dma_start3A_717 : memref<64xi32, #tpu.memory_space<hbm>>) target(%dma_start3A_715 : memref<64xi32, #tpu.memory_space<vmem>>) target_semaphore(%dma_start3A_712 : memref<!tpu.dma_semaphore, #tpu.memory_space<semaphore_mem>>)
      %dma_start3A_718 = arith.constant 1 : i32
      %dma_start3A_719 = arith.constant 4 : i32
      %dma_start3A_720 = arith.constant 1 : i32
      %dma_start3A_721 = arith.constant 4 : i32
      %dma_start3A_722 = arith.constant 0 : i32
      %dma_start3A_723 = tpu.memref_slice %arg8[%dma_start3A_719, %dma_start3A_720, %dma_start3A_722] : memref<8x2x64xi32, #tpu.memory_space<vmem>> -> memref<1x1x64xi32, #tpu.memory_space<vmem>>
      %dma_start3A_724 = tpu.memref_squeeze %dma_start3A_723 : memref<1x1x64xi32, #tpu.memory_space<vmem>> -> memref<64xi32, #tpu.memory_space<vmem>>
      %dma_start3A_725 = tpu.memref_slice %arg3[%dma_start3A_718, %mul3A_701] : memref<2x320000xi32, #tpu.memory_space<hbm>> -> memref<1x64xi32, #tpu.memory_space<hbm>>
      %dma_start3A_726 = tpu.memref_squeeze %dma_start3A_725 : memref<1x64xi32, #tpu.memory_space<hbm>> -> memref<64xi32, #tpu.memory_space<hbm>>
      %dma_start3A_727 = tpu.memref_slice %arg12[%dma_start3A_721] : memref<8x!tpu.dma_semaphore, #tpu.memory_space<semaphore_mem>> -> memref<1x!tpu.dma_semaphore, #tpu.memory_space<semaphore_mem>>
      %dma_start3A_728 = tpu.memref_squeeze %dma_start3A_727 : memref<1x!tpu.dma_semaphore, #tpu.memory_space<semaphore_mem>> -> memref<!tpu.dma_semaphore, #tpu.memory_space<semaphore_mem>>
      %dma_start3A_729 = arith.constant 0 : i32
      %dma_start3A_730 = tpu.memref_slice %arg8[%dma_start3A_719, %dma_start3A_720, %dma_start3A_729] : memref<8x2x64xi32, #tpu.memory_space<vmem>> -> memref<1x1x64xi32, #tpu.memory_space<vmem>>
      %dma_start3A_731 = tpu.memref_squeeze %dma_start3A_730 : memref<1x1x64xi32, #tpu.memory_space<vmem>> -> memref<64xi32, #tpu.memory_space<vmem>>
      %dma_start3A_732 = tpu.memref_slice %arg3[%dma_start3A_718, %mul3A_701] : memref<2x320000xi32, #tpu.memory_space<hbm>> -> memref<1x64xi32, #tpu.memory_space<hbm>>
      %dma_start3A_733 = tpu.memref_squeeze %dma_start3A_732 : memref<1x64xi32, #tpu.memory_space<hbm>> -> memref<64xi32, #tpu.memory_space<hbm>>
      tpu.enqueue_dma source(%dma_start3A_733 : memref<64xi32, #tpu.memory_space<hbm>>) target(%dma_start3A_731 : memref<64xi32, #tpu.memory_space<vmem>>) target_semaphore(%dma_start3A_728 : memref<!tpu.dma_semaphore, #tpu.memory_space<semaphore_mem>>)
    } else {
    }
    %gt3A_519 = arith.constant 5 : i32
    %gt3A_520 = arith.cmpi sgt, %sub3A, %gt3A_519 : i32
    %convert_element_type3A_521 = arith.extui %gt3A_520 : i1 to i32
    %cond3A_522 = arith.constant 0 : i32
    %cond3A_523 = arith.cmpi ne, %convert_element_type3A_521, %cond3A_522 : i32
    scf.if %cond3A_523 {
      %add3A_698 = arith.constant 5 : i32
      %add3A_699 = arith.addi %add3A, %add3A_698 : i32
      %mul3A_700 = arith.constant 64 : i32
      %mul3A_701 = arith.muli %add3A_699, %mul3A_700 : i32
      %dma_start3A_702 = arith.constant 0 : i32
      %dma_start3A_703 = arith.constant 5 : i32
      %dma_start3A_704 = arith.constant 0 : i32
      %dma_start3A_705 = arith.constant 5 : i32
      %dma_start3A_706 = arith.constant 0 : i32
      %dma_start3A_707 = tpu.memref_slice %arg8[%dma_start3A_703, %dma_start3A_704, %dma_start3A_706] : memref<8x2x64xi32, #tpu.memory_space<vmem>> -> memref<1x1x64xi32, #tpu.memory_space<vmem>>
      %dma_start3A_708 = tpu.memref_squeeze %dma_start3A_707 : memref<1x1x64xi32, #tpu.memory_space<vmem>> -> memref<64xi32, #tpu.memory_space<vmem>>
      %dma_start3A_709 = tpu.memref_slice %arg3[%dma_start3A_702, %mul3A_701] : memref<2x320000xi32, #tpu.memory_space<hbm>> -> memref<1x64xi32, #tpu.memory_space<hbm>>
      %dma_start3A_710 = tpu.memref_squeeze %dma_start3A_709 : memref<1x64xi32, #tpu.memory_space<hbm>> -> memref<64xi32, #tpu.memory_space<hbm>>
      %dma_start3A_711 = tpu.memref_slice %arg12[%dma_start3A_705] : memref<8x!tpu.dma_semaphore, #tpu.memory_space<semaphore_mem>> -> memref<1x!tpu.dma_semaphore, #tpu.memory_space<semaphore_mem>>
      %dma_start3A_712 = tpu.memref_squeeze %dma_start3A_711 : memref<1x!tpu.dma_semaphore, #tpu.memory_space<semaphore_mem>> -> memref<!tpu.dma_semaphore, #tpu.memory_space<semaphore_mem>>
      %dma_start3A_713 = arith.constant 0 : i32
      %dma_start3A_714 = tpu.memref_slice %arg8[%dma_start3A_703, %dma_start3A_704, %dma_start3A_713] : memref<8x2x64xi32, #tpu.memory_space<vmem>> -> memref<1x1x64xi32, #tpu.memory_space<vmem>>
      %dma_start3A_715 = tpu.memref_squeeze %dma_start3A_714 : memref<1x1x64xi32, #tpu.memory_space<vmem>> -> memref<64xi32, #tpu.memory_space<vmem>>
      %dma_start3A_716 = tpu.memref_slice %arg3[%dma_start3A_702, %mul3A_701] : memref<2x320000xi32, #tpu.memory_space<hbm>> -> memref<1x64xi32, #tpu.memory_space<hbm>>
      %dma_start3A_717 = tpu.memref_squeeze %dma_start3A_716 : memref<1x64xi32, #tpu.memory_space<hbm>> -> memref<64xi32, #tpu.memory_space<hbm>>
      tpu.enqueue_dma source(%dma_start3A_717 : memref<64xi32, #tpu.memory_space<hbm>>) target(%dma_start3A_715 : memref<64xi32, #tpu.memory_space<vmem>>) target_semaphore(%dma_start3A_712 : memref<!tpu.dma_semaphore, #tpu.memory_space<semaphore_mem>>)
      %dma_start3A_718 = arith.constant 1 : i32
      %dma_start3A_719 = arith.constant 5 : i32
      %dma_start3A_720 = arith.constant 1 : i32
      %dma_start3A_721 = arith.constant 5 : i32
      %dma_start3A_722 = arith.constant 0 : i32
      %dma_start3A_723 = tpu.memref_slice %arg8[%dma_start3A_719, %dma_start3A_720, %dma_start3A_722] : memref<8x2x64xi32, #tpu.memory_space<vmem>> -> memref<1x1x64xi32, #tpu.memory_space<vmem>>
      %dma_start3A_724 = tpu.memref_squeeze %dma_start3A_723 : memref<1x1x64xi32, #tpu.memory_space<vmem>> -> memref<64xi32, #tpu.memory_space<vmem>>
      %dma_start3A_725 = tpu.memref_slice %arg3[%dma_start3A_718, %mul3A_701] : memref<2x320000xi32, #tpu.memory_space<hbm>> -> memref<1x64xi32, #tpu.memory_space<hbm>>
      %dma_start3A_726 = tpu.memref_squeeze %dma_start3A_725 : memref<1x64xi32, #tpu.memory_space<hbm>> -> memref<64xi32, #tpu.memory_space<hbm>>
      %dma_start3A_727 = tpu.memref_slice %arg12[%dma_start3A_721] : memref<8x!tpu.dma_semaphore, #tpu.memory_space<semaphore_mem>> -> memref<1x!tpu.dma_semaphore, #tpu.memory_space<semaphore_mem>>
      %dma_start3A_728 = tpu.memref_squeeze %dma_start3A_727 : memref<1x!tpu.dma_semaphore, #tpu.memory_space<semaphore_mem>> -> memref<!tpu.dma_semaphore, #tpu.memory_space<semaphore_mem>>
      %dma_start3A_729 = arith.constant 0 : i32
      %dma_start3A_730 = tpu.memref_slice %arg8[%dma_start3A_719, %dma_start3A_720, %dma_start3A_729] : memref<8x2x64xi32, #tpu.memory_space<vmem>> -> memref<1x1x64xi32, #tpu.memory_space<vmem>>
      %dma_start3A_731 = tpu.memref_squeeze %dma_start3A_730 : memref<1x1x64xi32, #tpu.memory_space<vmem>> -> memref<64xi32, #tpu.memory_space<vmem>>
      %dma_start3A_732 = tpu.memref_slice %arg3[%dma_start3A_718, %mul3A_701] : memref<2x320000xi32, #tpu.memory_space<hbm>> -> memref<1x64xi32, #tpu.memory_space<hbm>>
      %dma_start3A_733 = tpu.memref_squeeze %dma_start3A_732 : memref<1x64xi32, #tpu.memory_space<hbm>> -> memref<64xi32, #tpu.memory_space<hbm>>
      tpu.enqueue_dma source(%dma_start3A_733 : memref<64xi32, #tpu.memory_space<hbm>>) target(%dma_start3A_731 : memref<64xi32, #tpu.memory_space<vmem>>) target_semaphore(%dma_start3A_728 : memref<!tpu.dma_semaphore, #tpu.memory_space<semaphore_mem>>)
    } else {
    }
    %gt3A_524 = arith.constant 0 : i32
    %gt3A_525 = arith.cmpi sgt, %sub3A, %gt3A_524 : i32
    %convert_element_type3A_526 = arith.extui %gt3A_525 : i1 to i32
    %cond3A_527 = arith.constant 0 : i32
    %cond3A_528 = arith.cmpi ne, %convert_element_type3A_526, %cond3A_527 : i32
    scf.if %cond3A_528 {
      %dma_wait3A_698 = arith.constant 0 : i32
      %dma_wait3A_699 = arith.constant 0 : i32
      %dma_wait3A_700 = arith.constant 0 : i32
      %dma_wait3A_701 = arith.constant 0 : i32
      %dma_wait3A_702 = arith.constant 0 : i32
      %dma_wait3A_703 = tpu.memref_slice %arg8[%dma_wait3A_699, %dma_wait3A_700, %dma_wait3A_702] : memref<8x2x64xi32, #tpu.memory_space<vmem>> -> memref<1x1x64xi32, #tpu.memory_space<vmem>>
      %dma_wait3A_704 = tpu.memref_squeeze %dma_wait3A_703 : memref<1x1x64xi32, #tpu.memory_space<vmem>> -> memref<64xi32, #tpu.memory_space<vmem>>
      %dma_wait3A_705 = arith.constant 0 : i32
      %dma_wait3A_706 = tpu.memref_slice %arg3[%dma_wait3A_698, %dma_wait3A_705] : memref<2x320000xi32, #tpu.memory_space<hbm>> -> memref<1x64xi32, #tpu.memory_space<hbm>>
      %dma_wait3A_707 = tpu.memref_squeeze %dma_wait3A_706 : memref<1x64xi32, #tpu.memory_space<hbm>> -> memref<64xi32, #tpu.memory_space<hbm>>
      %dma_wait3A_708 = tpu.memref_slice %arg12[%dma_wait3A_701] : memref<8x!tpu.dma_semaphore, #tpu.memory_space<semaphore_mem>> -> memref<1x!tpu.dma_semaphore, #tpu.memory_space<semaphore_mem>>
      %dma_wait3A_709 = tpu.memref_squeeze %dma_wait3A_708 : memref<1x!tpu.dma_semaphore, #tpu.memory_space<semaphore_mem>> -> memref<!tpu.dma_semaphore, #tpu.memory_space<semaphore_mem>>
      %dma_wait3A_710 = arith.constant 0 : i32
      %dma_wait3A_711 = tpu.memref_slice %arg8[%dma_wait3A_699, %dma_wait3A_700, %dma_wait3A_710] : memref<8x2x64xi32, #tpu.memory_space<vmem>> -> memref<1x1x64xi32, #tpu.memory_space<vmem>>
      %dma_wait3A_712 = tpu.memref_squeeze %dma_wait3A_711 : memref<1x1x64xi32, #tpu.memory_space<vmem>> -> memref<64xi32, #tpu.memory_space<vmem>>
      %dma_wait3A_713 = arith.constant 0 : i32
      %dma_wait3A_714 = tpu.memref_slice %arg3[%dma_wait3A_698, %dma_wait3A_713] : memref<2x320000xi32, #tpu.memory_space<hbm>> -> memref<1x64xi32, #tpu.memory_space<hbm>>
      %dma_wait3A_715 = tpu.memref_squeeze %dma_wait3A_714 : memref<1x64xi32, #tpu.memory_space<hbm>> -> memref<64xi32, #tpu.memory_space<hbm>>
      tpu.wait_dma2 semaphore(%dma_wait3A_709 : memref<!tpu.dma_semaphore, #tpu.memory_space<semaphore_mem>>) src(%dma_wait3A_715 : memref<64xi32, #tpu.memory_space<hbm>>) dst(%dma_wait3A_712 : memref<64xi32, #tpu.memory_space<vmem>>)
      %dma_wait3A_716 = arith.constant 1 : i32
      %dma_wait3A_717 = arith.constant 0 : i32
      %dma_wait3A_718 = arith.constant 1 : i32
      %dma_wait3A_719 = arith.constant 0 : i32
      %dma_wait3A_720 = arith.constant 0 : i32
      %dma_wait3A_721 = tpu.memref_slice %arg8[%dma_wait3A_717, %dma_wait3A_718, %dma_wait3A_720] : memref<8x2x64xi32, #tpu.memory_space<vmem>> -> memref<1x1x64xi32, #tpu.memory_space<vmem>>
      %dma_wait3A_722 = tpu.memref_squeeze %dma_wait3A_721 : memref<1x1x64xi32, #tpu.memory_space<vmem>> -> memref<64xi32, #tpu.memory_space<vmem>>
      %dma_wait3A_723 = arith.constant 0 : i32
      %dma_wait3A_724 = tpu.memref_slice %arg3[%dma_wait3A_716, %dma_wait3A_723] : memref<2x320000xi32, #tpu.memory_space<hbm>> -> memref<1x64xi32, #tpu.memory_space<hbm>>
      %dma_wait3A_725 = tpu.memref_squeeze %dma_wait3A_724 : memref<1x64xi32, #tpu.memory_space<hbm>> -> memref<64xi32, #tpu.memory_space<hbm>>
      %dma_wait3A_726 = tpu.memref_slice %arg12[%dma_wait3A_719] : memref<8x!tpu.dma_semaphore, #tpu.memory_space<semaphore_mem>> -> memref<1x!tpu.dma_semaphore, #tpu.memory_space<semaphore_mem>>
      %dma_wait3A_727 = tpu.memref_squeeze %dma_wait3A_726 : memref<1x!tpu.dma_semaphore, #tpu.memory_space<semaphore_mem>> -> memref<!tpu.dma_semaphore, #tpu.memory_space<semaphore_mem>>
      %dma_wait3A_728 = arith.constant 0 : i32
      %dma_wait3A_729 = tpu.memref_slice %arg8[%dma_wait3A_717, %dma_wait3A_718, %dma_wait3A_728] : memref<8x2x64xi32, #tpu.memory_space<vmem>> -> memref<1x1x64xi32, #tpu.memory_space<vmem>>
      %dma_wait3A_730 = tpu.memref_squeeze %dma_wait3A_729 : memref<1x1x64xi32, #tpu.memory_space<vmem>> -> memref<64xi32, #tpu.memory_space<vmem>>
      %dma_wait3A_731 = arith.constant 0 : i32
      %dma_wait3A_732 = tpu.memref_slice %arg3[%dma_wait3A_716, %dma_wait3A_731] : memref<2x320000xi32, #tpu.memory_space<hbm>> -> memref<1x64xi32, #tpu.memory_space<hbm>>
      %dma_wait3A_733 = tpu.memref_squeeze %dma_wait3A_732 : memref<1x64xi32, #tpu.memory_space<hbm>> -> memref<64xi32, #tpu.memory_space<hbm>>
      tpu.wait_dma2 semaphore(%dma_wait3A_727 : memref<!tpu.dma_semaphore, #tpu.memory_space<semaphore_mem>>) src(%dma_wait3A_733 : memref<64xi32, #tpu.memory_space<hbm>>) dst(%dma_wait3A_730 : memref<64xi32, #tpu.memory_space<vmem>>)
      %dma_start3A_734 = arith.constant 0 : i32
      %dma_start3A_735 = arith.constant 0 : i32
      %dma_start3A_736 = arith.constant 0 : i32
      %dma_start3A_737 = arith.constant 0 : i32
      %dma_start3A_738 = arith.constant 0 : i32
      %dma_start3A_739 = arith.constant 0 : i32
      %dma_start3A_740 = tpu.memref_slice %arg9[%dma_start3A_736, %dma_start3A_738, %dma_start3A_739] : memref<5x64x128xf32, #tpu.memory_space<vmem>> -> memref<1x64x128xf32, #tpu.memory_space<vmem>>
      %dma_start3A_741 = tpu.memref_squeeze %dma_start3A_740 : memref<1x64x128xf32, #tpu.memory_space<vmem>> -> memref<64x128xf32, #tpu.memory_space<vmem>>
      %dma_start3A_742 = arith.constant 0 : i32
      %dma_start3A_743 = tpu.memref_slice %arg8[%dma_start3A_734, %dma_start3A_735, %dma_start3A_742] : memref<8x2x64xi32, #tpu.memory_space<vmem>> -> memref<1x1x64xi32, #tpu.memory_space<vmem>>
      %dma_start3A_744 = tpu.memref_squeeze %dma_start3A_743 : memref<1x1x64xi32, #tpu.memory_space<vmem>> -> memref<64xi32, #tpu.memory_space<vmem>>
      %dma_start3A_745 = arith.constant 0 : i32
      %dma_start3A_746 = arith.constant 0 : i32
      %dma_start3A_747 = tpu.memref_slice %arg2[%dma_start3A_745, %dma_start3A_746] : memref<10000x128xf32, #tpu.memory_space<hbm>> -> memref<10000x128xf32, #tpu.memory_space<hbm>>
      %dma_start3A_748 = tpu.memref_slice %arg13[%dma_start3A_737] : memref<5x!tpu.dma_semaphore, #tpu.memory_space<semaphore_mem>> -> memref<1x!tpu.dma_semaphore, #tpu.memory_space<semaphore_mem>>
      %dma_start3A_749 = tpu.memref_squeeze %dma_start3A_748 : memref<1x!tpu.dma_semaphore, #tpu.memory_space<semaphore_mem>> -> memref<!tpu.dma_semaphore, #tpu.memory_space<semaphore_mem>>
      tpu.enqueue_indirect_dma source(%dma_start3A_747 : memref<10000x128xf32, #tpu.memory_space<hbm>>) target(%dma_start3A_741 : memref<64x128xf32, #tpu.memory_space<vmem>>) offsets(%dma_start3A_744 : memref<64xi32, #tpu.memory_space<vmem>>) semaphore(%dma_start3A_749 : memref<!tpu.dma_semaphore, #tpu.memory_space<semaphore_mem>>)
    } else {
    }
    %gt3A_529 = arith.constant 1 : i32
    %gt3A_530 = arith.cmpi sgt, %sub3A, %gt3A_529 : i32
    %convert_element_type3A_531 = arith.extui %gt3A_530 : i1 to i32
    %cond3A_532 = arith.constant 0 : i32
    %cond3A_533 = arith.cmpi ne, %convert_element_type3A_531, %cond3A_532 : i32
    scf.if %cond3A_533 {
      %dma_wait3A_698 = arith.constant 0 : i32
      %dma_wait3A_699 = arith.constant 1 : i32
      %dma_wait3A_700 = arith.constant 0 : i32
      %dma_wait3A_701 = arith.constant 1 : i32
      %dma_wait3A_702 = arith.constant 0 : i32
      %dma_wait3A_703 = tpu.memref_slice %arg8[%dma_wait3A_699, %dma_wait3A_700, %dma_wait3A_702] : memref<8x2x64xi32, #tpu.memory_space<vmem>> -> memref<1x1x64xi32, #tpu.memory_space<vmem>>
      %dma_wait3A_704 = tpu.memref_squeeze %dma_wait3A_703 : memref<1x1x64xi32, #tpu.memory_space<vmem>> -> memref<64xi32, #tpu.memory_space<vmem>>
      %dma_wait3A_705 = arith.constant 0 : i32
      %dma_wait3A_706 = tpu.memref_slice %arg3[%dma_wait3A_698, %dma_wait3A_705] : memref<2x320000xi32, #tpu.memory_space<hbm>> -> memref<1x64xi32, #tpu.memory_space<hbm>>
      %dma_wait3A_707 = tpu.memref_squeeze %dma_wait3A_706 : memref<1x64xi32, #tpu.memory_space<hbm>> -> memref<64xi32, #tpu.memory_space<hbm>>
      %dma_wait3A_708 = tpu.memref_slice %arg12[%dma_wait3A_701] : memref<8x!tpu.dma_semaphore, #tpu.memory_space<semaphore_mem>> -> memref<1x!tpu.dma_semaphore, #tpu.memory_space<semaphore_mem>>
      %dma_wait3A_709 = tpu.memref_squeeze %dma_wait3A_708 : memref<1x!tpu.dma_semaphore, #tpu.memory_space<semaphore_mem>> -> memref<!tpu.dma_semaphore, #tpu.memory_space<semaphore_mem>>
      %dma_wait3A_710 = arith.constant 0 : i32
      %dma_wait3A_711 = tpu.memref_slice %arg8[%dma_wait3A_699, %dma_wait3A_700, %dma_wait3A_710] : memref<8x2x64xi32, #tpu.memory_space<vmem>> -> memref<1x1x64xi32, #tpu.memory_space<vmem>>
      %dma_wait3A_712 = tpu.memref_squeeze %dma_wait3A_711 : memref<1x1x64xi32, #tpu.memory_space<vmem>> -> memref<64xi32, #tpu.memory_space<vmem>>
      %dma_wait3A_713 = arith.constant 0 : i32
      %dma_wait3A_714 = tpu.memref_slice %arg3[%dma_wait3A_698, %dma_wait3A_713] : memref<2x320000xi32, #tpu.memory_space<hbm>> -> memref<1x64xi32, #tpu.memory_space<hbm>>
      %dma_wait3A_715 = tpu.memref_squeeze %dma_wait3A_714 : memref<1x64xi32, #tpu.memory_space<hbm>> -> memref<64xi32, #tpu.memory_space<hbm>>
      tpu.wait_dma2 semaphore(%dma_wait3A_709 : memref<!tpu.dma_semaphore, #tpu.memory_space<semaphore_mem>>) src(%dma_wait3A_715 : memref<64xi32, #tpu.memory_space<hbm>>) dst(%dma_wait3A_712 : memref<64xi32, #tpu.memory_space<vmem>>)
      %dma_wait3A_716 = arith.constant 1 : i32
      %dma_wait3A_717 = arith.constant 1 : i32
      %dma_wait3A_718 = arith.constant 1 : i32
      %dma_wait3A_719 = arith.constant 1 : i32
      %dma_wait3A_720 = arith.constant 0 : i32
      %dma_wait3A_721 = tpu.memref_slice %arg8[%dma_wait3A_717, %dma_wait3A_718, %dma_wait3A_720] : memref<8x2x64xi32, #tpu.memory_space<vmem>> -> memref<1x1x64xi32, #tpu.memory_space<vmem>>
      %dma_wait3A_722 = tpu.memref_squeeze %dma_wait3A_721 : memref<1x1x64xi32, #tpu.memory_space<vmem>> -> memref<64xi32, #tpu.memory_space<vmem>>
      %dma_wait3A_723 = arith.constant 0 : i32
      %dma_wait3A_724 = tpu.memref_slice %arg3[%dma_wait3A_716, %dma_wait3A_723] : memref<2x320000xi32, #tpu.memory_space<hbm>> -> memref<1x64xi32, #tpu.memory_space<hbm>>
      %dma_wait3A_725 = tpu.memref_squeeze %dma_wait3A_724 : memref<1x64xi32, #tpu.memory_space<hbm>> -> memref<64xi32, #tpu.memory_space<hbm>>
      %dma_wait3A_726 = tpu.memref_slice %arg12[%dma_wait3A_719] : memref<8x!tpu.dma_semaphore, #tpu.memory_space<semaphore_mem>> -> memref<1x!tpu.dma_semaphore, #tpu.memory_space<semaphore_mem>>
      %dma_wait3A_727 = tpu.memref_squeeze %dma_wait3A_726 : memref<1x!tpu.dma_semaphore, #tpu.memory_space<semaphore_mem>> -> memref<!tpu.dma_semaphore, #tpu.memory_space<semaphore_mem>>
      %dma_wait3A_728 = arith.constant 0 : i32
      %dma_wait3A_729 = tpu.memref_slice %arg8[%dma_wait3A_717, %dma_wait3A_718, %dma_wait3A_728] : memref<8x2x64xi32, #tpu.memory_space<vmem>> -> memref<1x1x64xi32, #tpu.memory_space<vmem>>
      %dma_wait3A_730 = tpu.memref_squeeze %dma_wait3A_729 : memref<1x1x64xi32, #tpu.memory_space<vmem>> -> memref<64xi32, #tpu.memory_space<vmem>>
      %dma_wait3A_731 = arith.constant 0 : i32
      %dma_wait3A_732 = tpu.memref_slice %arg3[%dma_wait3A_716, %dma_wait3A_731] : memref<2x320000xi32, #tpu.memory_space<hbm>> -> memref<1x64xi32, #tpu.memory_space<hbm>>
      %dma_wait3A_733 = tpu.memref_squeeze %dma_wait3A_732 : memref<1x64xi32, #tpu.memory_space<hbm>> -> memref<64xi32, #tpu.memory_space<hbm>>
      tpu.wait_dma2 semaphore(%dma_wait3A_727 : memref<!tpu.dma_semaphore, #tpu.memory_space<semaphore_mem>>) src(%dma_wait3A_733 : memref<64xi32, #tpu.memory_space<hbm>>) dst(%dma_wait3A_730 : memref<64xi32, #tpu.memory_space<vmem>>)
      %dma_start3A_734 = arith.constant 1 : i32
      %dma_start3A_735 = arith.constant 0 : i32
      %dma_start3A_736 = arith.constant 1 : i32
      %dma_start3A_737 = arith.constant 1 : i32
      %dma_start3A_738 = arith.constant 0 : i32
      %dma_start3A_739 = arith.constant 0 : i32
      %dma_start3A_740 = tpu.memref_slice %arg9[%dma_start3A_736, %dma_start3A_738, %dma_start3A_739] : memref<5x64x128xf32, #tpu.memory_space<vmem>> -> memref<1x64x128xf32, #tpu.memory_space<vmem>>
      %dma_start3A_741 = tpu.memref_squeeze %dma_start3A_740 : memref<1x64x128xf32, #tpu.memory_space<vmem>> -> memref<64x128xf32, #tpu.memory_space<vmem>>
      %dma_start3A_742 = arith.constant 0 : i32
      %dma_start3A_743 = tpu.memref_slice %arg8[%dma_start3A_734, %dma_start3A_735, %dma_start3A_742] : memref<8x2x64xi32, #tpu.memory_space<vmem>> -> memref<1x1x64xi32, #tpu.memory_space<vmem>>
      %dma_start3A_744 = tpu.memref_squeeze %dma_start3A_743 : memref<1x1x64xi32, #tpu.memory_space<vmem>> -> memref<64xi32, #tpu.memory_space<vmem>>
      %dma_start3A_745 = arith.constant 0 : i32
      %dma_start3A_746 = arith.constant 0 : i32
      %dma_start3A_747 = tpu.memref_slice %arg2[%dma_start3A_745, %dma_start3A_746] : memref<10000x128xf32, #tpu.memory_space<hbm>> -> memref<10000x128xf32, #tpu.memory_space<hbm>>
      %dma_start3A_748 = tpu.memref_slice %arg13[%dma_start3A_737] : memref<5x!tpu.dma_semaphore, #tpu.memory_space<semaphore_mem>> -> memref<1x!tpu.dma_semaphore, #tpu.memory_space<semaphore_mem>>
      %dma_start3A_749 = tpu.memref_squeeze %dma_start3A_748 : memref<1x!tpu.dma_semaphore, #tpu.memory_space<semaphore_mem>> -> memref<!tpu.dma_semaphore, #tpu.memory_space<semaphore_mem>>
      tpu.enqueue_indirect_dma source(%dma_start3A_747 : memref<10000x128xf32, #tpu.memory_space<hbm>>) target(%dma_start3A_741 : memref<64x128xf32, #tpu.memory_space<vmem>>) offsets(%dma_start3A_744 : memref<64xi32, #tpu.memory_space<vmem>>) semaphore(%dma_start3A_749 : memref<!tpu.dma_semaphore, #tpu.memory_space<semaphore_mem>>)
    } else {
    }
    %gt3A_534 = arith.constant 2 : i32
    %gt3A_535 = arith.cmpi sgt, %sub3A, %gt3A_534 : i32
    %convert_element_type3A_536 = arith.extui %gt3A_535 : i1 to i32
    %cond3A_537 = arith.constant 0 : i32
    %cond3A_538 = arith.cmpi ne, %convert_element_type3A_536, %cond3A_537 : i32
    scf.if %cond3A_538 {
      %dma_wait3A_698 = arith.constant 0 : i32
      %dma_wait3A_699 = arith.constant 2 : i32
      %dma_wait3A_700 = arith.constant 0 : i32
      %dma_wait3A_701 = arith.constant 2 : i32
      %dma_wait3A_702 = arith.constant 0 : i32
      %dma_wait3A_703 = tpu.memref_slice %arg8[%dma_wait3A_699, %dma_wait3A_700, %dma_wait3A_702] : memref<8x2x64xi32, #tpu.memory_space<vmem>> -> memref<1x1x64xi32, #tpu.memory_space<vmem>>
      %dma_wait3A_704 = tpu.memref_squeeze %dma_wait3A_703 : memref<1x1x64xi32, #tpu.memory_space<vmem>> -> memref<64xi32, #tpu.memory_space<vmem>>
      %dma_wait3A_705 = arith.constant 0 : i32
      %dma_wait3A_706 = tpu.memref_slice %arg3[%dma_wait3A_698, %dma_wait3A_705] : memref<2x320000xi32, #tpu.memory_space<hbm>> -> memref<1x64xi32, #tpu.memory_space<hbm>>
      %dma_wait3A_707 = tpu.memref_squeeze %dma_wait3A_706 : memref<1x64xi32, #tpu.memory_space<hbm>> -> memref<64xi32, #tpu.memory_space<hbm>>
      %dma_wait3A_708 = tpu.memref_slice %arg12[%dma_wait3A_701] : memref<8x!tpu.dma_semaphore, #tpu.memory_space<semaphore_mem>> -> memref<1x!tpu.dma_semaphore, #tpu.memory_space<semaphore_mem>>
      %dma_wait3A_709 = tpu.memref_squeeze %dma_wait3A_708 : memref<1x!tpu.dma_semaphore, #tpu.memory_space<semaphore_mem>> -> memref<!tpu.dma_semaphore, #tpu.memory_space<semaphore_mem>>
      %dma_wait3A_710 = arith.constant 0 : i32
      %dma_wait3A_711 = tpu.memref_slice %arg8[%dma_wait3A_699, %dma_wait3A_700, %dma_wait3A_710] : memref<8x2x64xi32, #tpu.memory_space<vmem>> -> memref<1x1x64xi32, #tpu.memory_space<vmem>>
      %dma_wait3A_712 = tpu.memref_squeeze %dma_wait3A_711 : memref<1x1x64xi32, #tpu.memory_space<vmem>> -> memref<64xi32, #tpu.memory_space<vmem>>
      %dma_wait3A_713 = arith.constant 0 : i32
      %dma_wait3A_714 = tpu.memref_slice %arg3[%dma_wait3A_698, %dma_wait3A_713] : memref<2x320000xi32, #tpu.memory_space<hbm>> -> memref<1x64xi32, #tpu.memory_space<hbm>>
      %dma_wait3A_715 = tpu.memref_squeeze %dma_wait3A_714 : memref<1x64xi32, #tpu.memory_space<hbm>> -> memref<64xi32, #tpu.memory_space<hbm>>
      tpu.wait_dma2 semaphore(%dma_wait3A_709 : memref<!tpu.dma_semaphore, #tpu.memory_space<semaphore_mem>>) src(%dma_wait3A_715 : memref<64xi32, #tpu.memory_space<hbm>>) dst(%dma_wait3A_712 : memref<64xi32, #tpu.memory_space<vmem>>)
      %dma_wait3A_716 = arith.constant 1 : i32
      %dma_wait3A_717 = arith.constant 2 : i32
      %dma_wait3A_718 = arith.constant 1 : i32
      %dma_wait3A_719 = arith.constant 2 : i32
      %dma_wait3A_720 = arith.constant 0 : i32
      %dma_wait3A_721 = tpu.memref_slice %arg8[%dma_wait3A_717, %dma_wait3A_718, %dma_wait3A_720] : memref<8x2x64xi32, #tpu.memory_space<vmem>> -> memref<1x1x64xi32, #tpu.memory_space<vmem>>
      %dma_wait3A_722 = tpu.memref_squeeze %dma_wait3A_721 : memref<1x1x64xi32, #tpu.memory_space<vmem>> -> memref<64xi32, #tpu.memory_space<vmem>>
      %dma_wait3A_723 = arith.constant 0 : i32
      %dma_wait3A_724 = tpu.memref_slice %arg3[%dma_wait3A_716, %dma_wait3A_723] : memref<2x320000xi32, #tpu.memory_space<hbm>> -> memref<1x64xi32, #tpu.memory_space<hbm>>
      %dma_wait3A_725 = tpu.memref_squeeze %dma_wait3A_724 : memref<1x64xi32, #tpu.memory_space<hbm>> -> memref<64xi32, #tpu.memory_space<hbm>>
      %dma_wait3A_726 = tpu.memref_slice %arg12[%dma_wait3A_719] : memref<8x!tpu.dma_semaphore, #tpu.memory_space<semaphore_mem>> -> memref<1x!tpu.dma_semaphore, #tpu.memory_space<semaphore_mem>>
      %dma_wait3A_727 = tpu.memref_squeeze %dma_wait3A_726 : memref<1x!tpu.dma_semaphore, #tpu.memory_space<semaphore_mem>> -> memref<!tpu.dma_semaphore, #tpu.memory_space<semaphore_mem>>
      %dma_wait3A_728 = arith.constant 0 : i32
      %dma_wait3A_729 = tpu.memref_slice %arg8[%dma_wait3A_717, %dma_wait3A_718, %dma_wait3A_728] : memref<8x2x64xi32, #tpu.memory_space<vmem>> -> memref<1x1x64xi32, #tpu.memory_space<vmem>>
      %dma_wait3A_730 = tpu.memref_squeeze %dma_wait3A_729 : memref<1x1x64xi32, #tpu.memory_space<vmem>> -> memref<64xi32, #tpu.memory_space<vmem>>
      %dma_wait3A_731 = arith.constant 0 : i32
      %dma_wait3A_732 = tpu.memref_slice %arg3[%dma_wait3A_716, %dma_wait3A_731] : memref<2x320000xi32, #tpu.memory_space<hbm>> -> memref<1x64xi32, #tpu.memory_space<hbm>>
      %dma_wait3A_733 = tpu.memref_squeeze %dma_wait3A_732 : memref<1x64xi32, #tpu.memory_space<hbm>> -> memref<64xi32, #tpu.memory_space<hbm>>
      tpu.wait_dma2 semaphore(%dma_wait3A_727 : memref<!tpu.dma_semaphore, #tpu.memory_space<semaphore_mem>>) src(%dma_wait3A_733 : memref<64xi32, #tpu.memory_space<hbm>>) dst(%dma_wait3A_730 : memref<64xi32, #tpu.memory_space<vmem>>)
      %dma_start3A_734 = arith.constant 2 : i32
      %dma_start3A_735 = arith.constant 0 : i32
      %dma_start3A_736 = arith.constant 2 : i32
      %dma_start3A_737 = arith.constant 2 : i32
      %dma_start3A_738 = arith.constant 0 : i32
      %dma_start3A_739 = arith.constant 0 : i32
      %dma_start3A_740 = tpu.memref_slice %arg9[%dma_start3A_736, %dma_start3A_738, %dma_start3A_739] : memref<5x64x128xf32, #tpu.memory_space<vmem>> -> memref<1x64x128xf32, #tpu.memory_space<vmem>>
      %dma_start3A_741 = tpu.memref_squeeze %dma_start3A_740 : memref<1x64x128xf32, #tpu.memory_space<vmem>> -> memref<64x128xf32, #tpu.memory_space<vmem>>
      %dma_start3A_742 = arith.constant 0 : i32
      %dma_start3A_743 = tpu.memref_slice %arg8[%dma_start3A_734, %dma_start3A_735, %dma_start3A_742] : memref<8x2x64xi32, #tpu.memory_space<vmem>> -> memref<1x1x64xi32, #tpu.memory_space<vmem>>
      %dma_start3A_744 = tpu.memref_squeeze %dma_start3A_743 : memref<1x1x64xi32, #tpu.memory_space<vmem>> -> memref<64xi32, #tpu.memory_space<vmem>>
      %dma_start3A_745 = arith.constant 0 : i32
      %dma_start3A_746 = arith.constant 0 : i32
      %dma_start3A_747 = tpu.memref_slice %arg2[%dma_start3A_745, %dma_start3A_746] : memref<10000x128xf32, #tpu.memory_space<hbm>> -> memref<10000x128xf32, #tpu.memory_space<hbm>>
      %dma_start3A_748 = tpu.memref_slice %arg13[%dma_start3A_737] : memref<5x!tpu.dma_semaphore, #tpu.memory_space<semaphore_mem>> -> memref<1x!tpu.dma_semaphore, #tpu.memory_space<semaphore_mem>>
      %dma_start3A_749 = tpu.memref_squeeze %dma_start3A_748 : memref<1x!tpu.dma_semaphore, #tpu.memory_space<semaphore_mem>> -> memref<!tpu.dma_semaphore, #tpu.memory_space<semaphore_mem>>
      tpu.enqueue_indirect_dma source(%dma_start3A_747 : memref<10000x128xf32, #tpu.memory_space<hbm>>) target(%dma_start3A_741 : memref<64x128xf32, #tpu.memory_space<vmem>>) offsets(%dma_start3A_744 : memref<64xi32, #tpu.memory_space<vmem>>) semaphore(%dma_start3A_749 : memref<!tpu.dma_semaphore, #tpu.memory_space<semaphore_mem>>)
    } else {
    }
    %while3A = arith.constant 0 : i32
    %while3A_539 = arith.constant 0 : i32
    %while3A_540 = arith.subi %sub3A, %while3A_539 : i32
    %while3A_541 = arith.addi %while3A_539, %while3A_540 : i32
    %while3A_542 = arith.constant 1 : i32
    %while3A_543 = arith.divsi %while3A_540, %while3A_542 : i32
    %while3A_544 = arith.muli %while3A_543, %while3A_542 : i32
    %while3A_545 = arith.addi %while3A_539, %while3A_544 : i32
    %while3A_546 = arith.constant 1 : i32
    scf.for %while3A_698 = %while3A_539 to %while3A_545 step %while3A_546  : i32 {
      %rem3A = arith.constant 5 : i32
      %rem3A_699 = arith.remsi %while3A_698, %rem3A : i32
      %rem3A_700 = arith.constant 8 : i32
      %rem3A_701 = arith.remsi %while3A_698, %rem3A_700 : i32
      %dma_wait3A_702 = arith.constant 0 : i32
      %dma_wait3A_703 = arith.constant 0 : i32
      %dma_wait3A_704 = tpu.memref_slice %arg9[%rem3A_699, %dma_wait3A_702, %dma_wait3A_703] : memref<5x64x128xf32, #tpu.memory_space<vmem>> -> memref<1x64x128xf32, #tpu.memory_space<vmem>>
      %dma_wait3A_705 = tpu.memref_squeeze %dma_wait3A_704 : memref<1x64x128xf32, #tpu.memory_space<vmem>> -> memref<64x128xf32, #tpu.memory_space<vmem>>
      %dma_wait3A_706 = arith.constant 0 : i32
      %dma_wait3A_707 = arith.constant 0 : i32
      %dma_wait3A_708 = tpu.memref_slice %arg2[%dma_wait3A_706, %dma_wait3A_707] : memref<10000x128xf32, #tpu.memory_space<hbm>> -> memref<64x128xf32, #tpu.memory_space<hbm>>
      %dma_wait3A_709 = tpu.memref_slice %arg13[%rem3A_699] : memref<5x!tpu.dma_semaphore, #tpu.memory_space<semaphore_mem>> -> memref<1x!tpu.dma_semaphore, #tpu.memory_space<semaphore_mem>>
      %dma_wait3A_710 = tpu.memref_squeeze %dma_wait3A_709 : memref<1x!tpu.dma_semaphore, #tpu.memory_space<semaphore_mem>> -> memref<!tpu.dma_semaphore, #tpu.memory_space<semaphore_mem>>
      %dma_wait3A_711 = arith.constant 0 : i32
      %dma_wait3A_712 = arith.constant 0 : i32
      %dma_wait3A_713 = tpu.memref_slice %arg9[%rem3A_699, %dma_wait3A_711, %dma_wait3A_712] : memref<5x64x128xf32, #tpu.memory_space<vmem>> -> memref<1x64x128xf32, #tpu.memory_space<vmem>>
      %dma_wait3A_714 = tpu.memref_squeeze %dma_wait3A_713 : memref<1x64x128xf32, #tpu.memory_space<vmem>> -> memref<64x128xf32, #tpu.memory_space<vmem>>
      %dma_wait3A_715 = arith.constant 0 : i32
      %dma_wait3A_716 = arith.constant 0 : i32
      %dma_wait3A_717 = tpu.memref_slice %arg2[%dma_wait3A_715, %dma_wait3A_716] : memref<10000x128xf32, #tpu.memory_space<hbm>> -> memref<64x128xf32, #tpu.memory_space<hbm>>
      tpu.wait_dma2 semaphore(%dma_wait3A_710 : memref<!tpu.dma_semaphore, #tpu.memory_space<semaphore_mem>>) src(%dma_wait3A_717 : memref<64x128xf32, #tpu.memory_space<hbm>>) dst(%dma_wait3A_714 : memref<64x128xf32, #tpu.memory_space<vmem>>)
      %dma_start3A_718 = arith.constant 1 : i32
      %dma_start3A_719 = arith.constant 0 : i32
      %dma_start3A_720 = arith.constant 0 : i32
      %dma_start3A_721 = tpu.memref_slice %arg9[%rem3A_699, %dma_start3A_719, %dma_start3A_720] : memref<5x64x128xf32, #tpu.memory_space<vmem>> -> memref<1x64x128xf32, #tpu.memory_space<vmem>>
      %dma_start3A_722 = tpu.memref_squeeze %dma_start3A_721 : memref<1x64x128xf32, #tpu.memory_space<vmem>> -> memref<64x128xf32, #tpu.memory_space<vmem>>
      %dma_start3A_723 = arith.constant 0 : i32
      %dma_start3A_724 = tpu.memref_slice %arg8[%rem3A_701, %dma_start3A_718, %dma_start3A_723] : memref<8x2x64xi32, #tpu.memory_space<vmem>> -> memref<1x1x64xi32, #tpu.memory_space<vmem>>
      %dma_start3A_725 = tpu.memref_squeeze %dma_start3A_724 : memref<1x1x64xi32, #tpu.memory_space<vmem>> -> memref<64xi32, #tpu.memory_space<vmem>>
      %dma_start3A_726 = arith.constant 0 : i32
      %dma_start3A_727 = arith.constant 0 : i32
      %dma_start3A_728 = tpu.memref_slice %arg6[%dma_start3A_726, %dma_start3A_727] : memref<10240x128xf32, #tpu.memory_space<vmem_shared>> -> memref<10240x128xf32, #tpu.memory_space<vmem_shared>>
      %dma_start3A_729 = tpu.memref_slice %arg14[%rem3A_699] : memref<5x!tpu.dma_semaphore, #tpu.memory_space<semaphore_mem>> -> memref<1x!tpu.dma_semaphore, #tpu.memory_space<semaphore_mem>>
      %dma_start3A_730 = tpu.memref_squeeze %dma_start3A_729 : memref<1x!tpu.dma_semaphore, #tpu.memory_space<semaphore_mem>> -> memref<!tpu.dma_semaphore, #tpu.memory_space<semaphore_mem>>
      tpu.enqueue_indirect_dma source(%dma_start3A_722 : memref<64x128xf32, #tpu.memory_space<vmem>>) target(%dma_start3A_728 : memref<10240x128xf32, #tpu.memory_space<vmem_shared>>) offsets(%dma_start3A_725 : memref<64xi32, #tpu.memory_space<vmem>>) semaphore(%dma_start3A_730 : memref<!tpu.dma_semaphore, #tpu.memory_space<semaphore_mem>>) {add = true}
      %dma_start3A_731 = arith.constant 1 : i32
      %dma_start3A_732 = arith.constant 0 : i32
      %dma_start3A_733 = tpu.memref_slice %arg8[%rem3A_701, %dma_start3A_731, %dma_start3A_732] : memref<8x2x64xi32, #tpu.memory_space<vmem>> -> memref<1x1x64xi32, #tpu.memory_space<vmem>>
      %dma_start3A_734 = tpu.memref_squeeze %dma_start3A_733 : memref<1x1x64xi32, #tpu.memory_space<vmem>> -> memref<64xi32, #tpu.memory_space<vmem>>
      %dma_start3A_735 = arith.constant 0 : i32
      %dma_start3A_736 = tpu.memref_slice %arg7[%dma_start3A_735] : memref<10240xf32, #tpu.memory_space<vmem_shared>> -> memref<10240xf32, #tpu.memory_space<vmem_shared>>
      %dma_start3A_737 = tpu.memref_slice %arg16[%rem3A_699] : memref<5x!tpu.dma_semaphore, #tpu.memory_space<semaphore_mem>> -> memref<1x!tpu.dma_semaphore, #tpu.memory_space<semaphore_mem>>
      %dma_start3A_738 = tpu.memref_squeeze %dma_start3A_737 : memref<1x!tpu.dma_semaphore, #tpu.memory_space<semaphore_mem>> -> memref<!tpu.dma_semaphore, #tpu.memory_space<semaphore_mem>>
      tpu.enqueue_indirect_dma source(%arg10 : memref<64xf32, #tpu.memory_space<vmem>>) target(%dma_start3A_736 : memref<10240xf32, #tpu.memory_space<vmem_shared>>) offsets(%dma_start3A_734 : memref<64xi32, #tpu.memory_space<vmem>>) semaphore(%dma_start3A_738 : memref<!tpu.dma_semaphore, #tpu.memory_space<semaphore_mem>>) {add = true}
      %ge3A_739 = arith.constant 2 : i32
      %ge3A_740 = arith.cmpi sge, %while3A_698, %ge3A_739 : i32
      %convert_element_type3A_741 = arith.extui %ge3A_740 : i1 to i32
      %cond3A_742 = arith.constant 0 : i32
      %cond3A_743 = arith.cmpi ne, %convert_element_type3A_741, %cond3A_742 : i32
      scf.if %cond3A_743 {
        %add3A_755 = arith.constant 5 : i32
        %add3A_756 = arith.addi %while3A_698, %add3A_755 : i32
        %sub3A_757 = arith.constant 2 : i32
        %sub3A_758 = arith.subi %add3A_756, %sub3A_757 : i32
        %rem3A_759 = arith.constant 5 : i32
        %rem3A_760 = arith.remsi %sub3A_758, %rem3A_759 : i32
        %dma_wait3A_761 = arith.constant 0 : i32
        %dma_wait3A_762 = arith.constant 0 : i32
        %dma_wait3A_763 = tpu.memref_slice %arg9[%rem3A_760, %dma_wait3A_761, %dma_wait3A_762] : memref<5x64x128xf32, #tpu.memory_space<vmem>> -> memref<1x64x128xf32, #tpu.memory_space<vmem>>
        %dma_wait3A_764 = tpu.memref_squeeze %dma_wait3A_763 : memref<1x64x128xf32, #tpu.memory_space<vmem>> -> memref<64x128xf32, #tpu.memory_space<vmem>>
        %dma_wait3A_765 = arith.constant 0 : i32
        %dma_wait3A_766 = arith.constant 0 : i32
        %dma_wait3A_767 = tpu.memref_slice %arg2[%dma_wait3A_765, %dma_wait3A_766] : memref<10000x128xf32, #tpu.memory_space<hbm>> -> memref<64x128xf32, #tpu.memory_space<hbm>>
        %dma_wait3A_768 = tpu.memref_slice %arg14[%rem3A_760] : memref<5x!tpu.dma_semaphore, #tpu.memory_space<semaphore_mem>> -> memref<1x!tpu.dma_semaphore, #tpu.memory_space<semaphore_mem>>
        %dma_wait3A_769 = tpu.memref_squeeze %dma_wait3A_768 : memref<1x!tpu.dma_semaphore, #tpu.memory_space<semaphore_mem>> -> memref<!tpu.dma_semaphore, #tpu.memory_space<semaphore_mem>>
        %dma_wait3A_770 = arith.constant 0 : i32
        %dma_wait3A_771 = arith.constant 0 : i32
        %dma_wait3A_772 = tpu.memref_slice %arg9[%rem3A_760, %dma_wait3A_770, %dma_wait3A_771] : memref<5x64x128xf32, #tpu.memory_space<vmem>> -> memref<1x64x128xf32, #tpu.memory_space<vmem>>
        %dma_wait3A_773 = tpu.memref_squeeze %dma_wait3A_772 : memref<1x64x128xf32, #tpu.memory_space<vmem>> -> memref<64x128xf32, #tpu.memory_space<vmem>>
        %dma_wait3A_774 = arith.constant 0 : i32
        %dma_wait3A_775 = arith.constant 0 : i32
        %dma_wait3A_776 = tpu.memref_slice %arg2[%dma_wait3A_774, %dma_wait3A_775] : memref<10000x128xf32, #tpu.memory_space<hbm>> -> memref<64x128xf32, #tpu.memory_space<hbm>>
        tpu.wait_dma2 semaphore(%dma_wait3A_769 : memref<!tpu.dma_semaphore, #tpu.memory_space<semaphore_mem>>) src(%dma_wait3A_776 : memref<64x128xf32, #tpu.memory_space<hbm>>) dst(%dma_wait3A_773 : memref<64x128xf32, #tpu.memory_space<vmem>>)
        %dma_wait3A_777 = arith.constant 0 : i32
        %dma_wait3A_778 = arith.constant 0 : i32
        %dma_wait3A_779 = tpu.memref_slice %arg2[%dma_wait3A_777, %dma_wait3A_778] : memref<10000x128xf32, #tpu.memory_space<hbm>> -> memref<1x64xf32, #tpu.memory_space<hbm>>
        %dma_wait3A_780 = tpu.memref_squeeze %dma_wait3A_779 : memref<1x64xf32, #tpu.memory_space<hbm>> -> memref<64xf32, #tpu.memory_space<hbm>>
        %dma_wait3A_781 = tpu.memref_slice %arg16[%rem3A_760] : memref<5x!tpu.dma_semaphore, #tpu.memory_space<semaphore_mem>> -> memref<1x!tpu.dma_semaphore, #tpu.memory_space<semaphore_mem>>
        %dma_wait3A_782 = tpu.memref_squeeze %dma_wait3A_781 : memref<1x!tpu.dma_semaphore, #tpu.memory_space<semaphore_mem>> -> memref<!tpu.dma_semaphore, #tpu.memory_space<semaphore_mem>>
        %dma_wait3A_783 = arith.constant 0 : i32
        %dma_wait3A_784 = tpu.memref_slice %arg2[%dma_wait3A_777, %dma_wait3A_783] : memref<10000x128xf32, #tpu.memory_space<hbm>> -> memref<1x64xf32, #tpu.memory_space<hbm>>
        %dma_wait3A_785 = tpu.memref_squeeze %dma_wait3A_784 : memref<1x64xf32, #tpu.memory_space<hbm>> -> memref<64xf32, #tpu.memory_space<hbm>>
        tpu.wait_dma2 semaphore(%dma_wait3A_782 : memref<!tpu.dma_semaphore, #tpu.memory_space<semaphore_mem>>) src(%dma_wait3A_785 : memref<64xf32, #tpu.memory_space<hbm>>) dst(%arg10 : memref<64xf32, #tpu.memory_space<vmem>>)
      } else {
      }
      %add3A_744 = arith.constant 3 : i32
      %add3A_745 = arith.addi %while3A_698, %add3A_744 : i32
      %lt3A = arith.cmpi slt, %add3A_745, %sub3A : i32
      %convert_element_type3A_746 = arith.extui %lt3A : i1 to i32
      %cond3A_747 = arith.constant 0 : i32
      %cond3A_748 = arith.cmpi ne, %convert_element_type3A_746, %cond3A_747 : i32
      scf.if %cond3A_748 {
        %add3A_755 = arith.constant 3 : i32
        %add3A_756 = arith.addi %while3A_698, %add3A_755 : i32
        %rem3A_757 = arith.constant 8 : i32
        %rem3A_758 = arith.remsi %add3A_756, %rem3A_757 : i32
        %dma_wait3A_759 = arith.constant 0 : i32
        %dma_wait3A_760 = arith.constant 0 : i32
        %dma_wait3A_761 = arith.constant 0 : i32
        %dma_wait3A_762 = tpu.memref_slice %arg8[%rem3A_758, %dma_wait3A_760, %dma_wait3A_761] : memref<8x2x64xi32, #tpu.memory_space<vmem>> -> memref<1x1x64xi32, #tpu.memory_space<vmem>>
        %dma_wait3A_763 = tpu.memref_squeeze %dma_wait3A_762 : memref<1x1x64xi32, #tpu.memory_space<vmem>> -> memref<64xi32, #tpu.memory_space<vmem>>
        %dma_wait3A_764 = arith.constant 0 : i32
        %dma_wait3A_765 = tpu.memref_slice %arg3[%dma_wait3A_759, %dma_wait3A_764] : memref<2x320000xi32, #tpu.memory_space<hbm>> -> memref<1x64xi32, #tpu.memory_space<hbm>>
        %dma_wait3A_766 = tpu.memref_squeeze %dma_wait3A_765 : memref<1x64xi32, #tpu.memory_space<hbm>> -> memref<64xi32, #tpu.memory_space<hbm>>
        %dma_wait3A_767 = tpu.memref_slice %arg12[%rem3A_758] : memref<8x!tpu.dma_semaphore, #tpu.memory_space<semaphore_mem>> -> memref<1x!tpu.dma_semaphore, #tpu.memory_space<semaphore_mem>>
        %dma_wait3A_768 = tpu.memref_squeeze %dma_wait3A_767 : memref<1x!tpu.dma_semaphore, #tpu.memory_space<semaphore_mem>> -> memref<!tpu.dma_semaphore, #tpu.memory_space<semaphore_mem>>
        %dma_wait3A_769 = arith.constant 0 : i32
        %dma_wait3A_770 = tpu.memref_slice %arg8[%rem3A_758, %dma_wait3A_760, %dma_wait3A_769] : memref<8x2x64xi32, #tpu.memory_space<vmem>> -> memref<1x1x64xi32, #tpu.memory_space<vmem>>
        %dma_wait3A_771 = tpu.memref_squeeze %dma_wait3A_770 : memref<1x1x64xi32, #tpu.memory_space<vmem>> -> memref<64xi32, #tpu.memory_space<vmem>>
        %dma_wait3A_772 = arith.constant 0 : i32
        %dma_wait3A_773 = tpu.memref_slice %arg3[%dma_wait3A_759, %dma_wait3A_772] : memref<2x320000xi32, #tpu.memory_space<hbm>> -> memref<1x64xi32, #tpu.memory_space<hbm>>
        %dma_wait3A_774 = tpu.memref_squeeze %dma_wait3A_773 : memref<1x64xi32, #tpu.memory_space<hbm>> -> memref<64xi32, #tpu.memory_space<hbm>>
        tpu.wait_dma2 semaphore(%dma_wait3A_768 : memref<!tpu.dma_semaphore, #tpu.memory_space<semaphore_mem>>) src(%dma_wait3A_774 : memref<64xi32, #tpu.memory_space<hbm>>) dst(%dma_wait3A_771 : memref<64xi32, #tpu.memory_space<vmem>>)
        %dma_wait3A_775 = arith.constant 1 : i32
        %dma_wait3A_776 = arith.constant 1 : i32
        %dma_wait3A_777 = arith.constant 0 : i32
        %dma_wait3A_778 = tpu.memref_slice %arg8[%rem3A_758, %dma_wait3A_776, %dma_wait3A_777] : memref<8x2x64xi32, #tpu.memory_space<vmem>> -> memref<1x1x64xi32, #tpu.memory_space<vmem>>
        %dma_wait3A_779 = tpu.memref_squeeze %dma_wait3A_778 : memref<1x1x64xi32, #tpu.memory_space<vmem>> -> memref<64xi32, #tpu.memory_space<vmem>>
        %dma_wait3A_780 = arith.constant 0 : i32
        %dma_wait3A_781 = tpu.memref_slice %arg3[%dma_wait3A_775, %dma_wait3A_780] : memref<2x320000xi32, #tpu.memory_space<hbm>> -> memref<1x64xi32, #tpu.memory_space<hbm>>
        %dma_wait3A_782 = tpu.memref_squeeze %dma_wait3A_781 : memref<1x64xi32, #tpu.memory_space<hbm>> -> memref<64xi32, #tpu.memory_space<hbm>>
        %dma_wait3A_783 = tpu.memref_slice %arg12[%rem3A_758] : memref<8x!tpu.dma_semaphore, #tpu.memory_space<semaphore_mem>> -> memref<1x!tpu.dma_semaphore, #tpu.memory_space<semaphore_mem>>
        %dma_wait3A_784 = tpu.memref_squeeze %dma_wait3A_783 : memref<1x!tpu.dma_semaphore, #tpu.memory_space<semaphore_mem>> -> memref<!tpu.dma_semaphore, #tpu.memory_space<semaphore_mem>>
        %dma_wait3A_785 = arith.constant 0 : i32
        %dma_wait3A_786 = tpu.memref_slice %arg8[%rem3A_758, %dma_wait3A_776, %dma_wait3A_785] : memref<8x2x64xi32, #tpu.memory_space<vmem>> -> memref<1x1x64xi32, #tpu.memory_space<vmem>>
        %dma_wait3A_787 = tpu.memref_squeeze %dma_wait3A_786 : memref<1x1x64xi32, #tpu.memory_space<vmem>> -> memref<64xi32, #tpu.memory_space<vmem>>
        %dma_wait3A_788 = arith.constant 0 : i32
        %dma_wait3A_789 = tpu.memref_slice %arg3[%dma_wait3A_775, %dma_wait3A_788] : memref<2x320000xi32, #tpu.memory_space<hbm>> -> memref<1x64xi32, #tpu.memory_space<hbm>>
        %dma_wait3A_790 = tpu.memref_squeeze %dma_wait3A_789 : memref<1x64xi32, #tpu.memory_space<hbm>> -> memref<64xi32, #tpu.memory_space<hbm>>
        tpu.wait_dma2 semaphore(%dma_wait3A_784 : memref<!tpu.dma_semaphore, #tpu.memory_space<semaphore_mem>>) src(%dma_wait3A_790 : memref<64xi32, #tpu.memory_space<hbm>>) dst(%dma_wait3A_787 : memref<64xi32, #tpu.memory_space<vmem>>)
        %add3A_791 = arith.constant 3 : i32
        %add3A_792 = arith.addi %while3A_698, %add3A_791 : i32
        %rem3A_793 = arith.constant 5 : i32
        %rem3A_794 = arith.remsi %add3A_792, %rem3A_793 : i32
        %dma_start3A_795 = arith.constant 0 : i32
        %dma_start3A_796 = arith.constant 0 : i32
        %dma_start3A_797 = arith.constant 0 : i32
        %dma_start3A_798 = tpu.memref_slice %arg9[%rem3A_794, %dma_start3A_796, %dma_start3A_797] : memref<5x64x128xf32, #tpu.memory_space<vmem>> -> memref<1x64x128xf32, #tpu.memory_space<vmem>>
        %dma_start3A_799 = tpu.memref_squeeze %dma_start3A_798 : memref<1x64x128xf32, #tpu.memory_space<vmem>> -> memref<64x128xf32, #tpu.memory_space<vmem>>
        %dma_start3A_800 = arith.constant 0 : i32
        %dma_start3A_801 = tpu.memref_slice %arg8[%rem3A_758, %dma_start3A_795, %dma_start3A_800] : memref<8x2x64xi32, #tpu.memory_space<vmem>> -> memref<1x1x64xi32, #tpu.memory_space<vmem>>
        %dma_start3A_802 = tpu.memref_squeeze %dma_start3A_801 : memref<1x1x64xi32, #tpu.memory_space<vmem>> -> memref<64xi32, #tpu.memory_space<vmem>>
        %dma_start3A_803 = arith.constant 0 : i32
        %dma_start3A_804 = arith.constant 0 : i32
        %dma_start3A_805 = tpu.memref_slice %arg2[%dma_start3A_803, %dma_start3A_804] : memref<10000x128xf32, #tpu.memory_space<hbm>> -> memref<10000x128xf32, #tpu.memory_space<hbm>>
        %dma_start3A_806 = tpu.memref_slice %arg13[%rem3A_794] : memref<5x!tpu.dma_semaphore, #tpu.memory_space<semaphore_mem>> -> memref<1x!tpu.dma_semaphore, #tpu.memory_space<semaphore_mem>>
        %dma_start3A_807 = tpu.memref_squeeze %dma_start3A_806 : memref<1x!tpu.dma_semaphore, #tpu.memory_space<semaphore_mem>> -> memref<!tpu.dma_semaphore, #tpu.memory_space<semaphore_mem>>
        tpu.enqueue_indirect_dma source(%dma_start3A_805 : memref<10000x128xf32, #tpu.memory_space<hbm>>) target(%dma_start3A_799 : memref<64x128xf32, #tpu.memory_space<vmem>>) offsets(%dma_start3A_802 : memref<64xi32, #tpu.memory_space<vmem>>) semaphore(%dma_start3A_807 : memref<!tpu.dma_semaphore, #tpu.memory_space<semaphore_mem>>)
      } else {
      }
      %add3A_749 = arith.constant 6 : i32
      %add3A_750 = arith.addi %while3A_698, %add3A_749 : i32
      %lt3A_751 = arith.cmpi slt, %add3A_750, %sub3A : i32
      %convert_element_type3A_752 = arith.extui %lt3A_751 : i1 to i32
      %cond3A_753 = arith.constant 0 : i32
      %cond3A_754 = arith.cmpi ne, %convert_element_type3A_752, %cond3A_753 : i32
      scf.if %cond3A_754 {
        %add3A_755 = arith.constant 6 : i32
        %add3A_756 = arith.addi %while3A_698, %add3A_755 : i32
        %add3A_757 = arith.constant 6 : i32
        %add3A_758 = arith.addi %while3A_698, %add3A_757 : i32
        %rem3A_759 = arith.constant 8 : i32
        %rem3A_760 = arith.remsi %add3A_758, %rem3A_759 : i32
        %add3A_761 = arith.addi %add3A, %add3A_756 : i32
        %mul3A_762 = arith.constant 64 : i32
        %mul3A_763 = arith.muli %add3A_761, %mul3A_762 : i32
        %dma_start3A_764 = arith.constant 0 : i32
        %dma_start3A_765 = arith.constant 0 : i32
        %dma_start3A_766 = arith.constant 0 : i32
        %dma_start3A_767 = tpu.memref_slice %arg8[%rem3A_760, %dma_start3A_765, %dma_start3A_766] : memref<8x2x64xi32, #tpu.memory_space<vmem>> -> memref<1x1x64xi32, #tpu.memory_space<vmem>>
        %dma_start3A_768 = tpu.memref_squeeze %dma_start3A_767 : memref<1x1x64xi32, #tpu.memory_space<vmem>> -> memref<64xi32, #tpu.memory_space<vmem>>
        %dma_start3A_769 = tpu.memref_slice %arg3[%dma_start3A_764, %mul3A_763] : memref<2x320000xi32, #tpu.memory_space<hbm>> -> memref<1x64xi32, #tpu.memory_space<hbm>>
        %dma_start3A_770 = tpu.memref_squeeze %dma_start3A_769 : memref<1x64xi32, #tpu.memory_space<hbm>> -> memref<64xi32, #tpu.memory_space<hbm>>
        %dma_start3A_771 = tpu.memref_slice %arg12[%rem3A_760] : memref<8x!tpu.dma_semaphore, #tpu.memory_space<semaphore_mem>> -> memref<1x!tpu.dma_semaphore, #tpu.memory_space<semaphore_mem>>
        %dma_start3A_772 = tpu.memref_squeeze %dma_start3A_771 : memref<1x!tpu.dma_semaphore, #tpu.memory_space<semaphore_mem>> -> memref<!tpu.dma_semaphore, #tpu.memory_space<semaphore_mem>>
        %dma_start3A_773 = arith.constant 0 : i32
        %dma_start3A_774 = tpu.memref_slice %arg8[%rem3A_760, %dma_start3A_765, %dma_start3A_773] : memref<8x2x64xi32, #tpu.memory_space<vmem>> -> memref<1x1x64xi32, #tpu.memory_space<vmem>>
        %dma_start3A_775 = tpu.memref_squeeze %dma_start3A_774 : memref<1x1x64xi32, #tpu.memory_space<vmem>> -> memref<64xi32, #tpu.memory_space<vmem>>
        %dma_start3A_776 = tpu.memref_slice %arg3[%dma_start3A_764, %mul3A_763] : memref<2x320000xi32, #tpu.memory_space<hbm>> -> memref<1x64xi32, #tpu.memory_space<hbm>>
        %dma_start3A_777 = tpu.memref_squeeze %dma_start3A_776 : memref<1x64xi32, #tpu.memory_space<hbm>> -> memref<64xi32, #tpu.memory_space<hbm>>
        tpu.enqueue_dma source(%dma_start3A_777 : memref<64xi32, #tpu.memory_space<hbm>>) target(%dma_start3A_775 : memref<64xi32, #tpu.memory_space<vmem>>) target_semaphore(%dma_start3A_772 : memref<!tpu.dma_semaphore, #tpu.memory_space<semaphore_mem>>)
        %dma_start3A_778 = arith.constant 1 : i32
        %dma_start3A_779 = arith.constant 1 : i32
        %dma_start3A_780 = arith.constant 0 : i32
        %dma_start3A_781 = tpu.memref_slice %arg8[%rem3A_760, %dma_start3A_779, %dma_start3A_780] : memref<8x2x64xi32, #tpu.memory_space<vmem>> -> memref<1x1x64xi32, #tpu.memory_space<vmem>>
        %dma_start3A_782 = tpu.memref_squeeze %dma_start3A_781 : memref<1x1x64xi32, #tpu.memory_space<vmem>> -> memref<64xi32, #tpu.memory_space<vmem>>
        %dma_start3A_783 = tpu.memref_slice %arg3[%dma_start3A_778, %mul3A_763] : memref<2x320000xi32, #tpu.memory_space<hbm>> -> memref<1x64xi32, #tpu.memory_space<hbm>>
        %dma_start3A_784 = tpu.memref_squeeze %dma_start3A_783 : memref<1x64xi32, #tpu.memory_space<hbm>> -> memref<64xi32, #tpu.memory_space<hbm>>
        %dma_start3A_785 = tpu.memref_slice %arg12[%rem3A_760] : memref<8x!tpu.dma_semaphore, #tpu.memory_space<semaphore_mem>> -> memref<1x!tpu.dma_semaphore, #tpu.memory_space<semaphore_mem>>
        %dma_start3A_786 = tpu.memref_squeeze %dma_start3A_785 : memref<1x!tpu.dma_semaphore, #tpu.memory_space<semaphore_mem>> -> memref<!tpu.dma_semaphore, #tpu.memory_space<semaphore_mem>>
        %dma_start3A_787 = arith.constant 0 : i32
        %dma_start3A_788 = tpu.memref_slice %arg8[%rem3A_760, %dma_start3A_779, %dma_start3A_787] : memref<8x2x64xi32, #tpu.memory_space<vmem>> -> memref<1x1x64xi32, #tpu.memory_space<vmem>>
        %dma_start3A_789 = tpu.memref_squeeze %dma_start3A_788 : memref<1x1x64xi32, #tpu.memory_space<vmem>> -> memref<64xi32, #tpu.memory_space<vmem>>
        %dma_start3A_790 = tpu.memref_slice %arg3[%dma_start3A_778, %mul3A_763] : memref<2x320000xi32, #tpu.memory_space<hbm>> -> memref<1x64xi32, #tpu.memory_space<hbm>>
        %dma_start3A_791 = tpu.memref_squeeze %dma_start3A_790 : memref<1x64xi32, #tpu.memory_space<hbm>> -> memref<64xi32, #tpu.memory_space<hbm>>
        tpu.enqueue_dma source(%dma_start3A_791 : memref<64xi32, #tpu.memory_space<hbm>>) target(%dma_start3A_789 : memref<64xi32, #tpu.memory_space<vmem>>) target_semaphore(%dma_start3A_786 : memref<!tpu.dma_semaphore, #tpu.memory_space<semaphore_mem>>)
      } else {
      }
    }
    %while3A_547 = arith.constant 1 : i32
    scf.for %while3A_698 = %while3A_545 to %while3A_541 step %while3A_547  : i32 {
      %rem3A = arith.constant 5 : i32
      %rem3A_699 = arith.remsi %while3A_698, %rem3A : i32
      %rem3A_700 = arith.constant 8 : i32
      %rem3A_701 = arith.remsi %while3A_698, %rem3A_700 : i32
      %dma_wait3A_702 = arith.constant 0 : i32
      %dma_wait3A_703 = arith.constant 0 : i32
      %dma_wait3A_704 = tpu.memref_slice %arg9[%rem3A_699, %dma_wait3A_702, %dma_wait3A_703] : memref<5x64x128xf32, #tpu.memory_space<vmem>> -> memref<1x64x128xf32, #tpu.memory_space<vmem>>
      %dma_wait3A_705 = tpu.memref_squeeze %dma_wait3A_704 : memref<1x64x128xf32, #tpu.memory_space<vmem>> -> memref<64x128xf32, #tpu.memory_space<vmem>>
      %dma_wait3A_706 = arith.constant 0 : i32
      %dma_wait3A_707 = arith.constant 0 : i32
      %dma_wait3A_708 = tpu.memref_slice %arg2[%dma_wait3A_706, %dma_wait3A_707] : memref<10000x128xf32, #tpu.memory_space<hbm>> -> memref<64x128xf32, #tpu.memory_space<hbm>>
      %dma_wait3A_709 = tpu.memref_slice %arg13[%rem3A_699] : memref<5x!tpu.dma_semaphore, #tpu.memory_space<semaphore_mem>> -> memref<1x!tpu.dma_semaphore, #tpu.memory_space<semaphore_mem>>
      %dma_wait3A_710 = tpu.memref_squeeze %dma_wait3A_709 : memref<1x!tpu.dma_semaphore, #tpu.memory_space<semaphore_mem>> -> memref<!tpu.dma_semaphore, #tpu.memory_space<semaphore_mem>>
      %dma_wait3A_711 = arith.constant 0 : i32
      %dma_wait3A_712 = arith.constant 0 : i32
      %dma_wait3A_713 = tpu.memref_slice %arg9[%rem3A_699, %dma_wait3A_711, %dma_wait3A_712] : memref<5x64x128xf32, #tpu.memory_space<vmem>> -> memref<1x64x128xf32, #tpu.memory_space<vmem>>
      %dma_wait3A_714 = tpu.memref_squeeze %dma_wait3A_713 : memref<1x64x128xf32, #tpu.memory_space<vmem>> -> memref<64x128xf32, #tpu.memory_space<vmem>>
      %dma_wait3A_715 = arith.constant 0 : i32
      %dma_wait3A_716 = arith.constant 0 : i32
      %dma_wait3A_717 = tpu.memref_slice %arg2[%dma_wait3A_715, %dma_wait3A_716] : memref<10000x128xf32, #tpu.memory_space<hbm>> -> memref<64x128xf32, #tpu.memory_space<hbm>>
      tpu.wait_dma2 semaphore(%dma_wait3A_710 : memref<!tpu.dma_semaphore, #tpu.memory_space<semaphore_mem>>) src(%dma_wait3A_717 : memref<64x128xf32, #tpu.memory_space<hbm>>) dst(%dma_wait3A_714 : memref<64x128xf32, #tpu.memory_space<vmem>>)
      %dma_start3A_718 = arith.constant 1 : i32
      %dma_start3A_719 = arith.constant 0 : i32
      %dma_start3A_720 = arith.constant 0 : i32
      %dma_start3A_721 = tpu.memref_slice %arg9[%rem3A_699, %dma_start3A_719, %dma_start3A_720] : memref<5x64x128xf32, #tpu.memory_space<vmem>> -> memref<1x64x128xf32, #tpu.memory_space<vmem>>
      %dma_start3A_722 = tpu.memref_squeeze %dma_start3A_721 : memref<1x64x128xf32, #tpu.memory_space<vmem>> -> memref<64x128xf32, #tpu.memory_space<vmem>>
      %dma_start3A_723 = arith.constant 0 : i32
      %dma_start3A_724 = tpu.memref_slice %arg8[%rem3A_701, %dma_start3A_718, %dma_start3A_723] : memref<8x2x64xi32, #tpu.memory_space<vmem>> -> memref<1x1x64xi32, #tpu.memory_space<vmem>>
      %dma_start3A_725 = tpu.memref_squeeze %dma_start3A_724 : memref<1x1x64xi32, #tpu.memory_space<vmem>> -> memref<64xi32, #tpu.memory_space<vmem>>
      %dma_start3A_726 = arith.constant 0 : i32
      %dma_start3A_727 = arith.constant 0 : i32
      %dma_start3A_728 = tpu.memref_slice %arg6[%dma_start3A_726, %dma_start3A_727] : memref<10240x128xf32, #tpu.memory_space<vmem_shared>> -> memref<10240x128xf32, #tpu.memory_space<vmem_shared>>
      %dma_start3A_729 = tpu.memref_slice %arg14[%rem3A_699] : memref<5x!tpu.dma_semaphore, #tpu.memory_space<semaphore_mem>> -> memref<1x!tpu.dma_semaphore, #tpu.memory_space<semaphore_mem>>
      %dma_start3A_730 = tpu.memref_squeeze %dma_start3A_729 : memref<1x!tpu.dma_semaphore, #tpu.memory_space<semaphore_mem>> -> memref<!tpu.dma_semaphore, #tpu.memory_space<semaphore_mem>>
      tpu.enqueue_indirect_dma source(%dma_start3A_722 : memref<64x128xf32, #tpu.memory_space<vmem>>) target(%dma_start3A_728 : memref<10240x128xf32, #tpu.memory_space<vmem_shared>>) offsets(%dma_start3A_725 : memref<64xi32, #tpu.memory_space<vmem>>) semaphore(%dma_start3A_730 : memref<!tpu.dma_semaphore, #tpu.memory_space<semaphore_mem>>) {add = true}
      %dma_start3A_731 = arith.constant 1 : i32
      %dma_start3A_732 = arith.constant 0 : i32
      %dma_start3A_733 = tpu.memref_slice %arg8[%rem3A_701, %dma_start3A_731, %dma_start3A_732] : memref<8x2x64xi32, #tpu.memory_space<vmem>> -> memref<1x1x64xi32, #tpu.memory_space<vmem>>
      %dma_start3A_734 = tpu.memref_squeeze %dma_start3A_733 : memref<1x1x64xi32, #tpu.memory_space<vmem>> -> memref<64xi32, #tpu.memory_space<vmem>>
      %dma_start3A_735 = arith.constant 0 : i32
      %dma_start3A_736 = tpu.memref_slice %arg7[%dma_start3A_735] : memref<10240xf32, #tpu.memory_space<vmem_shared>> -> memref<10240xf32, #tpu.memory_space<vmem_shared>>
      %dma_start3A_737 = tpu.memref_slice %arg16[%rem3A_699] : memref<5x!tpu.dma_semaphore, #tpu.memory_space<semaphore_mem>> -> memref<1x!tpu.dma_semaphore, #tpu.memory_space<semaphore_mem>>
      %dma_start3A_738 = tpu.memref_squeeze %dma_start3A_737 : memref<1x!tpu.dma_semaphore, #tpu.memory_space<semaphore_mem>> -> memref<!tpu.dma_semaphore, #tpu.memory_space<semaphore_mem>>
      tpu.enqueue_indirect_dma source(%arg10 : memref<64xf32, #tpu.memory_space<vmem>>) target(%dma_start3A_736 : memref<10240xf32, #tpu.memory_space<vmem_shared>>) offsets(%dma_start3A_734 : memref<64xi32, #tpu.memory_space<vmem>>) semaphore(%dma_start3A_738 : memref<!tpu.dma_semaphore, #tpu.memory_space<semaphore_mem>>) {add = true}
      %ge3A_739 = arith.constant 2 : i32
      %ge3A_740 = arith.cmpi sge, %while3A_698, %ge3A_739 : i32
      %convert_element_type3A_741 = arith.extui %ge3A_740 : i1 to i32
      %cond3A_742 = arith.constant 0 : i32
      %cond3A_743 = arith.cmpi ne, %convert_element_type3A_741, %cond3A_742 : i32
      scf.if %cond3A_743 {
        %add3A_755 = arith.constant 5 : i32
        %add3A_756 = arith.addi %while3A_698, %add3A_755 : i32
        %sub3A_757 = arith.constant 2 : i32
        %sub3A_758 = arith.subi %add3A_756, %sub3A_757 : i32
        %rem3A_759 = arith.constant 5 : i32
        %rem3A_760 = arith.remsi %sub3A_758, %rem3A_759 : i32
        %dma_wait3A_761 = arith.constant 0 : i32
        %dma_wait3A_762 = arith.constant 0 : i32
        %dma_wait3A_763 = tpu.memref_slice %arg9[%rem3A_760, %dma_wait3A_761, %dma_wait3A_762] : memref<5x64x128xf32, #tpu.memory_space<vmem>> -> memref<1x64x128xf32, #tpu.memory_space<vmem>>
        %dma_wait3A_764 = tpu.memref_squeeze %dma_wait3A_763 : memref<1x64x128xf32, #tpu.memory_space<vmem>> -> memref<64x128xf32, #tpu.memory_space<vmem>>
        %dma_wait3A_765 = arith.constant 0 : i32
        %dma_wait3A_766 = arith.constant 0 : i32
        %dma_wait3A_767 = tpu.memref_slice %arg2[%dma_wait3A_765, %dma_wait3A_766] : memref<10000x128xf32, #tpu.memory_space<hbm>> -> memref<64x128xf32, #tpu.memory_space<hbm>>
        %dma_wait3A_768 = tpu.memref_slice %arg14[%rem3A_760] : memref<5x!tpu.dma_semaphore, #tpu.memory_space<semaphore_mem>> -> memref<1x!tpu.dma_semaphore, #tpu.memory_space<semaphore_mem>>
        %dma_wait3A_769 = tpu.memref_squeeze %dma_wait3A_768 : memref<1x!tpu.dma_semaphore, #tpu.memory_space<semaphore_mem>> -> memref<!tpu.dma_semaphore, #tpu.memory_space<semaphore_mem>>
        %dma_wait3A_770 = arith.constant 0 : i32
        %dma_wait3A_771 = arith.constant 0 : i32
        %dma_wait3A_772 = tpu.memref_slice %arg9[%rem3A_760, %dma_wait3A_770, %dma_wait3A_771] : memref<5x64x128xf32, #tpu.memory_space<vmem>> -> memref<1x64x128xf32, #tpu.memory_space<vmem>>
        %dma_wait3A_773 = tpu.memref_squeeze %dma_wait3A_772 : memref<1x64x128xf32, #tpu.memory_space<vmem>> -> memref<64x128xf32, #tpu.memory_space<vmem>>
        %dma_wait3A_774 = arith.constant 0 : i32
        %dma_wait3A_775 = arith.constant 0 : i32
        %dma_wait3A_776 = tpu.memref_slice %arg2[%dma_wait3A_774, %dma_wait3A_775] : memref<10000x128xf32, #tpu.memory_space<hbm>> -> memref<64x128xf32, #tpu.memory_space<hbm>>
        tpu.wait_dma2 semaphore(%dma_wait3A_769 : memref<!tpu.dma_semaphore, #tpu.memory_space<semaphore_mem>>) src(%dma_wait3A_776 : memref<64x128xf32, #tpu.memory_space<hbm>>) dst(%dma_wait3A_773 : memref<64x128xf32, #tpu.memory_space<vmem>>)
        %dma_wait3A_777 = arith.constant 0 : i32
        %dma_wait3A_778 = arith.constant 0 : i32
        %dma_wait3A_779 = tpu.memref_slice %arg2[%dma_wait3A_777, %dma_wait3A_778] : memref<10000x128xf32, #tpu.memory_space<hbm>> -> memref<1x64xf32, #tpu.memory_space<hbm>>
        %dma_wait3A_780 = tpu.memref_squeeze %dma_wait3A_779 : memref<1x64xf32, #tpu.memory_space<hbm>> -> memref<64xf32, #tpu.memory_space<hbm>>
        %dma_wait3A_781 = tpu.memref_slice %arg16[%rem3A_760] : memref<5x!tpu.dma_semaphore, #tpu.memory_space<semaphore_mem>> -> memref<1x!tpu.dma_semaphore, #tpu.memory_space<semaphore_mem>>
        %dma_wait3A_782 = tpu.memref_squeeze %dma_wait3A_781 : memref<1x!tpu.dma_semaphore, #tpu.memory_space<semaphore_mem>> -> memref<!tpu.dma_semaphore, #tpu.memory_space<semaphore_mem>>
        %dma_wait3A_783 = arith.constant 0 : i32
        %dma_wait3A_784 = tpu.memref_slice %arg2[%dma_wait3A_777, %dma_wait3A_783] : memref<10000x128xf32, #tpu.memory_space<hbm>> -> memref<1x64xf32, #tpu.memory_space<hbm>>
        %dma_wait3A_785 = tpu.memref_squeeze %dma_wait3A_784 : memref<1x64xf32, #tpu.memory_space<hbm>> -> memref<64xf32, #tpu.memory_space<hbm>>
        tpu.wait_dma2 semaphore(%dma_wait3A_782 : memref<!tpu.dma_semaphore, #tpu.memory_space<semaphore_mem>>) src(%dma_wait3A_785 : memref<64xf32, #tpu.memory_space<hbm>>) dst(%arg10 : memref<64xf32, #tpu.memory_space<vmem>>)
      } else {
      }
      %add3A_744 = arith.constant 3 : i32
      %add3A_745 = arith.addi %while3A_698, %add3A_744 : i32
      %lt3A = arith.cmpi slt, %add3A_745, %sub3A : i32
      %convert_element_type3A_746 = arith.extui %lt3A : i1 to i32
      %cond3A_747 = arith.constant 0 : i32
      %cond3A_748 = arith.cmpi ne, %convert_element_type3A_746, %cond3A_747 : i32
      scf.if %cond3A_748 {
        %add3A_755 = arith.constant 3 : i32
        %add3A_756 = arith.addi %while3A_698, %add3A_755 : i32
        %rem3A_757 = arith.constant 8 : i32
        %rem3A_758 = arith.remsi %add3A_756, %rem3A_757 : i32
        %dma_wait3A_759 = arith.constant 0 : i32
        %dma_wait3A_760 = arith.constant 0 : i32
        %dma_wait3A_761 = arith.constant 0 : i32
        %dma_wait3A_762 = tpu.memref_slice %arg8[%rem3A_758, %dma_wait3A_760, %dma_wait3A_761] : memref<8x2x64xi32, #tpu.memory_space<vmem>> -> memref<1x1x64xi32, #tpu.memory_space<vmem>>
        %dma_wait3A_763 = tpu.memref_squeeze %dma_wait3A_762 : memref<1x1x64xi32, #tpu.memory_space<vmem>> -> memref<64xi32, #tpu.memory_space<vmem>>
        %dma_wait3A_764 = arith.constant 0 : i32
        %dma_wait3A_765 = tpu.memref_slice %arg3[%dma_wait3A_759, %dma_wait3A_764] : memref<2x320000xi32, #tpu.memory_space<hbm>> -> memref<1x64xi32, #tpu.memory_space<hbm>>
        %dma_wait3A_766 = tpu.memref_squeeze %dma_wait3A_765 : memref<1x64xi32, #tpu.memory_space<hbm>> -> memref<64xi32, #tpu.memory_space<hbm>>
        %dma_wait3A_767 = tpu.memref_slice %arg12[%rem3A_758] : memref<8x!tpu.dma_semaphore, #tpu.memory_space<semaphore_mem>> -> memref<1x!tpu.dma_semaphore, #tpu.memory_space<semaphore_mem>>
        %dma_wait3A_768 = tpu.memref_squeeze %dma_wait3A_767 : memref<1x!tpu.dma_semaphore, #tpu.memory_space<semaphore_mem>> -> memref<!tpu.dma_semaphore, #tpu.memory_space<semaphore_mem>>
        %dma_wait3A_769 = arith.constant 0 : i32
        %dma_wait3A_770 = tpu.memref_slice %arg8[%rem3A_758, %dma_wait3A_760, %dma_wait3A_769] : memref<8x2x64xi32, #tpu.memory_space<vmem>> -> memref<1x1x64xi32, #tpu.memory_space<vmem>>
        %dma_wait3A_771 = tpu.memref_squeeze %dma_wait3A_770 : memref<1x1x64xi32, #tpu.memory_space<vmem>> -> memref<64xi32, #tpu.memory_space<vmem>>
        %dma_wait3A_772 = arith.constant 0 : i32
        %dma_wait3A_773 = tpu.memref_slice %arg3[%dma_wait3A_759, %dma_wait3A_772] : memref<2x320000xi32, #tpu.memory_space<hbm>> -> memref<1x64xi32, #tpu.memory_space<hbm>>
        %dma_wait3A_774 = tpu.memref_squeeze %dma_wait3A_773 : memref<1x64xi32, #tpu.memory_space<hbm>> -> memref<64xi32, #tpu.memory_space<hbm>>
        tpu.wait_dma2 semaphore(%dma_wait3A_768 : memref<!tpu.dma_semaphore, #tpu.memory_space<semaphore_mem>>) src(%dma_wait3A_774 : memref<64xi32, #tpu.memory_space<hbm>>) dst(%dma_wait3A_771 : memref<64xi32, #tpu.memory_space<vmem>>)
        %dma_wait3A_775 = arith.constant 1 : i32
        %dma_wait3A_776 = arith.constant 1 : i32
        %dma_wait3A_777 = arith.constant 0 : i32
        %dma_wait3A_778 = tpu.memref_slice %arg8[%rem3A_758, %dma_wait3A_776, %dma_wait3A_777] : memref<8x2x64xi32, #tpu.memory_space<vmem>> -> memref<1x1x64xi32, #tpu.memory_space<vmem>>
        %dma_wait3A_779 = tpu.memref_squeeze %dma_wait3A_778 : memref<1x1x64xi32, #tpu.memory_space<vmem>> -> memref<64xi32, #tpu.memory_space<vmem>>
        %dma_wait3A_780 = arith.constant 0 : i32
        %dma_wait3A_781 = tpu.memref_slice %arg3[%dma_wait3A_775, %dma_wait3A_780] : memref<2x320000xi32, #tpu.memory_space<hbm>> -> memref<1x64xi32, #tpu.memory_space<hbm>>
        %dma_wait3A_782 = tpu.memref_squeeze %dma_wait3A_781 : memref<1x64xi32, #tpu.memory_space<hbm>> -> memref<64xi32, #tpu.memory_space<hbm>>
        %dma_wait3A_783 = tpu.memref_slice %arg12[%rem3A_758] : memref<8x!tpu.dma_semaphore, #tpu.memory_space<semaphore_mem>> -> memref<1x!tpu.dma_semaphore, #tpu.memory_space<semaphore_mem>>
        %dma_wait3A_784 = tpu.memref_squeeze %dma_wait3A_783 : memref<1x!tpu.dma_semaphore, #tpu.memory_space<semaphore_mem>> -> memref<!tpu.dma_semaphore, #tpu.memory_space<semaphore_mem>>
        %dma_wait3A_785 = arith.constant 0 : i32
        %dma_wait3A_786 = tpu.memref_slice %arg8[%rem3A_758, %dma_wait3A_776, %dma_wait3A_785] : memref<8x2x64xi32, #tpu.memory_space<vmem>> -> memref<1x1x64xi32, #tpu.memory_space<vmem>>
        %dma_wait3A_787 = tpu.memref_squeeze %dma_wait3A_786 : memref<1x1x64xi32, #tpu.memory_space<vmem>> -> memref<64xi32, #tpu.memory_space<vmem>>
        %dma_wait3A_788 = arith.constant 0 : i32
        %dma_wait3A_789 = tpu.memref_slice %arg3[%dma_wait3A_775, %dma_wait3A_788] : memref<2x320000xi32, #tpu.memory_space<hbm>> -> memref<1x64xi32, #tpu.memory_space<hbm>>
        %dma_wait3A_790 = tpu.memref_squeeze %dma_wait3A_789 : memref<1x64xi32, #tpu.memory_space<hbm>> -> memref<64xi32, #tpu.memory_space<hbm>>
        tpu.wait_dma2 semaphore(%dma_wait3A_784 : memref<!tpu.dma_semaphore, #tpu.memory_space<semaphore_mem>>) src(%dma_wait3A_790 : memref<64xi32, #tpu.memory_space<hbm>>) dst(%dma_wait3A_787 : memref<64xi32, #tpu.memory_space<vmem>>)
        %add3A_791 = arith.constant 3 : i32
        %add3A_792 = arith.addi %while3A_698, %add3A_791 : i32
        %rem3A_793 = arith.constant 5 : i32
        %rem3A_794 = arith.remsi %add3A_792, %rem3A_793 : i32
        %dma_start3A_795 = arith.constant 0 : i32
        %dma_start3A_796 = arith.constant 0 : i32
        %dma_start3A_797 = arith.constant 0 : i32
        %dma_start3A_798 = tpu.memref_slice %arg9[%rem3A_794, %dma_start3A_796, %dma_start3A_797] : memref<5x64x128xf32, #tpu.memory_space<vmem>> -> memref<1x64x128xf32, #tpu.memory_space<vmem>>
        %dma_start3A_799 = tpu.memref_squeeze %dma_start3A_798 : memref<1x64x128xf32, #tpu.memory_space<vmem>> -> memref<64x128xf32, #tpu.memory_space<vmem>>
        %dma_start3A_800 = arith.constant 0 : i32
        %dma_start3A_801 = tpu.memref_slice %arg8[%rem3A_758, %dma_start3A_795, %dma_start3A_800] : memref<8x2x64xi32, #tpu.memory_space<vmem>> -> memref<1x1x64xi32, #tpu.memory_space<vmem>>
        %dma_start3A_802 = tpu.memref_squeeze %dma_start3A_801 : memref<1x1x64xi32, #tpu.memory_space<vmem>> -> memref<64xi32, #tpu.memory_space<vmem>>
        %dma_start3A_803 = arith.constant 0 : i32
        %dma_start3A_804 = arith.constant 0 : i32
        %dma_start3A_805 = tpu.memref_slice %arg2[%dma_start3A_803, %dma_start3A_804] : memref<10000x128xf32, #tpu.memory_space<hbm>> -> memref<10000x128xf32, #tpu.memory_space<hbm>>
        %dma_start3A_806 = tpu.memref_slice %arg13[%rem3A_794] : memref<5x!tpu.dma_semaphore, #tpu.memory_space<semaphore_mem>> -> memref<1x!tpu.dma_semaphore, #tpu.memory_space<semaphore_mem>>
        %dma_start3A_807 = tpu.memref_squeeze %dma_start3A_806 : memref<1x!tpu.dma_semaphore, #tpu.memory_space<semaphore_mem>> -> memref<!tpu.dma_semaphore, #tpu.memory_space<semaphore_mem>>
        tpu.enqueue_indirect_dma source(%dma_start3A_805 : memref<10000x128xf32, #tpu.memory_space<hbm>>) target(%dma_start3A_799 : memref<64x128xf32, #tpu.memory_space<vmem>>) offsets(%dma_start3A_802 : memref<64xi32, #tpu.memory_space<vmem>>) semaphore(%dma_start3A_807 : memref<!tpu.dma_semaphore, #tpu.memory_space<semaphore_mem>>)
      } else {
      }
      %add3A_749 = arith.constant 6 : i32
      %add3A_750 = arith.addi %while3A_698, %add3A_749 : i32
      %lt3A_751 = arith.cmpi slt, %add3A_750, %sub3A : i32
      %convert_element_type3A_752 = arith.extui %lt3A_751 : i1 to i32
      %cond3A_753 = arith.constant 0 : i32
      %cond3A_754 = arith.cmpi ne, %convert_element_type3A_752, %cond3A_753 : i32
      scf.if %cond3A_754 {
        %add3A_755 = arith.constant 6 : i32
        %add3A_756 = arith.addi %while3A_698, %add3A_755 : i32
        %add3A_757 = arith.constant 6 : i32
        %add3A_758 = arith.addi %while3A_698, %add3A_757 : i32
        %rem3A_759 = arith.constant 8 : i32
        %rem3A_760 = arith.remsi %add3A_758, %rem3A_759 : i32
        %add3A_761 = arith.addi %add3A, %add3A_756 : i32
        %mul3A_762 = arith.constant 64 : i32
        %mul3A_763 = arith.muli %add3A_761, %mul3A_762 : i32
        %dma_start3A_764 = arith.constant 0 : i32
        %dma_start3A_765 = arith.constant 0 : i32
        %dma_start3A_766 = arith.constant 0 : i32
        %dma_start3A_767 = tpu.memref_slice %arg8[%rem3A_760, %dma_start3A_765, %dma_start3A_766] : memref<8x2x64xi32, #tpu.memory_space<vmem>> -> memref<1x1x64xi32, #tpu.memory_space<vmem>>
        %dma_start3A_768 = tpu.memref_squeeze %dma_start3A_767 : memref<1x1x64xi32, #tpu.memory_space<vmem>> -> memref<64xi32, #tpu.memory_space<vmem>>
        %dma_start3A_769 = tpu.memref_slice %arg3[%dma_start3A_764, %mul3A_763] : memref<2x320000xi32, #tpu.memory_space<hbm>> -> memref<1x64xi32, #tpu.memory_space<hbm>>
        %dma_start3A_770 = tpu.memref_squeeze %dma_start3A_769 : memref<1x64xi32, #tpu.memory_space<hbm>> -> memref<64xi32, #tpu.memory_space<hbm>>
        %dma_start3A_771 = tpu.memref_slice %arg12[%rem3A_760] : memref<8x!tpu.dma_semaphore, #tpu.memory_space<semaphore_mem>> -> memref<1x!tpu.dma_semaphore, #tpu.memory_space<semaphore_mem>>
        %dma_start3A_772 = tpu.memref_squeeze %dma_start3A_771 : memref<1x!tpu.dma_semaphore, #tpu.memory_space<semaphore_mem>> -> memref<!tpu.dma_semaphore, #tpu.memory_space<semaphore_mem>>
        %dma_start3A_773 = arith.constant 0 : i32
        %dma_start3A_774 = tpu.memref_slice %arg8[%rem3A_760, %dma_start3A_765, %dma_start3A_773] : memref<8x2x64xi32, #tpu.memory_space<vmem>> -> memref<1x1x64xi32, #tpu.memory_space<vmem>>
        %dma_start3A_775 = tpu.memref_squeeze %dma_start3A_774 : memref<1x1x64xi32, #tpu.memory_space<vmem>> -> memref<64xi32, #tpu.memory_space<vmem>>
        %dma_start3A_776 = tpu.memref_slice %arg3[%dma_start3A_764, %mul3A_763] : memref<2x320000xi32, #tpu.memory_space<hbm>> -> memref<1x64xi32, #tpu.memory_space<hbm>>
        %dma_start3A_777 = tpu.memref_squeeze %dma_start3A_776 : memref<1x64xi32, #tpu.memory_space<hbm>> -> memref<64xi32, #tpu.memory_space<hbm>>
        tpu.enqueue_dma source(%dma_start3A_777 : memref<64xi32, #tpu.memory_space<hbm>>) target(%dma_start3A_775 : memref<64xi32, #tpu.memory_space<vmem>>) target_semaphore(%dma_start3A_772 : memref<!tpu.dma_semaphore, #tpu.memory_space<semaphore_mem>>)
        %dma_start3A_778 = arith.constant 1 : i32
        %dma_start3A_779 = arith.constant 1 : i32
        %dma_start3A_780 = arith.constant 0 : i32
        %dma_start3A_781 = tpu.memref_slice %arg8[%rem3A_760, %dma_start3A_779, %dma_start3A_780] : memref<8x2x64xi32, #tpu.memory_space<vmem>> -> memref<1x1x64xi32, #tpu.memory_space<vmem>>
        %dma_start3A_782 = tpu.memref_squeeze %dma_start3A_781 : memref<1x1x64xi32, #tpu.memory_space<vmem>> -> memref<64xi32, #tpu.memory_space<vmem>>
        %dma_start3A_783 = tpu.memref_slice %arg3[%dma_start3A_778, %mul3A_763] : memref<2x320000xi32, #tpu.memory_space<hbm>> -> memref<1x64xi32, #tpu.memory_space<hbm>>
        %dma_start3A_784 = tpu.memref_squeeze %dma_start3A_783 : memref<1x64xi32, #tpu.memory_space<hbm>> -> memref<64xi32, #tpu.memory_space<hbm>>
        %dma_start3A_785 = tpu.memref_slice %arg12[%rem3A_760] : memref<8x!tpu.dma_semaphore, #tpu.memory_space<semaphore_mem>> -> memref<1x!tpu.dma_semaphore, #tpu.memory_space<semaphore_mem>>
        %dma_start3A_786 = tpu.memref_squeeze %dma_start3A_785 : memref<1x!tpu.dma_semaphore, #tpu.memory_space<semaphore_mem>> -> memref<!tpu.dma_semaphore, #tpu.memory_space<semaphore_mem>>
        %dma_start3A_787 = arith.constant 0 : i32
        %dma_start3A_788 = tpu.memref_slice %arg8[%rem3A_760, %dma_start3A_779, %dma_start3A_787] : memref<8x2x64xi32, #tpu.memory_space<vmem>> -> memref<1x1x64xi32, #tpu.memory_space<vmem>>
        %dma_start3A_789 = tpu.memref_squeeze %dma_start3A_788 : memref<1x1x64xi32, #tpu.memory_space<vmem>> -> memref<64xi32, #tpu.memory_space<vmem>>
        %dma_start3A_790 = tpu.memref_slice %arg3[%dma_start3A_778, %mul3A_763] : memref<2x320000xi32, #tpu.memory_space<hbm>> -> memref<1x64xi32, #tpu.memory_space<hbm>>
        %dma_start3A_791 = tpu.memref_squeeze %dma_start3A_790 : memref<1x64xi32, #tpu.memory_space<hbm>> -> memref<64xi32, #tpu.memory_space<hbm>>
        tpu.enqueue_dma source(%dma_start3A_791 : memref<64xi32, #tpu.memory_space<hbm>>) target(%dma_start3A_789 : memref<64xi32, #tpu.memory_space<vmem>>) target_semaphore(%dma_start3A_786 : memref<!tpu.dma_semaphore, #tpu.memory_space<semaphore_mem>>)
      } else {
      }
    }
    %ge3A = arith.constant 2 : i32
    %ge3A_548 = arith.cmpi sge, %sub3A, %ge3A : i32
    %convert_element_type3A_549 = arith.extui %ge3A_548 : i1 to i32
    %cond3A_550 = arith.constant 0 : i32
    %cond3A_551 = arith.cmpi ne, %convert_element_type3A_549, %cond3A_550 : i32
    scf.if %cond3A_551 {
      %sub3A_698 = arith.constant 2 : i32
      %sub3A_699 = arith.subi %sub3A, %sub3A_698 : i32
      %rem3A = arith.constant 5 : i32
      %rem3A_700 = arith.remsi %sub3A_699, %rem3A : i32
      %dma_wait3A_701 = arith.constant 0 : i32
      %dma_wait3A_702 = arith.constant 0 : i32
      %dma_wait3A_703 = tpu.memref_slice %arg9[%rem3A_700, %dma_wait3A_701, %dma_wait3A_702] : memref<5x64x128xf32, #tpu.memory_space<vmem>> -> memref<1x64x128xf32, #tpu.memory_space<vmem>>
      %dma_wait3A_704 = tpu.memref_squeeze %dma_wait3A_703 : memref<1x64x128xf32, #tpu.memory_space<vmem>> -> memref<64x128xf32, #tpu.memory_space<vmem>>
      %dma_wait3A_705 = arith.constant 0 : i32
      %dma_wait3A_706 = arith.constant 0 : i32
      %dma_wait3A_707 = tpu.memref_slice %arg2[%dma_wait3A_705, %dma_wait3A_706] : memref<10000x128xf32, #tpu.memory_space<hbm>> -> memref<64x128xf32, #tpu.memory_space<hbm>>
      %dma_wait3A_708 = tpu.memref_slice %arg14[%rem3A_700] : memref<5x!tpu.dma_semaphore, #tpu.memory_space<semaphore_mem>> -> memref<1x!tpu.dma_semaphore, #tpu.memory_space<semaphore_mem>>
      %dma_wait3A_709 = tpu.memref_squeeze %dma_wait3A_708 : memref<1x!tpu.dma_semaphore, #tpu.memory_space<semaphore_mem>> -> memref<!tpu.dma_semaphore, #tpu.memory_space<semaphore_mem>>
      %dma_wait3A_710 = arith.constant 0 : i32
      %dma_wait3A_711 = arith.constant 0 : i32
      %dma_wait3A_712 = tpu.memref_slice %arg9[%rem3A_700, %dma_wait3A_710, %dma_wait3A_711] : memref<5x64x128xf32, #tpu.memory_space<vmem>> -> memref<1x64x128xf32, #tpu.memory_space<vmem>>
      %dma_wait3A_713 = tpu.memref_squeeze %dma_wait3A_712 : memref<1x64x128xf32, #tpu.memory_space<vmem>> -> memref<64x128xf32, #tpu.memory_space<vmem>>
      %dma_wait3A_714 = arith.constant 0 : i32
      %dma_wait3A_715 = arith.constant 0 : i32
      %dma_wait3A_716 = tpu.memref_slice %arg2[%dma_wait3A_714, %dma_wait3A_715] : memref<10000x128xf32, #tpu.memory_space<hbm>> -> memref<64x128xf32, #tpu.memory_space<hbm>>
      tpu.wait_dma2 semaphore(%dma_wait3A_709 : memref<!tpu.dma_semaphore, #tpu.memory_space<semaphore_mem>>) src(%dma_wait3A_716 : memref<64x128xf32, #tpu.memory_space<hbm>>) dst(%dma_wait3A_713 : memref<64x128xf32, #tpu.memory_space<vmem>>)
      %dma_wait3A_717 = arith.constant 0 : i32
      %dma_wait3A_718 = arith.constant 0 : i32
      %dma_wait3A_719 = tpu.memref_slice %arg2[%dma_wait3A_717, %dma_wait3A_718] : memref<10000x128xf32, #tpu.memory_space<hbm>> -> memref<1x64xf32, #tpu.memory_space<hbm>>
      %dma_wait3A_720 = tpu.memref_squeeze %dma_wait3A_719 : memref<1x64xf32, #tpu.memory_space<hbm>> -> memref<64xf32, #tpu.memory_space<hbm>>
      %dma_wait3A_721 = tpu.memref_slice %arg16[%rem3A_700] : memref<5x!tpu.dma_semaphore, #tpu.memory_space<semaphore_mem>> -> memref<1x!tpu.dma_semaphore, #tpu.memory_space<semaphore_mem>>
      %dma_wait3A_722 = tpu.memref_squeeze %dma_wait3A_721 : memref<1x!tpu.dma_semaphore, #tpu.memory_space<semaphore_mem>> -> memref<!tpu.dma_semaphore, #tpu.memory_space<semaphore_mem>>
      %dma_wait3A_723 = arith.constant 0 : i32
      %dma_wait3A_724 = tpu.memref_slice %arg2[%dma_wait3A_717, %dma_wait3A_723] : memref<10000x128xf32, #tpu.memory_space<hbm>> -> memref<1x64xf32, #tpu.memory_space<hbm>>
      %dma_wait3A_725 = tpu.memref_squeeze %dma_wait3A_724 : memref<1x64xf32, #tpu.memory_space<hbm>> -> memref<64xf32, #tpu.memory_space<hbm>>
      tpu.wait_dma2 semaphore(%dma_wait3A_722 : memref<!tpu.dma_semaphore, #tpu.memory_space<semaphore_mem>>) src(%dma_wait3A_725 : memref<64xf32, #tpu.memory_space<hbm>>) dst(%arg10 : memref<64xf32, #tpu.memory_space<vmem>>)
    } else {
    }
    %ge3A_552 = arith.constant 1 : i32
    %ge3A_553 = arith.cmpi sge, %sub3A, %ge3A_552 : i32
    %convert_element_type3A_554 = arith.extui %ge3A_553 : i1 to i32
    %cond3A_555 = arith.constant 0 : i32
    %cond3A_556 = arith.cmpi ne, %convert_element_type3A_554, %cond3A_555 : i32
    scf.if %cond3A_556 {
      %sub3A_698 = arith.constant 1 : i32
      %sub3A_699 = arith.subi %sub3A, %sub3A_698 : i32
      %rem3A = arith.constant 5 : i32
      %rem3A_700 = arith.remsi %sub3A_699, %rem3A : i32
      %dma_wait3A_701 = arith.constant 0 : i32
      %dma_wait3A_702 = arith.constant 0 : i32
      %dma_wait3A_703 = tpu.memref_slice %arg9[%rem3A_700, %dma_wait3A_701, %dma_wait3A_702] : memref<5x64x128xf32, #tpu.memory_space<vmem>> -> memref<1x64x128xf32, #tpu.memory_space<vmem>>
      %dma_wait3A_704 = tpu.memref_squeeze %dma_wait3A_703 : memref<1x64x128xf32, #tpu.memory_space<vmem>> -> memref<64x128xf32, #tpu.memory_space<vmem>>
      %dma_wait3A_705 = arith.constant 0 : i32
      %dma_wait3A_706 = arith.constant 0 : i32
      %dma_wait3A_707 = tpu.memref_slice %arg2[%dma_wait3A_705, %dma_wait3A_706] : memref<10000x128xf32, #tpu.memory_space<hbm>> -> memref<64x128xf32, #tpu.memory_space<hbm>>
      %dma_wait3A_708 = tpu.memref_slice %arg14[%rem3A_700] : memref<5x!tpu.dma_semaphore, #tpu.memory_space<semaphore_mem>> -> memref<1x!tpu.dma_semaphore, #tpu.memory_space<semaphore_mem>>
      %dma_wait3A_709 = tpu.memref_squeeze %dma_wait3A_708 : memref<1x!tpu.dma_semaphore, #tpu.memory_space<semaphore_mem>> -> memref<!tpu.dma_semaphore, #tpu.memory_space<semaphore_mem>>
      %dma_wait3A_710 = arith.constant 0 : i32
      %dma_wait3A_711 = arith.constant 0 : i32
      %dma_wait3A_712 = tpu.memref_slice %arg9[%rem3A_700, %dma_wait3A_710, %dma_wait3A_711] : memref<5x64x128xf32, #tpu.memory_space<vmem>> -> memref<1x64x128xf32, #tpu.memory_space<vmem>>
      %dma_wait3A_713 = tpu.memref_squeeze %dma_wait3A_712 : memref<1x64x128xf32, #tpu.memory_space<vmem>> -> memref<64x128xf32, #tpu.memory_space<vmem>>
      %dma_wait3A_714 = arith.constant 0 : i32
      %dma_wait3A_715 = arith.constant 0 : i32
      %dma_wait3A_716 = tpu.memref_slice %arg2[%dma_wait3A_714, %dma_wait3A_715] : memref<10000x128xf32, #tpu.memory_space<hbm>> -> memref<64x128xf32, #tpu.memory_space<hbm>>
      tpu.wait_dma2 semaphore(%dma_wait3A_709 : memref<!tpu.dma_semaphore, #tpu.memory_space<semaphore_mem>>) src(%dma_wait3A_716 : memref<64x128xf32, #tpu.memory_space<hbm>>) dst(%dma_wait3A_713 : memref<64x128xf32, #tpu.memory_space<vmem>>)
      %dma_wait3A_717 = arith.constant 0 : i32
      %dma_wait3A_718 = arith.constant 0 : i32
      %dma_wait3A_719 = tpu.memref_slice %arg2[%dma_wait3A_717, %dma_wait3A_718] : memref<10000x128xf32, #tpu.memory_space<hbm>> -> memref<1x64xf32, #tpu.memory_space<hbm>>
      %dma_wait3A_720 = tpu.memref_squeeze %dma_wait3A_719 : memref<1x64xf32, #tpu.memory_space<hbm>> -> memref<64xf32, #tpu.memory_space<hbm>>
      %dma_wait3A_721 = tpu.memref_slice %arg16[%rem3A_700] : memref<5x!tpu.dma_semaphore, #tpu.memory_space<semaphore_mem>> -> memref<1x!tpu.dma_semaphore, #tpu.memory_space<semaphore_mem>>
      %dma_wait3A_722 = tpu.memref_squeeze %dma_wait3A_721 : memref<1x!tpu.dma_semaphore, #tpu.memory_space<semaphore_mem>> -> memref<!tpu.dma_semaphore, #tpu.memory_space<semaphore_mem>>
      %dma_wait3A_723 = arith.constant 0 : i32
      %dma_wait3A_724 = tpu.memref_slice %arg2[%dma_wait3A_717, %dma_wait3A_723] : memref<10000x128xf32, #tpu.memory_space<hbm>> -> memref<1x64xf32, #tpu.memory_space<hbm>>
      %dma_wait3A_725 = tpu.memref_squeeze %dma_wait3A_724 : memref<1x64xf32, #tpu.memory_space<hbm>> -> memref<64xf32, #tpu.memory_space<hbm>>
      tpu.wait_dma2 semaphore(%dma_wait3A_722 : memref<!tpu.dma_semaphore, #tpu.memory_space<semaphore_mem>>) src(%dma_wait3A_725 : memref<64xf32, #tpu.memory_space<hbm>>) dst(%arg10 : memref<64xf32, #tpu.memory_space<vmem>>)
    } else {
    }
    %barrier3A_557 = arith.constant 0 : index
    tpu.barrier barrier_id(%barrier3A_557)
    %add3A_558 = arith.constant 0 : i32
    %add3A_559 = arith.addi %mul3A_198, %add3A_558 : i32
    %dma_start3A_560 = arith.constant 0 : i32
    %dma_start3A_561 = tpu.memref_slice %arg4[%arg0, %add3A_559, %dma_start3A_560] : memref<2x10240x128xf32, #tpu.memory_space<hbm>> -> memref<1x64x128xf32, #tpu.memory_space<hbm>>
    %dma_start3A_562 = tpu.memref_squeeze %dma_start3A_561 : memref<1x64x128xf32, #tpu.memory_space<hbm>> -> memref<64x128xf32, #tpu.memory_space<hbm>>
    %dma_start3A_563 = arith.constant 0 : i32
    %dma_start3A_564 = tpu.memref_slice %arg6[%add3A_559, %dma_start3A_563] : memref<10240x128xf32, #tpu.memory_space<vmem_shared>> -> memref<64x128xf32, #tpu.memory_space<vmem_shared>>
    tpu.enqueue_dma source(%dma_start3A_564 : memref<64x128xf32, #tpu.memory_space<vmem_shared>>) target(%dma_start3A_562 : memref<64x128xf32, #tpu.memory_space<hbm>>) target_semaphore(%arg15 : memref<!tpu.dma_semaphore, #tpu.memory_space<semaphore_mem>>)
    %add3A_565 = arith.constant 64 : i32
    %add3A_566 = arith.addi %mul3A_198, %add3A_565 : i32
    %dma_start3A_567 = arith.constant 0 : i32
    %dma_start3A_568 = tpu.memref_slice %arg4[%arg0, %add3A_566, %dma_start3A_567] : memref<2x10240x128xf32, #tpu.memory_space<hbm>> -> memref<1x64x128xf32, #tpu.memory_space<hbm>>
    %dma_start3A_569 = tpu.memref_squeeze %dma_start3A_568 : memref<1x64x128xf32, #tpu.memory_space<hbm>> -> memref<64x128xf32, #tpu.memory_space<hbm>>
    %dma_start3A_570 = arith.constant 0 : i32
    %dma_start3A_571 = tpu.memref_slice %arg6[%add3A_566, %dma_start3A_570] : memref<10240x128xf32, #tpu.memory_space<vmem_shared>> -> memref<64x128xf32, #tpu.memory_space<vmem_shared>>
    tpu.enqueue_dma source(%dma_start3A_571 : memref<64x128xf32, #tpu.memory_space<vmem_shared>>) target(%dma_start3A_569 : memref<64x128xf32, #tpu.memory_space<hbm>>) target_semaphore(%arg15 : memref<!tpu.dma_semaphore, #tpu.memory_space<semaphore_mem>>)
    %add3A_572 = arith.constant 128 : i32
    %add3A_573 = arith.addi %mul3A_198, %add3A_572 : i32
    %dma_start3A_574 = arith.constant 0 : i32
    %dma_start3A_575 = tpu.memref_slice %arg4[%arg0, %add3A_573, %dma_start3A_574] : memref<2x10240x128xf32, #tpu.memory_space<hbm>> -> memref<1x64x128xf32, #tpu.memory_space<hbm>>
    %dma_start3A_576 = tpu.memref_squeeze %dma_start3A_575 : memref<1x64x128xf32, #tpu.memory_space<hbm>> -> memref<64x128xf32, #tpu.memory_space<hbm>>
    %dma_start3A_577 = arith.constant 0 : i32
    %dma_start3A_578 = tpu.memref_slice %arg6[%add3A_573, %dma_start3A_577] : memref<10240x128xf32, #tpu.memory_space<vmem_shared>> -> memref<64x128xf32, #tpu.memory_space<vmem_shared>>
    tpu.enqueue_dma source(%dma_start3A_578 : memref<64x128xf32, #tpu.memory_space<vmem_shared>>) target(%dma_start3A_576 : memref<64x128xf32, #tpu.memory_space<hbm>>) target_semaphore(%arg15 : memref<!tpu.dma_semaphore, #tpu.memory_space<semaphore_mem>>)
    %add3A_579 = arith.constant 192 : i32
    %add3A_580 = arith.addi %mul3A_198, %add3A_579 : i32
    %dma_start3A_581 = arith.constant 0 : i32
    %dma_start3A_582 = tpu.memref_slice %arg4[%arg0, %add3A_580, %dma_start3A_581] : memref<2x10240x128xf32, #tpu.memory_space<hbm>> -> memref<1x64x128xf32, #tpu.memory_space<hbm>>
    %dma_start3A_583 = tpu.memref_squeeze %dma_start3A_582 : memref<1x64x128xf32, #tpu.memory_space<hbm>> -> memref<64x128xf32, #tpu.memory_space<hbm>>
    %dma_start3A_584 = arith.constant 0 : i32
    %dma_start3A_585 = tpu.memref_slice %arg6[%add3A_580, %dma_start3A_584] : memref<10240x128xf32, #tpu.memory_space<vmem_shared>> -> memref<64x128xf32, #tpu.memory_space<vmem_shared>>
    tpu.enqueue_dma source(%dma_start3A_585 : memref<64x128xf32, #tpu.memory_space<vmem_shared>>) target(%dma_start3A_583 : memref<64x128xf32, #tpu.memory_space<hbm>>) target_semaphore(%arg15 : memref<!tpu.dma_semaphore, #tpu.memory_space<semaphore_mem>>)
    %add3A_586 = arith.constant 256 : i32
    %add3A_587 = arith.addi %mul3A_198, %add3A_586 : i32
    %dma_start3A_588 = arith.constant 0 : i32
    %dma_start3A_589 = tpu.memref_slice %arg4[%arg0, %add3A_587, %dma_start3A_588] : memref<2x10240x128xf32, #tpu.memory_space<hbm>> -> memref<1x64x128xf32, #tpu.memory_space<hbm>>
    %dma_start3A_590 = tpu.memref_squeeze %dma_start3A_589 : memref<1x64x128xf32, #tpu.memory_space<hbm>> -> memref<64x128xf32, #tpu.memory_space<hbm>>
    %dma_start3A_591 = arith.constant 0 : i32
    %dma_start3A_592 = tpu.memref_slice %arg6[%add3A_587, %dma_start3A_591] : memref<10240x128xf32, #tpu.memory_space<vmem_shared>> -> memref<64x128xf32, #tpu.memory_space<vmem_shared>>
    tpu.enqueue_dma source(%dma_start3A_592 : memref<64x128xf32, #tpu.memory_space<vmem_shared>>) target(%dma_start3A_590 : memref<64x128xf32, #tpu.memory_space<hbm>>) target_semaphore(%arg15 : memref<!tpu.dma_semaphore, #tpu.memory_space<semaphore_mem>>)
    %add3A_593 = arith.constant 320 : i32
    %add3A_594 = arith.addi %mul3A_198, %add3A_593 : i32
    %dma_start3A_595 = arith.constant 0 : i32
    %dma_start3A_596 = tpu.memref_slice %arg4[%arg0, %add3A_594, %dma_start3A_595] : memref<2x10240x128xf32, #tpu.memory_space<hbm>> -> memref<1x64x128xf32, #tpu.memory_space<hbm>>
    %dma_start3A_597 = tpu.memref_squeeze %dma_start3A_596 : memref<1x64x128xf32, #tpu.memory_space<hbm>> -> memref<64x128xf32, #tpu.memory_space<hbm>>
    %dma_start3A_598 = arith.constant 0 : i32
    %dma_start3A_599 = tpu.memref_slice %arg6[%add3A_594, %dma_start3A_598] : memref<10240x128xf32, #tpu.memory_space<vmem_shared>> -> memref<64x128xf32, #tpu.memory_space<vmem_shared>>
    tpu.enqueue_dma source(%dma_start3A_599 : memref<64x128xf32, #tpu.memory_space<vmem_shared>>) target(%dma_start3A_597 : memref<64x128xf32, #tpu.memory_space<hbm>>) target_semaphore(%arg15 : memref<!tpu.dma_semaphore, #tpu.memory_space<semaphore_mem>>)
    %add3A_600 = arith.constant 384 : i32
    %add3A_601 = arith.addi %mul3A_198, %add3A_600 : i32
    %dma_start3A_602 = arith.constant 0 : i32
    %dma_start3A_603 = tpu.memref_slice %arg4[%arg0, %add3A_601, %dma_start3A_602] : memref<2x10240x128xf32, #tpu.memory_space<hbm>> -> memref<1x64x128xf32, #tpu.memory_space<hbm>>
    %dma_start3A_604 = tpu.memref_squeeze %dma_start3A_603 : memref<1x64x128xf32, #tpu.memory_space<hbm>> -> memref<64x128xf32, #tpu.memory_space<hbm>>
    %dma_start3A_605 = arith.constant 0 : i32
    %dma_start3A_606 = tpu.memref_slice %arg6[%add3A_601, %dma_start3A_605] : memref<10240x128xf32, #tpu.memory_space<vmem_shared>> -> memref<64x128xf32, #tpu.memory_space<vmem_shared>>
    tpu.enqueue_dma source(%dma_start3A_606 : memref<64x128xf32, #tpu.memory_space<vmem_shared>>) target(%dma_start3A_604 : memref<64x128xf32, #tpu.memory_space<hbm>>) target_semaphore(%arg15 : memref<!tpu.dma_semaphore, #tpu.memory_space<semaphore_mem>>)
    %add3A_607 = arith.constant 448 : i32
    %add3A_608 = arith.addi %mul3A_198, %add3A_607 : i32
    %dma_start3A_609 = arith.constant 0 : i32
    %dma_start3A_610 = tpu.memref_slice %arg4[%arg0, %add3A_608, %dma_start3A_609] : memref<2x10240x128xf32, #tpu.memory_space<hbm>> -> memref<1x64x128xf32, #tpu.memory_space<hbm>>
    %dma_start3A_611 = tpu.memref_squeeze %dma_start3A_610 : memref<1x64x128xf32, #tpu.memory_space<hbm>> -> memref<64x128xf32, #tpu.memory_space<hbm>>
    %dma_start3A_612 = arith.constant 0 : i32
    %dma_start3A_613 = tpu.memref_slice %arg6[%add3A_608, %dma_start3A_612] : memref<10240x128xf32, #tpu.memory_space<vmem_shared>> -> memref<64x128xf32, #tpu.memory_space<vmem_shared>>
    tpu.enqueue_dma source(%dma_start3A_613 : memref<64x128xf32, #tpu.memory_space<vmem_shared>>) target(%dma_start3A_611 : memref<64x128xf32, #tpu.memory_space<hbm>>) target_semaphore(%arg15 : memref<!tpu.dma_semaphore, #tpu.memory_space<semaphore_mem>>)
    %add3A_614 = arith.constant 512 : i32
    %add3A_615 = arith.addi %mul3A_198, %add3A_614 : i32
    %dma_start3A_616 = arith.constant 0 : i32
    %dma_start3A_617 = tpu.memref_slice %arg4[%arg0, %add3A_615, %dma_start3A_616] : memref<2x10240x128xf32, #tpu.memory_space<hbm>> -> memref<1x64x128xf32, #tpu.memory_space<hbm>>
    %dma_start3A_618 = tpu.memref_squeeze %dma_start3A_617 : memref<1x64x128xf32, #tpu.memory_space<hbm>> -> memref<64x128xf32, #tpu.memory_space<hbm>>
    %dma_start3A_619 = arith.constant 0 : i32
    %dma_start3A_620 = tpu.memref_slice %arg6[%add3A_615, %dma_start3A_619] : memref<10240x128xf32, #tpu.memory_space<vmem_shared>> -> memref<64x128xf32, #tpu.memory_space<vmem_shared>>
    tpu.enqueue_dma source(%dma_start3A_620 : memref<64x128xf32, #tpu.memory_space<vmem_shared>>) target(%dma_start3A_618 : memref<64x128xf32, #tpu.memory_space<hbm>>) target_semaphore(%arg15 : memref<!tpu.dma_semaphore, #tpu.memory_space<semaphore_mem>>)
    %add3A_621 = arith.constant 576 : i32
    %add3A_622 = arith.addi %mul3A_198, %add3A_621 : i32
    %dma_start3A_623 = arith.constant 0 : i32
    %dma_start3A_624 = tpu.memref_slice %arg4[%arg0, %add3A_622, %dma_start3A_623] : memref<2x10240x128xf32, #tpu.memory_space<hbm>> -> memref<1x64x128xf32, #tpu.memory_space<hbm>>
    %dma_start3A_625 = tpu.memref_squeeze %dma_start3A_624 : memref<1x64x128xf32, #tpu.memory_space<hbm>> -> memref<64x128xf32, #tpu.memory_space<hbm>>
    %dma_start3A_626 = arith.constant 0 : i32
    %dma_start3A_627 = tpu.memref_slice %arg6[%add3A_622, %dma_start3A_626] : memref<10240x128xf32, #tpu.memory_space<vmem_shared>> -> memref<64x128xf32, #tpu.memory_space<vmem_shared>>
    tpu.enqueue_dma source(%dma_start3A_627 : memref<64x128xf32, #tpu.memory_space<vmem_shared>>) target(%dma_start3A_625 : memref<64x128xf32, #tpu.memory_space<hbm>>) target_semaphore(%arg15 : memref<!tpu.dma_semaphore, #tpu.memory_space<semaphore_mem>>)
    "tpu.region"() ({
      %run_scoped3A = tpu.sem_alloc : memref<!tpu.dma_semaphore, #tpu.memory_space<semaphore_mem>>
      %dma_start3A_698 = tpu.memref_slice %arg5[%arg0, %mul3A_198] : memref<2x10240xf32, #tpu.memory_space<hbm>> -> memref<1x640xf32, #tpu.memory_space<hbm>>
      %dma_start3A_699 = tpu.memref_squeeze %dma_start3A_698 : memref<1x640xf32, #tpu.memory_space<hbm>> -> memref<640xf32, #tpu.memory_space<hbm>>
      %dma_start3A_700 = tpu.memref_slice %arg7[%mul3A_198] : memref<10240xf32, #tpu.memory_space<vmem_shared>> -> memref<640xf32, #tpu.memory_space<vmem_shared>>
      tpu.enqueue_dma source(%dma_start3A_700 : memref<640xf32, #tpu.memory_space<vmem_shared>>) target(%dma_start3A_699 : memref<640xf32, #tpu.memory_space<hbm>>) target_semaphore(%run_scoped3A : memref<!tpu.dma_semaphore, #tpu.memory_space<semaphore_mem>>)
      %dma_wait3A_701 = tpu.memref_slice %arg5[%arg0, %mul3A_198] : memref<2x10240xf32, #tpu.memory_space<hbm>> -> memref<1x640xf32, #tpu.memory_space<hbm>>
      %dma_wait3A_702 = tpu.memref_squeeze %dma_wait3A_701 : memref<1x640xf32, #tpu.memory_space<hbm>> -> memref<640xf32, #tpu.memory_space<hbm>>
      %dma_wait3A_703 = tpu.memref_slice %arg7[%mul3A_198] : memref<10240xf32, #tpu.memory_space<vmem_shared>> -> memref<640xf32, #tpu.memory_space<vmem_shared>>
      tpu.wait_dma2 semaphore(%run_scoped3A : memref<!tpu.dma_semaphore, #tpu.memory_space<semaphore_mem>>) src(%dma_wait3A_703 : memref<640xf32, #tpu.memory_space<vmem_shared>>) dst(%dma_wait3A_702 : memref<640xf32, #tpu.memory_space<hbm>>)
      tpu.yield
    }) : () -> ()
    %add3A_628 = arith.constant 0 : i32
    %add3A_629 = arith.addi %mul3A_198, %add3A_628 : i32
    %dma_wait3A_630 = arith.constant 0 : i32
    %dma_wait3A_631 = tpu.memref_slice %arg4[%arg0, %add3A_629, %dma_wait3A_630] : memref<2x10240x128xf32, #tpu.memory_space<hbm>> -> memref<1x64x128xf32, #tpu.memory_space<hbm>>
    %dma_wait3A_632 = tpu.memref_squeeze %dma_wait3A_631 : memref<1x64x128xf32, #tpu.memory_space<hbm>> -> memref<64x128xf32, #tpu.memory_space<hbm>>
    %dma_wait3A_633 = arith.constant 0 : i32
    %dma_wait3A_634 = tpu.memref_slice %arg6[%add3A_629, %dma_wait3A_633] : memref<10240x128xf32, #tpu.memory_space<vmem_shared>> -> memref<64x128xf32, #tpu.memory_space<vmem_shared>>
    tpu.wait_dma2 semaphore(%arg15 : memref<!tpu.dma_semaphore, #tpu.memory_space<semaphore_mem>>) src(%dma_wait3A_634 : memref<64x128xf32, #tpu.memory_space<vmem_shared>>) dst(%dma_wait3A_632 : memref<64x128xf32, #tpu.memory_space<hbm>>)
    %add3A_635 = arith.constant 64 : i32
    %add3A_636 = arith.addi %mul3A_198, %add3A_635 : i32
    %dma_wait3A_637 = arith.constant 0 : i32
    %dma_wait3A_638 = tpu.memref_slice %arg4[%arg0, %add3A_636, %dma_wait3A_637] : memref<2x10240x128xf32, #tpu.memory_space<hbm>> -> memref<1x64x128xf32, #tpu.memory_space<hbm>>
    %dma_wait3A_639 = tpu.memref_squeeze %dma_wait3A_638 : memref<1x64x128xf32, #tpu.memory_space<hbm>> -> memref<64x128xf32, #tpu.memory_space<hbm>>
    %dma_wait3A_640 = arith.constant 0 : i32
    %dma_wait3A_641 = tpu.memref_slice %arg6[%add3A_636, %dma_wait3A_640] : memref<10240x128xf32, #tpu.memory_space<vmem_shared>> -> memref<64x128xf32, #tpu.memory_space<vmem_shared>>
    tpu.wait_dma2 semaphore(%arg15 : memref<!tpu.dma_semaphore, #tpu.memory_space<semaphore_mem>>) src(%dma_wait3A_641 : memref<64x128xf32, #tpu.memory_space<vmem_shared>>) dst(%dma_wait3A_639 : memref<64x128xf32, #tpu.memory_space<hbm>>)
    %add3A_642 = arith.constant 128 : i32
    %add3A_643 = arith.addi %mul3A_198, %add3A_642 : i32
    %dma_wait3A_644 = arith.constant 0 : i32
    %dma_wait3A_645 = tpu.memref_slice %arg4[%arg0, %add3A_643, %dma_wait3A_644] : memref<2x10240x128xf32, #tpu.memory_space<hbm>> -> memref<1x64x128xf32, #tpu.memory_space<hbm>>
    %dma_wait3A_646 = tpu.memref_squeeze %dma_wait3A_645 : memref<1x64x128xf32, #tpu.memory_space<hbm>> -> memref<64x128xf32, #tpu.memory_space<hbm>>
    %dma_wait3A_647 = arith.constant 0 : i32
    %dma_wait3A_648 = tpu.memref_slice %arg6[%add3A_643, %dma_wait3A_647] : memref<10240x128xf32, #tpu.memory_space<vmem_shared>> -> memref<64x128xf32, #tpu.memory_space<vmem_shared>>
    tpu.wait_dma2 semaphore(%arg15 : memref<!tpu.dma_semaphore, #tpu.memory_space<semaphore_mem>>) src(%dma_wait3A_648 : memref<64x128xf32, #tpu.memory_space<vmem_shared>>) dst(%dma_wait3A_646 : memref<64x128xf32, #tpu.memory_space<hbm>>)
    %add3A_649 = arith.constant 192 : i32
    %add3A_650 = arith.addi %mul3A_198, %add3A_649 : i32
    %dma_wait3A_651 = arith.constant 0 : i32
    %dma_wait3A_652 = tpu.memref_slice %arg4[%arg0, %add3A_650, %dma_wait3A_651] : memref<2x10240x128xf32, #tpu.memory_space<hbm>> -> memref<1x64x128xf32, #tpu.memory_space<hbm>>
    %dma_wait3A_653 = tpu.memref_squeeze %dma_wait3A_652 : memref<1x64x128xf32, #tpu.memory_space<hbm>> -> memref<64x128xf32, #tpu.memory_space<hbm>>
    %dma_wait3A_654 = arith.constant 0 : i32
    %dma_wait3A_655 = tpu.memref_slice %arg6[%add3A_650, %dma_wait3A_654] : memref<10240x128xf32, #tpu.memory_space<vmem_shared>> -> memref<64x128xf32, #tpu.memory_space<vmem_shared>>
    tpu.wait_dma2 semaphore(%arg15 : memref<!tpu.dma_semaphore, #tpu.memory_space<semaphore_mem>>) src(%dma_wait3A_655 : memref<64x128xf32, #tpu.memory_space<vmem_shared>>) dst(%dma_wait3A_653 : memref<64x128xf32, #tpu.memory_space<hbm>>)
    %add3A_656 = arith.constant 256 : i32
    %add3A_657 = arith.addi %mul3A_198, %add3A_656 : i32
    %dma_wait3A_658 = arith.constant 0 : i32
    %dma_wait3A_659 = tpu.memref_slice %arg4[%arg0, %add3A_657, %dma_wait3A_658] : memref<2x10240x128xf32, #tpu.memory_space<hbm>> -> memref<1x64x128xf32, #tpu.memory_space<hbm>>
    %dma_wait3A_660 = tpu.memref_squeeze %dma_wait3A_659 : memref<1x64x128xf32, #tpu.memory_space<hbm>> -> memref<64x128xf32, #tpu.memory_space<hbm>>
    %dma_wait3A_661 = arith.constant 0 : i32
    %dma_wait3A_662 = tpu.memref_slice %arg6[%add3A_657, %dma_wait3A_661] : memref<10240x128xf32, #tpu.memory_space<vmem_shared>> -> memref<64x128xf32, #tpu.memory_space<vmem_shared>>
    tpu.wait_dma2 semaphore(%arg15 : memref<!tpu.dma_semaphore, #tpu.memory_space<semaphore_mem>>) src(%dma_wait3A_662 : memref<64x128xf32, #tpu.memory_space<vmem_shared>>) dst(%dma_wait3A_660 : memref<64x128xf32, #tpu.memory_space<hbm>>)
    %add3A_663 = arith.constant 320 : i32
    %add3A_664 = arith.addi %mul3A_198, %add3A_663 : i32
    %dma_wait3A_665 = arith.constant 0 : i32
    %dma_wait3A_666 = tpu.memref_slice %arg4[%arg0, %add3A_664, %dma_wait3A_665] : memref<2x10240x128xf32, #tpu.memory_space<hbm>> -> memref<1x64x128xf32, #tpu.memory_space<hbm>>
    %dma_wait3A_667 = tpu.memref_squeeze %dma_wait3A_666 : memref<1x64x128xf32, #tpu.memory_space<hbm>> -> memref<64x128xf32, #tpu.memory_space<hbm>>
    %dma_wait3A_668 = arith.constant 0 : i32
    %dma_wait3A_669 = tpu.memref_slice %arg6[%add3A_664, %dma_wait3A_668] : memref<10240x128xf32, #tpu.memory_space<vmem_shared>> -> memref<64x128xf32, #tpu.memory_space<vmem_shared>>
    tpu.wait_dma2 semaphore(%arg15 : memref<!tpu.dma_semaphore, #tpu.memory_space<semaphore_mem>>) src(%dma_wait3A_669 : memref<64x128xf32, #tpu.memory_space<vmem_shared>>) dst(%dma_wait3A_667 : memref<64x128xf32, #tpu.memory_space<hbm>>)
    %add3A_670 = arith.constant 384 : i32
    %add3A_671 = arith.addi %mul3A_198, %add3A_670 : i32
    %dma_wait3A_672 = arith.constant 0 : i32
    %dma_wait3A_673 = tpu.memref_slice %arg4[%arg0, %add3A_671, %dma_wait3A_672] : memref<2x10240x128xf32, #tpu.memory_space<hbm>> -> memref<1x64x128xf32, #tpu.memory_space<hbm>>
    %dma_wait3A_674 = tpu.memref_squeeze %dma_wait3A_673 : memref<1x64x128xf32, #tpu.memory_space<hbm>> -> memref<64x128xf32, #tpu.memory_space<hbm>>
    %dma_wait3A_675 = arith.constant 0 : i32
    %dma_wait3A_676 = tpu.memref_slice %arg6[%add3A_671, %dma_wait3A_675] : memref<10240x128xf32, #tpu.memory_space<vmem_shared>> -> memref<64x128xf32, #tpu.memory_space<vmem_shared>>
    tpu.wait_dma2 semaphore(%arg15 : memref<!tpu.dma_semaphore, #tpu.memory_space<semaphore_mem>>) src(%dma_wait3A_676 : memref<64x128xf32, #tpu.memory_space<vmem_shared>>) dst(%dma_wait3A_674 : memref<64x128xf32, #tpu.memory_space<hbm>>)
    %add3A_677 = arith.constant 448 : i32
    %add3A_678 = arith.addi %mul3A_198, %add3A_677 : i32
    %dma_wait3A_679 = arith.constant 0 : i32
    %dma_wait3A_680 = tpu.memref_slice %arg4[%arg0, %add3A_678, %dma_wait3A_679] : memref<2x10240x128xf32, #tpu.memory_space<hbm>> -> memref<1x64x128xf32, #tpu.memory_space<hbm>>
    %dma_wait3A_681 = tpu.memref_squeeze %dma_wait3A_680 : memref<1x64x128xf32, #tpu.memory_space<hbm>> -> memref<64x128xf32, #tpu.memory_space<hbm>>
    %dma_wait3A_682 = arith.constant 0 : i32
    %dma_wait3A_683 = tpu.memref_slice %arg6[%add3A_678, %dma_wait3A_682] : memref<10240x128xf32, #tpu.memory_space<vmem_shared>> -> memref<64x128xf32, #tpu.memory_space<vmem_shared>>
    tpu.wait_dma2 semaphore(%arg15 : memref<!tpu.dma_semaphore, #tpu.memory_space<semaphore_mem>>) src(%dma_wait3A_683 : memref<64x128xf32, #tpu.memory_space<vmem_shared>>) dst(%dma_wait3A_681 : memref<64x128xf32, #tpu.memory_space<hbm>>)
    %add3A_684 = arith.constant 512 : i32
    %add3A_685 = arith.addi %mul3A_198, %add3A_684 : i32
    %dma_wait3A_686 = arith.constant 0 : i32
    %dma_wait3A_687 = tpu.memref_slice %arg4[%arg0, %add3A_685, %dma_wait3A_686] : memref<2x10240x128xf32, #tpu.memory_space<hbm>> -> memref<1x64x128xf32, #tpu.memory_space<hbm>>
    %dma_wait3A_688 = tpu.memref_squeeze %dma_wait3A_687 : memref<1x64x128xf32, #tpu.memory_space<hbm>> -> memref<64x128xf32, #tpu.memory_space<hbm>>
    %dma_wait3A_689 = arith.constant 0 : i32
    %dma_wait3A_690 = tpu.memref_slice %arg6[%add3A_685, %dma_wait3A_689] : memref<10240x128xf32, #tpu.memory_space<vmem_shared>> -> memref<64x128xf32, #tpu.memory_space<vmem_shared>>
    tpu.wait_dma2 semaphore(%arg15 : memref<!tpu.dma_semaphore, #tpu.memory_space<semaphore_mem>>) src(%dma_wait3A_690 : memref<64x128xf32, #tpu.memory_space<vmem_shared>>) dst(%dma_wait3A_688 : memref<64x128xf32, #tpu.memory_space<hbm>>)
    %add3A_691 = arith.constant 576 : i32
    %add3A_692 = arith.addi %mul3A_198, %add3A_691 : i32
    %dma_wait3A_693 = arith.constant 0 : i32
    %dma_wait3A_694 = tpu.memref_slice %arg4[%arg0, %add3A_692, %dma_wait3A_693] : memref<2x10240x128xf32, #tpu.memory_space<hbm>> -> memref<1x64x128xf32, #tpu.memory_space<hbm>>
    %dma_wait3A_695 = tpu.memref_squeeze %dma_wait3A_694 : memref<1x64x128xf32, #tpu.memory_space<hbm>> -> memref<64x128xf32, #tpu.memory_space<hbm>>
    %dma_wait3A_696 = arith.constant 0 : i32
    %dma_wait3A_697 = tpu.memref_slice %arg6[%add3A_692, %dma_wait3A_696] : memref<10240x128xf32, #tpu.memory_space<vmem_shared>> -> memref<64x128xf32, #tpu.memory_space<vmem_shared>>
    tpu.wait_dma2 semaphore(%arg15 : memref<!tpu.dma_semaphore, #tpu.memory_space<semaphore_mem>>) src(%dma_wait3A_697 : memref<64x128xf32, #tpu.memory_space<vmem_shared>>) dst(%dma_wait3A_695 : memref<64x128xf32, #tpu.memory_space<hbm>>)
    return
  }
}

#map = affine_map<(d0, d1) -> (0, 0)>
#map1 = affine_map<(d0, d1) -> (0, 0, 0)>
module attributes {stable_mosaic.version = 14 : i64} {
  func.func @body(%arg0: i32, %arg1: i32, %arg2: memref<10000x128xf32, #tpu.memory_space<hbm>>, %arg3: memref<2x320000xi32, #tpu.memory_space<hbm>>, %arg4: memref<2x10240x128xf32, #tpu.memory_space<hbm>>, %arg5: memref<10240x128xf32, #tpu.memory_space<vmem_shared>>, %arg6: memref<8x2x64xi32, #tpu.memory_space<vmem>>, %arg7: memref<5x64x128xf32, #tpu.memory_space<vmem>>, %arg8: memref<8x!tpu.dma_semaphore, #tpu.memory_space<semaphore_mem>>, %arg9: memref<5x!tpu.dma_semaphore, #tpu.memory_space<semaphore_mem>>, %arg10: memref<5x!tpu.dma_semaphore, #tpu.memory_space<semaphore_mem>>, %arg11: memref<!tpu.dma_semaphore, #tpu.memory_space<semaphore_mem>>) attributes {dimension_semantics = [#tpu.dimension_semantics<core_parallel>, #tpu.dimension_semantics<subcore_parallel>], iteration_bounds = array<i64: 2, 16>, scalar_prefetch = 0 : i64, scratch_operands = 7 : i64, tpu.core_type = #tpu.core_type<sc_vector_subcore>, window_params = [{transform_indices = #map}, {transform_indices = #map}, {transform_indices = #map1}]} {
    %eq3A = arith.constant 0 : i32
    %eq3A_0 = arith.cmpi eq, %arg0, %eq3A : i32
    %jit3A = arith.constant 2500 : i32
    %jit3A_1 = arith.constant 2500 : i32
    %select_n3A = arith.select %eq3A_0, %jit3A, %jit3A_1 : i32
    %eq3A_2 = arith.constant 0 : i32
    %eq3A_3 = arith.cmpi eq, %arg0, %eq3A_2 : i32
    %jit3A_4 = arith.constant 0 : i32
    %jit3A_5 = arith.constant 2500 : i32
    %select_n3A_6 = arith.select %eq3A_3, %jit3A_4, %jit3A_5 : i32
    %mul3A = arith.muli %arg1, %select_n3A : i32
    %div3A = arith.constant 16 : i32
    %div3A_7 = arith.divsi %mul3A, %div3A : i32
    %add3A = arith.addi %select_n3A_6, %div3A_7 : i32
    %add3A_8 = arith.constant 1 : i32
    %add3A_9 = arith.addi %arg1, %add3A_8 : i32
    %mul3A_10 = arith.muli %add3A_9, %select_n3A : i32
    %div3A_11 = arith.constant 16 : i32
    %div3A_12 = arith.divsi %mul3A_10, %div3A_11 : i32
    %add3A_13 = arith.addi %select_n3A_6, %div3A_12 : i32
    %sub3A = arith.subi %add3A_13, %add3A : i32
    %broadcast_in_dim3A = arith.constant 0.000000e+00 : f32
    %broadcast_in_dim3A_14 = vector.broadcast %broadcast_in_dim3A : f32 to vector<16xf32>
    %scan3A = arith.constant 0 : i32
    %scan3A_15 = arith.constant 0 : i32
    %scan3A_16 = arith.constant 64 : i32
    %scan3A_17 = arith.addi %scan3A_15, %scan3A_16 : i32
    %scan3A_18 = arith.constant 1 : i32
    scf.for %scan3A_521 = %scan3A_15 to %scan3A_17 step %scan3A_18  : i32 {
      %swap3A = arith.constant 0 : i32
      %swap3A_522 = arith.index_cast %swap3A : i32 to index
      %swap3A_523 = arith.index_cast %scan3A_521 : i32 to index
      %swap3A_524 = arith.constant 0 : index
      %swap3A_525 = tpu.vector_load %arg7[%swap3A_522, %swap3A_523, %swap3A_524] {strides = array<i32>} : memref<5x64x128xf32, #tpu.memory_space<vmem>>, vector<1x1x16xf32>,
      %swap3A_526 = vector.shape_cast %swap3A_525 : vector<1x1x16xf32> to vector<16xf32>
      %swap3A_527 = vector.shape_cast %broadcast_in_dim3A_14 : vector<16xf32> to vector<1x1x16xf32>
      tpu.vector_store %arg7[%swap3A_522, %swap3A_523, %swap3A_524], %swap3A_527 {strides = array<i32>} : memref<5x64x128xf32, #tpu.memory_space<vmem>>, vector<1x1x16xf32>,
      %swap3A_528 = arith.constant 0 : i32
      %swap3A_529 = arith.index_cast %swap3A_528 : i32 to index
      %swap3A_530 = arith.index_cast %scan3A_521 : i32 to index
      %swap3A_531 = arith.constant 16 : index
      %swap3A_532 = tpu.vector_load %arg7[%swap3A_529, %swap3A_530, %swap3A_531] {strides = array<i32>} : memref<5x64x128xf32, #tpu.memory_space<vmem>>, vector<1x1x16xf32>,
      %swap3A_533 = vector.shape_cast %swap3A_532 : vector<1x1x16xf32> to vector<16xf32>
      %swap3A_534 = vector.shape_cast %broadcast_in_dim3A_14 : vector<16xf32> to vector<1x1x16xf32>
      tpu.vector_store %arg7[%swap3A_529, %swap3A_530, %swap3A_531], %swap3A_534 {strides = array<i32>} : memref<5x64x128xf32, #tpu.memory_space<vmem>>, vector<1x1x16xf32>,
      %swap3A_535 = arith.constant 0 : i32
      %swap3A_536 = arith.index_cast %swap3A_535 : i32 to index
      %swap3A_537 = arith.index_cast %scan3A_521 : i32 to index
      %swap3A_538 = arith.constant 32 : index
      %swap3A_539 = tpu.vector_load %arg7[%swap3A_536, %swap3A_537, %swap3A_538] {strides = array<i32>} : memref<5x64x128xf32, #tpu.memory_space<vmem>>, vector<1x1x16xf32>,
      %swap3A_540 = vector.shape_cast %swap3A_539 : vector<1x1x16xf32> to vector<16xf32>
      %swap3A_541 = vector.shape_cast %broadcast_in_dim3A_14 : vector<16xf32> to vector<1x1x16xf32>
      tpu.vector_store %arg7[%swap3A_536, %swap3A_537, %swap3A_538], %swap3A_541 {strides = array<i32>} : memref<5x64x128xf32, #tpu.memory_space<vmem>>, vector<1x1x16xf32>,
      %swap3A_542 = arith.constant 0 : i32
      %swap3A_543 = arith.index_cast %swap3A_542 : i32 to index
      %swap3A_544 = arith.index_cast %scan3A_521 : i32 to index
      %swap3A_545 = arith.constant 48 : index
      %swap3A_546 = tpu.vector_load %arg7[%swap3A_543, %swap3A_544, %swap3A_545] {strides = array<i32>} : memref<5x64x128xf32, #tpu.memory_space<vmem>>, vector<1x1x16xf32>,
      %swap3A_547 = vector.shape_cast %swap3A_546 : vector<1x1x16xf32> to vector<16xf32>
      %swap3A_548 = vector.shape_cast %broadcast_in_dim3A_14 : vector<16xf32> to vector<1x1x16xf32>
      tpu.vector_store %arg7[%swap3A_543, %swap3A_544, %swap3A_545], %swap3A_548 {strides = array<i32>} : memref<5x64x128xf32, #tpu.memory_space<vmem>>, vector<1x1x16xf32>,
      %swap3A_549 = arith.constant 0 : i32
      %swap3A_550 = arith.index_cast %swap3A_549 : i32 to index
      %swap3A_551 = arith.index_cast %scan3A_521 : i32 to index
      %swap3A_552 = arith.constant 64 : index
      %swap3A_553 = tpu.vector_load %arg7[%swap3A_550, %swap3A_551, %swap3A_552] {strides = array<i32>} : memref<5x64x128xf32, #tpu.memory_space<vmem>>, vector<1x1x16xf32>,
      %swap3A_554 = vector.shape_cast %swap3A_553 : vector<1x1x16xf32> to vector<16xf32>
      %swap3A_555 = vector.shape_cast %broadcast_in_dim3A_14 : vector<16xf32> to vector<1x1x16xf32>
      tpu.vector_store %arg7[%swap3A_550, %swap3A_551, %swap3A_552], %swap3A_555 {strides = array<i32>} : memref<5x64x128xf32, #tpu.memory_space<vmem>>, vector<1x1x16xf32>,
      %swap3A_556 = arith.constant 0 : i32
      %swap3A_557 = arith.index_cast %swap3A_556 : i32 to index
      %swap3A_558 = arith.index_cast %scan3A_521 : i32 to index
      %swap3A_559 = arith.constant 80 : index
      %swap3A_560 = tpu.vector_load %arg7[%swap3A_557, %swap3A_558, %swap3A_559] {strides = array<i32>} : memref<5x64x128xf32, #tpu.memory_space<vmem>>, vector<1x1x16xf32>,
      %swap3A_561 = vector.shape_cast %swap3A_560 : vector<1x1x16xf32> to vector<16xf32>
      %swap3A_562 = vector.shape_cast %broadcast_in_dim3A_14 : vector<16xf32> to vector<1x1x16xf32>
      tpu.vector_store %arg7[%swap3A_557, %swap3A_558, %swap3A_559], %swap3A_562 {strides = array<i32>} : memref<5x64x128xf32, #tpu.memory_space<vmem>>, vector<1x1x16xf32>,
      %swap3A_563 = arith.constant 0 : i32
      %swap3A_564 = arith.index_cast %swap3A_563 : i32 to index
      %swap3A_565 = arith.index_cast %scan3A_521 : i32 to index
      %swap3A_566 = arith.constant 96 : index
      %swap3A_567 = tpu.vector_load %arg7[%swap3A_564, %swap3A_565, %swap3A_566] {strides = array<i32>} : memref<5x64x128xf32, #tpu.memory_space<vmem>>, vector<1x1x16xf32>,
      %swap3A_568 = vector.shape_cast %swap3A_567 : vector<1x1x16xf32> to vector<16xf32>
      %swap3A_569 = vector.shape_cast %broadcast_in_dim3A_14 : vector<16xf32> to vector<1x1x16xf32>
      tpu.vector_store %arg7[%swap3A_564, %swap3A_565, %swap3A_566], %swap3A_569 {strides = array<i32>} : memref<5x64x128xf32, #tpu.memory_space<vmem>>, vector<1x1x16xf32>,
      %swap3A_570 = arith.constant 0 : i32
      %swap3A_571 = arith.index_cast %swap3A_570 : i32 to index
      %swap3A_572 = arith.index_cast %scan3A_521 : i32 to index
      %swap3A_573 = arith.constant 112 : index
      %swap3A_574 = tpu.vector_load %arg7[%swap3A_571, %swap3A_572, %swap3A_573] {strides = array<i32>} : memref<5x64x128xf32, #tpu.memory_space<vmem>>, vector<1x1x16xf32>,
      %swap3A_575 = vector.shape_cast %swap3A_574 : vector<1x1x16xf32> to vector<16xf32>
      %swap3A_576 = vector.shape_cast %broadcast_in_dim3A_14 : vector<16xf32> to vector<1x1x16xf32>
      tpu.vector_store %arg7[%swap3A_571, %swap3A_572, %swap3A_573], %swap3A_576 {strides = array<i32>} : memref<5x64x128xf32, #tpu.memory_space<vmem>>, vector<1x1x16xf32>,
    }
    %scan3A_19 = arith.constant 64 : i32
    %mul3A_20 = arith.constant 640 : i32
    %mul3A_21 = arith.muli %arg1, %mul3A_20 : i32
    %add3A_22 = arith.constant 0 : i32
    %add3A_23 = arith.addi %mul3A_21, %add3A_22 : i32
    %dma_start3A = arith.constant 0 : i32
    %dma_start3A_24 = arith.constant 0 : i32
    %dma_start3A_25 = arith.constant 0 : i32
    %dma_start3A_26 = tpu.memref_slice %arg7[%dma_start3A, %dma_start3A_24, %dma_start3A_25] : memref<5x64x128xf32, #tpu.memory_space<vmem>> -> memref<1x64x128xf32, #tpu.memory_space<vmem>>
    %dma_start3A_27 = tpu.memref_squeeze %dma_start3A_26 : memref<1x64x128xf32, #tpu.memory_space<vmem>> -> memref<64x128xf32, #tpu.memory_space<vmem>>
    %dma_start3A_28 = arith.constant 0 : i32
    %dma_start3A_29 = tpu.memref_slice %arg5[%add3A_23, %dma_start3A_28] : memref<10240x128xf32, #tpu.memory_space<vmem_shared>> -> memref<64x128xf32, #tpu.memory_space<vmem_shared>>
    %dma_start3A_30 = arith.constant 0 : i32
    %dma_start3A_31 = tpu.memref_slice %arg5[%add3A_23, %dma_start3A_30] : memref<10240x128xf32, #tpu.memory_space<vmem_shared>> -> memref<64x128xf32, #tpu.memory_space<vmem_shared>>
    %dma_start3A_32 = arith.constant 0 : i32
    %dma_start3A_33 = arith.constant 0 : i32
    %dma_start3A_34 = tpu.memref_slice %arg7[%dma_start3A, %dma_start3A_32, %dma_start3A_33] : memref<5x64x128xf32, #tpu.memory_space<vmem>> -> memref<1x64x128xf32, #tpu.memory_space<vmem>>
    %dma_start3A_35 = tpu.memref_squeeze %dma_start3A_34 : memref<1x64x128xf32, #tpu.memory_space<vmem>> -> memref<64x128xf32, #tpu.memory_space<vmem>>
    tpu.enqueue_dma source(%dma_start3A_35 : memref<64x128xf32, #tpu.memory_space<vmem>>) target(%dma_start3A_31 : memref<64x128xf32, #tpu.memory_space<vmem_shared>>) target_semaphore(%arg11 : memref<!tpu.dma_semaphore, #tpu.memory_space<semaphore_mem>>)
    %add3A_36 = arith.constant 64 : i32
    %add3A_37 = arith.addi %mul3A_21, %add3A_36 : i32
    %dma_start3A_38 = arith.constant 0 : i32
    %dma_start3A_39 = arith.constant 0 : i32
    %dma_start3A_40 = arith.constant 0 : i32
    %dma_start3A_41 = tpu.memref_slice %arg7[%dma_start3A_38, %dma_start3A_39, %dma_start3A_40] : memref<5x64x128xf32, #tpu.memory_space<vmem>> -> memref<1x64x128xf32, #tpu.memory_space<vmem>>
    %dma_start3A_42 = tpu.memref_squeeze %dma_start3A_41 : memref<1x64x128xf32, #tpu.memory_space<vmem>> -> memref<64x128xf32, #tpu.memory_space<vmem>>
    %dma_start3A_43 = arith.constant 0 : i32
    %dma_start3A_44 = tpu.memref_slice %arg5[%add3A_37, %dma_start3A_43] : memref<10240x128xf32, #tpu.memory_space<vmem_shared>> -> memref<64x128xf32, #tpu.memory_space<vmem_shared>>
    %dma_start3A_45 = arith.constant 0 : i32
    %dma_start3A_46 = tpu.memref_slice %arg5[%add3A_37, %dma_start3A_45] : memref<10240x128xf32, #tpu.memory_space<vmem_shared>> -> memref<64x128xf32, #tpu.memory_space<vmem_shared>>
    %dma_start3A_47 = arith.constant 0 : i32
    %dma_start3A_48 = arith.constant 0 : i32
    %dma_start3A_49 = tpu.memref_slice %arg7[%dma_start3A_38, %dma_start3A_47, %dma_start3A_48] : memref<5x64x128xf32, #tpu.memory_space<vmem>> -> memref<1x64x128xf32, #tpu.memory_space<vmem>>
    %dma_start3A_50 = tpu.memref_squeeze %dma_start3A_49 : memref<1x64x128xf32, #tpu.memory_space<vmem>> -> memref<64x128xf32, #tpu.memory_space<vmem>>
    tpu.enqueue_dma source(%dma_start3A_50 : memref<64x128xf32, #tpu.memory_space<vmem>>) target(%dma_start3A_46 : memref<64x128xf32, #tpu.memory_space<vmem_shared>>) target_semaphore(%arg11 : memref<!tpu.dma_semaphore, #tpu.memory_space<semaphore_mem>>)
    %add3A_51 = arith.constant 128 : i32
    %add3A_52 = arith.addi %mul3A_21, %add3A_51 : i32
    %dma_start3A_53 = arith.constant 0 : i32
    %dma_start3A_54 = arith.constant 0 : i32
    %dma_start3A_55 = arith.constant 0 : i32
    %dma_start3A_56 = tpu.memref_slice %arg7[%dma_start3A_53, %dma_start3A_54, %dma_start3A_55] : memref<5x64x128xf32, #tpu.memory_space<vmem>> -> memref<1x64x128xf32, #tpu.memory_space<vmem>>
    %dma_start3A_57 = tpu.memref_squeeze %dma_start3A_56 : memref<1x64x128xf32, #tpu.memory_space<vmem>> -> memref<64x128xf32, #tpu.memory_space<vmem>>
    %dma_start3A_58 = arith.constant 0 : i32
    %dma_start3A_59 = tpu.memref_slice %arg5[%add3A_52, %dma_start3A_58] : memref<10240x128xf32, #tpu.memory_space<vmem_shared>> -> memref<64x128xf32, #tpu.memory_space<vmem_shared>>
    %dma_start3A_60 = arith.constant 0 : i32
    %dma_start3A_61 = tpu.memref_slice %arg5[%add3A_52, %dma_start3A_60] : memref<10240x128xf32, #tpu.memory_space<vmem_shared>> -> memref<64x128xf32, #tpu.memory_space<vmem_shared>>
    %dma_start3A_62 = arith.constant 0 : i32
    %dma_start3A_63 = arith.constant 0 : i32
    %dma_start3A_64 = tpu.memref_slice %arg7[%dma_start3A_53, %dma_start3A_62, %dma_start3A_63] : memref<5x64x128xf32, #tpu.memory_space<vmem>> -> memref<1x64x128xf32, #tpu.memory_space<vmem>>
    %dma_start3A_65 = tpu.memref_squeeze %dma_start3A_64 : memref<1x64x128xf32, #tpu.memory_space<vmem>> -> memref<64x128xf32, #tpu.memory_space<vmem>>
    tpu.enqueue_dma source(%dma_start3A_65 : memref<64x128xf32, #tpu.memory_space<vmem>>) target(%dma_start3A_61 : memref<64x128xf32, #tpu.memory_space<vmem_shared>>) target_semaphore(%arg11 : memref<!tpu.dma_semaphore, #tpu.memory_space<semaphore_mem>>)
    %add3A_66 = arith.constant 192 : i32
    %add3A_67 = arith.addi %mul3A_21, %add3A_66 : i32
    %dma_start3A_68 = arith.constant 0 : i32
    %dma_start3A_69 = arith.constant 0 : i32
    %dma_start3A_70 = arith.constant 0 : i32
    %dma_start3A_71 = tpu.memref_slice %arg7[%dma_start3A_68, %dma_start3A_69, %dma_start3A_70] : memref<5x64x128xf32, #tpu.memory_space<vmem>> -> memref<1x64x128xf32, #tpu.memory_space<vmem>>
    %dma_start3A_72 = tpu.memref_squeeze %dma_start3A_71 : memref<1x64x128xf32, #tpu.memory_space<vmem>> -> memref<64x128xf32, #tpu.memory_space<vmem>>
    %dma_start3A_73 = arith.constant 0 : i32
    %dma_start3A_74 = tpu.memref_slice %arg5[%add3A_67, %dma_start3A_73] : memref<10240x128xf32, #tpu.memory_space<vmem_shared>> -> memref<64x128xf32, #tpu.memory_space<vmem_shared>>
    %dma_start3A_75 = arith.constant 0 : i32
    %dma_start3A_76 = tpu.memref_slice %arg5[%add3A_67, %dma_start3A_75] : memref<10240x128xf32, #tpu.memory_space<vmem_shared>> -> memref<64x128xf32, #tpu.memory_space<vmem_shared>>
    %dma_start3A_77 = arith.constant 0 : i32
    %dma_start3A_78 = arith.constant 0 : i32
    %dma_start3A_79 = tpu.memref_slice %arg7[%dma_start3A_68, %dma_start3A_77, %dma_start3A_78] : memref<5x64x128xf32, #tpu.memory_space<vmem>> -> memref<1x64x128xf32, #tpu.memory_space<vmem>>
    %dma_start3A_80 = tpu.memref_squeeze %dma_start3A_79 : memref<1x64x128xf32, #tpu.memory_space<vmem>> -> memref<64x128xf32, #tpu.memory_space<vmem>>
    tpu.enqueue_dma source(%dma_start3A_80 : memref<64x128xf32, #tpu.memory_space<vmem>>) target(%dma_start3A_76 : memref<64x128xf32, #tpu.memory_space<vmem_shared>>) target_semaphore(%arg11 : memref<!tpu.dma_semaphore, #tpu.memory_space<semaphore_mem>>)
    %add3A_81 = arith.constant 256 : i32
    %add3A_82 = arith.addi %mul3A_21, %add3A_81 : i32
    %dma_start3A_83 = arith.constant 0 : i32
    %dma_start3A_84 = arith.constant 0 : i32
    %dma_start3A_85 = arith.constant 0 : i32
    %dma_start3A_86 = tpu.memref_slice %arg7[%dma_start3A_83, %dma_start3A_84, %dma_start3A_85] : memref<5x64x128xf32, #tpu.memory_space<vmem>> -> memref<1x64x128xf32, #tpu.memory_space<vmem>>
    %dma_start3A_87 = tpu.memref_squeeze %dma_start3A_86 : memref<1x64x128xf32, #tpu.memory_space<vmem>> -> memref<64x128xf32, #tpu.memory_space<vmem>>
    %dma_start3A_88 = arith.constant 0 : i32
    %dma_start3A_89 = tpu.memref_slice %arg5[%add3A_82, %dma_start3A_88] : memref<10240x128xf32, #tpu.memory_space<vmem_shared>> -> memref<64x128xf32, #tpu.memory_space<vmem_shared>>
    %dma_start3A_90 = arith.constant 0 : i32
    %dma_start3A_91 = tpu.memref_slice %arg5[%add3A_82, %dma_start3A_90] : memref<10240x128xf32, #tpu.memory_space<vmem_shared>> -> memref<64x128xf32, #tpu.memory_space<vmem_shared>>
    %dma_start3A_92 = arith.constant 0 : i32
    %dma_start3A_93 = arith.constant 0 : i32
    %dma_start3A_94 = tpu.memref_slice %arg7[%dma_start3A_83, %dma_start3A_92, %dma_start3A_93] : memref<5x64x128xf32, #tpu.memory_space<vmem>> -> memref<1x64x128xf32, #tpu.memory_space<vmem>>
    %dma_start3A_95 = tpu.memref_squeeze %dma_start3A_94 : memref<1x64x128xf32, #tpu.memory_space<vmem>> -> memref<64x128xf32, #tpu.memory_space<vmem>>
    tpu.enqueue_dma source(%dma_start3A_95 : memref<64x128xf32, #tpu.memory_space<vmem>>) target(%dma_start3A_91 : memref<64x128xf32, #tpu.memory_space<vmem_shared>>) target_semaphore(%arg11 : memref<!tpu.dma_semaphore, #tpu.memory_space<semaphore_mem>>)
    %add3A_96 = arith.constant 320 : i32
    %add3A_97 = arith.addi %mul3A_21, %add3A_96 : i32
    %dma_start3A_98 = arith.constant 0 : i32
    %dma_start3A_99 = arith.constant 0 : i32
    %dma_start3A_100 = arith.constant 0 : i32
    %dma_start3A_101 = tpu.memref_slice %arg7[%dma_start3A_98, %dma_start3A_99, %dma_start3A_100] : memref<5x64x128xf32, #tpu.memory_space<vmem>> -> memref<1x64x128xf32, #tpu.memory_space<vmem>>
    %dma_start3A_102 = tpu.memref_squeeze %dma_start3A_101 : memref<1x64x128xf32, #tpu.memory_space<vmem>> -> memref<64x128xf32, #tpu.memory_space<vmem>>
    %dma_start3A_103 = arith.constant 0 : i32
    %dma_start3A_104 = tpu.memref_slice %arg5[%add3A_97, %dma_start3A_103] : memref<10240x128xf32, #tpu.memory_space<vmem_shared>> -> memref<64x128xf32, #tpu.memory_space<vmem_shared>>
    %dma_start3A_105 = arith.constant 0 : i32
    %dma_start3A_106 = tpu.memref_slice %arg5[%add3A_97, %dma_start3A_105] : memref<10240x128xf32, #tpu.memory_space<vmem_shared>> -> memref<64x128xf32, #tpu.memory_space<vmem_shared>>
    %dma_start3A_107 = arith.constant 0 : i32
    %dma_start3A_108 = arith.constant 0 : i32
    %dma_start3A_109 = tpu.memref_slice %arg7[%dma_start3A_98, %dma_start3A_107, %dma_start3A_108] : memref<5x64x128xf32, #tpu.memory_space<vmem>> -> memref<1x64x128xf32, #tpu.memory_space<vmem>>
    %dma_start3A_110 = tpu.memref_squeeze %dma_start3A_109 : memref<1x64x128xf32, #tpu.memory_space<vmem>> -> memref<64x128xf32, #tpu.memory_space<vmem>>
    tpu.enqueue_dma source(%dma_start3A_110 : memref<64x128xf32, #tpu.memory_space<vmem>>) target(%dma_start3A_106 : memref<64x128xf32, #tpu.memory_space<vmem_shared>>) target_semaphore(%arg11 : memref<!tpu.dma_semaphore, #tpu.memory_space<semaphore_mem>>)
    %add3A_111 = arith.constant 384 : i32
    %add3A_112 = arith.addi %mul3A_21, %add3A_111 : i32
    %dma_start3A_113 = arith.constant 0 : i32
    %dma_start3A_114 = arith.constant 0 : i32
    %dma_start3A_115 = arith.constant 0 : i32
    %dma_start3A_116 = tpu.memref_slice %arg7[%dma_start3A_113, %dma_start3A_114, %dma_start3A_115] : memref<5x64x128xf32, #tpu.memory_space<vmem>> -> memref<1x64x128xf32, #tpu.memory_space<vmem>>
    %dma_start3A_117 = tpu.memref_squeeze %dma_start3A_116 : memref<1x64x128xf32, #tpu.memory_space<vmem>> -> memref<64x128xf32, #tpu.memory_space<vmem>>
    %dma_start3A_118 = arith.constant 0 : i32
    %dma_start3A_119 = tpu.memref_slice %arg5[%add3A_112, %dma_start3A_118] : memref<10240x128xf32, #tpu.memory_space<vmem_shared>> -> memref<64x128xf32, #tpu.memory_space<vmem_shared>>
    %dma_start3A_120 = arith.constant 0 : i32
    %dma_start3A_121 = tpu.memref_slice %arg5[%add3A_112, %dma_start3A_120] : memref<10240x128xf32, #tpu.memory_space<vmem_shared>> -> memref<64x128xf32, #tpu.memory_space<vmem_shared>>
    %dma_start3A_122 = arith.constant 0 : i32
    %dma_start3A_123 = arith.constant 0 : i32
    %dma_start3A_124 = tpu.memref_slice %arg7[%dma_start3A_113, %dma_start3A_122, %dma_start3A_123] : memref<5x64x128xf32, #tpu.memory_space<vmem>> -> memref<1x64x128xf32, #tpu.memory_space<vmem>>
    %dma_start3A_125 = tpu.memref_squeeze %dma_start3A_124 : memref<1x64x128xf32, #tpu.memory_space<vmem>> -> memref<64x128xf32, #tpu.memory_space<vmem>>
    tpu.enqueue_dma source(%dma_start3A_125 : memref<64x128xf32, #tpu.memory_space<vmem>>) target(%dma_start3A_121 : memref<64x128xf32, #tpu.memory_space<vmem_shared>>) target_semaphore(%arg11 : memref<!tpu.dma_semaphore, #tpu.memory_space<semaphore_mem>>)
    %add3A_126 = arith.constant 448 : i32
    %add3A_127 = arith.addi %mul3A_21, %add3A_126 : i32
    %dma_start3A_128 = arith.constant 0 : i32
    %dma_start3A_129 = arith.constant 0 : i32
    %dma_start3A_130 = arith.constant 0 : i32
    %dma_start3A_131 = tpu.memref_slice %arg7[%dma_start3A_128, %dma_start3A_129, %dma_start3A_130] : memref<5x64x128xf32, #tpu.memory_space<vmem>> -> memref<1x64x128xf32, #tpu.memory_space<vmem>>
    %dma_start3A_132 = tpu.memref_squeeze %dma_start3A_131 : memref<1x64x128xf32, #tpu.memory_space<vmem>> -> memref<64x128xf32, #tpu.memory_space<vmem>>
    %dma_start3A_133 = arith.constant 0 : i32
    %dma_start3A_134 = tpu.memref_slice %arg5[%add3A_127, %dma_start3A_133] : memref<10240x128xf32, #tpu.memory_space<vmem_shared>> -> memref<64x128xf32, #tpu.memory_space<vmem_shared>>
    %dma_start3A_135 = arith.constant 0 : i32
    %dma_start3A_136 = tpu.memref_slice %arg5[%add3A_127, %dma_start3A_135] : memref<10240x128xf32, #tpu.memory_space<vmem_shared>> -> memref<64x128xf32, #tpu.memory_space<vmem_shared>>
    %dma_start3A_137 = arith.constant 0 : i32
    %dma_start3A_138 = arith.constant 0 : i32
    %dma_start3A_139 = tpu.memref_slice %arg7[%dma_start3A_128, %dma_start3A_137, %dma_start3A_138] : memref<5x64x128xf32, #tpu.memory_space<vmem>> -> memref<1x64x128xf32, #tpu.memory_space<vmem>>
    %dma_start3A_140 = tpu.memref_squeeze %dma_start3A_139 : memref<1x64x128xf32, #tpu.memory_space<vmem>> -> memref<64x128xf32, #tpu.memory_space<vmem>>
    tpu.enqueue_dma source(%dma_start3A_140 : memref<64x128xf32, #tpu.memory_space<vmem>>) target(%dma_start3A_136 : memref<64x128xf32, #tpu.memory_space<vmem_shared>>) target_semaphore(%arg11 : memref<!tpu.dma_semaphore, #tpu.memory_space<semaphore_mem>>)
    %add3A_141 = arith.constant 512 : i32
    %add3A_142 = arith.addi %mul3A_21, %add3A_141 : i32
    %dma_start3A_143 = arith.constant 0 : i32
    %dma_start3A_144 = arith.constant 0 : i32
    %dma_start3A_145 = arith.constant 0 : i32
    %dma_start3A_146 = tpu.memref_slice %arg7[%dma_start3A_143, %dma_start3A_144, %dma_start3A_145] : memref<5x64x128xf32, #tpu.memory_space<vmem>> -> memref<1x64x128xf32, #tpu.memory_space<vmem>>
    %dma_start3A_147 = tpu.memref_squeeze %dma_start3A_146 : memref<1x64x128xf32, #tpu.memory_space<vmem>> -> memref<64x128xf32, #tpu.memory_space<vmem>>
    %dma_start3A_148 = arith.constant 0 : i32
    %dma_start3A_149 = tpu.memref_slice %arg5[%add3A_142, %dma_start3A_148] : memref<10240x128xf32, #tpu.memory_space<vmem_shared>> -> memref<64x128xf32, #tpu.memory_space<vmem_shared>>
    %dma_start3A_150 = arith.constant 0 : i32
    %dma_start3A_151 = tpu.memref_slice %arg5[%add3A_142, %dma_start3A_150] : memref<10240x128xf32, #tpu.memory_space<vmem_shared>> -> memref<64x128xf32, #tpu.memory_space<vmem_shared>>
    %dma_start3A_152 = arith.constant 0 : i32
    %dma_start3A_153 = arith.constant 0 : i32
    %dma_start3A_154 = tpu.memref_slice %arg7[%dma_start3A_143, %dma_start3A_152, %dma_start3A_153] : memref<5x64x128xf32, #tpu.memory_space<vmem>> -> memref<1x64x128xf32, #tpu.memory_space<vmem>>
    %dma_start3A_155 = tpu.memref_squeeze %dma_start3A_154 : memref<1x64x128xf32, #tpu.memory_space<vmem>> -> memref<64x128xf32, #tpu.memory_space<vmem>>
    tpu.enqueue_dma source(%dma_start3A_155 : memref<64x128xf32, #tpu.memory_space<vmem>>) target(%dma_start3A_151 : memref<64x128xf32, #tpu.memory_space<vmem_shared>>) target_semaphore(%arg11 : memref<!tpu.dma_semaphore, #tpu.memory_space<semaphore_mem>>)
    %add3A_156 = arith.constant 576 : i32
    %add3A_157 = arith.addi %mul3A_21, %add3A_156 : i32
    %dma_start3A_158 = arith.constant 0 : i32
    %dma_start3A_159 = arith.constant 0 : i32
    %dma_start3A_160 = arith.constant 0 : i32
    %dma_start3A_161 = tpu.memref_slice %arg7[%dma_start3A_158, %dma_start3A_159, %dma_start3A_160] : memref<5x64x128xf32, #tpu.memory_space<vmem>> -> memref<1x64x128xf32, #tpu.memory_space<vmem>>
    %dma_start3A_162 = tpu.memref_squeeze %dma_start3A_161 : memref<1x64x128xf32, #tpu.memory_space<vmem>> -> memref<64x128xf32, #tpu.memory_space<vmem>>
    %dma_start3A_163 = arith.constant 0 : i32
    %dma_start3A_164 = tpu.memref_slice %arg5[%add3A_157, %dma_start3A_163] : memref<10240x128xf32, #tpu.memory_space<vmem_shared>> -> memref<64x128xf32, #tpu.memory_space<vmem_shared>>
    %dma_start3A_165 = arith.constant 0 : i32
    %dma_start3A_166 = tpu.memref_slice %arg5[%add3A_157, %dma_start3A_165] : memref<10240x128xf32, #tpu.memory_space<vmem_shared>> -> memref<64x128xf32, #tpu.memory_space<vmem_shared>>
    %dma_start3A_167 = arith.constant 0 : i32
    %dma_start3A_168 = arith.constant 0 : i32
    %dma_start3A_169 = tpu.memref_slice %arg7[%dma_start3A_158, %dma_start3A_167, %dma_start3A_168] : memref<5x64x128xf32, #tpu.memory_space<vmem>> -> memref<1x64x128xf32, #tpu.memory_space<vmem>>
    %dma_start3A_170 = tpu.memref_squeeze %dma_start3A_169 : memref<1x64x128xf32, #tpu.memory_space<vmem>> -> memref<64x128xf32, #tpu.memory_space<vmem>>
    tpu.enqueue_dma source(%dma_start3A_170 : memref<64x128xf32, #tpu.memory_space<vmem>>) target(%dma_start3A_166 : memref<64x128xf32, #tpu.memory_space<vmem_shared>>) target_semaphore(%arg11 : memref<!tpu.dma_semaphore, #tpu.memory_space<semaphore_mem>>)
    %add3A_171 = arith.constant 0 : i32
    %add3A_172 = arith.addi %mul3A_21, %add3A_171 : i32
    %dma_wait3A = arith.constant 0 : i32
    %dma_wait3A_173 = arith.constant 0 : i32
    %dma_wait3A_174 = arith.constant 0 : i32
    %dma_wait3A_175 = tpu.memref_slice %arg7[%dma_wait3A, %dma_wait3A_173, %dma_wait3A_174] : memref<5x64x128xf32, #tpu.memory_space<vmem>> -> memref<1x64x128xf32, #tpu.memory_space<vmem>>
    %dma_wait3A_176 = tpu.memref_squeeze %dma_wait3A_175 : memref<1x64x128xf32, #tpu.memory_space<vmem>> -> memref<64x128xf32, #tpu.memory_space<vmem>>
    %dma_wait3A_177 = arith.constant 0 : i32
    %dma_wait3A_178 = tpu.memref_slice %arg5[%add3A_172, %dma_wait3A_177] : memref<10240x128xf32, #tpu.memory_space<vmem_shared>> -> memref<64x128xf32, #tpu.memory_space<vmem_shared>>
    %dma_wait3A_179 = arith.constant 0 : i32
    %dma_wait3A_180 = tpu.memref_slice %arg5[%add3A_172, %dma_wait3A_179] : memref<10240x128xf32, #tpu.memory_space<vmem_shared>> -> memref<64x128xf32, #tpu.memory_space<vmem_shared>>
    %dma_wait3A_181 = arith.constant 0 : i32
    %dma_wait3A_182 = arith.constant 0 : i32
    %dma_wait3A_183 = tpu.memref_slice %arg7[%dma_wait3A, %dma_wait3A_181, %dma_wait3A_182] : memref<5x64x128xf32, #tpu.memory_space<vmem>> -> memref<1x64x128xf32, #tpu.memory_space<vmem>>
    %dma_wait3A_184 = tpu.memref_squeeze %dma_wait3A_183 : memref<1x64x128xf32, #tpu.memory_space<vmem>> -> memref<64x128xf32, #tpu.memory_space<vmem>>
    tpu.wait_dma2 semaphore(%arg11 : memref<!tpu.dma_semaphore, #tpu.memory_space<semaphore_mem>>) src(%dma_wait3A_184 : memref<64x128xf32, #tpu.memory_space<vmem>>) dst(%dma_wait3A_180 : memref<64x128xf32, #tpu.memory_space<vmem_shared>>)
    %add3A_185 = arith.constant 64 : i32
    %add3A_186 = arith.addi %mul3A_21, %add3A_185 : i32
    %dma_wait3A_187 = arith.constant 0 : i32
    %dma_wait3A_188 = arith.constant 0 : i32
    %dma_wait3A_189 = arith.constant 0 : i32
    %dma_wait3A_190 = tpu.memref_slice %arg7[%dma_wait3A_187, %dma_wait3A_188, %dma_wait3A_189] : memref<5x64x128xf32, #tpu.memory_space<vmem>> -> memref<1x64x128xf32, #tpu.memory_space<vmem>>
    %dma_wait3A_191 = tpu.memref_squeeze %dma_wait3A_190 : memref<1x64x128xf32, #tpu.memory_space<vmem>> -> memref<64x128xf32, #tpu.memory_space<vmem>>
    %dma_wait3A_192 = arith.constant 0 : i32
    %dma_wait3A_193 = tpu.memref_slice %arg5[%add3A_186, %dma_wait3A_192] : memref<10240x128xf32, #tpu.memory_space<vmem_shared>> -> memref<64x128xf32, #tpu.memory_space<vmem_shared>>
    %dma_wait3A_194 = arith.constant 0 : i32
    %dma_wait3A_195 = tpu.memref_slice %arg5[%add3A_186, %dma_wait3A_194] : memref<10240x128xf32, #tpu.memory_space<vmem_shared>> -> memref<64x128xf32, #tpu.memory_space<vmem_shared>>
    %dma_wait3A_196 = arith.constant 0 : i32
    %dma_wait3A_197 = arith.constant 0 : i32
    %dma_wait3A_198 = tpu.memref_slice %arg7[%dma_wait3A_187, %dma_wait3A_196, %dma_wait3A_197] : memref<5x64x128xf32, #tpu.memory_space<vmem>> -> memref<1x64x128xf32, #tpu.memory_space<vmem>>
    %dma_wait3A_199 = tpu.memref_squeeze %dma_wait3A_198 : memref<1x64x128xf32, #tpu.memory_space<vmem>> -> memref<64x128xf32, #tpu.memory_space<vmem>>
    tpu.wait_dma2 semaphore(%arg11 : memref<!tpu.dma_semaphore, #tpu.memory_space<semaphore_mem>>) src(%dma_wait3A_199 : memref<64x128xf32, #tpu.memory_space<vmem>>) dst(%dma_wait3A_195 : memref<64x128xf32, #tpu.memory_space<vmem_shared>>)
    %add3A_200 = arith.constant 128 : i32
    %add3A_201 = arith.addi %mul3A_21, %add3A_200 : i32
    %dma_wait3A_202 = arith.constant 0 : i32
    %dma_wait3A_203 = arith.constant 0 : i32
    %dma_wait3A_204 = arith.constant 0 : i32
    %dma_wait3A_205 = tpu.memref_slice %arg7[%dma_wait3A_202, %dma_wait3A_203, %dma_wait3A_204] : memref<5x64x128xf32, #tpu.memory_space<vmem>> -> memref<1x64x128xf32, #tpu.memory_space<vmem>>
    %dma_wait3A_206 = tpu.memref_squeeze %dma_wait3A_205 : memref<1x64x128xf32, #tpu.memory_space<vmem>> -> memref<64x128xf32, #tpu.memory_space<vmem>>
    %dma_wait3A_207 = arith.constant 0 : i32
    %dma_wait3A_208 = tpu.memref_slice %arg5[%add3A_201, %dma_wait3A_207] : memref<10240x128xf32, #tpu.memory_space<vmem_shared>> -> memref<64x128xf32, #tpu.memory_space<vmem_shared>>
    %dma_wait3A_209 = arith.constant 0 : i32
    %dma_wait3A_210 = tpu.memref_slice %arg5[%add3A_201, %dma_wait3A_209] : memref<10240x128xf32, #tpu.memory_space<vmem_shared>> -> memref<64x128xf32, #tpu.memory_space<vmem_shared>>
    %dma_wait3A_211 = arith.constant 0 : i32
    %dma_wait3A_212 = arith.constant 0 : i32
    %dma_wait3A_213 = tpu.memref_slice %arg7[%dma_wait3A_202, %dma_wait3A_211, %dma_wait3A_212] : memref<5x64x128xf32, #tpu.memory_space<vmem>> -> memref<1x64x128xf32, #tpu.memory_space<vmem>>
    %dma_wait3A_214 = tpu.memref_squeeze %dma_wait3A_213 : memref<1x64x128xf32, #tpu.memory_space<vmem>> -> memref<64x128xf32, #tpu.memory_space<vmem>>
    tpu.wait_dma2 semaphore(%arg11 : memref<!tpu.dma_semaphore, #tpu.memory_space<semaphore_mem>>) src(%dma_wait3A_214 : memref<64x128xf32, #tpu.memory_space<vmem>>) dst(%dma_wait3A_210 : memref<64x128xf32, #tpu.memory_space<vmem_shared>>)
    %add3A_215 = arith.constant 192 : i32
    %add3A_216 = arith.addi %mul3A_21, %add3A_215 : i32
    %dma_wait3A_217 = arith.constant 0 : i32
    %dma_wait3A_218 = arith.constant 0 : i32
    %dma_wait3A_219 = arith.constant 0 : i32
    %dma_wait3A_220 = tpu.memref_slice %arg7[%dma_wait3A_217, %dma_wait3A_218, %dma_wait3A_219] : memref<5x64x128xf32, #tpu.memory_space<vmem>> -> memref<1x64x128xf32, #tpu.memory_space<vmem>>
    %dma_wait3A_221 = tpu.memref_squeeze %dma_wait3A_220 : memref<1x64x128xf32, #tpu.memory_space<vmem>> -> memref<64x128xf32, #tpu.memory_space<vmem>>
    %dma_wait3A_222 = arith.constant 0 : i32
    %dma_wait3A_223 = tpu.memref_slice %arg5[%add3A_216, %dma_wait3A_222] : memref<10240x128xf32, #tpu.memory_space<vmem_shared>> -> memref<64x128xf32, #tpu.memory_space<vmem_shared>>
    %dma_wait3A_224 = arith.constant 0 : i32
    %dma_wait3A_225 = tpu.memref_slice %arg5[%add3A_216, %dma_wait3A_224] : memref<10240x128xf32, #tpu.memory_space<vmem_shared>> -> memref<64x128xf32, #tpu.memory_space<vmem_shared>>
    %dma_wait3A_226 = arith.constant 0 : i32
    %dma_wait3A_227 = arith.constant 0 : i32
    %dma_wait3A_228 = tpu.memref_slice %arg7[%dma_wait3A_217, %dma_wait3A_226, %dma_wait3A_227] : memref<5x64x128xf32, #tpu.memory_space<vmem>> -> memref<1x64x128xf32, #tpu.memory_space<vmem>>
    %dma_wait3A_229 = tpu.memref_squeeze %dma_wait3A_228 : memref<1x64x128xf32, #tpu.memory_space<vmem>> -> memref<64x128xf32, #tpu.memory_space<vmem>>
    tpu.wait_dma2 semaphore(%arg11 : memref<!tpu.dma_semaphore, #tpu.memory_space<semaphore_mem>>) src(%dma_wait3A_229 : memref<64x128xf32, #tpu.memory_space<vmem>>) dst(%dma_wait3A_225 : memref<64x128xf32, #tpu.memory_space<vmem_shared>>)
    %add3A_230 = arith.constant 256 : i32
    %add3A_231 = arith.addi %mul3A_21, %add3A_230 : i32
    %dma_wait3A_232 = arith.constant 0 : i32
    %dma_wait3A_233 = arith.constant 0 : i32
    %dma_wait3A_234 = arith.constant 0 : i32
    %dma_wait3A_235 = tpu.memref_slice %arg7[%dma_wait3A_232, %dma_wait3A_233, %dma_wait3A_234] : memref<5x64x128xf32, #tpu.memory_space<vmem>> -> memref<1x64x128xf32, #tpu.memory_space<vmem>>
    %dma_wait3A_236 = tpu.memref_squeeze %dma_wait3A_235 : memref<1x64x128xf32, #tpu.memory_space<vmem>> -> memref<64x128xf32, #tpu.memory_space<vmem>>
    %dma_wait3A_237 = arith.constant 0 : i32
    %dma_wait3A_238 = tpu.memref_slice %arg5[%add3A_231, %dma_wait3A_237] : memref<10240x128xf32, #tpu.memory_space<vmem_shared>> -> memref<64x128xf32, #tpu.memory_space<vmem_shared>>
    %dma_wait3A_239 = arith.constant 0 : i32
    %dma_wait3A_240 = tpu.memref_slice %arg5[%add3A_231, %dma_wait3A_239] : memref<10240x128xf32, #tpu.memory_space<vmem_shared>> -> memref<64x128xf32, #tpu.memory_space<vmem_shared>>
    %dma_wait3A_241 = arith.constant 0 : i32
    %dma_wait3A_242 = arith.constant 0 : i32
    %dma_wait3A_243 = tpu.memref_slice %arg7[%dma_wait3A_232, %dma_wait3A_241, %dma_wait3A_242] : memref<5x64x128xf32, #tpu.memory_space<vmem>> -> memref<1x64x128xf32, #tpu.memory_space<vmem>>
    %dma_wait3A_244 = tpu.memref_squeeze %dma_wait3A_243 : memref<1x64x128xf32, #tpu.memory_space<vmem>> -> memref<64x128xf32, #tpu.memory_space<vmem>>
    tpu.wait_dma2 semaphore(%arg11 : memref<!tpu.dma_semaphore, #tpu.memory_space<semaphore_mem>>) src(%dma_wait3A_244 : memref<64x128xf32, #tpu.memory_space<vmem>>) dst(%dma_wait3A_240 : memref<64x128xf32, #tpu.memory_space<vmem_shared>>)
    %add3A_245 = arith.constant 320 : i32
    %add3A_246 = arith.addi %mul3A_21, %add3A_245 : i32
    %dma_wait3A_247 = arith.constant 0 : i32
    %dma_wait3A_248 = arith.constant 0 : i32
    %dma_wait3A_249 = arith.constant 0 : i32
    %dma_wait3A_250 = tpu.memref_slice %arg7[%dma_wait3A_247, %dma_wait3A_248, %dma_wait3A_249] : memref<5x64x128xf32, #tpu.memory_space<vmem>> -> memref<1x64x128xf32, #tpu.memory_space<vmem>>
    %dma_wait3A_251 = tpu.memref_squeeze %dma_wait3A_250 : memref<1x64x128xf32, #tpu.memory_space<vmem>> -> memref<64x128xf32, #tpu.memory_space<vmem>>
    %dma_wait3A_252 = arith.constant 0 : i32
    %dma_wait3A_253 = tpu.memref_slice %arg5[%add3A_246, %dma_wait3A_252] : memref<10240x128xf32, #tpu.memory_space<vmem_shared>> -> memref<64x128xf32, #tpu.memory_space<vmem_shared>>
    %dma_wait3A_254 = arith.constant 0 : i32
    %dma_wait3A_255 = tpu.memref_slice %arg5[%add3A_246, %dma_wait3A_254] : memref<10240x128xf32, #tpu.memory_space<vmem_shared>> -> memref<64x128xf32, #tpu.memory_space<vmem_shared>>
    %dma_wait3A_256 = arith.constant 0 : i32
    %dma_wait3A_257 = arith.constant 0 : i32
    %dma_wait3A_258 = tpu.memref_slice %arg7[%dma_wait3A_247, %dma_wait3A_256, %dma_wait3A_257] : memref<5x64x128xf32, #tpu.memory_space<vmem>> -> memref<1x64x128xf32, #tpu.memory_space<vmem>>
    %dma_wait3A_259 = tpu.memref_squeeze %dma_wait3A_258 : memref<1x64x128xf32, #tpu.memory_space<vmem>> -> memref<64x128xf32, #tpu.memory_space<vmem>>
    tpu.wait_dma2 semaphore(%arg11 : memref<!tpu.dma_semaphore, #tpu.memory_space<semaphore_mem>>) src(%dma_wait3A_259 : memref<64x128xf32, #tpu.memory_space<vmem>>) dst(%dma_wait3A_255 : memref<64x128xf32, #tpu.memory_space<vmem_shared>>)
    %add3A_260 = arith.constant 384 : i32
    %add3A_261 = arith.addi %mul3A_21, %add3A_260 : i32
    %dma_wait3A_262 = arith.constant 0 : i32
    %dma_wait3A_263 = arith.constant 0 : i32
    %dma_wait3A_264 = arith.constant 0 : i32
    %dma_wait3A_265 = tpu.memref_slice %arg7[%dma_wait3A_262, %dma_wait3A_263, %dma_wait3A_264] : memref<5x64x128xf32, #tpu.memory_space<vmem>> -> memref<1x64x128xf32, #tpu.memory_space<vmem>>
    %dma_wait3A_266 = tpu.memref_squeeze %dma_wait3A_265 : memref<1x64x128xf32, #tpu.memory_space<vmem>> -> memref<64x128xf32, #tpu.memory_space<vmem>>
    %dma_wait3A_267 = arith.constant 0 : i32
    %dma_wait3A_268 = tpu.memref_slice %arg5[%add3A_261, %dma_wait3A_267] : memref<10240x128xf32, #tpu.memory_space<vmem_shared>> -> memref<64x128xf32, #tpu.memory_space<vmem_shared>>
    %dma_wait3A_269 = arith.constant 0 : i32
    %dma_wait3A_270 = tpu.memref_slice %arg5[%add3A_261, %dma_wait3A_269] : memref<10240x128xf32, #tpu.memory_space<vmem_shared>> -> memref<64x128xf32, #tpu.memory_space<vmem_shared>>
    %dma_wait3A_271 = arith.constant 0 : i32
    %dma_wait3A_272 = arith.constant 0 : i32
    %dma_wait3A_273 = tpu.memref_slice %arg7[%dma_wait3A_262, %dma_wait3A_271, %dma_wait3A_272] : memref<5x64x128xf32, #tpu.memory_space<vmem>> -> memref<1x64x128xf32, #tpu.memory_space<vmem>>
    %dma_wait3A_274 = tpu.memref_squeeze %dma_wait3A_273 : memref<1x64x128xf32, #tpu.memory_space<vmem>> -> memref<64x128xf32, #tpu.memory_space<vmem>>
    tpu.wait_dma2 semaphore(%arg11 : memref<!tpu.dma_semaphore, #tpu.memory_space<semaphore_mem>>) src(%dma_wait3A_274 : memref<64x128xf32, #tpu.memory_space<vmem>>) dst(%dma_wait3A_270 : memref<64x128xf32, #tpu.memory_space<vmem_shared>>)
    %add3A_275 = arith.constant 448 : i32
    %add3A_276 = arith.addi %mul3A_21, %add3A_275 : i32
    %dma_wait3A_277 = arith.constant 0 : i32
    %dma_wait3A_278 = arith.constant 0 : i32
    %dma_wait3A_279 = arith.constant 0 : i32
    %dma_wait3A_280 = tpu.memref_slice %arg7[%dma_wait3A_277, %dma_wait3A_278, %dma_wait3A_279] : memref<5x64x128xf32, #tpu.memory_space<vmem>> -> memref<1x64x128xf32, #tpu.memory_space<vmem>>
    %dma_wait3A_281 = tpu.memref_squeeze %dma_wait3A_280 : memref<1x64x128xf32, #tpu.memory_space<vmem>> -> memref<64x128xf32, #tpu.memory_space<vmem>>
    %dma_wait3A_282 = arith.constant 0 : i32
    %dma_wait3A_283 = tpu.memref_slice %arg5[%add3A_276, %dma_wait3A_282] : memref<10240x128xf32, #tpu.memory_space<vmem_shared>> -> memref<64x128xf32, #tpu.memory_space<vmem_shared>>
    %dma_wait3A_284 = arith.constant 0 : i32
    %dma_wait3A_285 = tpu.memref_slice %arg5[%add3A_276, %dma_wait3A_284] : memref<10240x128xf32, #tpu.memory_space<vmem_shared>> -> memref<64x128xf32, #tpu.memory_space<vmem_shared>>
    %dma_wait3A_286 = arith.constant 0 : i32
    %dma_wait3A_287 = arith.constant 0 : i32
    %dma_wait3A_288 = tpu.memref_slice %arg7[%dma_wait3A_277, %dma_wait3A_286, %dma_wait3A_287] : memref<5x64x128xf32, #tpu.memory_space<vmem>> -> memref<1x64x128xf32, #tpu.memory_space<vmem>>
    %dma_wait3A_289 = tpu.memref_squeeze %dma_wait3A_288 : memref<1x64x128xf32, #tpu.memory_space<vmem>> -> memref<64x128xf32, #tpu.memory_space<vmem>>
    tpu.wait_dma2 semaphore(%arg11 : memref<!tpu.dma_semaphore, #tpu.memory_space<semaphore_mem>>) src(%dma_wait3A_289 : memref<64x128xf32, #tpu.memory_space<vmem>>) dst(%dma_wait3A_285 : memref<64x128xf32, #tpu.memory_space<vmem_shared>>)
    %add3A_290 = arith.constant 512 : i32
    %add3A_291 = arith.addi %mul3A_21, %add3A_290 : i32
    %dma_wait3A_292 = arith.constant 0 : i32
    %dma_wait3A_293 = arith.constant 0 : i32
    %dma_wait3A_294 = arith.constant 0 : i32
    %dma_wait3A_295 = tpu.memref_slice %arg7[%dma_wait3A_292, %dma_wait3A_293, %dma_wait3A_294] : memref<5x64x128xf32, #tpu.memory_space<vmem>> -> memref<1x64x128xf32, #tpu.memory_space<vmem>>
    %dma_wait3A_296 = tpu.memref_squeeze %dma_wait3A_295 : memref<1x64x128xf32, #tpu.memory_space<vmem>> -> memref<64x128xf32, #tpu.memory_space<vmem>>
    %dma_wait3A_297 = arith.constant 0 : i32
    %dma_wait3A_298 = tpu.memref_slice %arg5[%add3A_291, %dma_wait3A_297] : memref<10240x128xf32, #tpu.memory_space<vmem_shared>> -> memref<64x128xf32, #tpu.memory_space<vmem_shared>>
    %dma_wait3A_299 = arith.constant 0 : i32
    %dma_wait3A_300 = tpu.memref_slice %arg5[%add3A_291, %dma_wait3A_299] : memref<10240x128xf32, #tpu.memory_space<vmem_shared>> -> memref<64x128xf32, #tpu.memory_space<vmem_shared>>
    %dma_wait3A_301 = arith.constant 0 : i32
    %dma_wait3A_302 = arith.constant 0 : i32
    %dma_wait3A_303 = tpu.memref_slice %arg7[%dma_wait3A_292, %dma_wait3A_301, %dma_wait3A_302] : memref<5x64x128xf32, #tpu.memory_space<vmem>> -> memref<1x64x128xf32, #tpu.memory_space<vmem>>
    %dma_wait3A_304 = tpu.memref_squeeze %dma_wait3A_303 : memref<1x64x128xf32, #tpu.memory_space<vmem>> -> memref<64x128xf32, #tpu.memory_space<vmem>>
    tpu.wait_dma2 semaphore(%arg11 : memref<!tpu.dma_semaphore, #tpu.memory_space<semaphore_mem>>) src(%dma_wait3A_304 : memref<64x128xf32, #tpu.memory_space<vmem>>) dst(%dma_wait3A_300 : memref<64x128xf32, #tpu.memory_space<vmem_shared>>)
    %add3A_305 = arith.constant 576 : i32
    %add3A_306 = arith.addi %mul3A_21, %add3A_305 : i32
    %dma_wait3A_307 = arith.constant 0 : i32
    %dma_wait3A_308 = arith.constant 0 : i32
    %dma_wait3A_309 = arith.constant 0 : i32
    %dma_wait3A_310 = tpu.memref_slice %arg7[%dma_wait3A_307, %dma_wait3A_308, %dma_wait3A_309] : memref<5x64x128xf32, #tpu.memory_space<vmem>> -> memref<1x64x128xf32, #tpu.memory_space<vmem>>
    %dma_wait3A_311 = tpu.memref_squeeze %dma_wait3A_310 : memref<1x64x128xf32, #tpu.memory_space<vmem>> -> memref<64x128xf32, #tpu.memory_space<vmem>>
    %dma_wait3A_312 = arith.constant 0 : i32
    %dma_wait3A_313 = tpu.memref_slice %arg5[%add3A_306, %dma_wait3A_312] : memref<10240x128xf32, #tpu.memory_space<vmem_shared>> -> memref<64x128xf32, #tpu.memory_space<vmem_shared>>
    %dma_wait3A_314 = arith.constant 0 : i32
    %dma_wait3A_315 = tpu.memref_slice %arg5[%add3A_306, %dma_wait3A_314] : memref<10240x128xf32, #tpu.memory_space<vmem_shared>> -> memref<64x128xf32, #tpu.memory_space<vmem_shared>>
    %dma_wait3A_316 = arith.constant 0 : i32
    %dma_wait3A_317 = arith.constant 0 : i32
    %dma_wait3A_318 = tpu.memref_slice %arg7[%dma_wait3A_307, %dma_wait3A_316, %dma_wait3A_317] : memref<5x64x128xf32, #tpu.memory_space<vmem>> -> memref<1x64x128xf32, #tpu.memory_space<vmem>>
    %dma_wait3A_319 = tpu.memref_squeeze %dma_wait3A_318 : memref<1x64x128xf32, #tpu.memory_space<vmem>> -> memref<64x128xf32, #tpu.memory_space<vmem>>
    tpu.wait_dma2 semaphore(%arg11 : memref<!tpu.dma_semaphore, #tpu.memory_space<semaphore_mem>>) src(%dma_wait3A_319 : memref<64x128xf32, #tpu.memory_space<vmem>>) dst(%dma_wait3A_315 : memref<64x128xf32, #tpu.memory_space<vmem_shared>>)
    %barrier3A = arith.constant 0 : index
    tpu.barrier barrier_id(%barrier3A)
    %gt3A = arith.constant 0 : i32
    %gt3A_320 = arith.cmpi sgt, %sub3A, %gt3A : i32
    %convert_element_type3A = arith.extui %gt3A_320 : i1 to i32
    %cond3A = arith.constant 0 : i32
    %cond3A_321 = arith.cmpi ne, %convert_element_type3A, %cond3A : i32
    scf.if %cond3A_321 {
      %add3A_521 = arith.constant 0 : i32
      %add3A_522 = arith.addi %add3A, %add3A_521 : i32
      %mul3A_523 = arith.constant 64 : i32
      %mul3A_524 = arith.muli %add3A_522, %mul3A_523 : i32
      %dma_start3A_525 = arith.constant 0 : i32
      %dma_start3A_526 = arith.constant 0 : i32
      %dma_start3A_527 = arith.constant 0 : i32
      %dma_start3A_528 = arith.constant 0 : i32
      %dma_start3A_529 = arith.constant 0 : i32
      %dma_start3A_530 = tpu.memref_slice %arg6[%dma_start3A_526, %dma_start3A_527, %dma_start3A_529] : memref<8x2x64xi32, #tpu.memory_space<vmem>> -> memref<1x1x64xi32, #tpu.memory_space<vmem>>
      %dma_start3A_531 = tpu.memref_squeeze %dma_start3A_530 : memref<1x1x64xi32, #tpu.memory_space<vmem>> -> memref<64xi32, #tpu.memory_space<vmem>>
      %dma_start3A_532 = tpu.memref_slice %arg3[%dma_start3A_525, %mul3A_524] : memref<2x320000xi32, #tpu.memory_space<hbm>> -> memref<1x64xi32, #tpu.memory_space<hbm>>
      %dma_start3A_533 = tpu.memref_squeeze %dma_start3A_532 : memref<1x64xi32, #tpu.memory_space<hbm>> -> memref<64xi32, #tpu.memory_space<hbm>>
      %dma_start3A_534 = tpu.memref_slice %arg8[%dma_start3A_528] : memref<8x!tpu.dma_semaphore, #tpu.memory_space<semaphore_mem>> -> memref<1x!tpu.dma_semaphore, #tpu.memory_space<semaphore_mem>>
      %dma_start3A_535 = tpu.memref_squeeze %dma_start3A_534 : memref<1x!tpu.dma_semaphore, #tpu.memory_space<semaphore_mem>> -> memref<!tpu.dma_semaphore, #tpu.memory_space<semaphore_mem>>
      %dma_start3A_536 = arith.constant 0 : i32
      %dma_start3A_537 = tpu.memref_slice %arg6[%dma_start3A_526, %dma_start3A_527, %dma_start3A_536] : memref<8x2x64xi32, #tpu.memory_space<vmem>> -> memref<1x1x64xi32, #tpu.memory_space<vmem>>
      %dma_start3A_538 = tpu.memref_squeeze %dma_start3A_537 : memref<1x1x64xi32, #tpu.memory_space<vmem>> -> memref<64xi32, #tpu.memory_space<vmem>>
      %dma_start3A_539 = tpu.memref_slice %arg3[%dma_start3A_525, %mul3A_524] : memref<2x320000xi32, #tpu.memory_space<hbm>> -> memref<1x64xi32, #tpu.memory_space<hbm>>
      %dma_start3A_540 = tpu.memref_squeeze %dma_start3A_539 : memref<1x64xi32, #tpu.memory_space<hbm>> -> memref<64xi32, #tpu.memory_space<hbm>>
      tpu.enqueue_dma source(%dma_start3A_540 : memref<64xi32, #tpu.memory_space<hbm>>) target(%dma_start3A_538 : memref<64xi32, #tpu.memory_space<vmem>>) target_semaphore(%dma_start3A_535 : memref<!tpu.dma_semaphore, #tpu.memory_space<semaphore_mem>>)
      %dma_start3A_541 = arith.constant 1 : i32
      %dma_start3A_542 = arith.constant 0 : i32
      %dma_start3A_543 = arith.constant 1 : i32
      %dma_start3A_544 = arith.constant 0 : i32
      %dma_start3A_545 = arith.constant 0 : i32
      %dma_start3A_546 = tpu.memref_slice %arg6[%dma_start3A_542, %dma_start3A_543, %dma_start3A_545] : memref<8x2x64xi32, #tpu.memory_space<vmem>> -> memref<1x1x64xi32, #tpu.memory_space<vmem>>
      %dma_start3A_547 = tpu.memref_squeeze %dma_start3A_546 : memref<1x1x64xi32, #tpu.memory_space<vmem>> -> memref<64xi32, #tpu.memory_space<vmem>>
      %dma_start3A_548 = tpu.memref_slice %arg3[%dma_start3A_541, %mul3A_524] : memref<2x320000xi32, #tpu.memory_space<hbm>> -> memref<1x64xi32, #tpu.memory_space<hbm>>
      %dma_start3A_549 = tpu.memref_squeeze %dma_start3A_548 : memref<1x64xi32, #tpu.memory_space<hbm>> -> memref<64xi32, #tpu.memory_space<hbm>>
      %dma_start3A_550 = tpu.memref_slice %arg8[%dma_start3A_544] : memref<8x!tpu.dma_semaphore, #tpu.memory_space<semaphore_mem>> -> memref<1x!tpu.dma_semaphore, #tpu.memory_space<semaphore_mem>>
      %dma_start3A_551 = tpu.memref_squeeze %dma_start3A_550 : memref<1x!tpu.dma_semaphore, #tpu.memory_space<semaphore_mem>> -> memref<!tpu.dma_semaphore, #tpu.memory_space<semaphore_mem>>
      %dma_start3A_552 = arith.constant 0 : i32
      %dma_start3A_553 = tpu.memref_slice %arg6[%dma_start3A_542, %dma_start3A_543, %dma_start3A_552] : memref<8x2x64xi32, #tpu.memory_space<vmem>> -> memref<1x1x64xi32, #tpu.memory_space<vmem>>
      %dma_start3A_554 = tpu.memref_squeeze %dma_start3A_553 : memref<1x1x64xi32, #tpu.memory_space<vmem>> -> memref<64xi32, #tpu.memory_space<vmem>>
      %dma_start3A_555 = tpu.memref_slice %arg3[%dma_start3A_541, %mul3A_524] : memref<2x320000xi32, #tpu.memory_space<hbm>> -> memref<1x64xi32, #tpu.memory_space<hbm>>
      %dma_start3A_556 = tpu.memref_squeeze %dma_start3A_555 : memref<1x64xi32, #tpu.memory_space<hbm>> -> memref<64xi32, #tpu.memory_space<hbm>>
      tpu.enqueue_dma source(%dma_start3A_556 : memref<64xi32, #tpu.memory_space<hbm>>) target(%dma_start3A_554 : memref<64xi32, #tpu.memory_space<vmem>>) target_semaphore(%dma_start3A_551 : memref<!tpu.dma_semaphore, #tpu.memory_space<semaphore_mem>>)
    } else {
    }
    %gt3A_322 = arith.constant 1 : i32
    %gt3A_323 = arith.cmpi sgt, %sub3A, %gt3A_322 : i32
    %convert_element_type3A_324 = arith.extui %gt3A_323 : i1 to i32
    %cond3A_325 = arith.constant 0 : i32
    %cond3A_326 = arith.cmpi ne, %convert_element_type3A_324, %cond3A_325 : i32
    scf.if %cond3A_326 {
      %add3A_521 = arith.constant 1 : i32
      %add3A_522 = arith.addi %add3A, %add3A_521 : i32
      %mul3A_523 = arith.constant 64 : i32
      %mul3A_524 = arith.muli %add3A_522, %mul3A_523 : i32
      %dma_start3A_525 = arith.constant 0 : i32
      %dma_start3A_526 = arith.constant 1 : i32
      %dma_start3A_527 = arith.constant 0 : i32
      %dma_start3A_528 = arith.constant 1 : i32
      %dma_start3A_529 = arith.constant 0 : i32
      %dma_start3A_530 = tpu.memref_slice %arg6[%dma_start3A_526, %dma_start3A_527, %dma_start3A_529] : memref<8x2x64xi32, #tpu.memory_space<vmem>> -> memref<1x1x64xi32, #tpu.memory_space<vmem>>
      %dma_start3A_531 = tpu.memref_squeeze %dma_start3A_530 : memref<1x1x64xi32, #tpu.memory_space<vmem>> -> memref<64xi32, #tpu.memory_space<vmem>>
      %dma_start3A_532 = tpu.memref_slice %arg3[%dma_start3A_525, %mul3A_524] : memref<2x320000xi32, #tpu.memory_space<hbm>> -> memref<1x64xi32, #tpu.memory_space<hbm>>
      %dma_start3A_533 = tpu.memref_squeeze %dma_start3A_532 : memref<1x64xi32, #tpu.memory_space<hbm>> -> memref<64xi32, #tpu.memory_space<hbm>>
      %dma_start3A_534 = tpu.memref_slice %arg8[%dma_start3A_528] : memref<8x!tpu.dma_semaphore, #tpu.memory_space<semaphore_mem>> -> memref<1x!tpu.dma_semaphore, #tpu.memory_space<semaphore_mem>>
      %dma_start3A_535 = tpu.memref_squeeze %dma_start3A_534 : memref<1x!tpu.dma_semaphore, #tpu.memory_space<semaphore_mem>> -> memref<!tpu.dma_semaphore, #tpu.memory_space<semaphore_mem>>
      %dma_start3A_536 = arith.constant 0 : i32
      %dma_start3A_537 = tpu.memref_slice %arg6[%dma_start3A_526, %dma_start3A_527, %dma_start3A_536] : memref<8x2x64xi32, #tpu.memory_space<vmem>> -> memref<1x1x64xi32, #tpu.memory_space<vmem>>
      %dma_start3A_538 = tpu.memref_squeeze %dma_start3A_537 : memref<1x1x64xi32, #tpu.memory_space<vmem>> -> memref<64xi32, #tpu.memory_space<vmem>>
      %dma_start3A_539 = tpu.memref_slice %arg3[%dma_start3A_525, %mul3A_524] : memref<2x320000xi32, #tpu.memory_space<hbm>> -> memref<1x64xi32, #tpu.memory_space<hbm>>
      %dma_start3A_540 = tpu.memref_squeeze %dma_start3A_539 : memref<1x64xi32, #tpu.memory_space<hbm>> -> memref<64xi32, #tpu.memory_space<hbm>>
      tpu.enqueue_dma source(%dma_start3A_540 : memref<64xi32, #tpu.memory_space<hbm>>) target(%dma_start3A_538 : memref<64xi32, #tpu.memory_space<vmem>>) target_semaphore(%dma_start3A_535 : memref<!tpu.dma_semaphore, #tpu.memory_space<semaphore_mem>>)
      %dma_start3A_541 = arith.constant 1 : i32
      %dma_start3A_542 = arith.constant 1 : i32
      %dma_start3A_543 = arith.constant 1 : i32
      %dma_start3A_544 = arith.constant 1 : i32
      %dma_start3A_545 = arith.constant 0 : i32
      %dma_start3A_546 = tpu.memref_slice %arg6[%dma_start3A_542, %dma_start3A_543, %dma_start3A_545] : memref<8x2x64xi32, #tpu.memory_space<vmem>> -> memref<1x1x64xi32, #tpu.memory_space<vmem>>
      %dma_start3A_547 = tpu.memref_squeeze %dma_start3A_546 : memref<1x1x64xi32, #tpu.memory_space<vmem>> -> memref<64xi32, #tpu.memory_space<vmem>>
      %dma_start3A_548 = tpu.memref_slice %arg3[%dma_start3A_541, %mul3A_524] : memref<2x320000xi32, #tpu.memory_space<hbm>> -> memref<1x64xi32, #tpu.memory_space<hbm>>
      %dma_start3A_549 = tpu.memref_squeeze %dma_start3A_548 : memref<1x64xi32, #tpu.memory_space<hbm>> -> memref<64xi32, #tpu.memory_space<hbm>>
      %dma_start3A_550 = tpu.memref_slice %arg8[%dma_start3A_544] : memref<8x!tpu.dma_semaphore, #tpu.memory_space<semaphore_mem>> -> memref<1x!tpu.dma_semaphore, #tpu.memory_space<semaphore_mem>>
      %dma_start3A_551 = tpu.memref_squeeze %dma_start3A_550 : memref<1x!tpu.dma_semaphore, #tpu.memory_space<semaphore_mem>> -> memref<!tpu.dma_semaphore, #tpu.memory_space<semaphore_mem>>
      %dma_start3A_552 = arith.constant 0 : i32
      %dma_start3A_553 = tpu.memref_slice %arg6[%dma_start3A_542, %dma_start3A_543, %dma_start3A_552] : memref<8x2x64xi32, #tpu.memory_space<vmem>> -> memref<1x1x64xi32, #tpu.memory_space<vmem>>
      %dma_start3A_554 = tpu.memref_squeeze %dma_start3A_553 : memref<1x1x64xi32, #tpu.memory_space<vmem>> -> memref<64xi32, #tpu.memory_space<vmem>>
      %dma_start3A_555 = tpu.memref_slice %arg3[%dma_start3A_541, %mul3A_524] : memref<2x320000xi32, #tpu.memory_space<hbm>> -> memref<1x64xi32, #tpu.memory_space<hbm>>
      %dma_start3A_556 = tpu.memref_squeeze %dma_start3A_555 : memref<1x64xi32, #tpu.memory_space<hbm>> -> memref<64xi32, #tpu.memory_space<hbm>>
      tpu.enqueue_dma source(%dma_start3A_556 : memref<64xi32, #tpu.memory_space<hbm>>) target(%dma_start3A_554 : memref<64xi32, #tpu.memory_space<vmem>>) target_semaphore(%dma_start3A_551 : memref<!tpu.dma_semaphore, #tpu.memory_space<semaphore_mem>>)
    } else {
    }
    %gt3A_327 = arith.constant 2 : i32
    %gt3A_328 = arith.cmpi sgt, %sub3A, %gt3A_327 : i32
    %convert_element_type3A_329 = arith.extui %gt3A_328 : i1 to i32
    %cond3A_330 = arith.constant 0 : i32
    %cond3A_331 = arith.cmpi ne, %convert_element_type3A_329, %cond3A_330 : i32
    scf.if %cond3A_331 {
      %add3A_521 = arith.constant 2 : i32
      %add3A_522 = arith.addi %add3A, %add3A_521 : i32
      %mul3A_523 = arith.constant 64 : i32
      %mul3A_524 = arith.muli %add3A_522, %mul3A_523 : i32
      %dma_start3A_525 = arith.constant 0 : i32
      %dma_start3A_526 = arith.constant 2 : i32
      %dma_start3A_527 = arith.constant 0 : i32
      %dma_start3A_528 = arith.constant 2 : i32
      %dma_start3A_529 = arith.constant 0 : i32
      %dma_start3A_530 = tpu.memref_slice %arg6[%dma_start3A_526, %dma_start3A_527, %dma_start3A_529] : memref<8x2x64xi32, #tpu.memory_space<vmem>> -> memref<1x1x64xi32, #tpu.memory_space<vmem>>
      %dma_start3A_531 = tpu.memref_squeeze %dma_start3A_530 : memref<1x1x64xi32, #tpu.memory_space<vmem>> -> memref<64xi32, #tpu.memory_space<vmem>>
      %dma_start3A_532 = tpu.memref_slice %arg3[%dma_start3A_525, %mul3A_524] : memref<2x320000xi32, #tpu.memory_space<hbm>> -> memref<1x64xi32, #tpu.memory_space<hbm>>
      %dma_start3A_533 = tpu.memref_squeeze %dma_start3A_532 : memref<1x64xi32, #tpu.memory_space<hbm>> -> memref<64xi32, #tpu.memory_space<hbm>>
      %dma_start3A_534 = tpu.memref_slice %arg8[%dma_start3A_528] : memref<8x!tpu.dma_semaphore, #tpu.memory_space<semaphore_mem>> -> memref<1x!tpu.dma_semaphore, #tpu.memory_space<semaphore_mem>>
      %dma_start3A_535 = tpu.memref_squeeze %dma_start3A_534 : memref<1x!tpu.dma_semaphore, #tpu.memory_space<semaphore_mem>> -> memref<!tpu.dma_semaphore, #tpu.memory_space<semaphore_mem>>
      %dma_start3A_536 = arith.constant 0 : i32
      %dma_start3A_537 = tpu.memref_slice %arg6[%dma_start3A_526, %dma_start3A_527, %dma_start3A_536] : memref<8x2x64xi32, #tpu.memory_space<vmem>> -> memref<1x1x64xi32, #tpu.memory_space<vmem>>
      %dma_start3A_538 = tpu.memref_squeeze %dma_start3A_537 : memref<1x1x64xi32, #tpu.memory_space<vmem>> -> memref<64xi32, #tpu.memory_space<vmem>>
      %dma_start3A_539 = tpu.memref_slice %arg3[%dma_start3A_525, %mul3A_524] : memref<2x320000xi32, #tpu.memory_space<hbm>> -> memref<1x64xi32, #tpu.memory_space<hbm>>
      %dma_start3A_540 = tpu.memref_squeeze %dma_start3A_539 : memref<1x64xi32, #tpu.memory_space<hbm>> -> memref<64xi32, #tpu.memory_space<hbm>>
      tpu.enqueue_dma source(%dma_start3A_540 : memref<64xi32, #tpu.memory_space<hbm>>) target(%dma_start3A_538 : memref<64xi32, #tpu.memory_space<vmem>>) target_semaphore(%dma_start3A_535 : memref<!tpu.dma_semaphore, #tpu.memory_space<semaphore_mem>>)
      %dma_start3A_541 = arith.constant 1 : i32
      %dma_start3A_542 = arith.constant 2 : i32
      %dma_start3A_543 = arith.constant 1 : i32
      %dma_start3A_544 = arith.constant 2 : i32
      %dma_start3A_545 = arith.constant 0 : i32
      %dma_start3A_546 = tpu.memref_slice %arg6[%dma_start3A_542, %dma_start3A_543, %dma_start3A_545] : memref<8x2x64xi32, #tpu.memory_space<vmem>> -> memref<1x1x64xi32, #tpu.memory_space<vmem>>
      %dma_start3A_547 = tpu.memref_squeeze %dma_start3A_546 : memref<1x1x64xi32, #tpu.memory_space<vmem>> -> memref<64xi32, #tpu.memory_space<vmem>>
      %dma_start3A_548 = tpu.memref_slice %arg3[%dma_start3A_541, %mul3A_524] : memref<2x320000xi32, #tpu.memory_space<hbm>> -> memref<1x64xi32, #tpu.memory_space<hbm>>
      %dma_start3A_549 = tpu.memref_squeeze %dma_start3A_548 : memref<1x64xi32, #tpu.memory_space<hbm>> -> memref<64xi32, #tpu.memory_space<hbm>>
      %dma_start3A_550 = tpu.memref_slice %arg8[%dma_start3A_544] : memref<8x!tpu.dma_semaphore, #tpu.memory_space<semaphore_mem>> -> memref<1x!tpu.dma_semaphore, #tpu.memory_space<semaphore_mem>>
      %dma_start3A_551 = tpu.memref_squeeze %dma_start3A_550 : memref<1x!tpu.dma_semaphore, #tpu.memory_space<semaphore_mem>> -> memref<!tpu.dma_semaphore, #tpu.memory_space<semaphore_mem>>
      %dma_start3A_552 = arith.constant 0 : i32
      %dma_start3A_553 = tpu.memref_slice %arg6[%dma_start3A_542, %dma_start3A_543, %dma_start3A_552] : memref<8x2x64xi32, #tpu.memory_space<vmem>> -> memref<1x1x64xi32, #tpu.memory_space<vmem>>
      %dma_start3A_554 = tpu.memref_squeeze %dma_start3A_553 : memref<1x1x64xi32, #tpu.memory_space<vmem>> -> memref<64xi32, #tpu.memory_space<vmem>>
      %dma_start3A_555 = tpu.memref_slice %arg3[%dma_start3A_541, %mul3A_524] : memref<2x320000xi32, #tpu.memory_space<hbm>> -> memref<1x64xi32, #tpu.memory_space<hbm>>
      %dma_start3A_556 = tpu.memref_squeeze %dma_start3A_555 : memref<1x64xi32, #tpu.memory_space<hbm>> -> memref<64xi32, #tpu.memory_space<hbm>>
      tpu.enqueue_dma source(%dma_start3A_556 : memref<64xi32, #tpu.memory_space<hbm>>) target(%dma_start3A_554 : memref<64xi32, #tpu.memory_space<vmem>>) target_semaphore(%dma_start3A_551 : memref<!tpu.dma_semaphore, #tpu.memory_space<semaphore_mem>>)
    } else {
    }
    %gt3A_332 = arith.constant 3 : i32
    %gt3A_333 = arith.cmpi sgt, %sub3A, %gt3A_332 : i32
    %convert_element_type3A_334 = arith.extui %gt3A_333 : i1 to i32
    %cond3A_335 = arith.constant 0 : i32
    %cond3A_336 = arith.cmpi ne, %convert_element_type3A_334, %cond3A_335 : i32
    scf.if %cond3A_336 {
      %add3A_521 = arith.constant 3 : i32
      %add3A_522 = arith.addi %add3A, %add3A_521 : i32
      %mul3A_523 = arith.constant 64 : i32
      %mul3A_524 = arith.muli %add3A_522, %mul3A_523 : i32
      %dma_start3A_525 = arith.constant 0 : i32
      %dma_start3A_526 = arith.constant 3 : i32
      %dma_start3A_527 = arith.constant 0 : i32
      %dma_start3A_528 = arith.constant 3 : i32
      %dma_start3A_529 = arith.constant 0 : i32
      %dma_start3A_530 = tpu.memref_slice %arg6[%dma_start3A_526, %dma_start3A_527, %dma_start3A_529] : memref<8x2x64xi32, #tpu.memory_space<vmem>> -> memref<1x1x64xi32, #tpu.memory_space<vmem>>
      %dma_start3A_531 = tpu.memref_squeeze %dma_start3A_530 : memref<1x1x64xi32, #tpu.memory_space<vmem>> -> memref<64xi32, #tpu.memory_space<vmem>>
      %dma_start3A_532 = tpu.memref_slice %arg3[%dma_start3A_525, %mul3A_524] : memref<2x320000xi32, #tpu.memory_space<hbm>> -> memref<1x64xi32, #tpu.memory_space<hbm>>
      %dma_start3A_533 = tpu.memref_squeeze %dma_start3A_532 : memref<1x64xi32, #tpu.memory_space<hbm>> -> memref<64xi32, #tpu.memory_space<hbm>>
      %dma_start3A_534 = tpu.memref_slice %arg8[%dma_start3A_528] : memref<8x!tpu.dma_semaphore, #tpu.memory_space<semaphore_mem>> -> memref<1x!tpu.dma_semaphore, #tpu.memory_space<semaphore_mem>>
      %dma_start3A_535 = tpu.memref_squeeze %dma_start3A_534 : memref<1x!tpu.dma_semaphore, #tpu.memory_space<semaphore_mem>> -> memref<!tpu.dma_semaphore, #tpu.memory_space<semaphore_mem>>
      %dma_start3A_536 = arith.constant 0 : i32
      %dma_start3A_537 = tpu.memref_slice %arg6[%dma_start3A_526, %dma_start3A_527, %dma_start3A_536] : memref<8x2x64xi32, #tpu.memory_space<vmem>> -> memref<1x1x64xi32, #tpu.memory_space<vmem>>
      %dma_start3A_538 = tpu.memref_squeeze %dma_start3A_537 : memref<1x1x64xi32, #tpu.memory_space<vmem>> -> memref<64xi32, #tpu.memory_space<vmem>>
      %dma_start3A_539 = tpu.memref_slice %arg3[%dma_start3A_525, %mul3A_524] : memref<2x320000xi32, #tpu.memory_space<hbm>> -> memref<1x64xi32, #tpu.memory_space<hbm>>
      %dma_start3A_540 = tpu.memref_squeeze %dma_start3A_539 : memref<1x64xi32, #tpu.memory_space<hbm>> -> memref<64xi32, #tpu.memory_space<hbm>>
      tpu.enqueue_dma source(%dma_start3A_540 : memref<64xi32, #tpu.memory_space<hbm>>) target(%dma_start3A_538 : memref<64xi32, #tpu.memory_space<vmem>>) target_semaphore(%dma_start3A_535 : memref<!tpu.dma_semaphore, #tpu.memory_space<semaphore_mem>>)
      %dma_start3A_541 = arith.constant 1 : i32
      %dma_start3A_542 = arith.constant 3 : i32
      %dma_start3A_543 = arith.constant 1 : i32
      %dma_start3A_544 = arith.constant 3 : i32
      %dma_start3A_545 = arith.constant 0 : i32
      %dma_start3A_546 = tpu.memref_slice %arg6[%dma_start3A_542, %dma_start3A_543, %dma_start3A_545] : memref<8x2x64xi32, #tpu.memory_space<vmem>> -> memref<1x1x64xi32, #tpu.memory_space<vmem>>
      %dma_start3A_547 = tpu.memref_squeeze %dma_start3A_546 : memref<1x1x64xi32, #tpu.memory_space<vmem>> -> memref<64xi32, #tpu.memory_space<vmem>>
      %dma_start3A_548 = tpu.memref_slice %arg3[%dma_start3A_541, %mul3A_524] : memref<2x320000xi32, #tpu.memory_space<hbm>> -> memref<1x64xi32, #tpu.memory_space<hbm>>
      %dma_start3A_549 = tpu.memref_squeeze %dma_start3A_548 : memref<1x64xi32, #tpu.memory_space<hbm>> -> memref<64xi32, #tpu.memory_space<hbm>>
      %dma_start3A_550 = tpu.memref_slice %arg8[%dma_start3A_544] : memref<8x!tpu.dma_semaphore, #tpu.memory_space<semaphore_mem>> -> memref<1x!tpu.dma_semaphore, #tpu.memory_space<semaphore_mem>>
      %dma_start3A_551 = tpu.memref_squeeze %dma_start3A_550 : memref<1x!tpu.dma_semaphore, #tpu.memory_space<semaphore_mem>> -> memref<!tpu.dma_semaphore, #tpu.memory_space<semaphore_mem>>
      %dma_start3A_552 = arith.constant 0 : i32
      %dma_start3A_553 = tpu.memref_slice %arg6[%dma_start3A_542, %dma_start3A_543, %dma_start3A_552] : memref<8x2x64xi32, #tpu.memory_space<vmem>> -> memref<1x1x64xi32, #tpu.memory_space<vmem>>
      %dma_start3A_554 = tpu.memref_squeeze %dma_start3A_553 : memref<1x1x64xi32, #tpu.memory_space<vmem>> -> memref<64xi32, #tpu.memory_space<vmem>>
      %dma_start3A_555 = tpu.memref_slice %arg3[%dma_start3A_541, %mul3A_524] : memref<2x320000xi32, #tpu.memory_space<hbm>> -> memref<1x64xi32, #tpu.memory_space<hbm>>
      %dma_start3A_556 = tpu.memref_squeeze %dma_start3A_555 : memref<1x64xi32, #tpu.memory_space<hbm>> -> memref<64xi32, #tpu.memory_space<hbm>>
      tpu.enqueue_dma source(%dma_start3A_556 : memref<64xi32, #tpu.memory_space<hbm>>) target(%dma_start3A_554 : memref<64xi32, #tpu.memory_space<vmem>>) target_semaphore(%dma_start3A_551 : memref<!tpu.dma_semaphore, #tpu.memory_space<semaphore_mem>>)
    } else {
    }
    %gt3A_337 = arith.constant 4 : i32
    %gt3A_338 = arith.cmpi sgt, %sub3A, %gt3A_337 : i32
    %convert_element_type3A_339 = arith.extui %gt3A_338 : i1 to i32
    %cond3A_340 = arith.constant 0 : i32
    %cond3A_341 = arith.cmpi ne, %convert_element_type3A_339, %cond3A_340 : i32
    scf.if %cond3A_341 {
      %add3A_521 = arith.constant 4 : i32
      %add3A_522 = arith.addi %add3A, %add3A_521 : i32
      %mul3A_523 = arith.constant 64 : i32
      %mul3A_524 = arith.muli %add3A_522, %mul3A_523 : i32
      %dma_start3A_525 = arith.constant 0 : i32
      %dma_start3A_526 = arith.constant 4 : i32
      %dma_start3A_527 = arith.constant 0 : i32
      %dma_start3A_528 = arith.constant 4 : i32
      %dma_start3A_529 = arith.constant 0 : i32
      %dma_start3A_530 = tpu.memref_slice %arg6[%dma_start3A_526, %dma_start3A_527, %dma_start3A_529] : memref<8x2x64xi32, #tpu.memory_space<vmem>> -> memref<1x1x64xi32, #tpu.memory_space<vmem>>
      %dma_start3A_531 = tpu.memref_squeeze %dma_start3A_530 : memref<1x1x64xi32, #tpu.memory_space<vmem>> -> memref<64xi32, #tpu.memory_space<vmem>>
      %dma_start3A_532 = tpu.memref_slice %arg3[%dma_start3A_525, %mul3A_524] : memref<2x320000xi32, #tpu.memory_space<hbm>> -> memref<1x64xi32, #tpu.memory_space<hbm>>
      %dma_start3A_533 = tpu.memref_squeeze %dma_start3A_532 : memref<1x64xi32, #tpu.memory_space<hbm>> -> memref<64xi32, #tpu.memory_space<hbm>>
      %dma_start3A_534 = tpu.memref_slice %arg8[%dma_start3A_528] : memref<8x!tpu.dma_semaphore, #tpu.memory_space<semaphore_mem>> -> memref<1x!tpu.dma_semaphore, #tpu.memory_space<semaphore_mem>>
      %dma_start3A_535 = tpu.memref_squeeze %dma_start3A_534 : memref<1x!tpu.dma_semaphore, #tpu.memory_space<semaphore_mem>> -> memref<!tpu.dma_semaphore, #tpu.memory_space<semaphore_mem>>
      %dma_start3A_536 = arith.constant 0 : i32
      %dma_start3A_537 = tpu.memref_slice %arg6[%dma_start3A_526, %dma_start3A_527, %dma_start3A_536] : memref<8x2x64xi32, #tpu.memory_space<vmem>> -> memref<1x1x64xi32, #tpu.memory_space<vmem>>
      %dma_start3A_538 = tpu.memref_squeeze %dma_start3A_537 : memref<1x1x64xi32, #tpu.memory_space<vmem>> -> memref<64xi32, #tpu.memory_space<vmem>>
      %dma_start3A_539 = tpu.memref_slice %arg3[%dma_start3A_525, %mul3A_524] : memref<2x320000xi32, #tpu.memory_space<hbm>> -> memref<1x64xi32, #tpu.memory_space<hbm>>
      %dma_start3A_540 = tpu.memref_squeeze %dma_start3A_539 : memref<1x64xi32, #tpu.memory_space<hbm>> -> memref<64xi32, #tpu.memory_space<hbm>>
      tpu.enqueue_dma source(%dma_start3A_540 : memref<64xi32, #tpu.memory_space<hbm>>) target(%dma_start3A_538 : memref<64xi32, #tpu.memory_space<vmem>>) target_semaphore(%dma_start3A_535 : memref<!tpu.dma_semaphore, #tpu.memory_space<semaphore_mem>>)
      %dma_start3A_541 = arith.constant 1 : i32
      %dma_start3A_542 = arith.constant 4 : i32
      %dma_start3A_543 = arith.constant 1 : i32
      %dma_start3A_544 = arith.constant 4 : i32
      %dma_start3A_545 = arith.constant 0 : i32
      %dma_start3A_546 = tpu.memref_slice %arg6[%dma_start3A_542, %dma_start3A_543, %dma_start3A_545] : memref<8x2x64xi32, #tpu.memory_space<vmem>> -> memref<1x1x64xi32, #tpu.memory_space<vmem>>
      %dma_start3A_547 = tpu.memref_squeeze %dma_start3A_546 : memref<1x1x64xi32, #tpu.memory_space<vmem>> -> memref<64xi32, #tpu.memory_space<vmem>>
      %dma_start3A_548 = tpu.memref_slice %arg3[%dma_start3A_541, %mul3A_524] : memref<2x320000xi32, #tpu.memory_space<hbm>> -> memref<1x64xi32, #tpu.memory_space<hbm>>
      %dma_start3A_549 = tpu.memref_squeeze %dma_start3A_548 : memref<1x64xi32, #tpu.memory_space<hbm>> -> memref<64xi32, #tpu.memory_space<hbm>>
      %dma_start3A_550 = tpu.memref_slice %arg8[%dma_start3A_544] : memref<8x!tpu.dma_semaphore, #tpu.memory_space<semaphore_mem>> -> memref<1x!tpu.dma_semaphore, #tpu.memory_space<semaphore_mem>>
      %dma_start3A_551 = tpu.memref_squeeze %dma_start3A_550 : memref<1x!tpu.dma_semaphore, #tpu.memory_space<semaphore_mem>> -> memref<!tpu.dma_semaphore, #tpu.memory_space<semaphore_mem>>
      %dma_start3A_552 = arith.constant 0 : i32
      %dma_start3A_553 = tpu.memref_slice %arg6[%dma_start3A_542, %dma_start3A_543, %dma_start3A_552] : memref<8x2x64xi32, #tpu.memory_space<vmem>> -> memref<1x1x64xi32, #tpu.memory_space<vmem>>
      %dma_start3A_554 = tpu.memref_squeeze %dma_start3A_553 : memref<1x1x64xi32, #tpu.memory_space<vmem>> -> memref<64xi32, #tpu.memory_space<vmem>>
      %dma_start3A_555 = tpu.memref_slice %arg3[%dma_start3A_541, %mul3A_524] : memref<2x320000xi32, #tpu.memory_space<hbm>> -> memref<1x64xi32, #tpu.memory_space<hbm>>
      %dma_start3A_556 = tpu.memref_squeeze %dma_start3A_555 : memref<1x64xi32, #tpu.memory_space<hbm>> -> memref<64xi32, #tpu.memory_space<hbm>>
      tpu.enqueue_dma source(%dma_start3A_556 : memref<64xi32, #tpu.memory_space<hbm>>) target(%dma_start3A_554 : memref<64xi32, #tpu.memory_space<vmem>>) target_semaphore(%dma_start3A_551 : memref<!tpu.dma_semaphore, #tpu.memory_space<semaphore_mem>>)
    } else {
    }
    %gt3A_342 = arith.constant 5 : i32
    %gt3A_343 = arith.cmpi sgt, %sub3A, %gt3A_342 : i32
    %convert_element_type3A_344 = arith.extui %gt3A_343 : i1 to i32
    %cond3A_345 = arith.constant 0 : i32
    %cond3A_346 = arith.cmpi ne, %convert_element_type3A_344, %cond3A_345 : i32
    scf.if %cond3A_346 {
      %add3A_521 = arith.constant 5 : i32
      %add3A_522 = arith.addi %add3A, %add3A_521 : i32
      %mul3A_523 = arith.constant 64 : i32
      %mul3A_524 = arith.muli %add3A_522, %mul3A_523 : i32
      %dma_start3A_525 = arith.constant 0 : i32
      %dma_start3A_526 = arith.constant 5 : i32
      %dma_start3A_527 = arith.constant 0 : i32
      %dma_start3A_528 = arith.constant 5 : i32
      %dma_start3A_529 = arith.constant 0 : i32
      %dma_start3A_530 = tpu.memref_slice %arg6[%dma_start3A_526, %dma_start3A_527, %dma_start3A_529] : memref<8x2x64xi32, #tpu.memory_space<vmem>> -> memref<1x1x64xi32, #tpu.memory_space<vmem>>
      %dma_start3A_531 = tpu.memref_squeeze %dma_start3A_530 : memref<1x1x64xi32, #tpu.memory_space<vmem>> -> memref<64xi32, #tpu.memory_space<vmem>>
      %dma_start3A_532 = tpu.memref_slice %arg3[%dma_start3A_525, %mul3A_524] : memref<2x320000xi32, #tpu.memory_space<hbm>> -> memref<1x64xi32, #tpu.memory_space<hbm>>
      %dma_start3A_533 = tpu.memref_squeeze %dma_start3A_532 : memref<1x64xi32, #tpu.memory_space<hbm>> -> memref<64xi32, #tpu.memory_space<hbm>>
      %dma_start3A_534 = tpu.memref_slice %arg8[%dma_start3A_528] : memref<8x!tpu.dma_semaphore, #tpu.memory_space<semaphore_mem>> -> memref<1x!tpu.dma_semaphore, #tpu.memory_space<semaphore_mem>>
      %dma_start3A_535 = tpu.memref_squeeze %dma_start3A_534 : memref<1x!tpu.dma_semaphore, #tpu.memory_space<semaphore_mem>> -> memref<!tpu.dma_semaphore, #tpu.memory_space<semaphore_mem>>
      %dma_start3A_536 = arith.constant 0 : i32
      %dma_start3A_537 = tpu.memref_slice %arg6[%dma_start3A_526, %dma_start3A_527, %dma_start3A_536] : memref<8x2x64xi32, #tpu.memory_space<vmem>> -> memref<1x1x64xi32, #tpu.memory_space<vmem>>
      %dma_start3A_538 = tpu.memref_squeeze %dma_start3A_537 : memref<1x1x64xi32, #tpu.memory_space<vmem>> -> memref<64xi32, #tpu.memory_space<vmem>>
      %dma_start3A_539 = tpu.memref_slice %arg3[%dma_start3A_525, %mul3A_524] : memref<2x320000xi32, #tpu.memory_space<hbm>> -> memref<1x64xi32, #tpu.memory_space<hbm>>
      %dma_start3A_540 = tpu.memref_squeeze %dma_start3A_539 : memref<1x64xi32, #tpu.memory_space<hbm>> -> memref<64xi32, #tpu.memory_space<hbm>>
      tpu.enqueue_dma source(%dma_start3A_540 : memref<64xi32, #tpu.memory_space<hbm>>) target(%dma_start3A_538 : memref<64xi32, #tpu.memory_space<vmem>>) target_semaphore(%dma_start3A_535 : memref<!tpu.dma_semaphore, #tpu.memory_space<semaphore_mem>>)
      %dma_start3A_541 = arith.constant 1 : i32
      %dma_start3A_542 = arith.constant 5 : i32
      %dma_start3A_543 = arith.constant 1 : i32
      %dma_start3A_544 = arith.constant 5 : i32
      %dma_start3A_545 = arith.constant 0 : i32
      %dma_start3A_546 = tpu.memref_slice %arg6[%dma_start3A_542, %dma_start3A_543, %dma_start3A_545] : memref<8x2x64xi32, #tpu.memory_space<vmem>> -> memref<1x1x64xi32, #tpu.memory_space<vmem>>
      %dma_start3A_547 = tpu.memref_squeeze %dma_start3A_546 : memref<1x1x64xi32, #tpu.memory_space<vmem>> -> memref<64xi32, #tpu.memory_space<vmem>>
      %dma_start3A_548 = tpu.memref_slice %arg3[%dma_start3A_541, %mul3A_524] : memref<2x320000xi32, #tpu.memory_space<hbm>> -> memref<1x64xi32, #tpu.memory_space<hbm>>
      %dma_start3A_549 = tpu.memref_squeeze %dma_start3A_548 : memref<1x64xi32, #tpu.memory_space<hbm>> -> memref<64xi32, #tpu.memory_space<hbm>>
      %dma_start3A_550 = tpu.memref_slice %arg8[%dma_start3A_544] : memref<8x!tpu.dma_semaphore, #tpu.memory_space<semaphore_mem>> -> memref<1x!tpu.dma_semaphore, #tpu.memory_space<semaphore_mem>>
      %dma_start3A_551 = tpu.memref_squeeze %dma_start3A_550 : memref<1x!tpu.dma_semaphore, #tpu.memory_space<semaphore_mem>> -> memref<!tpu.dma_semaphore, #tpu.memory_space<semaphore_mem>>
      %dma_start3A_552 = arith.constant 0 : i32
      %dma_start3A_553 = tpu.memref_slice %arg6[%dma_start3A_542, %dma_start3A_543, %dma_start3A_552] : memref<8x2x64xi32, #tpu.memory_space<vmem>> -> memref<1x1x64xi32, #tpu.memory_space<vmem>>
      %dma_start3A_554 = tpu.memref_squeeze %dma_start3A_553 : memref<1x1x64xi32, #tpu.memory_space<vmem>> -> memref<64xi32, #tpu.memory_space<vmem>>
      %dma_start3A_555 = tpu.memref_slice %arg3[%dma_start3A_541, %mul3A_524] : memref<2x320000xi32, #tpu.memory_space<hbm>> -> memref<1x64xi32, #tpu.memory_space<hbm>>
      %dma_start3A_556 = tpu.memref_squeeze %dma_start3A_555 : memref<1x64xi32, #tpu.memory_space<hbm>> -> memref<64xi32, #tpu.memory_space<hbm>>
      tpu.enqueue_dma source(%dma_start3A_556 : memref<64xi32, #tpu.memory_space<hbm>>) target(%dma_start3A_554 : memref<64xi32, #tpu.memory_space<vmem>>) target_semaphore(%dma_start3A_551 : memref<!tpu.dma_semaphore, #tpu.memory_space<semaphore_mem>>)
    } else {
    }
    %gt3A_347 = arith.constant 0 : i32
    %gt3A_348 = arith.cmpi sgt, %sub3A, %gt3A_347 : i32
    %convert_element_type3A_349 = arith.extui %gt3A_348 : i1 to i32
    %cond3A_350 = arith.constant 0 : i32
    %cond3A_351 = arith.cmpi ne, %convert_element_type3A_349, %cond3A_350 : i32
    scf.if %cond3A_351 {
      %dma_wait3A_521 = arith.constant 0 : i32
      %dma_wait3A_522 = arith.constant 0 : i32
      %dma_wait3A_523 = arith.constant 0 : i32
      %dma_wait3A_524 = arith.constant 0 : i32
      %dma_wait3A_525 = arith.constant 0 : i32
      %dma_wait3A_526 = tpu.memref_slice %arg6[%dma_wait3A_522, %dma_wait3A_523, %dma_wait3A_525] : memref<8x2x64xi32, #tpu.memory_space<vmem>> -> memref<1x1x64xi32, #tpu.memory_space<vmem>>
      %dma_wait3A_527 = tpu.memref_squeeze %dma_wait3A_526 : memref<1x1x64xi32, #tpu.memory_space<vmem>> -> memref<64xi32, #tpu.memory_space<vmem>>
      %dma_wait3A_528 = arith.constant 0 : i32
      %dma_wait3A_529 = tpu.memref_slice %arg3[%dma_wait3A_521, %dma_wait3A_528] : memref<2x320000xi32, #tpu.memory_space<hbm>> -> memref<1x64xi32, #tpu.memory_space<hbm>>
      %dma_wait3A_530 = tpu.memref_squeeze %dma_wait3A_529 : memref<1x64xi32, #tpu.memory_space<hbm>> -> memref<64xi32, #tpu.memory_space<hbm>>
      %dma_wait3A_531 = tpu.memref_slice %arg8[%dma_wait3A_524] : memref<8x!tpu.dma_semaphore, #tpu.memory_space<semaphore_mem>> -> memref<1x!tpu.dma_semaphore, #tpu.memory_space<semaphore_mem>>
      %dma_wait3A_532 = tpu.memref_squeeze %dma_wait3A_531 : memref<1x!tpu.dma_semaphore, #tpu.memory_space<semaphore_mem>> -> memref<!tpu.dma_semaphore, #tpu.memory_space<semaphore_mem>>
      %dma_wait3A_533 = arith.constant 0 : i32
      %dma_wait3A_534 = tpu.memref_slice %arg6[%dma_wait3A_522, %dma_wait3A_523, %dma_wait3A_533] : memref<8x2x64xi32, #tpu.memory_space<vmem>> -> memref<1x1x64xi32, #tpu.memory_space<vmem>>
      %dma_wait3A_535 = tpu.memref_squeeze %dma_wait3A_534 : memref<1x1x64xi32, #tpu.memory_space<vmem>> -> memref<64xi32, #tpu.memory_space<vmem>>
      %dma_wait3A_536 = arith.constant 0 : i32
      %dma_wait3A_537 = tpu.memref_slice %arg3[%dma_wait3A_521, %dma_wait3A_536] : memref<2x320000xi32, #tpu.memory_space<hbm>> -> memref<1x64xi32, #tpu.memory_space<hbm>>
      %dma_wait3A_538 = tpu.memref_squeeze %dma_wait3A_537 : memref<1x64xi32, #tpu.memory_space<hbm>> -> memref<64xi32, #tpu.memory_space<hbm>>
      tpu.wait_dma2 semaphore(%dma_wait3A_532 : memref<!tpu.dma_semaphore, #tpu.memory_space<semaphore_mem>>) src(%dma_wait3A_538 : memref<64xi32, #tpu.memory_space<hbm>>) dst(%dma_wait3A_535 : memref<64xi32, #tpu.memory_space<vmem>>)
      %dma_wait3A_539 = arith.constant 1 : i32
      %dma_wait3A_540 = arith.constant 0 : i32
      %dma_wait3A_541 = arith.constant 1 : i32
      %dma_wait3A_542 = arith.constant 0 : i32
      %dma_wait3A_543 = arith.constant 0 : i32
      %dma_wait3A_544 = tpu.memref_slice %arg6[%dma_wait3A_540, %dma_wait3A_541, %dma_wait3A_543] : memref<8x2x64xi32, #tpu.memory_space<vmem>> -> memref<1x1x64xi32, #tpu.memory_space<vmem>>
      %dma_wait3A_545 = tpu.memref_squeeze %dma_wait3A_544 : memref<1x1x64xi32, #tpu.memory_space<vmem>> -> memref<64xi32, #tpu.memory_space<vmem>>
      %dma_wait3A_546 = arith.constant 0 : i32
      %dma_wait3A_547 = tpu.memref_slice %arg3[%dma_wait3A_539, %dma_wait3A_546] : memref<2x320000xi32, #tpu.memory_space<hbm>> -> memref<1x64xi32, #tpu.memory_space<hbm>>
      %dma_wait3A_548 = tpu.memref_squeeze %dma_wait3A_547 : memref<1x64xi32, #tpu.memory_space<hbm>> -> memref<64xi32, #tpu.memory_space<hbm>>
      %dma_wait3A_549 = tpu.memref_slice %arg8[%dma_wait3A_542] : memref<8x!tpu.dma_semaphore, #tpu.memory_space<semaphore_mem>> -> memref<1x!tpu.dma_semaphore, #tpu.memory_space<semaphore_mem>>
      %dma_wait3A_550 = tpu.memref_squeeze %dma_wait3A_549 : memref<1x!tpu.dma_semaphore, #tpu.memory_space<semaphore_mem>> -> memref<!tpu.dma_semaphore, #tpu.memory_space<semaphore_mem>>
      %dma_wait3A_551 = arith.constant 0 : i32
      %dma_wait3A_552 = tpu.memref_slice %arg6[%dma_wait3A_540, %dma_wait3A_541, %dma_wait3A_551] : memref<8x2x64xi32, #tpu.memory_space<vmem>> -> memref<1x1x64xi32, #tpu.memory_space<vmem>>
      %dma_wait3A_553 = tpu.memref_squeeze %dma_wait3A_552 : memref<1x1x64xi32, #tpu.memory_space<vmem>> -> memref<64xi32, #tpu.memory_space<vmem>>
      %dma_wait3A_554 = arith.constant 0 : i32
      %dma_wait3A_555 = tpu.memref_slice %arg3[%dma_wait3A_539, %dma_wait3A_554] : memref<2x320000xi32, #tpu.memory_space<hbm>> -> memref<1x64xi32, #tpu.memory_space<hbm>>
      %dma_wait3A_556 = tpu.memref_squeeze %dma_wait3A_555 : memref<1x64xi32, #tpu.memory_space<hbm>> -> memref<64xi32, #tpu.memory_space<hbm>>
      tpu.wait_dma2 semaphore(%dma_wait3A_550 : memref<!tpu.dma_semaphore, #tpu.memory_space<semaphore_mem>>) src(%dma_wait3A_556 : memref<64xi32, #tpu.memory_space<hbm>>) dst(%dma_wait3A_553 : memref<64xi32, #tpu.memory_space<vmem>>)
      %dma_start3A_557 = arith.constant 0 : i32
      %dma_start3A_558 = arith.constant 0 : i32
      %dma_start3A_559 = arith.constant 0 : i32
      %dma_start3A_560 = arith.constant 0 : i32
      %dma_start3A_561 = arith.constant 0 : i32
      %dma_start3A_562 = arith.constant 0 : i32
      %dma_start3A_563 = tpu.memref_slice %arg7[%dma_start3A_559, %dma_start3A_561, %dma_start3A_562] : memref<5x64x128xf32, #tpu.memory_space<vmem>> -> memref<1x64x128xf32, #tpu.memory_space<vmem>>
      %dma_start3A_564 = tpu.memref_squeeze %dma_start3A_563 : memref<1x64x128xf32, #tpu.memory_space<vmem>> -> memref<64x128xf32, #tpu.memory_space<vmem>>
      %dma_start3A_565 = arith.constant 0 : i32
      %dma_start3A_566 = tpu.memref_slice %arg6[%dma_start3A_557, %dma_start3A_558, %dma_start3A_565] : memref<8x2x64xi32, #tpu.memory_space<vmem>> -> memref<1x1x64xi32, #tpu.memory_space<vmem>>
      %dma_start3A_567 = tpu.memref_squeeze %dma_start3A_566 : memref<1x1x64xi32, #tpu.memory_space<vmem>> -> memref<64xi32, #tpu.memory_space<vmem>>
      %dma_start3A_568 = arith.constant 0 : i32
      %dma_start3A_569 = arith.constant 0 : i32
      %dma_start3A_570 = tpu.memref_slice %arg2[%dma_start3A_568, %dma_start3A_569] : memref<10000x128xf32, #tpu.memory_space<hbm>> -> memref<10000x128xf32, #tpu.memory_space<hbm>>
      %dma_start3A_571 = tpu.memref_slice %arg9[%dma_start3A_560] : memref<5x!tpu.dma_semaphore, #tpu.memory_space<semaphore_mem>> -> memref<1x!tpu.dma_semaphore, #tpu.memory_space<semaphore_mem>>
      %dma_start3A_572 = tpu.memref_squeeze %dma_start3A_571 : memref<1x!tpu.dma_semaphore, #tpu.memory_space<semaphore_mem>> -> memref<!tpu.dma_semaphore, #tpu.memory_space<semaphore_mem>>
      tpu.enqueue_indirect_dma source(%dma_start3A_570 : memref<10000x128xf32, #tpu.memory_space<hbm>>) target(%dma_start3A_564 : memref<64x128xf32, #tpu.memory_space<vmem>>) offsets(%dma_start3A_567 : memref<64xi32, #tpu.memory_space<vmem>>) semaphore(%dma_start3A_572 : memref<!tpu.dma_semaphore, #tpu.memory_space<semaphore_mem>>)
    } else {
    }
    %gt3A_352 = arith.constant 1 : i32
    %gt3A_353 = arith.cmpi sgt, %sub3A, %gt3A_352 : i32
    %convert_element_type3A_354 = arith.extui %gt3A_353 : i1 to i32
    %cond3A_355 = arith.constant 0 : i32
    %cond3A_356 = arith.cmpi ne, %convert_element_type3A_354, %cond3A_355 : i32
    scf.if %cond3A_356 {
      %dma_wait3A_521 = arith.constant 0 : i32
      %dma_wait3A_522 = arith.constant 1 : i32
      %dma_wait3A_523 = arith.constant 0 : i32
      %dma_wait3A_524 = arith.constant 1 : i32
      %dma_wait3A_525 = arith.constant 0 : i32
      %dma_wait3A_526 = tpu.memref_slice %arg6[%dma_wait3A_522, %dma_wait3A_523, %dma_wait3A_525] : memref<8x2x64xi32, #tpu.memory_space<vmem>> -> memref<1x1x64xi32, #tpu.memory_space<vmem>>
      %dma_wait3A_527 = tpu.memref_squeeze %dma_wait3A_526 : memref<1x1x64xi32, #tpu.memory_space<vmem>> -> memref<64xi32, #tpu.memory_space<vmem>>
      %dma_wait3A_528 = arith.constant 0 : i32
      %dma_wait3A_529 = tpu.memref_slice %arg3[%dma_wait3A_521, %dma_wait3A_528] : memref<2x320000xi32, #tpu.memory_space<hbm>> -> memref<1x64xi32, #tpu.memory_space<hbm>>
      %dma_wait3A_530 = tpu.memref_squeeze %dma_wait3A_529 : memref<1x64xi32, #tpu.memory_space<hbm>> -> memref<64xi32, #tpu.memory_space<hbm>>
      %dma_wait3A_531 = tpu.memref_slice %arg8[%dma_wait3A_524] : memref<8x!tpu.dma_semaphore, #tpu.memory_space<semaphore_mem>> -> memref<1x!tpu.dma_semaphore, #tpu.memory_space<semaphore_mem>>
      %dma_wait3A_532 = tpu.memref_squeeze %dma_wait3A_531 : memref<1x!tpu.dma_semaphore, #tpu.memory_space<semaphore_mem>> -> memref<!tpu.dma_semaphore, #tpu.memory_space<semaphore_mem>>
      %dma_wait3A_533 = arith.constant 0 : i32
      %dma_wait3A_534 = tpu.memref_slice %arg6[%dma_wait3A_522, %dma_wait3A_523, %dma_wait3A_533] : memref<8x2x64xi32, #tpu.memory_space<vmem>> -> memref<1x1x64xi32, #tpu.memory_space<vmem>>
      %dma_wait3A_535 = tpu.memref_squeeze %dma_wait3A_534 : memref<1x1x64xi32, #tpu.memory_space<vmem>> -> memref<64xi32, #tpu.memory_space<vmem>>
      %dma_wait3A_536 = arith.constant 0 : i32
      %dma_wait3A_537 = tpu.memref_slice %arg3[%dma_wait3A_521, %dma_wait3A_536] : memref<2x320000xi32, #tpu.memory_space<hbm>> -> memref<1x64xi32, #tpu.memory_space<hbm>>
      %dma_wait3A_538 = tpu.memref_squeeze %dma_wait3A_537 : memref<1x64xi32, #tpu.memory_space<hbm>> -> memref<64xi32, #tpu.memory_space<hbm>>
      tpu.wait_dma2 semaphore(%dma_wait3A_532 : memref<!tpu.dma_semaphore, #tpu.memory_space<semaphore_mem>>) src(%dma_wait3A_538 : memref<64xi32, #tpu.memory_space<hbm>>) dst(%dma_wait3A_535 : memref<64xi32, #tpu.memory_space<vmem>>)
      %dma_wait3A_539 = arith.constant 1 : i32
      %dma_wait3A_540 = arith.constant 1 : i32
      %dma_wait3A_541 = arith.constant 1 : i32
      %dma_wait3A_542 = arith.constant 1 : i32
      %dma_wait3A_543 = arith.constant 0 : i32
      %dma_wait3A_544 = tpu.memref_slice %arg6[%dma_wait3A_540, %dma_wait3A_541, %dma_wait3A_543] : memref<8x2x64xi32, #tpu.memory_space<vmem>> -> memref<1x1x64xi32, #tpu.memory_space<vmem>>
      %dma_wait3A_545 = tpu.memref_squeeze %dma_wait3A_544 : memref<1x1x64xi32, #tpu.memory_space<vmem>> -> memref<64xi32, #tpu.memory_space<vmem>>
      %dma_wait3A_546 = arith.constant 0 : i32
      %dma_wait3A_547 = tpu.memref_slice %arg3[%dma_wait3A_539, %dma_wait3A_546] : memref<2x320000xi32, #tpu.memory_space<hbm>> -> memref<1x64xi32, #tpu.memory_space<hbm>>
      %dma_wait3A_548 = tpu.memref_squeeze %dma_wait3A_547 : memref<1x64xi32, #tpu.memory_space<hbm>> -> memref<64xi32, #tpu.memory_space<hbm>>
      %dma_wait3A_549 = tpu.memref_slice %arg8[%dma_wait3A_542] : memref<8x!tpu.dma_semaphore, #tpu.memory_space<semaphore_mem>> -> memref<1x!tpu.dma_semaphore, #tpu.memory_space<semaphore_mem>>
      %dma_wait3A_550 = tpu.memref_squeeze %dma_wait3A_549 : memref<1x!tpu.dma_semaphore, #tpu.memory_space<semaphore_mem>> -> memref<!tpu.dma_semaphore, #tpu.memory_space<semaphore_mem>>
      %dma_wait3A_551 = arith.constant 0 : i32
      %dma_wait3A_552 = tpu.memref_slice %arg6[%dma_wait3A_540, %dma_wait3A_541, %dma_wait3A_551] : memref<8x2x64xi32, #tpu.memory_space<vmem>> -> memref<1x1x64xi32, #tpu.memory_space<vmem>>
      %dma_wait3A_553 = tpu.memref_squeeze %dma_wait3A_552 : memref<1x1x64xi32, #tpu.memory_space<vmem>> -> memref<64xi32, #tpu.memory_space<vmem>>
      %dma_wait3A_554 = arith.constant 0 : i32
      %dma_wait3A_555 = tpu.memref_slice %arg3[%dma_wait3A_539, %dma_wait3A_554] : memref<2x320000xi32, #tpu.memory_space<hbm>> -> memref<1x64xi32, #tpu.memory_space<hbm>>
      %dma_wait3A_556 = tpu.memref_squeeze %dma_wait3A_555 : memref<1x64xi32, #tpu.memory_space<hbm>> -> memref<64xi32, #tpu.memory_space<hbm>>
      tpu.wait_dma2 semaphore(%dma_wait3A_550 : memref<!tpu.dma_semaphore, #tpu.memory_space<semaphore_mem>>) src(%dma_wait3A_556 : memref<64xi32, #tpu.memory_space<hbm>>) dst(%dma_wait3A_553 : memref<64xi32, #tpu.memory_space<vmem>>)
      %dma_start3A_557 = arith.constant 1 : i32
      %dma_start3A_558 = arith.constant 0 : i32
      %dma_start3A_559 = arith.constant 1 : i32
      %dma_start3A_560 = arith.constant 1 : i32
      %dma_start3A_561 = arith.constant 0 : i32
      %dma_start3A_562 = arith.constant 0 : i32
      %dma_start3A_563 = tpu.memref_slice %arg7[%dma_start3A_559, %dma_start3A_561, %dma_start3A_562] : memref<5x64x128xf32, #tpu.memory_space<vmem>> -> memref<1x64x128xf32, #tpu.memory_space<vmem>>
      %dma_start3A_564 = tpu.memref_squeeze %dma_start3A_563 : memref<1x64x128xf32, #tpu.memory_space<vmem>> -> memref<64x128xf32, #tpu.memory_space<vmem>>
      %dma_start3A_565 = arith.constant 0 : i32
      %dma_start3A_566 = tpu.memref_slice %arg6[%dma_start3A_557, %dma_start3A_558, %dma_start3A_565] : memref<8x2x64xi32, #tpu.memory_space<vmem>> -> memref<1x1x64xi32, #tpu.memory_space<vmem>>
      %dma_start3A_567 = tpu.memref_squeeze %dma_start3A_566 : memref<1x1x64xi32, #tpu.memory_space<vmem>> -> memref<64xi32, #tpu.memory_space<vmem>>
      %dma_start3A_568 = arith.constant 0 : i32
      %dma_start3A_569 = arith.constant 0 : i32
      %dma_start3A_570 = tpu.memref_slice %arg2[%dma_start3A_568, %dma_start3A_569] : memref<10000x128xf32, #tpu.memory_space<hbm>> -> memref<10000x128xf32, #tpu.memory_space<hbm>>
      %dma_start3A_571 = tpu.memref_slice %arg9[%dma_start3A_560] : memref<5x!tpu.dma_semaphore, #tpu.memory_space<semaphore_mem>> -> memref<1x!tpu.dma_semaphore, #tpu.memory_space<semaphore_mem>>
      %dma_start3A_572 = tpu.memref_squeeze %dma_start3A_571 : memref<1x!tpu.dma_semaphore, #tpu.memory_space<semaphore_mem>> -> memref<!tpu.dma_semaphore, #tpu.memory_space<semaphore_mem>>
      tpu.enqueue_indirect_dma source(%dma_start3A_570 : memref<10000x128xf32, #tpu.memory_space<hbm>>) target(%dma_start3A_564 : memref<64x128xf32, #tpu.memory_space<vmem>>) offsets(%dma_start3A_567 : memref<64xi32, #tpu.memory_space<vmem>>) semaphore(%dma_start3A_572 : memref<!tpu.dma_semaphore, #tpu.memory_space<semaphore_mem>>)
    } else {
    }
    %gt3A_357 = arith.constant 2 : i32
    %gt3A_358 = arith.cmpi sgt, %sub3A, %gt3A_357 : i32
    %convert_element_type3A_359 = arith.extui %gt3A_358 : i1 to i32
    %cond3A_360 = arith.constant 0 : i32
    %cond3A_361 = arith.cmpi ne, %convert_element_type3A_359, %cond3A_360 : i32
    scf.if %cond3A_361 {
      %dma_wait3A_521 = arith.constant 0 : i32
      %dma_wait3A_522 = arith.constant 2 : i32
      %dma_wait3A_523 = arith.constant 0 : i32
      %dma_wait3A_524 = arith.constant 2 : i32
      %dma_wait3A_525 = arith.constant 0 : i32
      %dma_wait3A_526 = tpu.memref_slice %arg6[%dma_wait3A_522, %dma_wait3A_523, %dma_wait3A_525] : memref<8x2x64xi32, #tpu.memory_space<vmem>> -> memref<1x1x64xi32, #tpu.memory_space<vmem>>
      %dma_wait3A_527 = tpu.memref_squeeze %dma_wait3A_526 : memref<1x1x64xi32, #tpu.memory_space<vmem>> -> memref<64xi32, #tpu.memory_space<vmem>>
      %dma_wait3A_528 = arith.constant 0 : i32
      %dma_wait3A_529 = tpu.memref_slice %arg3[%dma_wait3A_521, %dma_wait3A_528] : memref<2x320000xi32, #tpu.memory_space<hbm>> -> memref<1x64xi32, #tpu.memory_space<hbm>>
      %dma_wait3A_530 = tpu.memref_squeeze %dma_wait3A_529 : memref<1x64xi32, #tpu.memory_space<hbm>> -> memref<64xi32, #tpu.memory_space<hbm>>
      %dma_wait3A_531 = tpu.memref_slice %arg8[%dma_wait3A_524] : memref<8x!tpu.dma_semaphore, #tpu.memory_space<semaphore_mem>> -> memref<1x!tpu.dma_semaphore, #tpu.memory_space<semaphore_mem>>
      %dma_wait3A_532 = tpu.memref_squeeze %dma_wait3A_531 : memref<1x!tpu.dma_semaphore, #tpu.memory_space<semaphore_mem>> -> memref<!tpu.dma_semaphore, #tpu.memory_space<semaphore_mem>>
      %dma_wait3A_533 = arith.constant 0 : i32
      %dma_wait3A_534 = tpu.memref_slice %arg6[%dma_wait3A_522, %dma_wait3A_523, %dma_wait3A_533] : memref<8x2x64xi32, #tpu.memory_space<vmem>> -> memref<1x1x64xi32, #tpu.memory_space<vmem>>
      %dma_wait3A_535 = tpu.memref_squeeze %dma_wait3A_534 : memref<1x1x64xi32, #tpu.memory_space<vmem>> -> memref<64xi32, #tpu.memory_space<vmem>>
      %dma_wait3A_536 = arith.constant 0 : i32
      %dma_wait3A_537 = tpu.memref_slice %arg3[%dma_wait3A_521, %dma_wait3A_536] : memref<2x320000xi32, #tpu.memory_space<hbm>> -> memref<1x64xi32, #tpu.memory_space<hbm>>
      %dma_wait3A_538 = tpu.memref_squeeze %dma_wait3A_537 : memref<1x64xi32, #tpu.memory_space<hbm>> -> memref<64xi32, #tpu.memory_space<hbm>>
      tpu.wait_dma2 semaphore(%dma_wait3A_532 : memref<!tpu.dma_semaphore, #tpu.memory_space<semaphore_mem>>) src(%dma_wait3A_538 : memref<64xi32, #tpu.memory_space<hbm>>) dst(%dma_wait3A_535 : memref<64xi32, #tpu.memory_space<vmem>>)
      %dma_wait3A_539 = arith.constant 1 : i32
      %dma_wait3A_540 = arith.constant 2 : i32
      %dma_wait3A_541 = arith.constant 1 : i32
      %dma_wait3A_542 = arith.constant 2 : i32
      %dma_wait3A_543 = arith.constant 0 : i32
      %dma_wait3A_544 = tpu.memref_slice %arg6[%dma_wait3A_540, %dma_wait3A_541, %dma_wait3A_543] : memref<8x2x64xi32, #tpu.memory_space<vmem>> -> memref<1x1x64xi32, #tpu.memory_space<vmem>>
      %dma_wait3A_545 = tpu.memref_squeeze %dma_wait3A_544 : memref<1x1x64xi32, #tpu.memory_space<vmem>> -> memref<64xi32, #tpu.memory_space<vmem>>
      %dma_wait3A_546 = arith.constant 0 : i32
      %dma_wait3A_547 = tpu.memref_slice %arg3[%dma_wait3A_539, %dma_wait3A_546] : memref<2x320000xi32, #tpu.memory_space<hbm>> -> memref<1x64xi32, #tpu.memory_space<hbm>>
      %dma_wait3A_548 = tpu.memref_squeeze %dma_wait3A_547 : memref<1x64xi32, #tpu.memory_space<hbm>> -> memref<64xi32, #tpu.memory_space<hbm>>
      %dma_wait3A_549 = tpu.memref_slice %arg8[%dma_wait3A_542] : memref<8x!tpu.dma_semaphore, #tpu.memory_space<semaphore_mem>> -> memref<1x!tpu.dma_semaphore, #tpu.memory_space<semaphore_mem>>
      %dma_wait3A_550 = tpu.memref_squeeze %dma_wait3A_549 : memref<1x!tpu.dma_semaphore, #tpu.memory_space<semaphore_mem>> -> memref<!tpu.dma_semaphore, #tpu.memory_space<semaphore_mem>>
      %dma_wait3A_551 = arith.constant 0 : i32
      %dma_wait3A_552 = tpu.memref_slice %arg6[%dma_wait3A_540, %dma_wait3A_541, %dma_wait3A_551] : memref<8x2x64xi32, #tpu.memory_space<vmem>> -> memref<1x1x64xi32, #tpu.memory_space<vmem>>
      %dma_wait3A_553 = tpu.memref_squeeze %dma_wait3A_552 : memref<1x1x64xi32, #tpu.memory_space<vmem>> -> memref<64xi32, #tpu.memory_space<vmem>>
      %dma_wait3A_554 = arith.constant 0 : i32
      %dma_wait3A_555 = tpu.memref_slice %arg3[%dma_wait3A_539, %dma_wait3A_554] : memref<2x320000xi32, #tpu.memory_space<hbm>> -> memref<1x64xi32, #tpu.memory_space<hbm>>
      %dma_wait3A_556 = tpu.memref_squeeze %dma_wait3A_555 : memref<1x64xi32, #tpu.memory_space<hbm>> -> memref<64xi32, #tpu.memory_space<hbm>>
      tpu.wait_dma2 semaphore(%dma_wait3A_550 : memref<!tpu.dma_semaphore, #tpu.memory_space<semaphore_mem>>) src(%dma_wait3A_556 : memref<64xi32, #tpu.memory_space<hbm>>) dst(%dma_wait3A_553 : memref<64xi32, #tpu.memory_space<vmem>>)
      %dma_start3A_557 = arith.constant 2 : i32
      %dma_start3A_558 = arith.constant 0 : i32
      %dma_start3A_559 = arith.constant 2 : i32
      %dma_start3A_560 = arith.constant 2 : i32
      %dma_start3A_561 = arith.constant 0 : i32
      %dma_start3A_562 = arith.constant 0 : i32
      %dma_start3A_563 = tpu.memref_slice %arg7[%dma_start3A_559, %dma_start3A_561, %dma_start3A_562] : memref<5x64x128xf32, #tpu.memory_space<vmem>> -> memref<1x64x128xf32, #tpu.memory_space<vmem>>
      %dma_start3A_564 = tpu.memref_squeeze %dma_start3A_563 : memref<1x64x128xf32, #tpu.memory_space<vmem>> -> memref<64x128xf32, #tpu.memory_space<vmem>>
      %dma_start3A_565 = arith.constant 0 : i32
      %dma_start3A_566 = tpu.memref_slice %arg6[%dma_start3A_557, %dma_start3A_558, %dma_start3A_565] : memref<8x2x64xi32, #tpu.memory_space<vmem>> -> memref<1x1x64xi32, #tpu.memory_space<vmem>>
      %dma_start3A_567 = tpu.memref_squeeze %dma_start3A_566 : memref<1x1x64xi32, #tpu.memory_space<vmem>> -> memref<64xi32, #tpu.memory_space<vmem>>
      %dma_start3A_568 = arith.constant 0 : i32
      %dma_start3A_569 = arith.constant 0 : i32
      %dma_start3A_570 = tpu.memref_slice %arg2[%dma_start3A_568, %dma_start3A_569] : memref<10000x128xf32, #tpu.memory_space<hbm>> -> memref<10000x128xf32, #tpu.memory_space<hbm>>
      %dma_start3A_571 = tpu.memref_slice %arg9[%dma_start3A_560] : memref<5x!tpu.dma_semaphore, #tpu.memory_space<semaphore_mem>> -> memref<1x!tpu.dma_semaphore, #tpu.memory_space<semaphore_mem>>
      %dma_start3A_572 = tpu.memref_squeeze %dma_start3A_571 : memref<1x!tpu.dma_semaphore, #tpu.memory_space<semaphore_mem>> -> memref<!tpu.dma_semaphore, #tpu.memory_space<semaphore_mem>>
      tpu.enqueue_indirect_dma source(%dma_start3A_570 : memref<10000x128xf32, #tpu.memory_space<hbm>>) target(%dma_start3A_564 : memref<64x128xf32, #tpu.memory_space<vmem>>) offsets(%dma_start3A_567 : memref<64xi32, #tpu.memory_space<vmem>>) semaphore(%dma_start3A_572 : memref<!tpu.dma_semaphore, #tpu.memory_space<semaphore_mem>>)
    } else {
    }
    %while3A = arith.constant 0 : i32
    %while3A_362 = arith.constant 0 : i32
    %while3A_363 = arith.subi %sub3A, %while3A_362 : i32
    %while3A_364 = arith.addi %while3A_362, %while3A_363 : i32
    %while3A_365 = arith.constant 1 : i32
    %while3A_366 = arith.divsi %while3A_363, %while3A_365 : i32
    %while3A_367 = arith.muli %while3A_366, %while3A_365 : i32
    %while3A_368 = arith.addi %while3A_362, %while3A_367 : i32
    %while3A_369 = arith.constant 1 : i32
    scf.for %while3A_521 = %while3A_362 to %while3A_368 step %while3A_369  : i32 {
      %rem3A = arith.constant 5 : i32
      %rem3A_522 = arith.remsi %while3A_521, %rem3A : i32
      %rem3A_523 = arith.constant 8 : i32
      %rem3A_524 = arith.remsi %while3A_521, %rem3A_523 : i32
      %dma_wait3A_525 = arith.constant 0 : i32
      %dma_wait3A_526 = arith.constant 0 : i32
      %dma_wait3A_527 = tpu.memref_slice %arg7[%rem3A_522, %dma_wait3A_525, %dma_wait3A_526] : memref<5x64x128xf32, #tpu.memory_space<vmem>> -> memref<1x64x128xf32, #tpu.memory_space<vmem>>
      %dma_wait3A_528 = tpu.memref_squeeze %dma_wait3A_527 : memref<1x64x128xf32, #tpu.memory_space<vmem>> -> memref<64x128xf32, #tpu.memory_space<vmem>>
      %dma_wait3A_529 = arith.constant 0 : i32
      %dma_wait3A_530 = arith.constant 0 : i32
      %dma_wait3A_531 = tpu.memref_slice %arg2[%dma_wait3A_529, %dma_wait3A_530] : memref<10000x128xf32, #tpu.memory_space<hbm>> -> memref<64x128xf32, #tpu.memory_space<hbm>>
      %dma_wait3A_532 = tpu.memref_slice %arg9[%rem3A_522] : memref<5x!tpu.dma_semaphore, #tpu.memory_space<semaphore_mem>> -> memref<1x!tpu.dma_semaphore, #tpu.memory_space<semaphore_mem>>
      %dma_wait3A_533 = tpu.memref_squeeze %dma_wait3A_532 : memref<1x!tpu.dma_semaphore, #tpu.memory_space<semaphore_mem>> -> memref<!tpu.dma_semaphore, #tpu.memory_space<semaphore_mem>>
      %dma_wait3A_534 = arith.constant 0 : i32
      %dma_wait3A_535 = arith.constant 0 : i32
      %dma_wait3A_536 = tpu.memref_slice %arg7[%rem3A_522, %dma_wait3A_534, %dma_wait3A_535] : memref<5x64x128xf32, #tpu.memory_space<vmem>> -> memref<1x64x128xf32, #tpu.memory_space<vmem>>
      %dma_wait3A_537 = tpu.memref_squeeze %dma_wait3A_536 : memref<1x64x128xf32, #tpu.memory_space<vmem>> -> memref<64x128xf32, #tpu.memory_space<vmem>>
      %dma_wait3A_538 = arith.constant 0 : i32
      %dma_wait3A_539 = arith.constant 0 : i32
      %dma_wait3A_540 = tpu.memref_slice %arg2[%dma_wait3A_538, %dma_wait3A_539] : memref<10000x128xf32, #tpu.memory_space<hbm>> -> memref<64x128xf32, #tpu.memory_space<hbm>>
      tpu.wait_dma2 semaphore(%dma_wait3A_533 : memref<!tpu.dma_semaphore, #tpu.memory_space<semaphore_mem>>) src(%dma_wait3A_540 : memref<64x128xf32, #tpu.memory_space<hbm>>) dst(%dma_wait3A_537 : memref<64x128xf32, #tpu.memory_space<vmem>>)
      %dma_start3A_541 = arith.constant 1 : i32
      %dma_start3A_542 = arith.constant 0 : i32
      %dma_start3A_543 = arith.constant 0 : i32
      %dma_start3A_544 = tpu.memref_slice %arg7[%rem3A_522, %dma_start3A_542, %dma_start3A_543] : memref<5x64x128xf32, #tpu.memory_space<vmem>> -> memref<1x64x128xf32, #tpu.memory_space<vmem>>
      %dma_start3A_545 = tpu.memref_squeeze %dma_start3A_544 : memref<1x64x128xf32, #tpu.memory_space<vmem>> -> memref<64x128xf32, #tpu.memory_space<vmem>>
      %dma_start3A_546 = arith.constant 0 : i32
      %dma_start3A_547 = tpu.memref_slice %arg6[%rem3A_524, %dma_start3A_541, %dma_start3A_546] : memref<8x2x64xi32, #tpu.memory_space<vmem>> -> memref<1x1x64xi32, #tpu.memory_space<vmem>>
      %dma_start3A_548 = tpu.memref_squeeze %dma_start3A_547 : memref<1x1x64xi32, #tpu.memory_space<vmem>> -> memref<64xi32, #tpu.memory_space<vmem>>
      %dma_start3A_549 = arith.constant 0 : i32
      %dma_start3A_550 = arith.constant 0 : i32
      %dma_start3A_551 = tpu.memref_slice %arg5[%dma_start3A_549, %dma_start3A_550] : memref<10240x128xf32, #tpu.memory_space<vmem_shared>> -> memref<10240x128xf32, #tpu.memory_space<vmem_shared>>
      %dma_start3A_552 = tpu.memref_slice %arg10[%rem3A_522] : memref<5x!tpu.dma_semaphore, #tpu.memory_space<semaphore_mem>> -> memref<1x!tpu.dma_semaphore, #tpu.memory_space<semaphore_mem>>
      %dma_start3A_553 = tpu.memref_squeeze %dma_start3A_552 : memref<1x!tpu.dma_semaphore, #tpu.memory_space<semaphore_mem>> -> memref<!tpu.dma_semaphore, #tpu.memory_space<semaphore_mem>>
      tpu.enqueue_indirect_dma source(%dma_start3A_545 : memref<64x128xf32, #tpu.memory_space<vmem>>) target(%dma_start3A_551 : memref<10240x128xf32, #tpu.memory_space<vmem_shared>>) offsets(%dma_start3A_548 : memref<64xi32, #tpu.memory_space<vmem>>) semaphore(%dma_start3A_553 : memref<!tpu.dma_semaphore, #tpu.memory_space<semaphore_mem>>) {add = true}
      %ge3A_554 = arith.constant 2 : i32
      %ge3A_555 = arith.cmpi sge, %while3A_521, %ge3A_554 : i32
      %convert_element_type3A_556 = arith.extui %ge3A_555 : i1 to i32
      %cond3A_557 = arith.constant 0 : i32
      %cond3A_558 = arith.cmpi ne, %convert_element_type3A_556, %cond3A_557 : i32
      scf.if %cond3A_558 {
        %add3A_570 = arith.constant 5 : i32
        %add3A_571 = arith.addi %while3A_521, %add3A_570 : i32
        %sub3A_572 = arith.constant 2 : i32
        %sub3A_573 = arith.subi %add3A_571, %sub3A_572 : i32
        %rem3A_574 = arith.constant 5 : i32
        %rem3A_575 = arith.remsi %sub3A_573, %rem3A_574 : i32
        %dma_wait3A_576 = arith.constant 0 : i32
        %dma_wait3A_577 = arith.constant 0 : i32
        %dma_wait3A_578 = tpu.memref_slice %arg7[%rem3A_575, %dma_wait3A_576, %dma_wait3A_577] : memref<5x64x128xf32, #tpu.memory_space<vmem>> -> memref<1x64x128xf32, #tpu.memory_space<vmem>>
        %dma_wait3A_579 = tpu.memref_squeeze %dma_wait3A_578 : memref<1x64x128xf32, #tpu.memory_space<vmem>> -> memref<64x128xf32, #tpu.memory_space<vmem>>
        %dma_wait3A_580 = arith.constant 0 : i32
        %dma_wait3A_581 = arith.constant 0 : i32
        %dma_wait3A_582 = tpu.memref_slice %arg2[%dma_wait3A_580, %dma_wait3A_581] : memref<10000x128xf32, #tpu.memory_space<hbm>> -> memref<64x128xf32, #tpu.memory_space<hbm>>
        %dma_wait3A_583 = tpu.memref_slice %arg10[%rem3A_575] : memref<5x!tpu.dma_semaphore, #tpu.memory_space<semaphore_mem>> -> memref<1x!tpu.dma_semaphore, #tpu.memory_space<semaphore_mem>>
        %dma_wait3A_584 = tpu.memref_squeeze %dma_wait3A_583 : memref<1x!tpu.dma_semaphore, #tpu.memory_space<semaphore_mem>> -> memref<!tpu.dma_semaphore, #tpu.memory_space<semaphore_mem>>
        %dma_wait3A_585 = arith.constant 0 : i32
        %dma_wait3A_586 = arith.constant 0 : i32
        %dma_wait3A_587 = tpu.memref_slice %arg7[%rem3A_575, %dma_wait3A_585, %dma_wait3A_586] : memref<5x64x128xf32, #tpu.memory_space<vmem>> -> memref<1x64x128xf32, #tpu.memory_space<vmem>>
        %dma_wait3A_588 = tpu.memref_squeeze %dma_wait3A_587 : memref<1x64x128xf32, #tpu.memory_space<vmem>> -> memref<64x128xf32, #tpu.memory_space<vmem>>
        %dma_wait3A_589 = arith.constant 0 : i32
        %dma_wait3A_590 = arith.constant 0 : i32
        %dma_wait3A_591 = tpu.memref_slice %arg2[%dma_wait3A_589, %dma_wait3A_590] : memref<10000x128xf32, #tpu.memory_space<hbm>> -> memref<64x128xf32, #tpu.memory_space<hbm>>
        tpu.wait_dma2 semaphore(%dma_wait3A_584 : memref<!tpu.dma_semaphore, #tpu.memory_space<semaphore_mem>>) src(%dma_wait3A_591 : memref<64x128xf32, #tpu.memory_space<hbm>>) dst(%dma_wait3A_588 : memref<64x128xf32, #tpu.memory_space<vmem>>)
      } else {
      }
      %add3A_559 = arith.constant 3 : i32
      %add3A_560 = arith.addi %while3A_521, %add3A_559 : i32
      %lt3A = arith.cmpi slt, %add3A_560, %sub3A : i32
      %convert_element_type3A_561 = arith.extui %lt3A : i1 to i32
      %cond3A_562 = arith.constant 0 : i32
      %cond3A_563 = arith.cmpi ne, %convert_element_type3A_561, %cond3A_562 : i32
      scf.if %cond3A_563 {
        %add3A_570 = arith.constant 3 : i32
        %add3A_571 = arith.addi %while3A_521, %add3A_570 : i32
        %rem3A_572 = arith.constant 8 : i32
        %rem3A_573 = arith.remsi %add3A_571, %rem3A_572 : i32
        %dma_wait3A_574 = arith.constant 0 : i32
        %dma_wait3A_575 = arith.constant 0 : i32
        %dma_wait3A_576 = arith.constant 0 : i32
        %dma_wait3A_577 = tpu.memref_slice %arg6[%rem3A_573, %dma_wait3A_575, %dma_wait3A_576] : memref<8x2x64xi32, #tpu.memory_space<vmem>> -> memref<1x1x64xi32, #tpu.memory_space<vmem>>
        %dma_wait3A_578 = tpu.memref_squeeze %dma_wait3A_577 : memref<1x1x64xi32, #tpu.memory_space<vmem>> -> memref<64xi32, #tpu.memory_space<vmem>>
        %dma_wait3A_579 = arith.constant 0 : i32
        %dma_wait3A_580 = tpu.memref_slice %arg3[%dma_wait3A_574, %dma_wait3A_579] : memref<2x320000xi32, #tpu.memory_space<hbm>> -> memref<1x64xi32, #tpu.memory_space<hbm>>
        %dma_wait3A_581 = tpu.memref_squeeze %dma_wait3A_580 : memref<1x64xi32, #tpu.memory_space<hbm>> -> memref<64xi32, #tpu.memory_space<hbm>>
        %dma_wait3A_582 = tpu.memref_slice %arg8[%rem3A_573] : memref<8x!tpu.dma_semaphore, #tpu.memory_space<semaphore_mem>> -> memref<1x!tpu.dma_semaphore, #tpu.memory_space<semaphore_mem>>
        %dma_wait3A_583 = tpu.memref_squeeze %dma_wait3A_582 : memref<1x!tpu.dma_semaphore, #tpu.memory_space<semaphore_mem>> -> memref<!tpu.dma_semaphore, #tpu.memory_space<semaphore_mem>>
        %dma_wait3A_584 = arith.constant 0 : i32
        %dma_wait3A_585 = tpu.memref_slice %arg6[%rem3A_573, %dma_wait3A_575, %dma_wait3A_584] : memref<8x2x64xi32, #tpu.memory_space<vmem>> -> memref<1x1x64xi32, #tpu.memory_space<vmem>>
        %dma_wait3A_586 = tpu.memref_squeeze %dma_wait3A_585 : memref<1x1x64xi32, #tpu.memory_space<vmem>> -> memref<64xi32, #tpu.memory_space<vmem>>
        %dma_wait3A_587 = arith.constant 0 : i32
        %dma_wait3A_588 = tpu.memref_slice %arg3[%dma_wait3A_574, %dma_wait3A_587] : memref<2x320000xi32, #tpu.memory_space<hbm>> -> memref<1x64xi32, #tpu.memory_space<hbm>>
        %dma_wait3A_589 = tpu.memref_squeeze %dma_wait3A_588 : memref<1x64xi32, #tpu.memory_space<hbm>> -> memref<64xi32, #tpu.memory_space<hbm>>
        tpu.wait_dma2 semaphore(%dma_wait3A_583 : memref<!tpu.dma_semaphore, #tpu.memory_space<semaphore_mem>>) src(%dma_wait3A_589 : memref<64xi32, #tpu.memory_space<hbm>>) dst(%dma_wait3A_586 : memref<64xi32, #tpu.memory_space<vmem>>)
        %dma_wait3A_590 = arith.constant 1 : i32
        %dma_wait3A_591 = arith.constant 1 : i32
        %dma_wait3A_592 = arith.constant 0 : i32
        %dma_wait3A_593 = tpu.memref_slice %arg6[%rem3A_573, %dma_wait3A_591, %dma_wait3A_592] : memref<8x2x64xi32, #tpu.memory_space<vmem>> -> memref<1x1x64xi32, #tpu.memory_space<vmem>>
        %dma_wait3A_594 = tpu.memref_squeeze %dma_wait3A_593 : memref<1x1x64xi32, #tpu.memory_space<vmem>> -> memref<64xi32, #tpu.memory_space<vmem>>
        %dma_wait3A_595 = arith.constant 0 : i32
        %dma_wait3A_596 = tpu.memref_slice %arg3[%dma_wait3A_590, %dma_wait3A_595] : memref<2x320000xi32, #tpu.memory_space<hbm>> -> memref<1x64xi32, #tpu.memory_space<hbm>>
        %dma_wait3A_597 = tpu.memref_squeeze %dma_wait3A_596 : memref<1x64xi32, #tpu.memory_space<hbm>> -> memref<64xi32, #tpu.memory_space<hbm>>
        %dma_wait3A_598 = tpu.memref_slice %arg8[%rem3A_573] : memref<8x!tpu.dma_semaphore, #tpu.memory_space<semaphore_mem>> -> memref<1x!tpu.dma_semaphore, #tpu.memory_space<semaphore_mem>>
        %dma_wait3A_599 = tpu.memref_squeeze %dma_wait3A_598 : memref<1x!tpu.dma_semaphore, #tpu.memory_space<semaphore_mem>> -> memref<!tpu.dma_semaphore, #tpu.memory_space<semaphore_mem>>
        %dma_wait3A_600 = arith.constant 0 : i32
        %dma_wait3A_601 = tpu.memref_slice %arg6[%rem3A_573, %dma_wait3A_591, %dma_wait3A_600] : memref<8x2x64xi32, #tpu.memory_space<vmem>> -> memref<1x1x64xi32, #tpu.memory_space<vmem>>
        %dma_wait3A_602 = tpu.memref_squeeze %dma_wait3A_601 : memref<1x1x64xi32, #tpu.memory_space<vmem>> -> memref<64xi32, #tpu.memory_space<vmem>>
        %dma_wait3A_603 = arith.constant 0 : i32
        %dma_wait3A_604 = tpu.memref_slice %arg3[%dma_wait3A_590, %dma_wait3A_603] : memref<2x320000xi32, #tpu.memory_space<hbm>> -> memref<1x64xi32, #tpu.memory_space<hbm>>
        %dma_wait3A_605 = tpu.memref_squeeze %dma_wait3A_604 : memref<1x64xi32, #tpu.memory_space<hbm>> -> memref<64xi32, #tpu.memory_space<hbm>>
        tpu.wait_dma2 semaphore(%dma_wait3A_599 : memref<!tpu.dma_semaphore, #tpu.memory_space<semaphore_mem>>) src(%dma_wait3A_605 : memref<64xi32, #tpu.memory_space<hbm>>) dst(%dma_wait3A_602 : memref<64xi32, #tpu.memory_space<vmem>>)
        %add3A_606 = arith.constant 3 : i32
        %add3A_607 = arith.addi %while3A_521, %add3A_606 : i32
        %rem3A_608 = arith.constant 5 : i32
        %rem3A_609 = arith.remsi %add3A_607, %rem3A_608 : i32
        %dma_start3A_610 = arith.constant 0 : i32
        %dma_start3A_611 = arith.constant 0 : i32
        %dma_start3A_612 = arith.constant 0 : i32
        %dma_start3A_613 = tpu.memref_slice %arg7[%rem3A_609, %dma_start3A_611, %dma_start3A_612] : memref<5x64x128xf32, #tpu.memory_space<vmem>> -> memref<1x64x128xf32, #tpu.memory_space<vmem>>
        %dma_start3A_614 = tpu.memref_squeeze %dma_start3A_613 : memref<1x64x128xf32, #tpu.memory_space<vmem>> -> memref<64x128xf32, #tpu.memory_space<vmem>>
        %dma_start3A_615 = arith.constant 0 : i32
        %dma_start3A_616 = tpu.memref_slice %arg6[%rem3A_573, %dma_start3A_610, %dma_start3A_615] : memref<8x2x64xi32, #tpu.memory_space<vmem>> -> memref<1x1x64xi32, #tpu.memory_space<vmem>>
        %dma_start3A_617 = tpu.memref_squeeze %dma_start3A_616 : memref<1x1x64xi32, #tpu.memory_space<vmem>> -> memref<64xi32, #tpu.memory_space<vmem>>
        %dma_start3A_618 = arith.constant 0 : i32
        %dma_start3A_619 = arith.constant 0 : i32
        %dma_start3A_620 = tpu.memref_slice %arg2[%dma_start3A_618, %dma_start3A_619] : memref<10000x128xf32, #tpu.memory_space<hbm>> -> memref<10000x128xf32, #tpu.memory_space<hbm>>
        %dma_start3A_621 = tpu.memref_slice %arg9[%rem3A_609] : memref<5x!tpu.dma_semaphore, #tpu.memory_space<semaphore_mem>> -> memref<1x!tpu.dma_semaphore, #tpu.memory_space<semaphore_mem>>
        %dma_start3A_622 = tpu.memref_squeeze %dma_start3A_621 : memref<1x!tpu.dma_semaphore, #tpu.memory_space<semaphore_mem>> -> memref<!tpu.dma_semaphore, #tpu.memory_space<semaphore_mem>>
        tpu.enqueue_indirect_dma source(%dma_start3A_620 : memref<10000x128xf32, #tpu.memory_space<hbm>>) target(%dma_start3A_614 : memref<64x128xf32, #tpu.memory_space<vmem>>) offsets(%dma_start3A_617 : memref<64xi32, #tpu.memory_space<vmem>>) semaphore(%dma_start3A_622 : memref<!tpu.dma_semaphore, #tpu.memory_space<semaphore_mem>>)
      } else {
      }
      %add3A_564 = arith.constant 6 : i32
      %add3A_565 = arith.addi %while3A_521, %add3A_564 : i32
      %lt3A_566 = arith.cmpi slt, %add3A_565, %sub3A : i32
      %convert_element_type3A_567 = arith.extui %lt3A_566 : i1 to i32
      %cond3A_568 = arith.constant 0 : i32
      %cond3A_569 = arith.cmpi ne, %convert_element_type3A_567, %cond3A_568 : i32
      scf.if %cond3A_569 {
        %add3A_570 = arith.constant 6 : i32
        %add3A_571 = arith.addi %while3A_521, %add3A_570 : i32
        %add3A_572 = arith.constant 6 : i32
        %add3A_573 = arith.addi %while3A_521, %add3A_572 : i32
        %rem3A_574 = arith.constant 8 : i32
        %rem3A_575 = arith.remsi %add3A_573, %rem3A_574 : i32
        %add3A_576 = arith.addi %add3A, %add3A_571 : i32
        %mul3A_577 = arith.constant 64 : i32
        %mul3A_578 = arith.muli %add3A_576, %mul3A_577 : i32
        %dma_start3A_579 = arith.constant 0 : i32
        %dma_start3A_580 = arith.constant 0 : i32
        %dma_start3A_581 = arith.constant 0 : i32
        %dma_start3A_582 = tpu.memref_slice %arg6[%rem3A_575, %dma_start3A_580, %dma_start3A_581] : memref<8x2x64xi32, #tpu.memory_space<vmem>> -> memref<1x1x64xi32, #tpu.memory_space<vmem>>
        %dma_start3A_583 = tpu.memref_squeeze %dma_start3A_582 : memref<1x1x64xi32, #tpu.memory_space<vmem>> -> memref<64xi32, #tpu.memory_space<vmem>>
        %dma_start3A_584 = tpu.memref_slice %arg3[%dma_start3A_579, %mul3A_578] : memref<2x320000xi32, #tpu.memory_space<hbm>> -> memref<1x64xi32, #tpu.memory_space<hbm>>
        %dma_start3A_585 = tpu.memref_squeeze %dma_start3A_584 : memref<1x64xi32, #tpu.memory_space<hbm>> -> memref<64xi32, #tpu.memory_space<hbm>>
        %dma_start3A_586 = tpu.memref_slice %arg8[%rem3A_575] : memref<8x!tpu.dma_semaphore, #tpu.memory_space<semaphore_mem>> -> memref<1x!tpu.dma_semaphore, #tpu.memory_space<semaphore_mem>>
        %dma_start3A_587 = tpu.memref_squeeze %dma_start3A_586 : memref<1x!tpu.dma_semaphore, #tpu.memory_space<semaphore_mem>> -> memref<!tpu.dma_semaphore, #tpu.memory_space<semaphore_mem>>
        %dma_start3A_588 = arith.constant 0 : i32
        %dma_start3A_589 = tpu.memref_slice %arg6[%rem3A_575, %dma_start3A_580, %dma_start3A_588] : memref<8x2x64xi32, #tpu.memory_space<vmem>> -> memref<1x1x64xi32, #tpu.memory_space<vmem>>
        %dma_start3A_590 = tpu.memref_squeeze %dma_start3A_589 : memref<1x1x64xi32, #tpu.memory_space<vmem>> -> memref<64xi32, #tpu.memory_space<vmem>>
        %dma_start3A_591 = tpu.memref_slice %arg3[%dma_start3A_579, %mul3A_578] : memref<2x320000xi32, #tpu.memory_space<hbm>> -> memref<1x64xi32, #tpu.memory_space<hbm>>
        %dma_start3A_592 = tpu.memref_squeeze %dma_start3A_591 : memref<1x64xi32, #tpu.memory_space<hbm>> -> memref<64xi32, #tpu.memory_space<hbm>>
        tpu.enqueue_dma source(%dma_start3A_592 : memref<64xi32, #tpu.memory_space<hbm>>) target(%dma_start3A_590 : memref<64xi32, #tpu.memory_space<vmem>>) target_semaphore(%dma_start3A_587 : memref<!tpu.dma_semaphore, #tpu.memory_space<semaphore_mem>>)
        %dma_start3A_593 = arith.constant 1 : i32
        %dma_start3A_594 = arith.constant 1 : i32
        %dma_start3A_595 = arith.constant 0 : i32
        %dma_start3A_596 = tpu.memref_slice %arg6[%rem3A_575, %dma_start3A_594, %dma_start3A_595] : memref<8x2x64xi32, #tpu.memory_space<vmem>> -> memref<1x1x64xi32, #tpu.memory_space<vmem>>
        %dma_start3A_597 = tpu.memref_squeeze %dma_start3A_596 : memref<1x1x64xi32, #tpu.memory_space<vmem>> -> memref<64xi32, #tpu.memory_space<vmem>>
        %dma_start3A_598 = tpu.memref_slice %arg3[%dma_start3A_593, %mul3A_578] : memref<2x320000xi32, #tpu.memory_space<hbm>> -> memref<1x64xi32, #tpu.memory_space<hbm>>
        %dma_start3A_599 = tpu.memref_squeeze %dma_start3A_598 : memref<1x64xi32, #tpu.memory_space<hbm>> -> memref<64xi32, #tpu.memory_space<hbm>>
        %dma_start3A_600 = tpu.memref_slice %arg8[%rem3A_575] : memref<8x!tpu.dma_semaphore, #tpu.memory_space<semaphore_mem>> -> memref<1x!tpu.dma_semaphore, #tpu.memory_space<semaphore_mem>>
        %dma_start3A_601 = tpu.memref_squeeze %dma_start3A_600 : memref<1x!tpu.dma_semaphore, #tpu.memory_space<semaphore_mem>> -> memref<!tpu.dma_semaphore, #tpu.memory_space<semaphore_mem>>
        %dma_start3A_602 = arith.constant 0 : i32
        %dma_start3A_603 = tpu.memref_slice %arg6[%rem3A_575, %dma_start3A_594, %dma_start3A_602] : memref<8x2x64xi32, #tpu.memory_space<vmem>> -> memref<1x1x64xi32, #tpu.memory_space<vmem>>
        %dma_start3A_604 = tpu.memref_squeeze %dma_start3A_603 : memref<1x1x64xi32, #tpu.memory_space<vmem>> -> memref<64xi32, #tpu.memory_space<vmem>>
        %dma_start3A_605 = tpu.memref_slice %arg3[%dma_start3A_593, %mul3A_578] : memref<2x320000xi32, #tpu.memory_space<hbm>> -> memref<1x64xi32, #tpu.memory_space<hbm>>
        %dma_start3A_606 = tpu.memref_squeeze %dma_start3A_605 : memref<1x64xi32, #tpu.memory_space<hbm>> -> memref<64xi32, #tpu.memory_space<hbm>>
        tpu.enqueue_dma source(%dma_start3A_606 : memref<64xi32, #tpu.memory_space<hbm>>) target(%dma_start3A_604 : memref<64xi32, #tpu.memory_space<vmem>>) target_semaphore(%dma_start3A_601 : memref<!tpu.dma_semaphore, #tpu.memory_space<semaphore_mem>>)
      } else {
      }
    }
    %while3A_370 = arith.constant 1 : i32
    scf.for %while3A_521 = %while3A_368 to %while3A_364 step %while3A_370  : i32 {
      %rem3A = arith.constant 5 : i32
      %rem3A_522 = arith.remsi %while3A_521, %rem3A : i32
      %rem3A_523 = arith.constant 8 : i32
      %rem3A_524 = arith.remsi %while3A_521, %rem3A_523 : i32
      %dma_wait3A_525 = arith.constant 0 : i32
      %dma_wait3A_526 = arith.constant 0 : i32
      %dma_wait3A_527 = tpu.memref_slice %arg7[%rem3A_522, %dma_wait3A_525, %dma_wait3A_526] : memref<5x64x128xf32, #tpu.memory_space<vmem>> -> memref<1x64x128xf32, #tpu.memory_space<vmem>>
      %dma_wait3A_528 = tpu.memref_squeeze %dma_wait3A_527 : memref<1x64x128xf32, #tpu.memory_space<vmem>> -> memref<64x128xf32, #tpu.memory_space<vmem>>
      %dma_wait3A_529 = arith.constant 0 : i32
      %dma_wait3A_530 = arith.constant 0 : i32
      %dma_wait3A_531 = tpu.memref_slice %arg2[%dma_wait3A_529, %dma_wait3A_530] : memref<10000x128xf32, #tpu.memory_space<hbm>> -> memref<64x128xf32, #tpu.memory_space<hbm>>
      %dma_wait3A_532 = tpu.memref_slice %arg9[%rem3A_522] : memref<5x!tpu.dma_semaphore, #tpu.memory_space<semaphore_mem>> -> memref<1x!tpu.dma_semaphore, #tpu.memory_space<semaphore_mem>>
      %dma_wait3A_533 = tpu.memref_squeeze %dma_wait3A_532 : memref<1x!tpu.dma_semaphore, #tpu.memory_space<semaphore_mem>> -> memref<!tpu.dma_semaphore, #tpu.memory_space<semaphore_mem>>
      %dma_wait3A_534 = arith.constant 0 : i32
      %dma_wait3A_535 = arith.constant 0 : i32
      %dma_wait3A_536 = tpu.memref_slice %arg7[%rem3A_522, %dma_wait3A_534, %dma_wait3A_535] : memref<5x64x128xf32, #tpu.memory_space<vmem>> -> memref<1x64x128xf32, #tpu.memory_space<vmem>>
      %dma_wait3A_537 = tpu.memref_squeeze %dma_wait3A_536 : memref<1x64x128xf32, #tpu.memory_space<vmem>> -> memref<64x128xf32, #tpu.memory_space<vmem>>
      %dma_wait3A_538 = arith.constant 0 : i32
      %dma_wait3A_539 = arith.constant 0 : i32
      %dma_wait3A_540 = tpu.memref_slice %arg2[%dma_wait3A_538, %dma_wait3A_539] : memref<10000x128xf32, #tpu.memory_space<hbm>> -> memref<64x128xf32, #tpu.memory_space<hbm>>
      tpu.wait_dma2 semaphore(%dma_wait3A_533 : memref<!tpu.dma_semaphore, #tpu.memory_space<semaphore_mem>>) src(%dma_wait3A_540 : memref<64x128xf32, #tpu.memory_space<hbm>>) dst(%dma_wait3A_537 : memref<64x128xf32, #tpu.memory_space<vmem>>)
      %dma_start3A_541 = arith.constant 1 : i32
      %dma_start3A_542 = arith.constant 0 : i32
      %dma_start3A_543 = arith.constant 0 : i32
      %dma_start3A_544 = tpu.memref_slice %arg7[%rem3A_522, %dma_start3A_542, %dma_start3A_543] : memref<5x64x128xf32, #tpu.memory_space<vmem>> -> memref<1x64x128xf32, #tpu.memory_space<vmem>>
      %dma_start3A_545 = tpu.memref_squeeze %dma_start3A_544 : memref<1x64x128xf32, #tpu.memory_space<vmem>> -> memref<64x128xf32, #tpu.memory_space<vmem>>
      %dma_start3A_546 = arith.constant 0 : i32
      %dma_start3A_547 = tpu.memref_slice %arg6[%rem3A_524, %dma_start3A_541, %dma_start3A_546] : memref<8x2x64xi32, #tpu.memory_space<vmem>> -> memref<1x1x64xi32, #tpu.memory_space<vmem>>
      %dma_start3A_548 = tpu.memref_squeeze %dma_start3A_547 : memref<1x1x64xi32, #tpu.memory_space<vmem>> -> memref<64xi32, #tpu.memory_space<vmem>>
      %dma_start3A_549 = arith.constant 0 : i32
      %dma_start3A_550 = arith.constant 0 : i32
      %dma_start3A_551 = tpu.memref_slice %arg5[%dma_start3A_549, %dma_start3A_550] : memref<10240x128xf32, #tpu.memory_space<vmem_shared>> -> memref<10240x128xf32, #tpu.memory_space<vmem_shared>>
      %dma_start3A_552 = tpu.memref_slice %arg10[%rem3A_522] : memref<5x!tpu.dma_semaphore, #tpu.memory_space<semaphore_mem>> -> memref<1x!tpu.dma_semaphore, #tpu.memory_space<semaphore_mem>>
      %dma_start3A_553 = tpu.memref_squeeze %dma_start3A_552 : memref<1x!tpu.dma_semaphore, #tpu.memory_space<semaphore_mem>> -> memref<!tpu.dma_semaphore, #tpu.memory_space<semaphore_mem>>
      tpu.enqueue_indirect_dma source(%dma_start3A_545 : memref<64x128xf32, #tpu.memory_space<vmem>>) target(%dma_start3A_551 : memref<10240x128xf32, #tpu.memory_space<vmem_shared>>) offsets(%dma_start3A_548 : memref<64xi32, #tpu.memory_space<vmem>>) semaphore(%dma_start3A_553 : memref<!tpu.dma_semaphore, #tpu.memory_space<semaphore_mem>>) {add = true}
      %ge3A_554 = arith.constant 2 : i32
      %ge3A_555 = arith.cmpi sge, %while3A_521, %ge3A_554 : i32
      %convert_element_type3A_556 = arith.extui %ge3A_555 : i1 to i32
      %cond3A_557 = arith.constant 0 : i32
      %cond3A_558 = arith.cmpi ne, %convert_element_type3A_556, %cond3A_557 : i32
      scf.if %cond3A_558 {
        %add3A_570 = arith.constant 5 : i32
        %add3A_571 = arith.addi %while3A_521, %add3A_570 : i32
        %sub3A_572 = arith.constant 2 : i32
        %sub3A_573 = arith.subi %add3A_571, %sub3A_572 : i32
        %rem3A_574 = arith.constant 5 : i32
        %rem3A_575 = arith.remsi %sub3A_573, %rem3A_574 : i32
        %dma_wait3A_576 = arith.constant 0 : i32
        %dma_wait3A_577 = arith.constant 0 : i32
        %dma_wait3A_578 = tpu.memref_slice %arg7[%rem3A_575, %dma_wait3A_576, %dma_wait3A_577] : memref<5x64x128xf32, #tpu.memory_space<vmem>> -> memref<1x64x128xf32, #tpu.memory_space<vmem>>
        %dma_wait3A_579 = tpu.memref_squeeze %dma_wait3A_578 : memref<1x64x128xf32, #tpu.memory_space<vmem>> -> memref<64x128xf32, #tpu.memory_space<vmem>>
        %dma_wait3A_580 = arith.constant 0 : i32
        %dma_wait3A_581 = arith.constant 0 : i32
        %dma_wait3A_582 = tpu.memref_slice %arg2[%dma_wait3A_580, %dma_wait3A_581] : memref<10000x128xf32, #tpu.memory_space<hbm>> -> memref<64x128xf32, #tpu.memory_space<hbm>>
        %dma_wait3A_583 = tpu.memref_slice %arg10[%rem3A_575] : memref<5x!tpu.dma_semaphore, #tpu.memory_space<semaphore_mem>> -> memref<1x!tpu.dma_semaphore, #tpu.memory_space<semaphore_mem>>
        %dma_wait3A_584 = tpu.memref_squeeze %dma_wait3A_583 : memref<1x!tpu.dma_semaphore, #tpu.memory_space<semaphore_mem>> -> memref<!tpu.dma_semaphore, #tpu.memory_space<semaphore_mem>>
        %dma_wait3A_585 = arith.constant 0 : i32
        %dma_wait3A_586 = arith.constant 0 : i32
        %dma_wait3A_587 = tpu.memref_slice %arg7[%rem3A_575, %dma_wait3A_585, %dma_wait3A_586] : memref<5x64x128xf32, #tpu.memory_space<vmem>> -> memref<1x64x128xf32, #tpu.memory_space<vmem>>
        %dma_wait3A_588 = tpu.memref_squeeze %dma_wait3A_587 : memref<1x64x128xf32, #tpu.memory_space<vmem>> -> memref<64x128xf32, #tpu.memory_space<vmem>>
        %dma_wait3A_589 = arith.constant 0 : i32
        %dma_wait3A_590 = arith.constant 0 : i32
        %dma_wait3A_591 = tpu.memref_slice %arg2[%dma_wait3A_589, %dma_wait3A_590] : memref<10000x128xf32, #tpu.memory_space<hbm>> -> memref<64x128xf32, #tpu.memory_space<hbm>>
        tpu.wait_dma2 semaphore(%dma_wait3A_584 : memref<!tpu.dma_semaphore, #tpu.memory_space<semaphore_mem>>) src(%dma_wait3A_591 : memref<64x128xf32, #tpu.memory_space<hbm>>) dst(%dma_wait3A_588 : memref<64x128xf32, #tpu.memory_space<vmem>>)
      } else {
      }
      %add3A_559 = arith.constant 3 : i32
      %add3A_560 = arith.addi %while3A_521, %add3A_559 : i32
      %lt3A = arith.cmpi slt, %add3A_560, %sub3A : i32
      %convert_element_type3A_561 = arith.extui %lt3A : i1 to i32
      %cond3A_562 = arith.constant 0 : i32
      %cond3A_563 = arith.cmpi ne, %convert_element_type3A_561, %cond3A_562 : i32
      scf.if %cond3A_563 {
        %add3A_570 = arith.constant 3 : i32
        %add3A_571 = arith.addi %while3A_521, %add3A_570 : i32
        %rem3A_572 = arith.constant 8 : i32
        %rem3A_573 = arith.remsi %add3A_571, %rem3A_572 : i32
        %dma_wait3A_574 = arith.constant 0 : i32
        %dma_wait3A_575 = arith.constant 0 : i32
        %dma_wait3A_576 = arith.constant 0 : i32
        %dma_wait3A_577 = tpu.memref_slice %arg6[%rem3A_573, %dma_wait3A_575, %dma_wait3A_576] : memref<8x2x64xi32, #tpu.memory_space<vmem>> -> memref<1x1x64xi32, #tpu.memory_space<vmem>>
        %dma_wait3A_578 = tpu.memref_squeeze %dma_wait3A_577 : memref<1x1x64xi32, #tpu.memory_space<vmem>> -> memref<64xi32, #tpu.memory_space<vmem>>
        %dma_wait3A_579 = arith.constant 0 : i32
        %dma_wait3A_580 = tpu.memref_slice %arg3[%dma_wait3A_574, %dma_wait3A_579] : memref<2x320000xi32, #tpu.memory_space<hbm>> -> memref<1x64xi32, #tpu.memory_space<hbm>>
        %dma_wait3A_581 = tpu.memref_squeeze %dma_wait3A_580 : memref<1x64xi32, #tpu.memory_space<hbm>> -> memref<64xi32, #tpu.memory_space<hbm>>
        %dma_wait3A_582 = tpu.memref_slice %arg8[%rem3A_573] : memref<8x!tpu.dma_semaphore, #tpu.memory_space<semaphore_mem>> -> memref<1x!tpu.dma_semaphore, #tpu.memory_space<semaphore_mem>>
        %dma_wait3A_583 = tpu.memref_squeeze %dma_wait3A_582 : memref<1x!tpu.dma_semaphore, #tpu.memory_space<semaphore_mem>> -> memref<!tpu.dma_semaphore, #tpu.memory_space<semaphore_mem>>
        %dma_wait3A_584 = arith.constant 0 : i32
        %dma_wait3A_585 = tpu.memref_slice %arg6[%rem3A_573, %dma_wait3A_575, %dma_wait3A_584] : memref<8x2x64xi32, #tpu.memory_space<vmem>> -> memref<1x1x64xi32, #tpu.memory_space<vmem>>
        %dma_wait3A_586 = tpu.memref_squeeze %dma_wait3A_585 : memref<1x1x64xi32, #tpu.memory_space<vmem>> -> memref<64xi32, #tpu.memory_space<vmem>>
        %dma_wait3A_587 = arith.constant 0 : i32
        %dma_wait3A_588 = tpu.memref_slice %arg3[%dma_wait3A_574, %dma_wait3A_587] : memref<2x320000xi32, #tpu.memory_space<hbm>> -> memref<1x64xi32, #tpu.memory_space<hbm>>
        %dma_wait3A_589 = tpu.memref_squeeze %dma_wait3A_588 : memref<1x64xi32, #tpu.memory_space<hbm>> -> memref<64xi32, #tpu.memory_space<hbm>>
        tpu.wait_dma2 semaphore(%dma_wait3A_583 : memref<!tpu.dma_semaphore, #tpu.memory_space<semaphore_mem>>) src(%dma_wait3A_589 : memref<64xi32, #tpu.memory_space<hbm>>) dst(%dma_wait3A_586 : memref<64xi32, #tpu.memory_space<vmem>>)
        %dma_wait3A_590 = arith.constant 1 : i32
        %dma_wait3A_591 = arith.constant 1 : i32
        %dma_wait3A_592 = arith.constant 0 : i32
        %dma_wait3A_593 = tpu.memref_slice %arg6[%rem3A_573, %dma_wait3A_591, %dma_wait3A_592] : memref<8x2x64xi32, #tpu.memory_space<vmem>> -> memref<1x1x64xi32, #tpu.memory_space<vmem>>
        %dma_wait3A_594 = tpu.memref_squeeze %dma_wait3A_593 : memref<1x1x64xi32, #tpu.memory_space<vmem>> -> memref<64xi32, #tpu.memory_space<vmem>>
        %dma_wait3A_595 = arith.constant 0 : i32
        %dma_wait3A_596 = tpu.memref_slice %arg3[%dma_wait3A_590, %dma_wait3A_595] : memref<2x320000xi32, #tpu.memory_space<hbm>> -> memref<1x64xi32, #tpu.memory_space<hbm>>
        %dma_wait3A_597 = tpu.memref_squeeze %dma_wait3A_596 : memref<1x64xi32, #tpu.memory_space<hbm>> -> memref<64xi32, #tpu.memory_space<hbm>>
        %dma_wait3A_598 = tpu.memref_slice %arg8[%rem3A_573] : memref<8x!tpu.dma_semaphore, #tpu.memory_space<semaphore_mem>> -> memref<1x!tpu.dma_semaphore, #tpu.memory_space<semaphore_mem>>
        %dma_wait3A_599 = tpu.memref_squeeze %dma_wait3A_598 : memref<1x!tpu.dma_semaphore, #tpu.memory_space<semaphore_mem>> -> memref<!tpu.dma_semaphore, #tpu.memory_space<semaphore_mem>>
        %dma_wait3A_600 = arith.constant 0 : i32
        %dma_wait3A_601 = tpu.memref_slice %arg6[%rem3A_573, %dma_wait3A_591, %dma_wait3A_600] : memref<8x2x64xi32, #tpu.memory_space<vmem>> -> memref<1x1x64xi32, #tpu.memory_space<vmem>>
        %dma_wait3A_602 = tpu.memref_squeeze %dma_wait3A_601 : memref<1x1x64xi32, #tpu.memory_space<vmem>> -> memref<64xi32, #tpu.memory_space<vmem>>
        %dma_wait3A_603 = arith.constant 0 : i32
        %dma_wait3A_604 = tpu.memref_slice %arg3[%dma_wait3A_590, %dma_wait3A_603] : memref<2x320000xi32, #tpu.memory_space<hbm>> -> memref<1x64xi32, #tpu.memory_space<hbm>>
        %dma_wait3A_605 = tpu.memref_squeeze %dma_wait3A_604 : memref<1x64xi32, #tpu.memory_space<hbm>> -> memref<64xi32, #tpu.memory_space<hbm>>
        tpu.wait_dma2 semaphore(%dma_wait3A_599 : memref<!tpu.dma_semaphore, #tpu.memory_space<semaphore_mem>>) src(%dma_wait3A_605 : memref<64xi32, #tpu.memory_space<hbm>>) dst(%dma_wait3A_602 : memref<64xi32, #tpu.memory_space<vmem>>)
        %add3A_606 = arith.constant 3 : i32
        %add3A_607 = arith.addi %while3A_521, %add3A_606 : i32
        %rem3A_608 = arith.constant 5 : i32
        %rem3A_609 = arith.remsi %add3A_607, %rem3A_608 : i32
        %dma_start3A_610 = arith.constant 0 : i32
        %dma_start3A_611 = arith.constant 0 : i32
        %dma_start3A_612 = arith.constant 0 : i32
        %dma_start3A_613 = tpu.memref_slice %arg7[%rem3A_609, %dma_start3A_611, %dma_start3A_612] : memref<5x64x128xf32, #tpu.memory_space<vmem>> -> memref<1x64x128xf32, #tpu.memory_space<vmem>>
        %dma_start3A_614 = tpu.memref_squeeze %dma_start3A_613 : memref<1x64x128xf32, #tpu.memory_space<vmem>> -> memref<64x128xf32, #tpu.memory_space<vmem>>
        %dma_start3A_615 = arith.constant 0 : i32
        %dma_start3A_616 = tpu.memref_slice %arg6[%rem3A_573, %dma_start3A_610, %dma_start3A_615] : memref<8x2x64xi32, #tpu.memory_space<vmem>> -> memref<1x1x64xi32, #tpu.memory_space<vmem>>
        %dma_start3A_617 = tpu.memref_squeeze %dma_start3A_616 : memref<1x1x64xi32, #tpu.memory_space<vmem>> -> memref<64xi32, #tpu.memory_space<vmem>>
        %dma_start3A_618 = arith.constant 0 : i32
        %dma_start3A_619 = arith.constant 0 : i32
        %dma_start3A_620 = tpu.memref_slice %arg2[%dma_start3A_618, %dma_start3A_619] : memref<10000x128xf32, #tpu.memory_space<hbm>> -> memref<10000x128xf32, #tpu.memory_space<hbm>>
        %dma_start3A_621 = tpu.memref_slice %arg9[%rem3A_609] : memref<5x!tpu.dma_semaphore, #tpu.memory_space<semaphore_mem>> -> memref<1x!tpu.dma_semaphore, #tpu.memory_space<semaphore_mem>>
        %dma_start3A_622 = tpu.memref_squeeze %dma_start3A_621 : memref<1x!tpu.dma_semaphore, #tpu.memory_space<semaphore_mem>> -> memref<!tpu.dma_semaphore, #tpu.memory_space<semaphore_mem>>
        tpu.enqueue_indirect_dma source(%dma_start3A_620 : memref<10000x128xf32, #tpu.memory_space<hbm>>) target(%dma_start3A_614 : memref<64x128xf32, #tpu.memory_space<vmem>>) offsets(%dma_start3A_617 : memref<64xi32, #tpu.memory_space<vmem>>) semaphore(%dma_start3A_622 : memref<!tpu.dma_semaphore, #tpu.memory_space<semaphore_mem>>)
      } else {
      }
      %add3A_564 = arith.constant 6 : i32
      %add3A_565 = arith.addi %while3A_521, %add3A_564 : i32
      %lt3A_566 = arith.cmpi slt, %add3A_565, %sub3A : i32
      %convert_element_type3A_567 = arith.extui %lt3A_566 : i1 to i32
      %cond3A_568 = arith.constant 0 : i32
      %cond3A_569 = arith.cmpi ne, %convert_element_type3A_567, %cond3A_568 : i32
      scf.if %cond3A_569 {
        %add3A_570 = arith.constant 6 : i32
        %add3A_571 = arith.addi %while3A_521, %add3A_570 : i32
        %add3A_572 = arith.constant 6 : i32
        %add3A_573 = arith.addi %while3A_521, %add3A_572 : i32
        %rem3A_574 = arith.constant 8 : i32
        %rem3A_575 = arith.remsi %add3A_573, %rem3A_574 : i32
        %add3A_576 = arith.addi %add3A, %add3A_571 : i32
        %mul3A_577 = arith.constant 64 : i32
        %mul3A_578 = arith.muli %add3A_576, %mul3A_577 : i32
        %dma_start3A_579 = arith.constant 0 : i32
        %dma_start3A_580 = arith.constant 0 : i32
        %dma_start3A_581 = arith.constant 0 : i32
        %dma_start3A_582 = tpu.memref_slice %arg6[%rem3A_575, %dma_start3A_580, %dma_start3A_581] : memref<8x2x64xi32, #tpu.memory_space<vmem>> -> memref<1x1x64xi32, #tpu.memory_space<vmem>>
        %dma_start3A_583 = tpu.memref_squeeze %dma_start3A_582 : memref<1x1x64xi32, #tpu.memory_space<vmem>> -> memref<64xi32, #tpu.memory_space<vmem>>
        %dma_start3A_584 = tpu.memref_slice %arg3[%dma_start3A_579, %mul3A_578] : memref<2x320000xi32, #tpu.memory_space<hbm>> -> memref<1x64xi32, #tpu.memory_space<hbm>>
        %dma_start3A_585 = tpu.memref_squeeze %dma_start3A_584 : memref<1x64xi32, #tpu.memory_space<hbm>> -> memref<64xi32, #tpu.memory_space<hbm>>
        %dma_start3A_586 = tpu.memref_slice %arg8[%rem3A_575] : memref<8x!tpu.dma_semaphore, #tpu.memory_space<semaphore_mem>> -> memref<1x!tpu.dma_semaphore, #tpu.memory_space<semaphore_mem>>
        %dma_start3A_587 = tpu.memref_squeeze %dma_start3A_586 : memref<1x!tpu.dma_semaphore, #tpu.memory_space<semaphore_mem>> -> memref<!tpu.dma_semaphore, #tpu.memory_space<semaphore_mem>>
        %dma_start3A_588 = arith.constant 0 : i32
        %dma_start3A_589 = tpu.memref_slice %arg6[%rem3A_575, %dma_start3A_580, %dma_start3A_588] : memref<8x2x64xi32, #tpu.memory_space<vmem>> -> memref<1x1x64xi32, #tpu.memory_space<vmem>>
        %dma_start3A_590 = tpu.memref_squeeze %dma_start3A_589 : memref<1x1x64xi32, #tpu.memory_space<vmem>> -> memref<64xi32, #tpu.memory_space<vmem>>
        %dma_start3A_591 = tpu.memref_slice %arg3[%dma_start3A_579, %mul3A_578] : memref<2x320000xi32, #tpu.memory_space<hbm>> -> memref<1x64xi32, #tpu.memory_space<hbm>>
        %dma_start3A_592 = tpu.memref_squeeze %dma_start3A_591 : memref<1x64xi32, #tpu.memory_space<hbm>> -> memref<64xi32, #tpu.memory_space<hbm>>
        tpu.enqueue_dma source(%dma_start3A_592 : memref<64xi32, #tpu.memory_space<hbm>>) target(%dma_start3A_590 : memref<64xi32, #tpu.memory_space<vmem>>) target_semaphore(%dma_start3A_587 : memref<!tpu.dma_semaphore, #tpu.memory_space<semaphore_mem>>)
        %dma_start3A_593 = arith.constant 1 : i32
        %dma_start3A_594 = arith.constant 1 : i32
        %dma_start3A_595 = arith.constant 0 : i32
        %dma_start3A_596 = tpu.memref_slice %arg6[%rem3A_575, %dma_start3A_594, %dma_start3A_595] : memref<8x2x64xi32, #tpu.memory_space<vmem>> -> memref<1x1x64xi32, #tpu.memory_space<vmem>>
        %dma_start3A_597 = tpu.memref_squeeze %dma_start3A_596 : memref<1x1x64xi32, #tpu.memory_space<vmem>> -> memref<64xi32, #tpu.memory_space<vmem>>
        %dma_start3A_598 = tpu.memref_slice %arg3[%dma_start3A_593, %mul3A_578] : memref<2x320000xi32, #tpu.memory_space<hbm>> -> memref<1x64xi32, #tpu.memory_space<hbm>>
        %dma_start3A_599 = tpu.memref_squeeze %dma_start3A_598 : memref<1x64xi32, #tpu.memory_space<hbm>> -> memref<64xi32, #tpu.memory_space<hbm>>
        %dma_start3A_600 = tpu.memref_slice %arg8[%rem3A_575] : memref<8x!tpu.dma_semaphore, #tpu.memory_space<semaphore_mem>> -> memref<1x!tpu.dma_semaphore, #tpu.memory_space<semaphore_mem>>
        %dma_start3A_601 = tpu.memref_squeeze %dma_start3A_600 : memref<1x!tpu.dma_semaphore, #tpu.memory_space<semaphore_mem>> -> memref<!tpu.dma_semaphore, #tpu.memory_space<semaphore_mem>>
        %dma_start3A_602 = arith.constant 0 : i32
        %dma_start3A_603 = tpu.memref_slice %arg6[%rem3A_575, %dma_start3A_594, %dma_start3A_602] : memref<8x2x64xi32, #tpu.memory_space<vmem>> -> memref<1x1x64xi32, #tpu.memory_space<vmem>>
        %dma_start3A_604 = tpu.memref_squeeze %dma_start3A_603 : memref<1x1x64xi32, #tpu.memory_space<vmem>> -> memref<64xi32, #tpu.memory_space<vmem>>
        %dma_start3A_605 = tpu.memref_slice %arg3[%dma_start3A_593, %mul3A_578] : memref<2x320000xi32, #tpu.memory_space<hbm>> -> memref<1x64xi32, #tpu.memory_space<hbm>>
        %dma_start3A_606 = tpu.memref_squeeze %dma_start3A_605 : memref<1x64xi32, #tpu.memory_space<hbm>> -> memref<64xi32, #tpu.memory_space<hbm>>
        tpu.enqueue_dma source(%dma_start3A_606 : memref<64xi32, #tpu.memory_space<hbm>>) target(%dma_start3A_604 : memref<64xi32, #tpu.memory_space<vmem>>) target_semaphore(%dma_start3A_601 : memref<!tpu.dma_semaphore, #tpu.memory_space<semaphore_mem>>)
      } else {
      }
    }
    %ge3A = arith.constant 2 : i32
    %ge3A_371 = arith.cmpi sge, %sub3A, %ge3A : i32
    %convert_element_type3A_372 = arith.extui %ge3A_371 : i1 to i32
    %cond3A_373 = arith.constant 0 : i32
    %cond3A_374 = arith.cmpi ne, %convert_element_type3A_372, %cond3A_373 : i32
    scf.if %cond3A_374 {
      %sub3A_521 = arith.constant 2 : i32
      %sub3A_522 = arith.subi %sub3A, %sub3A_521 : i32
      %rem3A = arith.constant 5 : i32
      %rem3A_523 = arith.remsi %sub3A_522, %rem3A : i32
      %dma_wait3A_524 = arith.constant 0 : i32
      %dma_wait3A_525 = arith.constant 0 : i32
      %dma_wait3A_526 = tpu.memref_slice %arg7[%rem3A_523, %dma_wait3A_524, %dma_wait3A_525] : memref<5x64x128xf32, #tpu.memory_space<vmem>> -> memref<1x64x128xf32, #tpu.memory_space<vmem>>
      %dma_wait3A_527 = tpu.memref_squeeze %dma_wait3A_526 : memref<1x64x128xf32, #tpu.memory_space<vmem>> -> memref<64x128xf32, #tpu.memory_space<vmem>>
      %dma_wait3A_528 = arith.constant 0 : i32
      %dma_wait3A_529 = arith.constant 0 : i32
      %dma_wait3A_530 = tpu.memref_slice %arg2[%dma_wait3A_528, %dma_wait3A_529] : memref<10000x128xf32, #tpu.memory_space<hbm>> -> memref<64x128xf32, #tpu.memory_space<hbm>>
      %dma_wait3A_531 = tpu.memref_slice %arg10[%rem3A_523] : memref<5x!tpu.dma_semaphore, #tpu.memory_space<semaphore_mem>> -> memref<1x!tpu.dma_semaphore, #tpu.memory_space<semaphore_mem>>
      %dma_wait3A_532 = tpu.memref_squeeze %dma_wait3A_531 : memref<1x!tpu.dma_semaphore, #tpu.memory_space<semaphore_mem>> -> memref<!tpu.dma_semaphore, #tpu.memory_space<semaphore_mem>>
      %dma_wait3A_533 = arith.constant 0 : i32
      %dma_wait3A_534 = arith.constant 0 : i32
      %dma_wait3A_535 = tpu.memref_slice %arg7[%rem3A_523, %dma_wait3A_533, %dma_wait3A_534] : memref<5x64x128xf32, #tpu.memory_space<vmem>> -> memref<1x64x128xf32, #tpu.memory_space<vmem>>
      %dma_wait3A_536 = tpu.memref_squeeze %dma_wait3A_535 : memref<1x64x128xf32, #tpu.memory_space<vmem>> -> memref<64x128xf32, #tpu.memory_space<vmem>>
      %dma_wait3A_537 = arith.constant 0 : i32
      %dma_wait3A_538 = arith.constant 0 : i32
      %dma_wait3A_539 = tpu.memref_slice %arg2[%dma_wait3A_537, %dma_wait3A_538] : memref<10000x128xf32, #tpu.memory_space<hbm>> -> memref<64x128xf32, #tpu.memory_space<hbm>>
      tpu.wait_dma2 semaphore(%dma_wait3A_532 : memref<!tpu.dma_semaphore, #tpu.memory_space<semaphore_mem>>) src(%dma_wait3A_539 : memref<64x128xf32, #tpu.memory_space<hbm>>) dst(%dma_wait3A_536 : memref<64x128xf32, #tpu.memory_space<vmem>>)
    } else {
    }
    %ge3A_375 = arith.constant 1 : i32
    %ge3A_376 = arith.cmpi sge, %sub3A, %ge3A_375 : i32
    %convert_element_type3A_377 = arith.extui %ge3A_376 : i1 to i32
    %cond3A_378 = arith.constant 0 : i32
    %cond3A_379 = arith.cmpi ne, %convert_element_type3A_377, %cond3A_378 : i32
    scf.if %cond3A_379 {
      %sub3A_521 = arith.constant 1 : i32
      %sub3A_522 = arith.subi %sub3A, %sub3A_521 : i32
      %rem3A = arith.constant 5 : i32
      %rem3A_523 = arith.remsi %sub3A_522, %rem3A : i32
      %dma_wait3A_524 = arith.constant 0 : i32
      %dma_wait3A_525 = arith.constant 0 : i32
      %dma_wait3A_526 = tpu.memref_slice %arg7[%rem3A_523, %dma_wait3A_524, %dma_wait3A_525] : memref<5x64x128xf32, #tpu.memory_space<vmem>> -> memref<1x64x128xf32, #tpu.memory_space<vmem>>
      %dma_wait3A_527 = tpu.memref_squeeze %dma_wait3A_526 : memref<1x64x128xf32, #tpu.memory_space<vmem>> -> memref<64x128xf32, #tpu.memory_space<vmem>>
      %dma_wait3A_528 = arith.constant 0 : i32
      %dma_wait3A_529 = arith.constant 0 : i32
      %dma_wait3A_530 = tpu.memref_slice %arg2[%dma_wait3A_528, %dma_wait3A_529] : memref<10000x128xf32, #tpu.memory_space<hbm>> -> memref<64x128xf32, #tpu.memory_space<hbm>>
      %dma_wait3A_531 = tpu.memref_slice %arg10[%rem3A_523] : memref<5x!tpu.dma_semaphore, #tpu.memory_space<semaphore_mem>> -> memref<1x!tpu.dma_semaphore, #tpu.memory_space<semaphore_mem>>
      %dma_wait3A_532 = tpu.memref_squeeze %dma_wait3A_531 : memref<1x!tpu.dma_semaphore, #tpu.memory_space<semaphore_mem>> -> memref<!tpu.dma_semaphore, #tpu.memory_space<semaphore_mem>>
      %dma_wait3A_533 = arith.constant 0 : i32
      %dma_wait3A_534 = arith.constant 0 : i32
      %dma_wait3A_535 = tpu.memref_slice %arg7[%rem3A_523, %dma_wait3A_533, %dma_wait3A_534] : memref<5x64x128xf32, #tpu.memory_space<vmem>> -> memref<1x64x128xf32, #tpu.memory_space<vmem>>
      %dma_wait3A_536 = tpu.memref_squeeze %dma_wait3A_535 : memref<1x64x128xf32, #tpu.memory_space<vmem>> -> memref<64x128xf32, #tpu.memory_space<vmem>>
      %dma_wait3A_537 = arith.constant 0 : i32
      %dma_wait3A_538 = arith.constant 0 : i32
      %dma_wait3A_539 = tpu.memref_slice %arg2[%dma_wait3A_537, %dma_wait3A_538] : memref<10000x128xf32, #tpu.memory_space<hbm>> -> memref<64x128xf32, #tpu.memory_space<hbm>>
      tpu.wait_dma2 semaphore(%dma_wait3A_532 : memref<!tpu.dma_semaphore, #tpu.memory_space<semaphore_mem>>) src(%dma_wait3A_539 : memref<64x128xf32, #tpu.memory_space<hbm>>) dst(%dma_wait3A_536 : memref<64x128xf32, #tpu.memory_space<vmem>>)
    } else {
    }
    %barrier3A_380 = arith.constant 0 : index
    tpu.barrier barrier_id(%barrier3A_380)
    %add3A_381 = arith.constant 0 : i32
    %add3A_382 = arith.addi %mul3A_21, %add3A_381 : i32
    %dma_start3A_383 = arith.constant 0 : i32
    %dma_start3A_384 = tpu.memref_slice %arg4[%arg0, %add3A_382, %dma_start3A_383] : memref<2x10240x128xf32, #tpu.memory_space<hbm>> -> memref<1x64x128xf32, #tpu.memory_space<hbm>>
    %dma_start3A_385 = tpu.memref_squeeze %dma_start3A_384 : memref<1x64x128xf32, #tpu.memory_space<hbm>> -> memref<64x128xf32, #tpu.memory_space<hbm>>
    %dma_start3A_386 = arith.constant 0 : i32
    %dma_start3A_387 = tpu.memref_slice %arg5[%add3A_382, %dma_start3A_386] : memref<10240x128xf32, #tpu.memory_space<vmem_shared>> -> memref<64x128xf32, #tpu.memory_space<vmem_shared>>
    tpu.enqueue_dma source(%dma_start3A_387 : memref<64x128xf32, #tpu.memory_space<vmem_shared>>) target(%dma_start3A_385 : memref<64x128xf32, #tpu.memory_space<hbm>>) target_semaphore(%arg11 : memref<!tpu.dma_semaphore, #tpu.memory_space<semaphore_mem>>)
    %add3A_388 = arith.constant 64 : i32
    %add3A_389 = arith.addi %mul3A_21, %add3A_388 : i32
    %dma_start3A_390 = arith.constant 0 : i32
    %dma_start3A_391 = tpu.memref_slice %arg4[%arg0, %add3A_389, %dma_start3A_390] : memref<2x10240x128xf32, #tpu.memory_space<hbm>> -> memref<1x64x128xf32, #tpu.memory_space<hbm>>
    %dma_start3A_392 = tpu.memref_squeeze %dma_start3A_391 : memref<1x64x128xf32, #tpu.memory_space<hbm>> -> memref<64x128xf32, #tpu.memory_space<hbm>>
    %dma_start3A_393 = arith.constant 0 : i32
    %dma_start3A_394 = tpu.memref_slice %arg5[%add3A_389, %dma_start3A_393] : memref<10240x128xf32, #tpu.memory_space<vmem_shared>> -> memref<64x128xf32, #tpu.memory_space<vmem_shared>>
    tpu.enqueue_dma source(%dma_start3A_394 : memref<64x128xf32, #tpu.memory_space<vmem_shared>>) target(%dma_start3A_392 : memref<64x128xf32, #tpu.memory_space<hbm>>) target_semaphore(%arg11 : memref<!tpu.dma_semaphore, #tpu.memory_space<semaphore_mem>>)
    %add3A_395 = arith.constant 128 : i32
    %add3A_396 = arith.addi %mul3A_21, %add3A_395 : i32
    %dma_start3A_397 = arith.constant 0 : i32
    %dma_start3A_398 = tpu.memref_slice %arg4[%arg0, %add3A_396, %dma_start3A_397] : memref<2x10240x128xf32, #tpu.memory_space<hbm>> -> memref<1x64x128xf32, #tpu.memory_space<hbm>>
    %dma_start3A_399 = tpu.memref_squeeze %dma_start3A_398 : memref<1x64x128xf32, #tpu.memory_space<hbm>> -> memref<64x128xf32, #tpu.memory_space<hbm>>
    %dma_start3A_400 = arith.constant 0 : i32
    %dma_start3A_401 = tpu.memref_slice %arg5[%add3A_396, %dma_start3A_400] : memref<10240x128xf32, #tpu.memory_space<vmem_shared>> -> memref<64x128xf32, #tpu.memory_space<vmem_shared>>
    tpu.enqueue_dma source(%dma_start3A_401 : memref<64x128xf32, #tpu.memory_space<vmem_shared>>) target(%dma_start3A_399 : memref<64x128xf32, #tpu.memory_space<hbm>>) target_semaphore(%arg11 : memref<!tpu.dma_semaphore, #tpu.memory_space<semaphore_mem>>)
    %add3A_402 = arith.constant 192 : i32
    %add3A_403 = arith.addi %mul3A_21, %add3A_402 : i32
    %dma_start3A_404 = arith.constant 0 : i32
    %dma_start3A_405 = tpu.memref_slice %arg4[%arg0, %add3A_403, %dma_start3A_404] : memref<2x10240x128xf32, #tpu.memory_space<hbm>> -> memref<1x64x128xf32, #tpu.memory_space<hbm>>
    %dma_start3A_406 = tpu.memref_squeeze %dma_start3A_405 : memref<1x64x128xf32, #tpu.memory_space<hbm>> -> memref<64x128xf32, #tpu.memory_space<hbm>>
    %dma_start3A_407 = arith.constant 0 : i32
    %dma_start3A_408 = tpu.memref_slice %arg5[%add3A_403, %dma_start3A_407] : memref<10240x128xf32, #tpu.memory_space<vmem_shared>> -> memref<64x128xf32, #tpu.memory_space<vmem_shared>>
    tpu.enqueue_dma source(%dma_start3A_408 : memref<64x128xf32, #tpu.memory_space<vmem_shared>>) target(%dma_start3A_406 : memref<64x128xf32, #tpu.memory_space<hbm>>) target_semaphore(%arg11 : memref<!tpu.dma_semaphore, #tpu.memory_space<semaphore_mem>>)
    %add3A_409 = arith.constant 256 : i32
    %add3A_410 = arith.addi %mul3A_21, %add3A_409 : i32
    %dma_start3A_411 = arith.constant 0 : i32
    %dma_start3A_412 = tpu.memref_slice %arg4[%arg0, %add3A_410, %dma_start3A_411] : memref<2x10240x128xf32, #tpu.memory_space<hbm>> -> memref<1x64x128xf32, #tpu.memory_space<hbm>>
    %dma_start3A_413 = tpu.memref_squeeze %dma_start3A_412 : memref<1x64x128xf32, #tpu.memory_space<hbm>> -> memref<64x128xf32, #tpu.memory_space<hbm>>
    %dma_start3A_414 = arith.constant 0 : i32
    %dma_start3A_415 = tpu.memref_slice %arg5[%add3A_410, %dma_start3A_414] : memref<10240x128xf32, #tpu.memory_space<vmem_shared>> -> memref<64x128xf32, #tpu.memory_space<vmem_shared>>
    tpu.enqueue_dma source(%dma_start3A_415 : memref<64x128xf32, #tpu.memory_space<vmem_shared>>) target(%dma_start3A_413 : memref<64x128xf32, #tpu.memory_space<hbm>>) target_semaphore(%arg11 : memref<!tpu.dma_semaphore, #tpu.memory_space<semaphore_mem>>)
    %add3A_416 = arith.constant 320 : i32
    %add3A_417 = arith.addi %mul3A_21, %add3A_416 : i32
    %dma_start3A_418 = arith.constant 0 : i32
    %dma_start3A_419 = tpu.memref_slice %arg4[%arg0, %add3A_417, %dma_start3A_418] : memref<2x10240x128xf32, #tpu.memory_space<hbm>> -> memref<1x64x128xf32, #tpu.memory_space<hbm>>
    %dma_start3A_420 = tpu.memref_squeeze %dma_start3A_419 : memref<1x64x128xf32, #tpu.memory_space<hbm>> -> memref<64x128xf32, #tpu.memory_space<hbm>>
    %dma_start3A_421 = arith.constant 0 : i32
    %dma_start3A_422 = tpu.memref_slice %arg5[%add3A_417, %dma_start3A_421] : memref<10240x128xf32, #tpu.memory_space<vmem_shared>> -> memref<64x128xf32, #tpu.memory_space<vmem_shared>>
    tpu.enqueue_dma source(%dma_start3A_422 : memref<64x128xf32, #tpu.memory_space<vmem_shared>>) target(%dma_start3A_420 : memref<64x128xf32, #tpu.memory_space<hbm>>) target_semaphore(%arg11 : memref<!tpu.dma_semaphore, #tpu.memory_space<semaphore_mem>>)
    %add3A_423 = arith.constant 384 : i32
    %add3A_424 = arith.addi %mul3A_21, %add3A_423 : i32
    %dma_start3A_425 = arith.constant 0 : i32
    %dma_start3A_426 = tpu.memref_slice %arg4[%arg0, %add3A_424, %dma_start3A_425] : memref<2x10240x128xf32, #tpu.memory_space<hbm>> -> memref<1x64x128xf32, #tpu.memory_space<hbm>>
    %dma_start3A_427 = tpu.memref_squeeze %dma_start3A_426 : memref<1x64x128xf32, #tpu.memory_space<hbm>> -> memref<64x128xf32, #tpu.memory_space<hbm>>
    %dma_start3A_428 = arith.constant 0 : i32
    %dma_start3A_429 = tpu.memref_slice %arg5[%add3A_424, %dma_start3A_428] : memref<10240x128xf32, #tpu.memory_space<vmem_shared>> -> memref<64x128xf32, #tpu.memory_space<vmem_shared>>
    tpu.enqueue_dma source(%dma_start3A_429 : memref<64x128xf32, #tpu.memory_space<vmem_shared>>) target(%dma_start3A_427 : memref<64x128xf32, #tpu.memory_space<hbm>>) target_semaphore(%arg11 : memref<!tpu.dma_semaphore, #tpu.memory_space<semaphore_mem>>)
    %add3A_430 = arith.constant 448 : i32
    %add3A_431 = arith.addi %mul3A_21, %add3A_430 : i32
    %dma_start3A_432 = arith.constant 0 : i32
    %dma_start3A_433 = tpu.memref_slice %arg4[%arg0, %add3A_431, %dma_start3A_432] : memref<2x10240x128xf32, #tpu.memory_space<hbm>> -> memref<1x64x128xf32, #tpu.memory_space<hbm>>
    %dma_start3A_434 = tpu.memref_squeeze %dma_start3A_433 : memref<1x64x128xf32, #tpu.memory_space<hbm>> -> memref<64x128xf32, #tpu.memory_space<hbm>>
    %dma_start3A_435 = arith.constant 0 : i32
    %dma_start3A_436 = tpu.memref_slice %arg5[%add3A_431, %dma_start3A_435] : memref<10240x128xf32, #tpu.memory_space<vmem_shared>> -> memref<64x128xf32, #tpu.memory_space<vmem_shared>>
    tpu.enqueue_dma source(%dma_start3A_436 : memref<64x128xf32, #tpu.memory_space<vmem_shared>>) target(%dma_start3A_434 : memref<64x128xf32, #tpu.memory_space<hbm>>) target_semaphore(%arg11 : memref<!tpu.dma_semaphore, #tpu.memory_space<semaphore_mem>>)
    %add3A_437 = arith.constant 512 : i32
    %add3A_438 = arith.addi %mul3A_21, %add3A_437 : i32
    %dma_start3A_439 = arith.constant 0 : i32
    %dma_start3A_440 = tpu.memref_slice %arg4[%arg0, %add3A_438, %dma_start3A_439] : memref<2x10240x128xf32, #tpu.memory_space<hbm>> -> memref<1x64x128xf32, #tpu.memory_space<hbm>>
    %dma_start3A_441 = tpu.memref_squeeze %dma_start3A_440 : memref<1x64x128xf32, #tpu.memory_space<hbm>> -> memref<64x128xf32, #tpu.memory_space<hbm>>
    %dma_start3A_442 = arith.constant 0 : i32
    %dma_start3A_443 = tpu.memref_slice %arg5[%add3A_438, %dma_start3A_442] : memref<10240x128xf32, #tpu.memory_space<vmem_shared>> -> memref<64x128xf32, #tpu.memory_space<vmem_shared>>
    tpu.enqueue_dma source(%dma_start3A_443 : memref<64x128xf32, #tpu.memory_space<vmem_shared>>) target(%dma_start3A_441 : memref<64x128xf32, #tpu.memory_space<hbm>>) target_semaphore(%arg11 : memref<!tpu.dma_semaphore, #tpu.memory_space<semaphore_mem>>)
    %add3A_444 = arith.constant 576 : i32
    %add3A_445 = arith.addi %mul3A_21, %add3A_444 : i32
    %dma_start3A_446 = arith.constant 0 : i32
    %dma_start3A_447 = tpu.memref_slice %arg4[%arg0, %add3A_445, %dma_start3A_446] : memref<2x10240x128xf32, #tpu.memory_space<hbm>> -> memref<1x64x128xf32, #tpu.memory_space<hbm>>
    %dma_start3A_448 = tpu.memref_squeeze %dma_start3A_447 : memref<1x64x128xf32, #tpu.memory_space<hbm>> -> memref<64x128xf32, #tpu.memory_space<hbm>>
    %dma_start3A_449 = arith.constant 0 : i32
    %dma_start3A_450 = tpu.memref_slice %arg5[%add3A_445, %dma_start3A_449] : memref<10240x128xf32, #tpu.memory_space<vmem_shared>> -> memref<64x128xf32, #tpu.memory_space<vmem_shared>>
    tpu.enqueue_dma source(%dma_start3A_450 : memref<64x128xf32, #tpu.memory_space<vmem_shared>>) target(%dma_start3A_448 : memref<64x128xf32, #tpu.memory_space<hbm>>) target_semaphore(%arg11 : memref<!tpu.dma_semaphore, #tpu.memory_space<semaphore_mem>>)
    %add3A_451 = arith.constant 0 : i32
    %add3A_452 = arith.addi %mul3A_21, %add3A_451 : i32
    %dma_wait3A_453 = arith.constant 0 : i32
    %dma_wait3A_454 = tpu.memref_slice %arg4[%arg0, %add3A_452, %dma_wait3A_453] : memref<2x10240x128xf32, #tpu.memory_space<hbm>> -> memref<1x64x128xf32, #tpu.memory_space<hbm>>
    %dma_wait3A_455 = tpu.memref_squeeze %dma_wait3A_454 : memref<1x64x128xf32, #tpu.memory_space<hbm>> -> memref<64x128xf32, #tpu.memory_space<hbm>>
    %dma_wait3A_456 = arith.constant 0 : i32
    %dma_wait3A_457 = tpu.memref_slice %arg5[%add3A_452, %dma_wait3A_456] : memref<10240x128xf32, #tpu.memory_space<vmem_shared>> -> memref<64x128xf32, #tpu.memory_space<vmem_shared>>
    tpu.wait_dma2 semaphore(%arg11 : memref<!tpu.dma_semaphore, #tpu.memory_space<semaphore_mem>>) src(%dma_wait3A_457 : memref<64x128xf32, #tpu.memory_space<vmem_shared>>) dst(%dma_wait3A_455 : memref<64x128xf32, #tpu.memory_space<hbm>>)
    %add3A_458 = arith.constant 64 : i32
    %add3A_459 = arith.addi %mul3A_21, %add3A_458 : i32
    %dma_wait3A_460 = arith.constant 0 : i32
    %dma_wait3A_461 = tpu.memref_slice %arg4[%arg0, %add3A_459, %dma_wait3A_460] : memref<2x10240x128xf32, #tpu.memory_space<hbm>> -> memref<1x64x128xf32, #tpu.memory_space<hbm>>
    %dma_wait3A_462 = tpu.memref_squeeze %dma_wait3A_461 : memref<1x64x128xf32, #tpu.memory_space<hbm>> -> memref<64x128xf32, #tpu.memory_space<hbm>>
    %dma_wait3A_463 = arith.constant 0 : i32
    %dma_wait3A_464 = tpu.memref_slice %arg5[%add3A_459, %dma_wait3A_463] : memref<10240x128xf32, #tpu.memory_space<vmem_shared>> -> memref<64x128xf32, #tpu.memory_space<vmem_shared>>
    tpu.wait_dma2 semaphore(%arg11 : memref<!tpu.dma_semaphore, #tpu.memory_space<semaphore_mem>>) src(%dma_wait3A_464 : memref<64x128xf32, #tpu.memory_space<vmem_shared>>) dst(%dma_wait3A_462 : memref<64x128xf32, #tpu.memory_space<hbm>>)
    %add3A_465 = arith.constant 128 : i32
    %add3A_466 = arith.addi %mul3A_21, %add3A_465 : i32
    %dma_wait3A_467 = arith.constant 0 : i32
    %dma_wait3A_468 = tpu.memref_slice %arg4[%arg0, %add3A_466, %dma_wait3A_467] : memref<2x10240x128xf32, #tpu.memory_space<hbm>> -> memref<1x64x128xf32, #tpu.memory_space<hbm>>
    %dma_wait3A_469 = tpu.memref_squeeze %dma_wait3A_468 : memref<1x64x128xf32, #tpu.memory_space<hbm>> -> memref<64x128xf32, #tpu.memory_space<hbm>>
    %dma_wait3A_470 = arith.constant 0 : i32
    %dma_wait3A_471 = tpu.memref_slice %arg5[%add3A_466, %dma_wait3A_470] : memref<10240x128xf32, #tpu.memory_space<vmem_shared>> -> memref<64x128xf32, #tpu.memory_space<vmem_shared>>
    tpu.wait_dma2 semaphore(%arg11 : memref<!tpu.dma_semaphore, #tpu.memory_space<semaphore_mem>>) src(%dma_wait3A_471 : memref<64x128xf32, #tpu.memory_space<vmem_shared>>) dst(%dma_wait3A_469 : memref<64x128xf32, #tpu.memory_space<hbm>>)
    %add3A_472 = arith.constant 192 : i32
    %add3A_473 = arith.addi %mul3A_21, %add3A_472 : i32
    %dma_wait3A_474 = arith.constant 0 : i32
    %dma_wait3A_475 = tpu.memref_slice %arg4[%arg0, %add3A_473, %dma_wait3A_474] : memref<2x10240x128xf32, #tpu.memory_space<hbm>> -> memref<1x64x128xf32, #tpu.memory_space<hbm>>
    %dma_wait3A_476 = tpu.memref_squeeze %dma_wait3A_475 : memref<1x64x128xf32, #tpu.memory_space<hbm>> -> memref<64x128xf32, #tpu.memory_space<hbm>>
    %dma_wait3A_477 = arith.constant 0 : i32
    %dma_wait3A_478 = tpu.memref_slice %arg5[%add3A_473, %dma_wait3A_477] : memref<10240x128xf32, #tpu.memory_space<vmem_shared>> -> memref<64x128xf32, #tpu.memory_space<vmem_shared>>
    tpu.wait_dma2 semaphore(%arg11 : memref<!tpu.dma_semaphore, #tpu.memory_space<semaphore_mem>>) src(%dma_wait3A_478 : memref<64x128xf32, #tpu.memory_space<vmem_shared>>) dst(%dma_wait3A_476 : memref<64x128xf32, #tpu.memory_space<hbm>>)
    %add3A_479 = arith.constant 256 : i32
    %add3A_480 = arith.addi %mul3A_21, %add3A_479 : i32
    %dma_wait3A_481 = arith.constant 0 : i32
    %dma_wait3A_482 = tpu.memref_slice %arg4[%arg0, %add3A_480, %dma_wait3A_481] : memref<2x10240x128xf32, #tpu.memory_space<hbm>> -> memref<1x64x128xf32, #tpu.memory_space<hbm>>
    %dma_wait3A_483 = tpu.memref_squeeze %dma_wait3A_482 : memref<1x64x128xf32, #tpu.memory_space<hbm>> -> memref<64x128xf32, #tpu.memory_space<hbm>>
    %dma_wait3A_484 = arith.constant 0 : i32
    %dma_wait3A_485 = tpu.memref_slice %arg5[%add3A_480, %dma_wait3A_484] : memref<10240x128xf32, #tpu.memory_space<vmem_shared>> -> memref<64x128xf32, #tpu.memory_space<vmem_shared>>
    tpu.wait_dma2 semaphore(%arg11 : memref<!tpu.dma_semaphore, #tpu.memory_space<semaphore_mem>>) src(%dma_wait3A_485 : memref<64x128xf32, #tpu.memory_space<vmem_shared>>) dst(%dma_wait3A_483 : memref<64x128xf32, #tpu.memory_space<hbm>>)
    %add3A_486 = arith.constant 320 : i32
    %add3A_487 = arith.addi %mul3A_21, %add3A_486 : i32
    %dma_wait3A_488 = arith.constant 0 : i32
    %dma_wait3A_489 = tpu.memref_slice %arg4[%arg0, %add3A_487, %dma_wait3A_488] : memref<2x10240x128xf32, #tpu.memory_space<hbm>> -> memref<1x64x128xf32, #tpu.memory_space<hbm>>
    %dma_wait3A_490 = tpu.memref_squeeze %dma_wait3A_489 : memref<1x64x128xf32, #tpu.memory_space<hbm>> -> memref<64x128xf32, #tpu.memory_space<hbm>>
    %dma_wait3A_491 = arith.constant 0 : i32
    %dma_wait3A_492 = tpu.memref_slice %arg5[%add3A_487, %dma_wait3A_491] : memref<10240x128xf32, #tpu.memory_space<vmem_shared>> -> memref<64x128xf32, #tpu.memory_space<vmem_shared>>
    tpu.wait_dma2 semaphore(%arg11 : memref<!tpu.dma_semaphore, #tpu.memory_space<semaphore_mem>>) src(%dma_wait3A_492 : memref<64x128xf32, #tpu.memory_space<vmem_shared>>) dst(%dma_wait3A_490 : memref<64x128xf32, #tpu.memory_space<hbm>>)
    %add3A_493 = arith.constant 384 : i32
    %add3A_494 = arith.addi %mul3A_21, %add3A_493 : i32
    %dma_wait3A_495 = arith.constant 0 : i32
    %dma_wait3A_496 = tpu.memref_slice %arg4[%arg0, %add3A_494, %dma_wait3A_495] : memref<2x10240x128xf32, #tpu.memory_space<hbm>> -> memref<1x64x128xf32, #tpu.memory_space<hbm>>
    %dma_wait3A_497 = tpu.memref_squeeze %dma_wait3A_496 : memref<1x64x128xf32, #tpu.memory_space<hbm>> -> memref<64x128xf32, #tpu.memory_space<hbm>>
    %dma_wait3A_498 = arith.constant 0 : i32
    %dma_wait3A_499 = tpu.memref_slice %arg5[%add3A_494, %dma_wait3A_498] : memref<10240x128xf32, #tpu.memory_space<vmem_shared>> -> memref<64x128xf32, #tpu.memory_space<vmem_shared>>
    tpu.wait_dma2 semaphore(%arg11 : memref<!tpu.dma_semaphore, #tpu.memory_space<semaphore_mem>>) src(%dma_wait3A_499 : memref<64x128xf32, #tpu.memory_space<vmem_shared>>) dst(%dma_wait3A_497 : memref<64x128xf32, #tpu.memory_space<hbm>>)
    %add3A_500 = arith.constant 448 : i32
    %add3A_501 = arith.addi %mul3A_21, %add3A_500 : i32
    %dma_wait3A_502 = arith.constant 0 : i32
    %dma_wait3A_503 = tpu.memref_slice %arg4[%arg0, %add3A_501, %dma_wait3A_502] : memref<2x10240x128xf32, #tpu.memory_space<hbm>> -> memref<1x64x128xf32, #tpu.memory_space<hbm>>
    %dma_wait3A_504 = tpu.memref_squeeze %dma_wait3A_503 : memref<1x64x128xf32, #tpu.memory_space<hbm>> -> memref<64x128xf32, #tpu.memory_space<hbm>>
    %dma_wait3A_505 = arith.constant 0 : i32
    %dma_wait3A_506 = tpu.memref_slice %arg5[%add3A_501, %dma_wait3A_505] : memref<10240x128xf32, #tpu.memory_space<vmem_shared>> -> memref<64x128xf32, #tpu.memory_space<vmem_shared>>
    tpu.wait_dma2 semaphore(%arg11 : memref<!tpu.dma_semaphore, #tpu.memory_space<semaphore_mem>>) src(%dma_wait3A_506 : memref<64x128xf32, #tpu.memory_space<vmem_shared>>) dst(%dma_wait3A_504 : memref<64x128xf32, #tpu.memory_space<hbm>>)
    %add3A_507 = arith.constant 512 : i32
    %add3A_508 = arith.addi %mul3A_21, %add3A_507 : i32
    %dma_wait3A_509 = arith.constant 0 : i32
    %dma_wait3A_510 = tpu.memref_slice %arg4[%arg0, %add3A_508, %dma_wait3A_509] : memref<2x10240x128xf32, #tpu.memory_space<hbm>> -> memref<1x64x128xf32, #tpu.memory_space<hbm>>
    %dma_wait3A_511 = tpu.memref_squeeze %dma_wait3A_510 : memref<1x64x128xf32, #tpu.memory_space<hbm>> -> memref<64x128xf32, #tpu.memory_space<hbm>>
    %dma_wait3A_512 = arith.constant 0 : i32
    %dma_wait3A_513 = tpu.memref_slice %arg5[%add3A_508, %dma_wait3A_512] : memref<10240x128xf32, #tpu.memory_space<vmem_shared>> -> memref<64x128xf32, #tpu.memory_space<vmem_shared>>
    tpu.wait_dma2 semaphore(%arg11 : memref<!tpu.dma_semaphore, #tpu.memory_space<semaphore_mem>>) src(%dma_wait3A_513 : memref<64x128xf32, #tpu.memory_space<vmem_shared>>) dst(%dma_wait3A_511 : memref<64x128xf32, #tpu.memory_space<hbm>>)
    %add3A_514 = arith.constant 576 : i32
    %add3A_515 = arith.addi %mul3A_21, %add3A_514 : i32
    %dma_wait3A_516 = arith.constant 0 : i32
    %dma_wait3A_517 = tpu.memref_slice %arg4[%arg0, %add3A_515, %dma_wait3A_516] : memref<2x10240x128xf32, #tpu.memory_space<hbm>> -> memref<1x64x128xf32, #tpu.memory_space<hbm>>
    %dma_wait3A_518 = tpu.memref_squeeze %dma_wait3A_517 : memref<1x64x128xf32, #tpu.memory_space<hbm>> -> memref<64x128xf32, #tpu.memory_space<hbm>>
    %dma_wait3A_519 = arith.constant 0 : i32
    %dma_wait3A_520 = tpu.memref_slice %arg5[%add3A_515, %dma_wait3A_519] : memref<10240x128xf32, #tpu.memory_space<vmem_shared>> -> memref<64x128xf32, #tpu.memory_space<vmem_shared>>
    tpu.wait_dma2 semaphore(%arg11 : memref<!tpu.dma_semaphore, #tpu.memory_space<semaphore_mem>>) src(%dma_wait3A_520 : memref<64x128xf32, #tpu.memory_space<vmem_shared>>) dst(%dma_wait3A_518 : memref<64x128xf32, #tpu.memory_space<hbm>>)
    return
  }
}

module attributes {stable_mosaic.version = 14 : i64} {
  func.func @_combine_body(%arg0: i32, %arg1: memref<2x2000x128xf32, #tpu.memory_space<vmem>>, %arg2: memref<2x2000x1xf32, #tpu.memory_space<vmem>>, %arg3: memref<2000x128xf32, #tpu.memory_space<vmem>>, %arg4: memref<128x128xf32, #tpu.memory_space<vmem>>, %arg5: memref<1x1xf32, #tpu.memory_space<vmem>>, %arg6: memref<2000x128xf32, #tpu.memory_space<vmem>>) attributes {dimension_semantics = [#tpu.dimension_semantics<arbitrary>], iteration_bounds = array<i64: 5>, scalar_prefetch = 0 : i64, scratch_operands = 0 : i64, tpu.core_type = #tpu.core_type<tc>, window_params = [{transform_indices = @transform_0, window_bounds = array<i64: 2, 2000, 128>}, {transform_indices = @transform_1, window_bounds = array<i64: 2, 2000, 1>}, {transform_indices = @transform_2, window_bounds = array<i64: 2000, 128>}, {pipeline_mode = #tpu.pipeline_mode<synchronous>, transform_indices = @transform_3, window_bounds = array<i64: 128, 128>}, {pipeline_mode = #tpu.pipeline_mode<synchronous>, transform_indices = @transform_4, window_bounds = array<i64: 1, 1>}, {transform_indices = @transform_5, window_bounds = array<i64: 2000, 128>}]} {
    %get3A = arith.constant 0 : index
    %get3A_0 = arith.constant 0 : index
    %get3A_1 = arith.constant 0 : index
    %get3A_2 = vector.load %arg2[%get3A, %get3A_0, %get3A_1] : memref<2x2000x1xf32, #tpu.memory_space<vmem>>, vector<1x2000x1xf32>
    %get3A_3 = vector.shape_cast %get3A_2 : vector<1x2000x1xf32> to vector<2000x1xf32>
    %get3A_4 = arith.constant 1 : index
    %get3A_5 = arith.constant 0 : index
    %get3A_6 = arith.constant 0 : index
    %get3A_7 = vector.load %arg2[%get3A_4, %get3A_5, %get3A_6] : memref<2x2000x1xf32, #tpu.memory_space<vmem>>, vector<1x2000x1xf32>
    %get3A_8 = vector.shape_cast %get3A_7 : vector<1x2000x1xf32> to vector<2000x1xf32>
    %add3A = arith.addf %get3A_3, %get3A_8 : vector<2000x1xf32>
    %get3A_9 = arith.constant 0 : index
    %get3A_10 = arith.constant 0 : index
    %get3A_11 = arith.constant 0 : index
    %get3A_12 = vector.load %arg1[%get3A_9, %get3A_10, %get3A_11] : memref<2x2000x128xf32, #tpu.memory_space<vmem>>, vector<1x2000x128xf32>
    %get3A_13 = vector.shape_cast %get3A_12 : vector<1x2000x128xf32> to vector<2000x128xf32>
    %get3A_14 = arith.constant 1 : index
    %get3A_15 = arith.constant 0 : index
    %get3A_16 = arith.constant 0 : index
    %get3A_17 = vector.load %arg1[%get3A_14, %get3A_15, %get3A_16] : memref<2x2000x128xf32, #tpu.memory_space<vmem>>, vector<1x2000x128xf32>
    %get3A_18 = vector.shape_cast %get3A_17 : vector<1x2000x128xf32> to vector<2000x128xf32>
    %add3A_19 = arith.addf %get3A_13, %get3A_18 : vector<2000x128xf32>
    %max3A = arith.constant 1.000000e+00 : f32
    %max3A_20 = vector.broadcast %max3A : f32 to vector<2000x1xf32>
    %max3A_21 = arith.maximumf %add3A, %max3A_20 : vector<2000x1xf32>
    %div3A = vector.broadcast %max3A_21 : vector<2000x1xf32> to vector<2000x128xf32>
    %div3A_22 = arith.divf %add3A_19, %div3A : vector<2000x128xf32>
    %get3A_23 = arith.constant 0 : index
    %get3A_24 = arith.constant 0 : index
    %get3A_25 = vector.load %arg4[%get3A_23, %get3A_24] : memref<128x128xf32, #tpu.memory_space<vmem>>, vector<128x128xf32>
    %dot_general3A = arith.constant dense<0.000000e+00> : vector<2000x128xf32>
    %dot_general3A_26 = tpu.matmul %div3A_22, %get3A_25, %dot_general3A {dimension_numbers = #tpu.dot_dimension_numbers<[1], [1], [0], [0], [0, 0, 1, 0], [], []>, transpose_lhs_hint = false} : vector<2000x128xf32>, vector<128x128xf32>, vector<2000x128xf32> -> vector<2000x128xf32>
    %get3A_27 = arith.constant 0 : index
    %get3A_28 = arith.constant 0 : index
    %get3A_29 = vector.load %arg3[%get3A_27, %get3A_28] : memref<2000x128xf32, #tpu.memory_space<vmem>>, vector<2000x128xf32>
    %add3A_30 = arith.addf %dot_general3A_26, %get3A_29 : vector<2000x128xf32>
    %get3A_31 = arith.constant 0 : index
    %get3A_32 = arith.constant 0 : index
    %get3A_33 = vector.load %arg5[%get3A_31, %get3A_32] : memref<1x1xf32, #tpu.memory_space<vmem>>, vector<1x1xf32>
    %get3A_34 = vector.extract %get3A_33[0, 0] : f32 from vector<1x1xf32>
    %gt3A = arith.constant 0.000000e+00 : f32
    %gt3A_35 = vector.broadcast %gt3A : f32 to vector<2000x128xf32>
    %gt3A_36 = arith.cmpf ogt, %add3A_30, %gt3A_35 : vector<2000x128xf32>
    %mul3A = vector.broadcast %get3A_34 : f32 to vector<2000x128xf32>
    %mul3A_37 = arith.mulf %mul3A, %add3A_30 : vector<2000x128xf32>
    %select_n3A = arith.select %gt3A_36, %add3A_30, %mul3A_37 : vector<2000x128xi1>, vector<2000x128xf32>
    %swap3A = arith.constant 0 : index
    %swap3A_38 = arith.constant 0 : index
    %swap3A_39 = vector.load %arg6[%swap3A, %swap3A_38] : memref<2000x128xf32, #tpu.memory_space<vmem>>, vector<2000x128xf32>
    tpu.vector_store %arg6[%swap3A, %swap3A_38], %select_n3A {strides = array<i32>} : memref<2000x128xf32, #tpu.memory_space<vmem>>, vector<2000x128xf32>,
    return
  }
  func.func @transform_0(%arg0: i32) -> (i32, i32, i32) {
    %c0_i32 = arith.constant 0 : i32
    %c0_i32_0 = arith.constant 0 : i32
    %c0_i32_1 = arith.constant 0 : i32
    return %c0_i32, %arg0, %c0_i32_0 : i32, i32, i32
  }
  func.func @transform_1(%arg0: i32) -> (i32, i32, i32) {
    %c0_i32 = arith.constant 0 : i32
    %c0_i32_0 = arith.constant 0 : i32
    %c0_i32_1 = arith.constant 0 : i32
    return %c0_i32, %arg0, %c0_i32_0 : i32, i32, i32
  }
  func.func @transform_2(%arg0: i32) -> (i32, i32) {
    %c0_i32 = arith.constant 0 : i32
    %c0_i32_0 = arith.constant 0 : i32
    return %arg0, %c0_i32 : i32, i32
  }
  func.func @transform_3(%arg0: i32) -> (i32, i32) {
    %c0_i32 = arith.constant 0 : i32
    %c0_i32_0 = arith.constant 0 : i32
    %c0_i32_1 = arith.constant 0 : i32
    return %c0_i32, %c0_i32_0 : i32, i32
  }
  func.func @transform_4(%arg0: i32) -> (i32, i32) {
    %c0_i32 = arith.constant 0 : i32
    %c0_i32_0 = arith.constant 0 : i32
    %c0_i32_1 = arith.constant 0 : i32
    return %c0_i32, %c0_i32_0 : i32, i32
  }
  func.func @transform_5(%arg0: i32) -> (i32, i32) {
    %c0_i32 = arith.constant 0 : i32
    %c0_i32_0 = arith.constant 0 : i32
    return %arg0, %c0_i32 : i32, i32
  }
}

module attributes {stable_mosaic.version = 14 : i64} {
  func.func @_combine_body(%arg0: i32, %arg1: memref<2x2000x128xf32, #tpu.memory_space<vmem>>, %arg2: memref<2x2000x1xf32, #tpu.memory_space<vmem>>, %arg3: memref<2000x128xf32, #tpu.memory_space<vmem>>, %arg4: memref<128x128xf32, #tpu.memory_space<vmem>>, %arg5: memref<1x1xf32, #tpu.memory_space<vmem>>, %arg6: memref<2000x128xf32, #tpu.memory_space<vmem>>) attributes {dimension_semantics = [#tpu.dimension_semantics<arbitrary>], iteration_bounds = array<i64: 5>, scalar_prefetch = 0 : i64, scratch_operands = 0 : i64, tpu.core_type = #tpu.core_type<tc>, window_params = [{transform_indices = @transform_0, window_bounds = array<i64: 2, 2000, 128>}, {transform_indices = @transform_1, window_bounds = array<i64: 2, 2000, 1>}, {transform_indices = @transform_2, window_bounds = array<i64: 2000, 128>}, {pipeline_mode = #tpu.pipeline_mode<synchronous>, transform_indices = @transform_3, window_bounds = array<i64: 128, 128>}, {pipeline_mode = #tpu.pipeline_mode<synchronous>, transform_indices = @transform_4, window_bounds = array<i64: 1, 1>}, {transform_indices = @transform_5, window_bounds = array<i64: 2000, 128>}]} {
    %get3A = arith.constant 0 : index
    %get3A_0 = arith.constant 0 : index
    %get3A_1 = arith.constant 0 : index
    %get3A_2 = vector.load %arg2[%get3A, %get3A_0, %get3A_1] : memref<2x2000x1xf32, #tpu.memory_space<vmem>>, vector<1x2000x1xf32>
    %get3A_3 = vector.shape_cast %get3A_2 : vector<1x2000x1xf32> to vector<2000x1xf32>
    %get3A_4 = arith.constant 1 : index
    %get3A_5 = arith.constant 0 : index
    %get3A_6 = arith.constant 0 : index
    %get3A_7 = vector.load %arg2[%get3A_4, %get3A_5, %get3A_6] : memref<2x2000x1xf32, #tpu.memory_space<vmem>>, vector<1x2000x1xf32>
    %get3A_8 = vector.shape_cast %get3A_7 : vector<1x2000x1xf32> to vector<2000x1xf32>
    %add3A = arith.addf %get3A_3, %get3A_8 : vector<2000x1xf32>
    %get3A_9 = arith.constant 0 : index
    %get3A_10 = arith.constant 0 : index
    %get3A_11 = arith.constant 0 : index
    %get3A_12 = vector.load %arg1[%get3A_9, %get3A_10, %get3A_11] : memref<2x2000x128xf32, #tpu.memory_space<vmem>>, vector<1x2000x128xf32>
    %get3A_13 = vector.shape_cast %get3A_12 : vector<1x2000x128xf32> to vector<2000x128xf32>
    %get3A_14 = arith.constant 1 : index
    %get3A_15 = arith.constant 0 : index
    %get3A_16 = arith.constant 0 : index
    %get3A_17 = vector.load %arg1[%get3A_14, %get3A_15, %get3A_16] : memref<2x2000x128xf32, #tpu.memory_space<vmem>>, vector<1x2000x128xf32>
    %get3A_18 = vector.shape_cast %get3A_17 : vector<1x2000x128xf32> to vector<2000x128xf32>
    %add3A_19 = arith.addf %get3A_13, %get3A_18 : vector<2000x128xf32>
    %max3A = arith.constant 1.000000e+00 : f32
    %max3A_20 = vector.broadcast %max3A : f32 to vector<2000x1xf32>
    %max3A_21 = arith.maximumf %add3A, %max3A_20 : vector<2000x1xf32>
    %div3A = vector.broadcast %max3A_21 : vector<2000x1xf32> to vector<2000x128xf32>
    %div3A_22 = arith.divf %add3A_19, %div3A : vector<2000x128xf32>
    %get3A_23 = arith.constant 0 : index
    %get3A_24 = arith.constant 0 : index
    %get3A_25 = vector.load %arg4[%get3A_23, %get3A_24] : memref<128x128xf32, #tpu.memory_space<vmem>>, vector<128x128xf32>
    %dot_general3A = arith.constant dense<0.000000e+00> : vector<2000x128xf32>
    %dot_general3A_26 = tpu.matmul %div3A_22, %get3A_25, %dot_general3A {dimension_numbers = #tpu.dot_dimension_numbers<[1], [1], [0], [0], [0, 0, 1, 0], [], []>, transpose_lhs_hint = false} : vector<2000x128xf32>, vector<128x128xf32>, vector<2000x128xf32> -> vector<2000x128xf32>
    %get3A_27 = arith.constant 0 : index
    %get3A_28 = arith.constant 0 : index
    %get3A_29 = vector.load %arg3[%get3A_27, %get3A_28] : memref<2000x128xf32, #tpu.memory_space<vmem>>, vector<2000x128xf32>
    %add3A_30 = arith.addf %dot_general3A_26, %get3A_29 : vector<2000x128xf32>
    %get3A_31 = arith.constant 0 : index
    %get3A_32 = arith.constant 0 : index
    %get3A_33 = vector.load %arg5[%get3A_31, %get3A_32] : memref<1x1xf32, #tpu.memory_space<vmem>>, vector<1x1xf32>
    %get3A_34 = vector.extract %get3A_33[0, 0] : f32 from vector<1x1xf32>
    %gt3A = arith.constant 0.000000e+00 : f32
    %gt3A_35 = vector.broadcast %gt3A : f32 to vector<2000x128xf32>
    %gt3A_36 = arith.cmpf ogt, %add3A_30, %gt3A_35 : vector<2000x128xf32>
    %mul3A = vector.broadcast %get3A_34 : f32 to vector<2000x128xf32>
    %mul3A_37 = arith.mulf %mul3A, %add3A_30 : vector<2000x128xf32>
    %select_n3A = arith.select %gt3A_36, %add3A_30, %mul3A_37 : vector<2000x128xi1>, vector<2000x128xf32>
    %swap3A = arith.constant 0 : index
    %swap3A_38 = arith.constant 0 : index
    %swap3A_39 = vector.load %arg6[%swap3A, %swap3A_38] : memref<2000x128xf32, #tpu.memory_space<vmem>>, vector<2000x128xf32>
    tpu.vector_store %arg6[%swap3A, %swap3A_38], %select_n3A {strides = array<i32>} : memref<2000x128xf32, #tpu.memory_space<vmem>>, vector<2000x128xf32>,
    return
  }
  func.func @transform_0(%arg0: i32) -> (i32, i32, i32) {
    %c0_i32 = arith.constant 0 : i32
    %c0_i32_0 = arith.constant 0 : i32
    %c0_i32_1 = arith.constant 0 : i32
    return %c0_i32, %arg0, %c0_i32_0 : i32, i32, i32
  }
  func.func @transform_1(%arg0: i32) -> (i32, i32, i32) {
    %c0_i32 = arith.constant 0 : i32
    %c0_i32_0 = arith.constant 0 : i32
    %c0_i32_1 = arith.constant 0 : i32
    return %c0_i32, %arg0, %c0_i32_0 : i32, i32, i32
  }
  func.func @transform_2(%arg0: i32) -> (i32, i32) {
    %c0_i32 = arith.constant 0 : i32
    %c0_i32_0 = arith.constant 0 : i32
    return %arg0, %c0_i32 : i32, i32
  }
  func.func @transform_3(%arg0: i32) -> (i32, i32) {
    %c0_i32 = arith.constant 0 : i32
    %c0_i32_0 = arith.constant 0 : i32
    %c0_i32_1 = arith.constant 0 : i32
    return %c0_i32, %c0_i32_0 : i32, i32
  }
  func.func @transform_4(%arg0: i32) -> (i32, i32) {
    %c0_i32 = arith.constant 0 : i32
    %c0_i32_0 = arith.constant 0 : i32
    %c0_i32_1 = arith.constant 0 : i32
    return %c0_i32, %c0_i32_0 : i32, i32
  }
  func.func @transform_5(%arg0: i32) -> (i32, i32) {
    %c0_i32 = arith.constant 0 : i32
    %c0_i32_0 = arith.constant 0 : i32
    return %arg0, %c0_i32 : i32, i32
  }
}

module attributes {stable_mosaic.version = 14 : i64} {
  func.func @_self_body(%arg0: i32, %arg1: memref<2000x128xf32, #tpu.memory_space<vmem>>, %arg2: memref<128x128xf32, #tpu.memory_space<vmem>>, %arg3: memref<1x128xf32, #tpu.memory_space<vmem>>, %arg4: memref<2000x128xf32, #tpu.memory_space<vmem>>) attributes {dimension_semantics = [#tpu.dimension_semantics<arbitrary>], iteration_bounds = array<i64: 5>, scalar_prefetch = 0 : i64, scratch_operands = 0 : i64, tpu.core_type = #tpu.core_type<tc>, window_params = [{transform_indices = @transform_0, window_bounds = array<i64: 2000, 128>}, {pipeline_mode = #tpu.pipeline_mode<synchronous>, transform_indices = @transform_1, window_bounds = array<i64: 128, 128>}, {pipeline_mode = #tpu.pipeline_mode<synchronous>, transform_indices = @transform_2, window_bounds = array<i64: 1, 128>}, {transform_indices = @transform_3, window_bounds = array<i64: 2000, 128>}]} {
    %get3A = arith.constant 0 : index
    %get3A_0 = arith.constant 0 : index
    %get3A_1 = vector.load %arg1[%get3A, %get3A_0] : memref<2000x128xf32, #tpu.memory_space<vmem>>, vector<2000x128xf32>
    %get3A_2 = arith.constant 0 : index
    %get3A_3 = arith.constant 0 : index
    %get3A_4 = vector.load %arg2[%get3A_2, %get3A_3] : memref<128x128xf32, #tpu.memory_space<vmem>>, vector<128x128xf32>
    %dot_general3A = arith.constant dense<0.000000e+00> : vector<2000x128xf32>
    %dot_general3A_5 = tpu.matmul %get3A_1, %get3A_4, %dot_general3A {dimension_numbers = #tpu.dot_dimension_numbers<[1], [1], [0], [0], [0, 0, 1, 0], [], []>, transpose_lhs_hint = false} : vector<2000x128xf32>, vector<128x128xf32>, vector<2000x128xf32> -> vector<2000x128xf32>
    %get3A_6 = arith.constant 0 : index
    %get3A_7 = arith.constant 0 : index
    %get3A_8 = vector.load %arg3[%get3A_6, %get3A_7] : memref<1x128xf32, #tpu.memory_space<vmem>>, vector<1x128xf32>
    %add3A = vector.broadcast %get3A_8 : vector<1x128xf32> to vector<2000x128xf32>
    %add3A_9 = arith.addf %dot_general3A_5, %add3A : vector<2000x128xf32>
    %swap3A = arith.constant 0 : index
    %swap3A_10 = arith.constant 0 : index
    %swap3A_11 = vector.load %arg4[%swap3A, %swap3A_10] : memref<2000x128xf32, #tpu.memory_space<vmem>>, vector<2000x128xf32>
    tpu.vector_store %arg4[%swap3A, %swap3A_10], %add3A_9 {strides = array<i32>} : memref<2000x128xf32, #tpu.memory_space<vmem>>, vector<2000x128xf32>,
    return
  }
  func.func @transform_0(%arg0: i32) -> (i32, i32) {
    %c0_i32 = arith.constant 0 : i32
    %c0_i32_0 = arith.constant 0 : i32
    return %arg0, %c0_i32 : i32, i32
  }
  func.func @transform_1(%arg0: i32) -> (i32, i32) {
    %c0_i32 = arith.constant 0 : i32
    %c0_i32_0 = arith.constant 0 : i32
    %c0_i32_1 = arith.constant 0 : i32
    return %c0_i32, %c0_i32_0 : i32, i32
  }
  func.func @transform_2(%arg0: i32) -> (i32, i32) {
    %c0_i32 = arith.constant 0 : i32
    %c0_i32_0 = arith.constant 0 : i32
    %c0_i32_1 = arith.constant 0 : i32
    return %c0_i32, %c0_i32_0 : i32, i32
  }
  func.func @transform_3(%arg0: i32) -> (i32, i32) {
    %c0_i32 = arith.constant 0 : i32
    %c0_i32_0 = arith.constant 0 : i32
    return %arg0, %c0_i32 : i32, i32
  }
}

</mosaic_0001>

<sc_bundles>
// kernel: kernel.11.cloned.1.call-start
scs
__scs_entry_jumppad:
0x0: {  	(pc) =	sbr.rel $0x88, $3  }
0x1: {  	(tag) =	ssettag $0x0;
	lr =	simm.s32 $0x1  }
0x2: {  	[smem:$0x3F97] =	sst lr;
	_ =	strace $0xD0000000  }
0x3: {  	_ = 	snop  }
0x4: {  	_ = 	snop  }
0x5: {  	_ = 	snop  }
0x6: {  	_ = 	snop  }
0x7: {  	_ = 	snop  }
__scs_overlays_trampoline_lowered:
0x8: {  	[smem:$0x3FA6] =	sst s0  }
0x9: {  	[smem:$0x3FA7] =	sst s1  }
0xa: {  	[smem:$0x3FA8] =	sst s2  }
0xb: {  	[smem:$0x3FA9] =	sst s3  }
0xc: {  	[smem:$0x3FAA] =	sst s4  }
0xd: {  	[smem:$0x3FAB] =	sst s5  }
0xe: {  	[smem:$0x3FAC] =	sst s6  }
0xf: {  	[smem:$0x3FAD] =	sst s7  }
0x10: {  	[smem:$0x3FAE] =	sst s8  }
0x11: {  	[smem:$0x3FAF] =	sst s9;
	s0 =	simm.s32 @!p0 $0x0  }
0x12: {  	s1 =	sld [smem:$0x3F95];
	s0 =	simm.s32 @p0 $0x1  }
0x13: {  	[smem:$0x3FB0] =	sst s0;
	s0 =	simm.s32 @!p1 $0x0  }
0x14: {  	s2 =	sld [smem:$0x3F94];
	s0 =	simm.s32 @p1 $0x1  }
0x15: {  	[smem:$0x3FB1] =	sst s0;
	s0 =	simm.s32 @!p2 $0x0  }
0x16: {  	s3 =	sld [smem:$0x3FDB];
	s0 =	simm.s32 @p2 $0x1  }
0x17: {  	s4 =	simm.s32 $0x1BF5;
	[smem:$0x3FB3] =	sst s0  }
0x18: {  	s0 =	sld [smem:$0x3F96];
	_ =	swait.ge [sflag:s4], $0x0  }
0x19: {  	s7 =	sld [smem:$0x3F97]  }
0x1a: {  	s8 =	sadd.s32 $0xFFFFE003, lr  }
0x1b: {  	s9 =	sadd.s32 $0xFFFFFEF7, lr;
	s5 =	simm.s32 $0xFFFFFFFF;
	p2 =	slt.u32 s8, $0xFFFFF086  }
0x1c: {  	p1 =	slt.u32 s9, $0xF7A;
	s5 =	simm.s32 @!p2 $0x0  }
0x1d: {  	s5 =	simm.s32 @p1 $0x1;
	p0 =	seq.s32 s7, s2  }
0x1e: {  	s7 =	smul.u32 @!p0 $0xF7A, s2;
	p2 =	seq.s32 @!p0 s5, $0x0  }
0x1f: {  	s9 =	smul.u32 $0xF7A, s1;
	s8 =	simm.s32 @!p0 $0x1BF5;
	p2 =	por !p2, p0  }
0x20: {  	[sflag:s8] =	ssyncset.s32 @!p0 $0xFFFFF086;
	s6 =	sadd.s32 @!p0 s3, s7;
	s7 =	simm.s32 @!p0 $0x108  }
0x21: {  	s3 =	sadd.s32 s3, s9;
	s6 =	sadd.s32 @!p0 $0x88, s6;
	s7 =	simm.s32 @p2 $0x1082  }
0x22: {  	[simem:s7], [sflag:s8] =	dma.local @!p0 [hbm:s6], $0xF7A  }
0x23: {  	s9 =	sor.u32 $0xD0000000, s2;
	s6 =	simm.s32 $0x108;
	_ =	swait.ge @!p0 [sflag:s8], $0x0  }
0x24: {  	s3 =	sadd.s32 $0x88, s3;
	s6 =	simm.s32 @!p1 $0x1082;
	[sflag:s4] =	ssyncset.s32 $0xFFFFF086  }
0x25: {  	[simem:s6], [sflag:s4] =	dma.local [hbm:s3], $0xF7A  }
0x26: {  	[smem:$0x3F97] =	sst s1;
	(tag) =	ssettag s2;
	_ =	strace s9  }
0x27: {  	s1 =	sld [smem:$0x3FA7]  }
0x28: {  	s2 =	sld [smem:$0x3FA8]  }
0x29: {  	s4 =	sld [smem:$0x3FAA]  }
0x2a: {  	p0 =	seq.s32 s5, $0x0;
	s5 =	sld [smem:$0x3FAB]  }
0x2b: {  	s6 =	sld [smem:$0x3FAC]  }
0x2c: {  	s7 =	sld [smem:$0x3FAD]  }
0x2d: {  	s3 =	simm.s32 $0x108;
	s8 =	sld [smem:$0x3FAE]  }
0x2e: {  	s3 =	simm.s32 @!p0 $0x1082;
	s9 =	sld [smem:$0x3FAF]  }
0x2f: {  	lr =	sadd.s32 s0, s3;
	s0 =	sld [smem:$0x3FA6]  }
0x30: {  	s3 =	sld [smem:$0x3FA9]  }
0x31: {  	[smem:$0x3FB2] =	sst s10  }
0x32: {  	s10 =	sld [smem:$0x3FB0];
	_ =	sdelay $0x3  }
0x33: {  	p0 =	seq.s32 s10, $0x1;
	s10 =	sld [smem:$0x3FB2];
	_ =	sdelay $0x3  }
0x34: {  	[smem:$0x3FB2] =	sst s10  }
0x35: {  	s10 =	sld [smem:$0x3FB1];
	_ =	sdelay $0x3  }
0x36: {  	p1 =	seq.s32 s10, $0x1;
	s10 =	sld [smem:$0x3FB2];
	_ =	sdelay $0x3  }
0x37: {  	[smem:$0x3FB2] =	sst s10  }
0x38: {  	s10 =	sld [smem:$0x3FB3]  }
0x39: {  	_ = 	snop;
	(pc) =	sbr.ind lr, $3  }
0x3a: {  	_ = 	snop  }
0x3b: {  	_ = 	snop  }
0x3c: {  	p2 =	seq.s32 s10, $0x1;
	s10 =	sld [smem:$0x3FB2]  }
0x3d: {  	_ =	shalt  }
0x3e: {  	_ =	shalt  }
0x3f: {  	_ =	shalt  }
0x40: {  	_ =	shalt  }
0x41: {  	_ =	shalt  }
0x42: {  	_ =	shalt  }
0x43: {  	_ =	shalt  }
0x44: {  	_ =	shalt  }
0x45: {  	_ =	shalt  }
0x46: {  	_ =	shalt  }
0x47: {  	_ =	shalt  }
0x48: {  	_ =	shalt  }
0x49: {  	_ =	shalt  }
0x4a: {  	_ =	shalt  }
0x4b: {  	_ =	shalt  }
0x4c: {  	_ =	shalt  }
0x4d: {  	_ =	shalt  }
0x4e: {  	_ =	shalt  }
0x4f: {  	_ =	shalt  }
0x50: {  	_ =	shalt  }
0x51: {  	_ =	shalt  }
0x52: {  	_ =	shalt  }
0x53: {  	_ =	shalt  }
0x54: {  	_ =	shalt  }
0x55: {  	_ =	shalt  }
0x56: {  	_ =	shalt  }
0x57: {  	_ =	shalt  }
0x58: {  	_ =	shalt  }
0x59: {  	_ =	shalt  }
0x5a: {  	_ =	shalt  }
0x5b: {  	_ =	shalt  }
0x5c: {  	_ =	shalt  }
0x5d: {  	_ =	shalt  }
0x5e: {  	_ =	shalt  }
0x5f: {  	_ =	shalt  }
0x60: {  	_ =	shalt  }
0x61: {  	_ =	shalt  }
0x62: {  	_ =	shalt  }
0x63: {  	_ =	shalt  }
0x64: {  	_ =	shalt  }
0x65: {  	_ =	shalt  }
0x66: {  	_ =	shalt  }
0x67: {  	_ =	shalt  }
0x68: {  	_ =	shalt  }
0x69: {  	_ =	shalt  }
0x6a: {  	_ =	shalt  }
0x6b: {  	_ =	shalt  }
0x6c: {  	_ =	shalt  }
0x6d: {  	_ =	shalt  }
0x6e: {  	_ =	shalt  }
0x6f: {  	_ =	shalt  }
0x70: {  	_ =	shalt  }
0x71: {  	_ =	shalt  }
0x72: {  	_ =	shalt  }
0x73: {  	_ =	shalt  }
0x74: {  	_ =	shalt  }
0x75: {  	_ =	shalt  }
0x76: {  	_ =	shalt  }
0x77: {  	_ =	shalt  }
0x78: {  	_ =	shalt  }
0x79: {  	_ =	shalt  }
0x7a: {  	_ =	shalt  }
0x7b: {  	_ =	shalt  }
0x7c: {  	_ =	shalt  }
0x7d: {  	_ =	shalt  }
0x7e: {  	_ =	shalt  }
0x7f: {  	_ =	shalt  }
0x80: {  	_ =	shalt  }
0x81: {  	_ =	shalt  }
0x82: {  	_ =	shalt  }
0x83: {  	_ =	shalt  }
0x84: {  	_ =	shalt  }
0x85: {  	_ =	shalt  }
0x86: {  	_ =	shalt  }
0x87: {  	_ =	shalt  }
.Lfunc_end0:
.L_simem_size_0:
called_computation.1_lowered:
.L_overlay_start_0:
0x88: {  	s2 =	sld [smem:$0x3FD9]  }
0x89: {  	s3 =	sld [smem:$0x3FFE];
	_ =	sdelay $0x1  }
0x8a: {  	s1 =	srdreg.scid  }
0x8b: {  	s0 =	sand.u32 $0x1, s1  }
0x8c: {  	s17 =	sshll.u32 s0, $0xA;
	s2 =	sadd.s32 s3, s2  }
0x8d: {  	s2 =	sadd.s32 s2, s17  }
0x8e: {  	[smem:$0x3FBE] =	sst s2  }
0x8f: {  	_ = 	snop  }
0x90: {  	s2 =	sld [smem:$0x3FC8]  }
0x91: {  	s18 =	sld [smem:$0x3FD0];
	(tm) =	ssettm $0x1  }
0x92: {  	s4 =	sld [smem:$0x3FFB];
	_ =	sdelay $0x3  }
0x93: {  	_ =	strace s4  }
0x94: {  	s4 =	sld [smem:$0x3FFC];
	_ =	sdelay $0x3  }
0x95: {  	_ =	strace s4  }
0x96: {  	s4 =	sld [smem:$0x3FFD];
	_ =	sdelay $0x3  }
0x97: {  	_ =	strace s4  }
0x98: {  	_ =	strace $0x8FFFFFFF  }
0x99: {  	s19 =	sld [smem:$0x3FDB];
	_ =	sdelay $0x1  }
0x9a: {  	s5 =	simm.s32 $_scs_section_size  }
0x9b: {  	s6 =	simm.s32 $_size__tile_overlayer_lowered;
	s7 =	simm.s32 $_tile_overlayer_lowered  }
0x9c: {  	s22 =	simm.s32 $0x1BFF;
	s21 =	sshll.u32 s7, $0x1;
	s4 =	sadd.s32 s5, s19  }
0x9d: {  	s8 =	simm.s32 $0x0;
	s20 =	sshll.u32 s6, $0x1;
	s6 =	sadd.s32 s21, s4  }
0x9e: {  	[timem:s8], [sflag:s22] =	dma.local [hbm:s6], s20  }
0x9f: {  	_ =	swait.ge [sflag:s22], s20  }
0xa0: {  	s5 =	ssub.s32 $0x0, s20;
	[sflag:s22] =	ssyncset.done $0x0  }
0xa1: {  	[sflag:s22] =	ssyncadd.s32 s5;
	_ =	sdelay $0x1  }
0xa2: {  	s23 =	simm.s32 $0x1B8B  }
0xa3: {  	_ =	swait.ge [sflag:s23], $0x1  }
0xa4: {  	[sflag:s23] =	ssyncset.done $0x0  }
0xa5: {  	s25 =	simm.s32 $0x1B8E;
	s24 =	sld [smem:$0x3FFE];
	[sflag:s23] =	ssyncadd.s32 $0xFFFFFFFF  }
0xa6: {  	s26 =	simm.s32 $execute0_lowered;
	[smem:$0x3FD2] =	sst s25  }
0xa7: {  	s6 =	sshll.u32 s26, $0x1;
	_ =	strace $0x80000049;
	[dreg:$0x1] =	wrdreg $0xFFFFFFFF  }
0xa8: {  	s28 =	simm.s32 $_size_execute0_lowered;
	s4 =	sadd.s32 s4, s6;
	[dreg:$0x0] =	wrdreg $0x0  }
0xa9: {  	s6 =	sshll.u32 s28, $0x1;
	[dreg:$0x2] =	wrdreg s4  }
0xaa: {  	[dreg:$0x3] =	wrdreg s6  }
0xab: {  	[dreg:$0x4] =	wrdreg $0xC0  }
0xac: {  	_ =	task [dreg:s8], $0x5FFFF  }
0xad: {  	[dreg:$0x1] =	wrdreg $0xFFFFFFFF  }
0xae: {  	[dreg:$0x0] =	wrdreg $0x60  }
0xaf: {  	[dreg:$0x2] =	wrdreg s18  }
0xb0: {  	[dreg:$0x3] =	wrdreg s2  }
0xb1: {  	[dreg:$0x4] =	wrdreg s24  }
0xb2: {  	[dreg:$0x5] =	wrdreg $0x0  }
0xb3: {  	[dreg:$0x6] =	wrdreg $0x9  }
0xb4: {  	_ =	task.clear_ibuf [dreg:s8], $0x7FFFF;
	_ =	strace $0x90000049  }
0xb5: {  	s29 =	simm.s32 $0x9;
	_ =	strace $0x8000004B  }
0xb6: {  	_ =	swait.ge [sflag:s29], $0x1  }
0xb7: {  	[sflag:s29] =	ssyncadd.s32 $0xFFFFFFFF  }
0xb8: {  	_ =	strace $0x9000004B  }
0xb9: {  	_ =	sfence  }
0xba: {  	s30 =	sld [smem:$0x0];
	_ =	sdelay $0x2  }
0xbb: {  	s31 =	sshll.u32 s1, $0xD;
	s1 =	sshrl.u32 s1, $0x2  }
0xbc: {  	s3 =	sand.u32 $0x4000, s31;
	s1 =	sadd.s32 s1, s30  }
0xbd: {  	s0 =	sor.u32 s3, s0;
	s1 =	sshll.u32 s1, $0x11  }
0xbe: {  	s0 =	sor.u32 s1, s0  }
0xbf: {  	s0 =	sadd.s32 $0x8F2B, s0  }
0xc0: {  	[sflag:s0] =	ssyncadd.remote.s32 $0x1  }
0xc1: {  	_ =	sfence.sel $0xFFFF  }
0xc2: {  	[dreg:$0x0] =	wrdreg $0xFFFFFFFF;
	(pc) =	sbr.abs _section_cstart, $3  }
0xc3: {  	[dreg:$0x1] =	wrdreg $0xFFFFFFFF  }
0xc4: {  	_ =	task.clear_ibuf [dreg:s8], $0x2FFFF;
	_ =	strace $0x9FFFFFFF  }
0xc5: {  	(tm) =	ssettm $0x7FFFFFFF  }
tec
execute0_lowered:
.L_overlay_start_1:
0x0: {  	(tag) =	ssettag $0x1  }
0x1: {  	s0 =	rddreg [dreg:$0x2];
	s2 =	simm.s32 $0x0  }
0x2: {  	s1 =	srdreg.scid;
	s24 =	stileid.u32;
	s29 =	simm.s32 $0x14800  }
0x3: {  	[smem:$0x7FF] =	sst s2;
	s5 =	sand.u32 $0x1, s1;
	s3 =	smul.u32 $0x9C4, s24  }
0x4: {  	s4 =	sadd.s32 $0x2200, s0;
	s11 =	smul.u32 $0x14000, s24;
	s1 =	ssub.s32 $0x2, s5  }
0x5: {  	s24 =	smul.u32 $0x50000, s24;
	s18 =	ssub.s32 $0x0, s5;
	s19 =	sshrl.u32 s1, $0x1  }
0x6: {  	s6 =	sand.u32 $0x9C4, s18;
	s20 =	sadd.s32 $0x9C4, s3;
	s7 =	sshrl.u32 s3, $0x4  }
0x7: {  	s10 =	sor.u32 $0x2000, s11;
	s13 =	sadd.s32 $0x4000, s11;
	s14 =	sadd.s32 $0x6000, s11  }
0x8: {  	s16 =	sadd.s32 $0x8000, s11;
	s3 =	sshll.u32 s3, $0x2;
	s22 =	sadd.s32 $0xA000, s11  }
0x9: {  	s24 =	sshrl.u32 s24, $0x2;
	s8 =	sshrl.u32 s20, $0x4;
	s0 =	ssub.s32 s1, s19  }
0xa: {  	s1 =	sadd.s32 s7, s6;
	s23 =	sand.u32 $0x40, s3;
	s2 =	ssub.s32 s8, s7  }
0xb: {  	s6 =	sshll.u32 s1, $0x7;
	s9 =	sshll.u32 s1, $0x6;
	s0 =	smax.u32 s0, $0x1  }
0xc: {  	s1 =	sadd.s32 $0x6, s1;
	s21 =	sand.u32 $0xFFF00, s6;
	s25 =	sadd.s32 $0x40, s9  }
0xd: {  	s18 =	sor.u32 s23, s6;
	s30 =	sadd.s32 $0xC0, s9;
	s20 =	sadd.s32 $0xFFFFFFFE, s2  }
0xe: {  	s3 =	sor.u32 s23, s21;
	s26 =	sshll.u32 s25, $0x1;
	s7 =	sand.u32 $0x40, s25  }
0xf: {  	s15 =	sshll.u32 s30, $0x1;
	s17 =	sand.u32 $0x40, s30;
	s21 =	smulhi.u32 $0xCCCCCCCD, s20  }
0x10: {  	s23 =	sadd.s32 $0xFFFFFFFF, s2;
	s12 =	sand.u32 $0x7FFFFF00, s26;
	s31 =	sand.u32 $0x7FFFFF00, s15  }
0x11: {  	s28 =	sor.u32 s7, s12;
	s8 =	sor.u32 s17, s31;
	s12 =	smulhi.u32 $0xCCCCCCCD, s23  }
0x12: {  	s17 =	sor.u32 s17, s15;
	s15 =	sadd.s32 $0x140, s9;
	s21 =	sshrl.u32 s21, $0x2  }
0x13: {  	s19 =	sor.u32 s7, s26;
	s25 =	sshll.u32 s15, $0x1;
	s26 =	smul.u32 $0x5, s21  }
0x14: {  	s31 =	sand.u32 $0x40, s15;
	s21 =	sadd.s32 $0xC000, s11;
	s6 =	sshrl.u32 s12, $0x2  }
0x15: {  	s30 =	sand.u32 $0x7FFFFF00, s25;
	s9 =	sor.u32 s31, s25;
	s12 =	smul.u32 $0x140000, s5  }
0x16: {  	s25 =	sadd.s32 $0x10000, s11;
	s6 =	smul.u32 $0x5, s6;
	s7 =	sor.u32 s31, s30  }
0x17: {  	s5 =	ssub.s32 s20, s26;
	s20 =	sadd.s32 $0xE000, s11;
	s26 =	sadd.s32 $0x12000, s11  }
0x18: {  	s31 =	sadd.s32 s12, s10;
	s6 =	ssub.s32 s23, s6;
	s23 =	sadd.s32 s11, s12  }
0x19: {  	s15 =	sshrl.u32 s31, $0x3;
	s30 =	sshrl.u32 s23, $0x3;
	s23 =	sadd.s32 s12, s13  }
0x1a: {  	s31 =	sadd.s32 s12, s14;
	s11 =	sadd.s32 s4, s30;
	s30 =	sshrl.u32 s23, $0x3  }
0x1b: {  	s23 =	sadd.s32 s12, s16;
	[dreg:$0x5] =	wrdreg s11;
	s11 =	sadd.s32 s4, s15  }
0x1c: {  	s15 =	sshrl.u32 s31, $0x3;
	s31 =	sadd.s32 s12, s22;
	[dreg:$0x6] =	wrdreg s11  }
0x1d: {  	s11 =	sadd.s32 s4, s30;
	s30 =	sshrl.u32 s23, $0x3;
	s23 =	sadd.s32 s12, s21  }
0x1e: {  	[dreg:$0x7] =	wrdreg s11;
	s11 =	sadd.s32 s4, s15;
	s15 =	sshrl.u32 s31, $0x3  }
0x1f: {  	s31 =	sadd.s32 s12, s20;
	[dreg:$0x8] =	wrdreg s11;
	s11 =	sadd.s32 s4, s30  }
0x20: {  	s30 =	sshrl.u32 s23, $0x3;
	[dreg:$0x9] =	wrdreg s11;
	s11 =	sadd.s32 s4, s15  }
0x21: {  	s23 =	sshrl.u32 s31, $0x3;
	s31 =	sadd.s32 s12, s26;
	[dreg:$0xa] =	wrdreg s11  }
0x22: {  	s11 =	sadd.s32 s4, s30;
	s30 =	sadd.s32 s12, s25;
	s12 =	rddreg [dreg:$0x1]  }
0x23: {  	p0 =	slt.u32 s2, $0x3;
	[dreg:$0xb] =	wrdreg s11;
	s11 =	sadd.s32 s4, s23  }
0x24: {  	p4 =	seq.s32 @!p0 s2, $0x3;
	s15 =	sshrl.u32 s30, $0x3;
	[dreg:$0xc] =	wrdreg s11  }
0x25: {  	p1 =	por p4, p0;
	s11 =	rddreg [dreg:$0x0];
	s15 =	sadd.s32 s4, s15  }
0x26: {  	p2 =	slt.u32 @!p1 s2, $0x5;
	s23 =	sshrl.u32 s31, $0x3;
	[dreg:$0xd] =	wrdreg s15  }
0x27: {  	p3 =	por @!p0 p2, p4;
	s4 =	sadd.s32 s4, s23;
	s15 =	rddreg [dreg:$0x3]  }
0x28: {  	s30 =	sshrl.u32 s18, $0x3;
	s31 =	sshrl.u32 s3, $0x3;
	[dreg:$0xe] =	wrdreg s4  }
0x29: {  	s4 =	sor.u32 $0x10, s30;
	_ =	strace $0x8000004A;
	s23 =	sadd.s32 s24, s15  }
0x2a: {  	s24 =	sadd.s32 s10, s15;
	s10 =	sadd.s32 s12, s31;
	[smem:$0x7F7] =	sst s0  }
0x2b: {  	p3 =	por p3, p0;
	s4 =	sadd.s32 s12, s4;
	[dreg:$0x19] =	wrdreg s10  }
0x2c: {  	s30 =	sshrl.u32 s28, $0x3;
	s28 =	sshll.u32 s1, $0x6;
	[dreg:$0x1a] =	wrdreg s4  }
0x2d: {  	s13 =	sadd.s32 s13, s15;
	s14 =	sadd.s32 s14, s15;
	[dreg:$0xf] =	wrdreg s23  }
0x2e: {  	s16 =	sadd.s32 s16, s15;
	s22 =	sadd.s32 s22, s15;
	[dreg:$0x10] =	wrdreg s24  }
0x2f: {  	s21 =	sadd.s32 s21, s15;
	s20 =	sadd.s32 s20, s15;
	[dreg:$0x11] =	wrdreg s13  }
0x30: {  	s25 =	sadd.s32 s25, s15;
	s18 =	sadd.s32 s26, s15;
	[dreg:$0x12] =	wrdreg s14  }
0x31: {  	s31 =	sshrl.u32 s19, $0x3;
	s26 =	sadd.s32 $0x100, s3;
	[dreg:$0x13] =	wrdreg s16  }
0x32: {  	s0 =	simm.s32 @!p3 $0x0;
	s4 =	sadd.s32 s12, s30;
	[dreg:$0x14] =	wrdreg s22  }
0x33: {  	s19 =	sor.u32 $0x10, s31;
	s30 =	sshrl.u32 s26, $0x3;
	[dreg:$0x15] =	wrdreg s21  }
0x34: {  	s31 =	sadd.s32 $0x180, s3;
	s26 =	sshrl.u32 s17, $0x3;
	[dreg:$0x16] =	wrdreg s20  }
0x35: {  	s10 =	sadd.s32 $0x200, s3;
	s3 =	sadd.s32 $0x280, s3;
	[dreg:$0x17] =	wrdreg s25  }
0x36: {  	s17 =	sshrl.u32 s9, $0x3;
	s0 =	simm.s32 @p3 $0x1;
	[dreg:$0x18] =	wrdreg s18  }
0x37: {  	p3 =	seq.s32 @!p3 s2, $0x5;
	[dreg:$0x1b] =	wrdreg s4;
	s4 =	sadd.s32 s12, s19  }
0x38: {  	s19 =	sshrl.u32 s31, $0x3;
	s31 =	sor.u32 $0x10, s26;
	s3 =	sshrl.u32 s3, $0x3  }
0x39: {  	s26 =	sadd.s32 $0xE, s5;
	[smem:$0x7F8] =	sst s0;
	p5 =	por @!p1 p3, p2  }
0x3a: {  	p3 =	por @!p1 !p3, p2;
	p2 =	por @!p0 !p2, p4;
	[dreg:$0x1c] =	wrdreg s4  }
0x3b: {  	s4 =	sadd.s32 s12, s30;
	s30 =	sshrl.u32 s8, $0x3;
	s8 =	sadd.s32 s12, s31  }
0x3c: {  	s3 =	sadd.s32 s12, s3;
	[smem:$0x7F5] =	sst s26;
	s31 =	sshll.u32 s1, $0x7  }
0x3d: {  	p5 =	por @!p0 p5, p4;
	p6 =	por @!p0 !p3, p4;
	[dreg:$0x1d] =	wrdreg s4  }
0x3e: {  	p2 =	por !p2, p0;
	s1 =	simm.s32 $0x13;
	[smem:$0x7F0] =	sst s8  }
0x3f: {  	s4 =	sadd.s32 s12, s19;
	[smem:$0x7F2] =	sst s3;
	s19 =	sshrl.u32 s7, $0x3  }
0x40: {  	s3 =	sor.u32 $0x10, s17;
	[smem:$0x7F9] =	sst s31;
	p3 =	por p5, p0  }
0x41: {  	p5 =	por !p6, p0;
	[dreg:$0x1e] =	wrdreg s4;
	s4 =	sadd.s32 s12, s30  }
0x42: {  	s8 =	simm.s32 $0x14000;
	s3 =	sadd.s32 s12, s3;
	[dreg:$0x1f] =	wrdreg s4  }
0x43: {  	s30 =	sadd.s32 $0xE, s6;
	s0 =	simm.s32 @!p5 $0x0;
	[smem:$0x7F4] =	sst s3  }
0x44: {  	s7 =	simm.s32 $0x0;
	[smem:$0x7F6] =	sst s30;
	s0 =	simm.s32 @p5 $0x1  }
0x45: {  	s4 =	sshrl.u32 s10, $0x3;
	[smem:$0x7FA] =	sst s0;
	s0 =	simm.s32 @!p2 $0x0  }
0x46: {  	s4 =	sadd.s32 s12, s4;
	s0 =	simm.s32 @p2 $0x1;
	p2 =	por !p4, p0  }
.Ltmp0:
0x47: {  	[smem:$0x7FB] =	sst s0;
	s0 =	simm.s32 @!p2 $0x0;
	(pc) =	sbr.rel .LBB2_1-.Ltmp0, $4  }
0x48: {  	[smem:$0x7F1] =	sst s4;
	s0 =	simm.s32 @p2 $0x1;
	p2 =	slt.s32 s2, $0x1  }
0x49: {  	s4 =	sadd.s32 s12, s19;
	[smem:$0x7FC] =	sst s0;
	s0 =	simm.s32 @!p2 $0x0  }
0x4a: {  	p5 =	seq.s32 s2, $0x1;
	[smem:$0x7F3] =	sst s4;
	s0 =	simm.s32 @p2 $0x1  }
0x4b: {  	v0 =	vimm.f32 $0.0e+00;
	s3 =	simm.s32 $0x1;
	s4 =	simm.s32 $0x40;
	[smem:$0x7FD] =	sst s0  }
.LBB2_12:
0x4c: {  	s0 =	sadd.s32 @!p6 $0x1, s18;
	s5 =	sadd.s32 @!p6 s12, s22  }
0x4d: {  	[tilespmem:s19], [sflag:s0] =	stream.linear.gather @!p6 [hbm4b:s5+s20], $0x40, $0x38;
	[tilespmem:$0x1E800] =	vst v63  }
0x4e: {  	s6 =	sor.u32 @!p6 $0x14080, s17;
	s5 =	sadd.s32 @!p6 s12, s30  }
0x4f: {  	[tilespmem:s6], [sflag:s0] =	stream.linear.gather @!p6 [hbm4b:s5+s20], $0x40, $0x38;
	[tilespmem:$0x1E800] =	vst v63  }
0x50: {  	s0 =	sld [smem:$0x7F5];
	_ =	sdelay $0x2  }
0x51: {  	_ =	swait.ge @!p5 [sflag:s0], $0x2000  }
0x52: {  	s31 =	sld [smem:$0x7F6]  }
0x53: {  	[sflag:s0] =	ssyncset.done @!p5 $0x0  }
0x54: {  	[sflag:s0] =	ssyncadd.s32 @!p5 $0xFFFFE000  }
0x55: {  	_ =	swait.ge [sflag:s31], $0x2000  }
0x56: {  	s23 =	rddreg [dreg:$0xf]  }
0x57: {  	s24 =	rddreg [dreg:$0x10]  }
0x58: {  	s13 =	rddreg [dreg:$0x11]  }
0x59: {  	s14 =	rddreg [dreg:$0x12]  }
0x5a: {  	s16 =	rddreg [dreg:$0x13]  }
0x5b: {  	s22 =	rddreg [dreg:$0x14]  }
0x5c: {  	s21 =	rddreg [dreg:$0x15]  }
0x5d: {  	s20 =	rddreg [dreg:$0x16]  }
0x5e: {  	[sflag:s31] =	ssyncset.done $0x0;
	s25 =	rddreg [dreg:$0x17]  }
0x5f: {  	s8 =	simm.s32 $0x14000;
	s18 =	rddreg [dreg:$0x18];
	[sflag:s31] =	ssyncadd.s32 $0xFFFFE000  }
.LBB2_13:
0x60: {  	s0 =	stileid.u32  }
0x61: {  	[bflag:$0x0] =	sbarrier.arrive $0xFFFF;
	s0 =	sshll.u32 s0, $0x6  }
0x62: {  	s5 =	sshrl.u32 s23, $0x3;
	s6 =	rddreg [dreg:$0x5];
	s0 =	sor.u32 $0x1C13, s0  }
0x63: {  	[hbm:s6], [sflag:s0] =	dma.local [spmem:s5], $0x400  }
0x64: {  	s26 =	sshrl.u32 s24, $0x3;
	s6 =	rddreg [dreg:$0x6]  }
0x65: {  	[hbm:s6], [sflag:s0] =	dma.local [spmem:s26], $0x400  }
0x66: {  	s30 =	sshrl.u32 s13, $0x3;
	s6 =	rddreg [dreg:$0x7]  }
0x67: {  	[hbm:s6], [sflag:s0] =	dma.local [spmem:s30], $0x400  }
0x68: {  	s31 =	sshrl.u32 s14, $0x3;
	s6 =	rddreg [dreg:$0x8]  }
0x69: {  	[hbm:s6], [sflag:s0] =	dma.local [spmem:s31], $0x400  }
0x6a: {  	s9 =	sshrl.u32 s16, $0x3;
	s6 =	rddreg [dreg:$0x9]  }
0x6b: {  	[hbm:s6], [sflag:s0] =	dma.local [spmem:s9], $0x400  }
0x6c: {  	s10 =	sshrl.u32 s22, $0x3;
	s6 =	rddreg [dreg:$0xa]  }
0x6d: {  	[hbm:s6], [sflag:s0] =	dma.local [spmem:s10], $0x400  }
0x6e: {  	s17 =	sshrl.u32 s21, $0x3;
	s6 =	rddreg [dreg:$0xb]  }
0x6f: {  	[hbm:s6], [sflag:s0] =	dma.local [spmem:s17], $0x400  }
0x70: {  	s19 =	sshrl.u32 s20, $0x3;
	s6 =	rddreg [dreg:$0xc]  }
0x71: {  	[hbm:s6], [sflag:s0] =	dma.local [spmem:s19], $0x400  }
0x72: {  	s26 =	sshrl.u32 s25, $0x3;
	s6 =	rddreg [dreg:$0xd]  }
0x73: {  	[hbm:s6], [sflag:s0] =	dma.local [spmem:s26], $0x400  }
0x74: {  	s30 =	sshrl.u32 s18, $0x3;
	s6 =	rddreg [dreg:$0xe]  }
0x75: {  	[hbm:s6], [sflag:s0] =	dma.local [spmem:s30], $0x400  }
0x76: {  	_ =	swait.ge [sflag:s1], $0x400  }
0x77: {  	[sflag:s1] =	ssyncset.done $0x0  }
0x78: {  	[sflag:s1] =	ssyncadd.s32 $0xFFFFFC00  }
0x79: {  	_ =	swait.ge [sflag:s1], $0x400  }
0x7a: {  	[sflag:s1] =	ssyncset.done $0x0  }
0x7b: {  	[sflag:s1] =	ssyncadd.s32 $0xFFFFFC00  }
0x7c: {  	_ =	swait.ge [sflag:s1], $0x400  }
0x7d: {  	[sflag:s1] =	ssyncset.done $0x0  }
0x7e: {  	[sflag:s1] =	ssyncadd.s32 $0xFFFFFC00  }
0x7f: {  	_ =	swait.ge [sflag:s1], $0x400  }
0x80: {  	[sflag:s1] =	ssyncset.done $0x0  }
0x81: {  	[sflag:s1] =	ssyncadd.s32 $0xFFFFFC00  }
0x82: {  	_ =	swait.ge [sflag:s1], $0x400  }
0x83: {  	[sflag:s1] =	ssyncset.done $0x0  }
0x84: {  	[sflag:s1] =	ssyncadd.s32 $0xFFFFFC00  }
0x85: {  	_ =	swait.ge [sflag:s1], $0x400  }
0x86: {  	[sflag:s1] =	ssyncset.done $0x0  }
0x87: {  	[sflag:s1] =	ssyncadd.s32 $0xFFFFFC00  }
0x88: {  	_ =	swait.ge [sflag:s1], $0x400  }
0x89: {  	[sflag:s1] =	ssyncset.done $0x0  }
0x8a: {  	[sflag:s1] =	ssyncadd.s32 $0xFFFFFC00  }
0x8b: {  	_ =	swait.ge [sflag:s1], $0x400  }
0x8c: {  	[sflag:s1] =	ssyncset.done $0x0  }
0x8d: {  	[sflag:s1] =	ssyncadd.s32 $0xFFFFFC00  }
0x8e: {  	_ =	swait.ge [sflag:s1], $0x400  }
0x8f: {  	[sflag:s1] =	ssyncset.done $0x0  }
0x90: {  	[sflag:s1] =	ssyncadd.s32 $0xFFFFFC00  }
0x91: {  	_ =	swait.ge [sflag:s1], $0x400  }
0x92: {  	s31 =	sld [smem:$0x7F7];
	_ =	sdelay $0x1  }
0x93: {  	s7 =	sadd.s32 $0x1, s7  }
0x94: {  	p2 =	sne.s32 s7, s31  }
.Ltmp1:
0x95: {  	_ = 	snop;
	(pc) =	sbr.rel @!p2 .LBB2_14-.Ltmp1, $3  }
0x96: {  	_ =	sdelay $0x1  }
0x97: {  	[sflag:s1] =	ssyncset.done $0x0  }
0x98: {  	[sflag:s1] =	ssyncadd.s32 $0xFFFFFC00  }
.LBB2_1:
0x99: {  	s5 =	simm.s32 $0x0;
	s6 =	simm.s32 $0x200  }
.LBB2_2:
0x9a: {  	p2 =	sne.s32 s6, $0x7E00;
	[tilespmem:s5+$0x14870] =	vst v0  }
0x9b: {  	[tilespmem:s5+$0x14800] =	vst v0  }
0x9c: {  	[tilespmem:s5+$0x14810] =	vst v0  }
.Ltmp2:
0x9d: {  	[tilespmem:s5+$0x14820] =	vst v0;
	(pc) =	sbr.rel @p2 .LBB2_2-.Ltmp2, $4  }
0x9e: {  	[tilespmem:s5+$0x14830] =	vst v0  }
0x9f: {  	[tilespmem:s5+$0x14840] =	vst v0  }
0xa0: {  	[tilespmem:s5+$0x14850] =	vst v0  }
0xa1: {  	[tilespmem:s5+$0x14860] =	vst v0;
	s5 =	sshra.s32 s6, $0x2;
	s6 =	sadd.s32 $0x200, s6  }
0xa2: {  	[tilespmem:s5+$0x14870] =	vst v0  }
0xa3: {  	[tilespmem:s5+$0x14800] =	vst v0  }
0xa4: {  	[tilespmem:s5+$0x14810] =	vst v0  }
0xa5: {  	[tilespmem:s5+$0x14820] =	vst v0  }
0xa6: {  	[tilespmem:s5+$0x14830] =	vst v0  }
0xa7: {  	[tilespmem:s5+$0x14840] =	vst v0  }
0xa8: {  	[tilespmem:s5+$0x14850] =	vst v0  }
0xa9: {  	[tilespmem:s5+$0x14860] =	vst v0  }
0xaa: {  	[spmem:s23] =	stream.linear.scatter [tilespmem:s29], [sflag:$0x13], $0x2000, $0x38;
	[tilespmem:$0x1E800] =	vst v63  }
0xab: {  	_ = 	snop  }
0xac: {  	[spmem:s24] =	stream.linear.scatter [tilespmem:s29], [sflag:$0x13], $0x2000, $0x38;
	[tilespmem:$0x1E800] =	vst v63  }
0xad: {  	_ = 	snop  }
0xae: {  	[spmem:s13] =	stream.linear.scatter [tilespmem:s29], [sflag:$0x13], $0x2000, $0x38;
	[tilespmem:$0x1E800] =	vst v63  }
0xaf: {  	_ = 	snop  }
0xb0: {  	[spmem:s14] =	stream.linear.scatter [tilespmem:s29], [sflag:$0x13], $0x2000, $0x38;
	[tilespmem:$0x1E800] =	vst v63  }
0xb1: {  	_ = 	snop  }
0xb2: {  	[spmem:s16] =	stream.linear.scatter [tilespmem:s29], [sflag:$0x13], $0x2000, $0x38;
	[tilespmem:$0x1E800] =	vst v63  }
0xb3: {  	_ = 	snop  }
0xb4: {  	[spmem:s22] =	stream.linear.scatter [tilespmem:s29], [sflag:$0x13], $0x2000, $0x38;
	[tilespmem:$0x1E800] =	vst v63  }
0xb5: {  	_ = 	snop  }
0xb6: {  	[spmem:s21] =	stream.linear.scatter [tilespmem:s29], [sflag:$0x13], $0x2000, $0x38;
	[tilespmem:$0x1E800] =	vst v63  }
0xb7: {  	_ = 	snop  }
0xb8: {  	[spmem:s20] =	stream.linear.scatter [tilespmem:s29], [sflag:$0x13], $0x2000, $0x38;
	[tilespmem:$0x1E800] =	vst v63  }
0xb9: {  	_ = 	snop  }
0xba: {  	[spmem:s25] =	stream.linear.scatter [tilespmem:s29], [sflag:$0x13], $0x2000, $0x38;
	[tilespmem:$0x1E800] =	vst v63  }
0xbb: {  	_ = 	snop  }
0xbc: {  	[spmem:s18] =	stream.linear.scatter [tilespmem:s29], [sflag:$0x13], $0x2000, $0x38;
	[tilespmem:$0x1E800] =	vst v63  }
0xbd: {  	_ =	swait.ge [sflag:s1], $0x2000  }
0xbe: {  	[sflag:s1] =	ssyncset.done $0x0  }
0xbf: {  	[sflag:s1] =	ssyncadd.s32 $0xFFFFE000  }
0xc0: {  	_ =	swait.ge [sflag:s1], $0x2000  }
0xc1: {  	[sflag:s1] =	ssyncset.done $0x0  }
0xc2: {  	[sflag:s1] =	ssyncadd.s32 $0xFFFFE000  }
0xc3: {  	_ =	swait.ge [sflag:s1], $0x2000  }
0xc4: {  	[sflag:s1] =	ssyncset.done $0x0  }
0xc5: {  	[sflag:s1] =	ssyncadd.s32 $0xFFFFE000  }
0xc6: {  	_ =	swait.ge [sflag:s1], $0x2000  }
0xc7: {  	[sflag:s1] =	ssyncset.done $0x0  }
0xc8: {  	[sflag:s1] =	ssyncadd.s32 $0xFFFFE000  }
0xc9: {  	_ =	swait.ge [sflag:s1], $0x2000  }
0xca: {  	[sflag:s1] =	ssyncset.done $0x0  }
0xcb: {  	[sflag:s1] =	ssyncadd.s32 $0xFFFFE000  }
0xcc: {  	_ =	swait.ge [sflag:s1], $0x2000  }
0xcd: {  	[sflag:s1] =	ssyncset.done $0x0  }
0xce: {  	[sflag:s1] =	ssyncadd.s32 $0xFFFFE000  }
0xcf: {  	_ =	swait.ge [sflag:s1], $0x2000  }
0xd0: {  	[sflag:s1] =	ssyncset.done $0x0  }
0xd1: {  	[sflag:s1] =	ssyncadd.s32 $0xFFFFE000  }
0xd2: {  	_ =	swait.ge [sflag:s1], $0x2000  }
0xd3: {  	[sflag:s1] =	ssyncset.done $0x0  }
0xd4: {  	[sflag:s1] =	ssyncadd.s32 $0xFFFFE000  }
0xd5: {  	_ =	swait.ge [sflag:s1], $0x2000  }
0xd6: {  	[sflag:s1] =	ssyncset.done $0x0  }
0xd7: {  	[sflag:s1] =	ssyncadd.s32 $0xFFFFE000  }
0xd8: {  	_ =	swait.ge [sflag:s1], $0x2000  }
0xd9: {  	[sflag:s1] =	ssyncset.done $0x0  }
0xda: {  	[sflag:s1] =	ssyncadd.s32 $0xFFFFE000  }
0xdb: {  	[bflag:$0x0] =	sbarrier.arrive $0xFFFF  }
0xdc: {  	s0 =	sld [smem:$0x7FD];
	_ =	sdelay $0x2  }
0xdd: {  	p2 =	seq.s32 s0, $0x1  }
.Ltmp3:
0xde: {  	_ = 	snop;
	(pc) =	sbr.rel @p2 .LBB2_13-.Ltmp3, $1  }
0xdf: {  	_ =	sdelay $0x3  }
.Ltmp4:
0xe0: {  	(pc) =	sbr.rel @p5 .LBB2_6-.Ltmp4, $4  }
0xe1: {  	s0 =	simm.s32 $0x0;
	s5 =	rddreg [dreg:$0x19]  }
0xe2: {  	[tilespmem:s8], [sflag:$0x1] =	stream.linear.gather [hbm4b:s5+s0], $0x40, $0x38;
	[tilespmem:$0x1E800] =	vst v63  }
0xe3: {  	s31 =	rddreg [dreg:$0x1a];
	s6 =	simm.s32 $0x14080;
	p4 =	por $0x0, $0x0  }
0xe4: {  	[tilespmem:s6], [sflag:$0x1] =	stream.linear.gather [hbm4b:s31+s0], $0x40, $0x38;
	[tilespmem:$0x1E800] =	vst v63  }
0xe5: {  	s0 =	simm.s32 $0x0;
	s5 =	rddreg [dreg:$0x1b];
	s6 =	simm.s32 $0x14100  }
0xe6: {  	[tilespmem:s6], [sflag:$0x2] =	stream.linear.gather [hbm4b:s5+s0], $0x40, $0x38;
	[tilespmem:$0x1E800] =	vst v63  }
0xe7: {  	s23 =	rddreg [dreg:$0x1c];
	s24 =	simm.s32 $0x14180  }
0xe8: {  	[tilespmem:s24], [sflag:$0x2] =	stream.linear.gather [hbm4b:s23+s0], $0x40, $0x38;
	[tilespmem:$0x1E800] =	vst v63  }
0xe9: {  	s5 =	simm.s32 @!p0 $0x0;
	s6 =	simm.s32 @!p0 $0x14200;
	s0 =	rddreg [dreg:$0x1d]  }
0xea: {  	[tilespmem:s6], [sflag:$0x3] =	stream.linear.gather @!p0 [hbm4b:s0+s5], $0x40, $0x38;
	[tilespmem:$0x1E800] =	vst v63  }
0xeb: {  	s6 =	simm.s32 @!p0 $0x14280;
	s0 =	rddreg [dreg:$0x1e]  }
0xec: {  	[tilespmem:s6], [sflag:$0x3] =	stream.linear.gather @!p0 [hbm4b:s0+s5], $0x40, $0x38;
	[tilespmem:$0x1E800] =	vst v63  }
0xed: {  	s5 =	simm.s32 @!p1 $0x0;
	s6 =	simm.s32 @!p1 $0x14300;
	s0 =	rddreg [dreg:$0x1f]  }
0xee: {  	[tilespmem:s6], [sflag:$0x4] =	stream.linear.gather @!p1 [hbm4b:s0+s5], $0x40, $0x38;
	[tilespmem:$0x1E800] =	vst v63  }
0xef: {  	s0 =	sld [smem:$0x7F0];
	_ =	sdelay $0x1  }
0xf0: {  	s25 =	sld [smem:$0x7F8];
	s6 =	simm.s32 @!p1 $0x14380  }
0xf1: {  	[tilespmem:s6], [sflag:$0x4] =	stream.linear.gather @!p1 [hbm4b:s0+s5], $0x40, $0x38;
	[tilespmem:$0x1E800] =	vst v63  }
0xf2: {  	s0 =	sld [smem:$0x7F1]  }
0xf3: {  	p2 =	seq.s32 s25, $0x1  }
0xf4: {  	s26 =	sld [smem:$0x7FA];
	s5 =	simm.s32 @!p2 $0x0;
	s6 =	simm.s32 @!p2 $0x14400  }
0xf5: {  	[tilespmem:s6], [sflag:$0x5] =	stream.linear.gather @!p2 [hbm4b:s0+s5], $0x40, $0x38;
	[tilespmem:$0x1E800] =	vst v63  }
0xf6: {  	s0 =	sld [smem:$0x7F2]  }
0xf7: {  	s30 =	sld [smem:$0x7FB]  }
0xf8: {  	p4 =	por @!p3 $0x1, $0x1;
	s31 =	sld [smem:$0x7FC];
	s6 =	simm.s32 @!p2 $0x14480  }
0xf9: {  	[tilespmem:s6], [sflag:$0x5] =	stream.linear.gather @!p2 [hbm4b:s0+s5], $0x40, $0x38;
	[tilespmem:$0x1E800] =	vst v63  }
0xfa: {  	p6 =	seq.s32 s26, $0x1;
	p2 =	por @!p2 $0x1, $0x1;
	s0 =	sld [smem:$0x7F3]  }
0xfb: {  	p4 =	por @!p6 p2, p2;
	p2 =	por @!p1 $0x1, $0x1;
	p6 =	seq.s32 s30, $0x1  }
0xfc: {  	s5 =	simm.s32 @!p3 $0x0;
	s6 =	simm.s32 @!p3 $0x14500;
	p2 =	por @!p6 p4, p4  }
0xfd: {  	[tilespmem:s6], [sflag:$0x6] =	stream.linear.gather @!p3 [hbm4b:s0+s5], $0x40, $0x38;
	[tilespmem:$0x1E800] =	vst v63  }
0xfe: {  	p4 =	por @!p0 $0x1, $0x1;
	p6 =	seq.s32 s31, $0x1;
	s0 =	sld [smem:$0x7F4]  }
0xff: {  	p2 =	por @!p6 p4, p4;
	p4 =	por $0x0, $0x0  }
0x100: {  	s6 =	simm.s32 @!p3 $0x14580;
	p4 =	por @!p0 p2, p2  }
0x101: {  	[tilespmem:s6], [sflag:$0x6] =	stream.linear.gather @!p3 [hbm4b:s0+s5], $0x40, $0x38;
	[tilespmem:$0x1E800] =	vst v63  }
.LBB2_6:
0x102: {  	_ =	swait.ge [sflag:s3], $0x40  }
0x103: {  	[sflag:s3] =	ssyncset.done $0x0  }
.Ltmp5:
0x104: {  	[sflag:s3] =	ssyncadd.s32 $0xFFFFFFC0;
	(pc) =	sbr.rel @!p5 .LBB2_7-.Ltmp5, $4  }
0x105: {  	_ =	swait.ge [sflag:s3], $0x40  }
0x106: {  	[sflag:s3] =	ssyncset.done $0x0  }
0x107: {  	[sflag:s3] =	ssyncadd.s32 $0xFFFFFFC0  }
0x108: {  	[tilespmem:s29], [sflag:$0x9] =	stream.indirect.gather [hbm4b:s11+s4], $0x80, s8, s4, $0xb8;
	[tilespmem:$0x1E800] =	vst v63  }
.Ltmp6:
0x109: {  	(pc) =	sbr.rel @!p4 .LBB2_10-.Ltmp6, $4  }
.Ltmp7:
0x10a: {  	(pc) =	sbr.rel @p4 .LBB2_9-.Ltmp7, $4  }
0x10b: {  	_ = 	snop  }
0x10c: {  	_ = 	snop  }
0x10d: {  	_ = 	snop  }
0x10e: {  	_ = 	snop  }
.LBB2_7:
0x10f: {  	s0 =	simm.s32 $0x2  }
0x110: {  	_ =	swait.ge [sflag:s0], $0x40  }
0x111: {  	[sflag:s0] =	ssyncset.done $0x0  }
.Ltmp8:
0x112: {  	[sflag:s0] =	ssyncadd.s32 $0xFFFFFFC0;
	(pc) =	sbr.rel @!p4 .LBB2_10-.Ltmp8, $4  }
0x113: {  	_ =	swait.ge [sflag:s0], $0x40  }
0x114: {  	[sflag:s0] =	ssyncset.done $0x0  }
0x115: {  	s31 =	simm.s32 $0x14100;
	s5 =	simm.s32 $0x16800;
	[sflag:s0] =	ssyncadd.s32 $0xFFFFFFC0  }
0x116: {  	[tilespmem:s5], [sflag:$0xA] =	stream.indirect.gather [hbm4b:s11+s4], $0x80, s31, s4, $0xb8;
	[tilespmem:$0x1E800] =	vst v63  }
.LBB2_9:
0x117: {  	s0 =	simm.s32 $0x3  }
0x118: {  	_ =	swait.ge [sflag:s0], $0x40  }
0x119: {  	[sflag:s0] =	ssyncset.done $0x0  }
0x11a: {  	[sflag:s0] =	ssyncadd.s32 $0xFFFFFFC0  }
0x11b: {  	_ =	swait.ge [sflag:s0], $0x40  }
0x11c: {  	[sflag:s0] =	ssyncset.done $0x0  }
0x11d: {  	s31 =	simm.s32 $0x14200;
	s5 =	simm.s32 $0x18800;
	[sflag:s0] =	ssyncadd.s32 $0xFFFFFFC0  }
0x11e: {  	[tilespmem:s5], [sflag:$0xB] =	stream.indirect.gather [hbm4b:s11+s4], $0x80, s31, s4, $0xb8;
	[tilespmem:$0x1E800] =	vst v63  }
.LBB2_10:
0x11f: {  	s6 =	simm.s32 $0x0  }
0x120: {  	s17 =	simm.s32 $0x3;
	s8 =	simm.s32 $0x400;
	s9 =	sadd.s32 $0x40, s28  }
0x121: {  	s10 =	simm.s32 $0x16800;
	s14 =	simm.s32 $0x4;
	s5 =	smulhi.u32 $0xCCCCCCCD, s6  }
0x122: {  	s16 =	simm.s32 $0x1C800;
	s0 =	sld [smem:$0x7F9];
	p2 =	por $0x1, $0x1  }
0x123: {  	p4 =	sle.s32 s2, $0x3;
	s18 =	smulhi.u32 $0xCCCCCCCD, s17;
	s19 =	sshrl.u32 s5, $0x2  }
0x124: {  	s31 =	sand.u32 $0x40, s28;
	p6 =	sle.s32 s2, $0x6;
	s20 =	smul.u32 $0xFFFFFFEC, s19  }
0x125: {  	s21 =	sand.u32 $0x1C00, s6;
	s6 =	simm.s32 $0x4;
	s17 =	sand.u32 @!p4 $0x7, s17  }
0x126: {  	s18 =	sshrl.u32 s18, $0x2;
	s19 =	smul.u32 $0xFFFD8000, s19;
	s20 =	sshra.s32 s20, $0x2  }
0x127: {  	s21 =	sshrl.u32 s21, $0x2;
	s22 =	smul.u32 $0xFFFFFFEC, s18;
	s20 =	sadd.s32 $0x0, s20  }
0x128: {  	s21 =	sor.u32 $0x14080, s21;
	s18 =	smul.u32 $0xFFFD8000, s18;
	s30 =	sadd.s32 $0x9, s20  }
0x129: {  	s19 =	sshra.s32 s19, $0x2;
	s22 =	sshra.s32 s22, $0x2;
	_ =	swait.ge [sflag:s30], $0x2000  }
0x12a: {  	s23 =	sadd.s32 $0x11, s22;
	s19 =	sadd.s32 $0x14800, s19;
	[sflag:s30] =	ssyncset.done $0x0  }
0x12b: {  	s23 =	sadd.s32 @!p2 $0x0, s23;
	s20 =	sadd.s32 $0xE, s20;
	[sflag:s30] =	ssyncadd.s32 $0xFFFFE000  }
0x12c: {  	[spmem:s15] =	stream.indirect.scatter.add.f32 [tilespmem:s19], [sflag:s20], $0x80, s21, s4, $0xb8;
	[tilespmem:$0x1E800] =	vst v63  }
0x12d: {  	s24 =	sand.u32 @!p6 $0x40, s28;
	s18 =	sshra.s32 s18, $0x2;
	_ =	swait.ge @!p2 [sflag:s23], $0x2000  }
0x12e: {  	s5 =	sadd.s32 $0x80, s0;
	s30 =	sadd.s32 $0x1A800, s18;
	[sflag:s23] =	ssyncset.done @!p2 $0x0  }
0x12f: {  	s19 =	sadd.s32 $0xC, s22;
	s22 =	sadd.s32 @!p4 $0x1, s17;
	[sflag:s23] =	ssyncadd.s32 @!p2 $0xFFFFE000  }
0x130: {  	s18 =	simm.s32 $0x6;
	s20 =	simm.s32 @!p4 $0x40;
	_ =	swait.ge @!p4 [sflag:s22], $0x40  }
0x131: {  	s17 =	sshll.u32 @!p4 s17, $0x8;
	s21 =	simm.s32 $0x1;
	[sflag:s22] =	ssyncset.done @!p4 $0x0  }
0x132: {  	s18 =	sand.u32 @!p6 $0x7, s18;
	s17 =	sor.u32 @!p4 $0x14000, s17;
	[sflag:s22] =	ssyncadd.s32 @!p4 $0xFFFFFFC0  }
0x133: {  	s19 =	sadd.s32 @!p4 $0x0, s19;
	p2 =	sne.s32 s2, $0x1;
	_ =	swait.ge @!p4 [sflag:s22], $0x40  }
.Ltmp9:
0x134: {  	s23 =	sadd.s32 s31, s0;
	[sflag:s22] =	ssyncset.done @!p4 $0x0;
	(pc) =	sbr.rel @!p2 .LBB2_12-.Ltmp9, $4  }
0x135: {  	[sflag:s22] =	ssyncadd.s32 @!p4 $0xFFFFFFC0;
	s22 =	sshrl.u32 @!p6 s23, $0x3;
	s23 =	sand.u32 @!p6 $0xFFFFFF00, s0  }
0x136: {  	[tilespmem:s30], [sflag:s19] =	stream.indirect.gather @!p4 [hbm4b:s11+s20], $0x80, s17, s20, $0xb8;
	[tilespmem:$0x1E800] =	vst v63  }
0x137: {  	s20 =	sor.u32 @!p6 s24, s23;
	s17 =	sshll.u32 @!p6 s18, $0x8;
	s30 =	sor.u32 @!p6 $0x10, s22  }
0x138: {  	s19 =	sor.u32 @!p6 $0x14000, s17;
	s22 =	sshrl.u32 @!p6 s20, $0x3;
	s20 =	simm.s32 @!p6 $0x0  }
.LBB2_11:
0x139: {  	s23 =	sadd.s32 @!p6 $0x1, s18;
	s18 =	sadd.s32 @!p6 s12, s22;
	s22 =	sadd.s32 @!p6 s12, s30  }
0x13a: {  	s24 =	smov.u32 s8;
	s30 =	smov.u32 s9;
	s25 =	smov.u32 s10  }
0x13b: {  	[tilespmem:s19], [sflag:s23] =	stream.linear.gather @!p6 [hbm4b:s18+s20], $0x40, $0x38;
	[tilespmem:$0x1E800] =	vst v63  }
0x13c: {  	s17 =	sor.u32 @!p6 $0x14080, s17;
	s18 =	smov.u32 s14;
	s19 =	smov.u32 s16  }
0x13d: {  	[tilespmem:s17], [sflag:s23] =	stream.linear.gather @!p6 [hbm4b:s22+s20], $0x40, $0x38;
	[tilespmem:$0x1E800] =	vst v63  }
0x13e: {  	s8 =	sadd.s32 $0x400, s8;
	s17 =	smov.u32 s5;
	s20 =	smov.u32 s6  }
0x13f: {  	s21 =	smulhi.u32 $0xCCCCCCCD, s21;
	s9 =	sadd.s32 $0x40, s9;
	s10 =	sadd.s32 $0x2000, s10  }
0x140: {  	s14 =	sadd.s32 $0x4, s14;
	s16 =	sadd.s32 $0x2000, s16;
	s5 =	sadd.s32 $0x80, s5  }
0x141: {  	s21 =	sshrl.u32 s21, $0x2;
	s6 =	sadd.s32 $0x1, s6;
	s22 =	smulhi.u32 $0xCCCCCCCD, s20  }
0x142: {  	s31 =	sshra.s32 s18, $0x2;
	s26 =	smul.u32 $0xFFFFFFEC, s21;
	s23 =	sadd.s32 $0xFFFFFFFD, s20  }
0x143: {  	s24 =	sand.u32 $0x1C00, s24;
	s21 =	smul.u32 $0xFFFD8000, s21;
	s22 =	sshrl.u32 s22, $0x2  }
0x144: {  	s24 =	sshrl.u32 s24, $0x2;
	s26 =	sshra.s32 s26, $0x2;
	s13 =	smul.u32 $0xFFFFFFEC, s22  }
0x145: {  	s24 =	sor.u32 $0x14080, s24;
	s21 =	sshra.s32 s21, $0x2;
	s26 =	sadd.s32 s31, s26  }
0x146: {  	p6 =	slt.u32 s23, $0x2;
	s31 =	sadd.s32 $0x9, s26;
	s13 =	sshra.s32 s13, $0x2  }
0x147: {  	s0 =	sshra.s32 @!p6 s18, $0x2;
	s23 =	sadd.s32 $0x11, s13;
	_ =	swait.ge [sflag:s31], $0x2000  }
0x148: {  	s13 =	sadd.s32 $0xC, s13;
	s0 =	sadd.s32 @!p6 s0, s23;
	[sflag:s31] =	ssyncset.done $0x0  }
0x149: {  	s21 =	sadd.s32 s21, s25;
	s23 =	sadd.s32 $0xE, s26;
	[sflag:s31] =	ssyncadd.s32 $0xFFFFE000  }
0x14a: {  	[spmem:s15] =	stream.indirect.scatter.add.f32 [tilespmem:s21], [sflag:s23], $0x80, s24, s4, $0xb8;
	[tilespmem:$0x1E800] =	vst v63  }
0x14b: {  	p4 =	sge.s32 s20, s2;
	s21 =	smul.u32 $0xFFFD8000, s22;
	_ =	swait.ge @!p6 [sflag:s0], $0x2000  }
0x14c: {  	s22 =	sand.u32 @!p4 $0x7, s20;
	s23 =	simm.s32 @!p4 $0x40;
	[sflag:s0] =	ssyncset.done @!p6 $0x0  }
0x14d: {  	s21 =	sshra.s32 s21, $0x2;
	[sflag:s0] =	ssyncadd.s32 @!p6 $0xFFFFE000;
	s0 =	sadd.s32 @!p4 $0x1, s22  }
0x14e: {  	s24 =	sand.u32 $0x40, s30;
	s22 =	sshll.u32 @!p4 s22, $0x8;
	_ =	swait.ge @!p4 [sflag:s0], $0x40  }
0x14f: {  	s24 =	sadd.s32 s24, s17;
	s22 =	sor.u32 @!p4 $0x14000, s22;
	[sflag:s0] =	ssyncset.done @!p4 $0x0  }
0x150: {  	s20 =	sadd.s32 $0x3, s20;
	s19 =	sadd.s32 s21, s19;
	[sflag:s0] =	ssyncadd.s32 @!p4 $0xFFFFFFC0  }
0x151: {  	p6 =	sge.s32 s20, s2;
	s21 =	sadd.s32 $0xFFFFFFFB, s20;
	_ =	swait.ge @!p4 [sflag:s0], $0x40  }
0x152: {  	s18 =	sshra.s32 @!p4 s18, $0x2;
	p2 =	sne.s32 s21, s2;
	[sflag:s0] =	ssyncset.done @!p4 $0x0  }
0x153: {  	[sflag:s0] =	ssyncadd.s32 @!p4 $0xFFFFFFC0  }
.Ltmp10:
0x154: {  	s0 =	sadd.s32 @!p4 s18, s13;
	s13 =	sshrl.u32 @!p6 s24, $0x3;
	(pc) =	sbr.rel @p2 .LBB2_11-.Ltmp10, $4  }
0x155: {  	s17 =	sand.u32 @!p6 $0xFFFFFF00, s17;
	s18 =	sand.u32 @!p6 $0x7, s20;
	s20 =	sand.u32 @!p6 $0x40, s30  }
0x156: {  	[tilespmem:s19], [sflag:s0] =	stream.indirect.gather @!p4 [hbm4b:s11+s23], $0x80, s22, s23, $0xb8;
	[tilespmem:$0x1E800] =	vst v63  }
0x157: {  	s30 =	sor.u32 @!p6 $0x10, s13;
	s0 =	sor.u32 @!p6 s20, s17;
	s17 =	sshll.u32 @!p6 s18, $0x8  }
0x158: {  	s20 =	simm.s32 @!p6 $0x0;
	s19 =	sor.u32 @!p6 $0x14000, s17;
	s22 =	sshrl.u32 @!p6 s0, $0x3  }
.Ltmp11:
0x159: {  	_ = 	snop;
	(pc) =	sbr.rel .LBB2_12-.Ltmp11, $1  }
0x15a: {  	_ =	sdelay $0x3  }
.LBB2_14:
0x15b: {  	_ =	sfence.sel $0x180000  }
0x15c: {  	[bflag:$0x0] =	sbarrier.arrive $0xFFFF  }
0x15d: {  	_ =	strace $0x9000004A  }
0x15e: {  	s0 =	stileid.u32;
	[bflag:$0x2] =	sbarrier.arrive $0xFFFF  }
0x15f: {  	p0 =	sne.s32 s0, $0x0;
	s0 =	rddreg [dreg:$0x4]  }
0x160: {  	s0 =	sadd.s32 @!p0 $0x100000, s0  }
0x161: {  	[sflag:s0] =	ssyncadd.tile.s32 @!p0 $0x1;
	_ =	shalt  }
.Lfunc_end2:
_tile_overlayer_lowered:
.L_overlay_start_2:
0x162: {  	(tag) =	ssettag $0x2  }
0x163: {  	s0 =	rddreg [dreg:$0x0];
	s2 =	stileid.u32  }
0x164: {  	s1 =	rddreg [dreg:$0x1];
	p0 =	sne.s32 s2, $0x0  }
0x165: {  	s3 =	rddreg [dreg:$0x2];
	[bflag:$0x3] =	sbarrier.arrive $0xFFFF;
	s2 =	simm.s32 @!p0 $0x1C14  }
0x166: {  	[timem:s3], [sflag:s2] =	dma.local @!p0 [hbm:s0], s1  }
0x167: {  	s0 =	simm.s32 @!p0 $0x14  }
0x168: {  	_ =	swait.ge @!p0 [sflag:s0], s1  }
0x169: {  	s1 =	ssub.s32 @!p0 $0x0, s1;
	[sflag:s0] =	ssyncset.done @!p0 $0x0  }
0x16a: {  	[sflag:s0] =	ssyncadd.s32 @!p0 s1  }
0x16b: {  	[bflag:$0x3] =	sbarrier.arrive $0xFFFF  }
0x16c: {  	_ =	shalt  }

// kernel: kernel.8.cloned.1.call-start
scs
__scs_entry_jumppad:
0x0: {  	(pc) =	sbr.rel $0x88, $3  }
0x1: {  	(tag) =	ssettag $0x0;
	lr =	simm.s32 $0x1  }
0x2: {  	[smem:$0x3F97] =	sst lr;
	_ =	strace $0xD0000000  }
0x3: {  	_ = 	snop  }
0x4: {  	_ = 	snop  }
0x5: {  	_ = 	snop  }
0x6: {  	_ = 	snop  }
0x7: {  	_ = 	snop  }
__scs_overlays_trampoline_lowered:
0x8: {  	[smem:$0x3FA6] =	sst s0  }
0x9: {  	[smem:$0x3FA7] =	sst s1  }
0xa: {  	[smem:$0x3FA8] =	sst s2  }
0xb: {  	[smem:$0x3FA9] =	sst s3  }
0xc: {  	[smem:$0x3FAA] =	sst s4  }
0xd: {  	[smem:$0x3FAB] =	sst s5  }
0xe: {  	[smem:$0x3FAC] =	sst s6  }
0xf: {  	[smem:$0x3FAD] =	sst s7  }
0x10: {  	[smem:$0x3FAE] =	sst s8  }
0x11: {  	[smem:$0x3FAF] =	sst s9;
	s0 =	simm.s32 @!p0 $0x0  }
0x12: {  	s1 =	sld [smem:$0x3F95];
	s0 =	simm.s32 @p0 $0x1  }
0x13: {  	[smem:$0x3FB0] =	sst s0;
	s0 =	simm.s32 @!p1 $0x0  }
0x14: {  	s2 =	sld [smem:$0x3F94];
	s0 =	simm.s32 @p1 $0x1  }
0x15: {  	[smem:$0x3FB1] =	sst s0;
	s0 =	simm.s32 @!p2 $0x0  }
0x16: {  	s3 =	sld [smem:$0x3FDB];
	s0 =	simm.s32 @p2 $0x1  }
0x17: {  	s4 =	simm.s32 $0x1BF5;
	[smem:$0x3FB3] =	sst s0  }
0x18: {  	s0 =	sld [smem:$0x3F96];
	_ =	swait.ge [sflag:s4], $0x0  }
0x19: {  	s7 =	sld [smem:$0x3F97]  }
0x1a: {  	s8 =	sadd.s32 $0xFFFFE003, lr  }
0x1b: {  	s9 =	sadd.s32 $0xFFFFFEF7, lr;
	s5 =	simm.s32 $0xFFFFFFFF;
	p2 =	slt.u32 s8, $0xFFFFF086  }
0x1c: {  	p1 =	slt.u32 s9, $0xF7A;
	s5 =	simm.s32 @!p2 $0x0  }
0x1d: {  	s5 =	simm.s32 @p1 $0x1;
	p0 =	seq.s32 s7, s2  }
0x1e: {  	s7 =	smul.u32 @!p0 $0xF7A, s2;
	p2 =	seq.s32 @!p0 s5, $0x0  }
0x1f: {  	s9 =	smul.u32 $0xF7A, s1;
	s8 =	simm.s32 @!p0 $0x1BF5;
	p2 =	por !p2, p0  }
0x20: {  	[sflag:s8] =	ssyncset.s32 @!p0 $0xFFFFF086;
	s6 =	sadd.s32 @!p0 s3, s7;
	s7 =	simm.s32 @!p0 $0x108  }
0x21: {  	s3 =	sadd.s32 s3, s9;
	s6 =	sadd.s32 @!p0 $0x88, s6;
	s7 =	simm.s32 @p2 $0x1082  }
0x22: {  	[simem:s7], [sflag:s8] =	dma.local @!p0 [hbm:s6], $0xF7A  }
0x23: {  	s9 =	sor.u32 $0xD0000000, s2;
	s6 =	simm.s32 $0x108;
	_ =	swait.ge @!p0 [sflag:s8], $0x0  }
0x24: {  	s3 =	sadd.s32 $0x88, s3;
	s6 =	simm.s32 @!p1 $0x1082;
	[sflag:s4] =	ssyncset.s32 $0xFFFFF086  }
0x25: {  	[simem:s6], [sflag:s4] =	dma.local [hbm:s3], $0xF7A  }
0x26: {  	[smem:$0x3F97] =	sst s1;
	(tag) =	ssettag s2;
	_ =	strace s9  }
0x27: {  	s1 =	sld [smem:$0x3FA7]  }
0x28: {  	s2 =	sld [smem:$0x3FA8]  }
0x29: {  	s4 =	sld [smem:$0x3FAA]  }
0x2a: {  	p0 =	seq.s32 s5, $0x0;
	s5 =	sld [smem:$0x3FAB]  }
0x2b: {  	s6 =	sld [smem:$0x3FAC]  }
0x2c: {  	s7 =	sld [smem:$0x3FAD]  }
0x2d: {  	s3 =	simm.s32 $0x108;
	s8 =	sld [smem:$0x3FAE]  }
0x2e: {  	s3 =	simm.s32 @!p0 $0x1082;
	s9 =	sld [smem:$0x3FAF]  }
0x2f: {  	lr =	sadd.s32 s0, s3;
	s0 =	sld [smem:$0x3FA6]  }
0x30: {  	s3 =	sld [smem:$0x3FA9]  }
0x31: {  	[smem:$0x3FB2] =	sst s10  }
0x32: {  	s10 =	sld [smem:$0x3FB0];
	_ =	sdelay $0x3  }
0x33: {  	p0 =	seq.s32 s10, $0x1;
	s10 =	sld [smem:$0x3FB2];
	_ =	sdelay $0x3  }
0x34: {  	[smem:$0x3FB2] =	sst s10  }
0x35: {  	s10 =	sld [smem:$0x3FB1];
	_ =	sdelay $0x3  }
0x36: {  	p1 =	seq.s32 s10, $0x1;
	s10 =	sld [smem:$0x3FB2];
	_ =	sdelay $0x3  }
0x37: {  	[smem:$0x3FB2] =	sst s10  }
0x38: {  	s10 =	sld [smem:$0x3FB3]  }
0x39: {  	_ = 	snop;
	(pc) =	sbr.ind lr, $3  }
0x3a: {  	_ = 	snop  }
0x3b: {  	_ = 	snop  }
0x3c: {  	p2 =	seq.s32 s10, $0x1;
	s10 =	sld [smem:$0x3FB2]  }
0x3d: {  	_ =	shalt  }
0x3e: {  	_ =	shalt  }
0x3f: {  	_ =	shalt  }
0x40: {  	_ =	shalt  }
0x41: {  	_ =	shalt  }
0x42: {  	_ =	shalt  }
0x43: {  	_ =	shalt  }
0x44: {  	_ =	shalt  }
0x45: {  	_ =	shalt  }
0x46: {  	_ =	shalt  }
0x47: {  	_ =	shalt  }
0x48: {  	_ =	shalt  }
0x49: {  	_ =	shalt  }
0x4a: {  	_ =	shalt  }
0x4b: {  	_ =	shalt  }
0x4c: {  	_ =	shalt  }
0x4d: {  	_ =	shalt  }
0x4e: {  	_ =	shalt  }
0x4f: {  	_ =	shalt  }
0x50: {  	_ =	shalt  }
0x51: {  	_ =	shalt  }
0x52: {  	_ =	shalt  }
0x53: {  	_ =	shalt  }
0x54: {  	_ =	shalt  }
0x55: {  	_ =	shalt  }
0x56: {  	_ =	shalt  }
0x57: {  	_ =	shalt  }
0x58: {  	_ =	shalt  }
0x59: {  	_ =	shalt  }
0x5a: {  	_ =	shalt  }
0x5b: {  	_ =	shalt  }
0x5c: {  	_ =	shalt  }
0x5d: {  	_ =	shalt  }
0x5e: {  	_ =	shalt  }
0x5f: {  	_ =	shalt  }
0x60: {  	_ =	shalt  }
0x61: {  	_ =	shalt  }
0x62: {  	_ =	shalt  }
0x63: {  	_ =	shalt  }
0x64: {  	_ =	shalt  }
0x65: {  	_ =	shalt  }
0x66: {  	_ =	shalt  }
0x67: {  	_ =	shalt  }
0x68: {  	_ =	shalt  }
0x69: {  	_ =	shalt  }
0x6a: {  	_ =	shalt  }
0x6b: {  	_ =	shalt  }
0x6c: {  	_ =	shalt  }
0x6d: {  	_ =	shalt  }
0x6e: {  	_ =	shalt  }
0x6f: {  	_ =	shalt  }
0x70: {  	_ =	shalt  }
0x71: {  	_ =	shalt  }
0x72: {  	_ =	shalt  }
0x73: {  	_ =	shalt  }
0x74: {  	_ =	shalt  }
0x75: {  	_ =	shalt  }
0x76: {  	_ =	shalt  }
0x77: {  	_ =	shalt  }
0x78: {  	_ =	shalt  }
0x79: {  	_ =	shalt  }
0x7a: {  	_ =	shalt  }
0x7b: {  	_ =	shalt  }
0x7c: {  	_ =	shalt  }
0x7d: {  	_ =	shalt  }
0x7e: {  	_ =	shalt  }
0x7f: {  	_ =	shalt  }
0x80: {  	_ =	shalt  }
0x81: {  	_ =	shalt  }
0x82: {  	_ =	shalt  }
0x83: {  	_ =	shalt  }
0x84: {  	_ =	shalt  }
0x85: {  	_ =	shalt  }
0x86: {  	_ =	shalt  }
0x87: {  	_ =	shalt  }
.Lfunc_end0:
.L_simem_size_0:
called_computation_lowered:
.L_overlay_start_0:
0x88: {  	s2 =	sld [smem:$0x3FD9]  }
0x89: {  	s3 =	sld [smem:$0x3FFE];
	_ =	sdelay $0x1  }
0x8a: {  	s1 =	srdreg.scid  }
0x8b: {  	s0 =	sand.u32 $0x1, s1  }
0x8c: {  	s17 =	sshll.u32 s0, $0xA;
	s2 =	sadd.s32 s3, s2  }
0x8d: {  	s2 =	sadd.s32 s2, s17  }
0x8e: {  	[smem:$0x3FBE] =	sst s2  }
0x8f: {  	_ = 	snop  }
0x90: {  	s2 =	sld [smem:$0x3FC9]  }
0x91: {  	s18 =	sld [smem:$0x3FC8]  }
0x92: {  	s4 =	sld [smem:$0x3FD0];
	(tm) =	ssettm $0x1  }
0x93: {  	s5 =	sld [smem:$0x3FFB];
	_ =	sdelay $0x3  }
0x94: {  	_ =	strace s5  }
0x95: {  	s5 =	sld [smem:$0x3FFC];
	_ =	sdelay $0x3  }
0x96: {  	_ =	strace s5  }
0x97: {  	s5 =	sld [smem:$0x3FFD];
	_ =	sdelay $0x3  }
0x98: {  	_ =	strace s5  }
0x99: {  	_ =	strace $0x8FFFFFFF  }
0x9a: {  	s19 =	sld [smem:$0x3FDB];
	_ =	sdelay $0x1  }
0x9b: {  	s6 =	simm.s32 $_scs_section_size  }
0x9c: {  	s7 =	simm.s32 $_size__tile_overlayer_lowered;
	s8 =	simm.s32 $_tile_overlayer_lowered  }
0x9d: {  	s22 =	simm.s32 $0x1BFF;
	s21 =	sshll.u32 s8, $0x1;
	s5 =	sadd.s32 s6, s19  }
0x9e: {  	s9 =	simm.s32 $0x0;
	s20 =	sshll.u32 s7, $0x1;
	s7 =	sadd.s32 s21, s5  }
0x9f: {  	[timem:s9], [sflag:s22] =	dma.local [hbm:s7], s20  }
0xa0: {  	_ =	swait.ge [sflag:s22], s20  }
0xa1: {  	s6 =	ssub.s32 $0x0, s20;
	[sflag:s22] =	ssyncset.done $0x0  }
0xa2: {  	[sflag:s22] =	ssyncadd.s32 s6;
	_ =	sdelay $0x1  }
0xa3: {  	s23 =	simm.s32 $0x1B8B  }
0xa4: {  	_ =	swait.ge [sflag:s23], $0x1  }
0xa5: {  	[sflag:s23] =	ssyncset.done $0x0  }
0xa6: {  	s25 =	simm.s32 $0x1B8E;
	s24 =	sld [smem:$0x3FFE];
	[sflag:s23] =	ssyncadd.s32 $0xFFFFFFFF  }
0xa7: {  	s26 =	simm.s32 $execute0_lowered;
	[smem:$0x3FD2] =	sst s25  }
0xa8: {  	s7 =	sshll.u32 s26, $0x1;
	_ =	strace $0x80000046;
	[dreg:$0x1] =	wrdreg $0xFFFFFFFF  }
0xa9: {  	s28 =	simm.s32 $_size_execute0_lowered;
	s5 =	sadd.s32 s5, s7;
	[dreg:$0x0] =	wrdreg $0x0  }
0xaa: {  	s7 =	sshll.u32 s28, $0x1;
	[dreg:$0x2] =	wrdreg s5  }
0xab: {  	[dreg:$0x3] =	wrdreg s7  }
0xac: {  	[dreg:$0x4] =	wrdreg $0xC0  }
0xad: {  	_ =	task [dreg:s9], $0x5FFFF  }
0xae: {  	[dreg:$0x1] =	wrdreg $0xFFFFFFFF  }
0xaf: {  	[dreg:$0x0] =	wrdreg $0x60  }
0xb0: {  	[dreg:$0x2] =	wrdreg s2  }
0xb1: {  	[dreg:$0x3] =	wrdreg s18  }
0xb2: {  	[dreg:$0x4] =	wrdreg s24  }
0xb3: {  	[dreg:$0x5] =	wrdreg s4  }
0xb4: {  	[dreg:$0x6] =	wrdreg $0x0  }
0xb5: {  	[dreg:$0x7] =	wrdreg $0x140000  }
0xb6: {  	[dreg:$0x8] =	wrdreg $0x9  }
0xb7: {  	_ =	task.clear_ibuf [dreg:s9], $0x9FFFF;
	_ =	strace $0x90000046  }
0xb8: {  	s29 =	simm.s32 $0x9;
	_ =	strace $0x80000048  }
0xb9: {  	_ =	swait.ge [sflag:s29], $0x1  }
0xba: {  	[sflag:s29] =	ssyncadd.s32 $0xFFFFFFFF  }
0xbb: {  	_ =	strace $0x90000048  }
0xbc: {  	_ =	sfence  }
0xbd: {  	s30 =	sld [smem:$0x0];
	_ =	sdelay $0x2  }
0xbe: {  	s31 =	sshll.u32 s1, $0xD;
	s1 =	sshrl.u32 s1, $0x2  }
0xbf: {  	s3 =	sand.u32 $0x4000, s31;
	s1 =	sadd.s32 s1, s30  }
0xc0: {  	s0 =	sor.u32 s3, s0;
	s1 =	sshll.u32 s1, $0x11  }
0xc1: {  	s0 =	sor.u32 s1, s0  }
0xc2: {  	s0 =	sadd.s32 $0x8F2B, s0  }
0xc3: {  	[sflag:s0] =	ssyncadd.remote.s32 $0x1  }
0xc4: {  	_ =	sfence.sel $0xFFFF  }
0xc5: {  	[dreg:$0x0] =	wrdreg $0xFFFFFFFF;
	(pc) =	sbr.abs _section_cstart, $3  }
0xc6: {  	[dreg:$0x1] =	wrdreg $0xFFFFFFFF  }
0xc7: {  	_ =	task.clear_ibuf [dreg:s9], $0x2FFFF;
	_ =	strace $0x9FFFFFFF  }
0xc8: {  	(tm) =	ssettm $0x7FFFFFFF  }
0xc9: {  	_ =	shalt  }
tec
execute0_lowered:
.L_overlay_start_1:
0x0: {  	(tag) =	ssettag $0x1  }
0x1: {  	s0 =	srdreg.scid;
	s1 =	rddreg [dreg:$0x2]  }
0x2: {  	s2 =	simm.s32 $0x0;
	s3 =	stileid.u32;
	s8 =	sand.u32 $0x1, s0  }
0x3: {  	[smem:$0x7FF] =	sst s2;
	s14 =	sadd.s32 $0x2200, s1;
	s5 =	smul.u32 $0x9C4, s3  }
0x4: {  	s1 =	smul.u32 $0x280, s3;
	s0 =	ssub.s32 $0x2, s8;
	s20 =	ssub.s32 $0x0, s8  }
0x5: {  	s19 =	sshrl.u32 s0, $0x1;
	s21 =	sand.u32 $0x9C4, s20;
	s22 =	sshrl.u32 s5, $0x4  }
0x6: {  	s6 =	sadd.s32 $0x9C4, s5;
	s10 =	sshll.u32 s1, $0x7;
	s25 =	sshll.u32 s5, $0x2  }
0x7: {  	s0 =	ssub.s32 s0, s19;
	s4 =	sadd.s32 s22, s21;
	s23 =	sshrl.u32 s6, $0x4  }
0x8: {  	s16 =	sor.u32 $0x2000, s10;
	s18 =	sadd.s32 $0x4000, s10;
	s9 =	sand.u32 $0x40, s25  }
0x9: {  	s28 =	sadd.s32 $0xE000, s10;
	s29 =	sadd.s32 $0x10000, s10;
	s30 =	sadd.s32 $0x12000, s10  }
0xa: {  	[smem:$0x7F4] =	sst s0;
	s24 =	sshll.u32 s4, $0x7;
	s26 =	sshll.u32 s4, $0x6  }
0xb: {  	s2 =	ssub.s32 s23, s22;
	s7 =	sand.u32 $0xFFF00, s24;
	s11 =	sadd.s32 $0x40, s26  }
0xc: {  	s19 =	sor.u32 s9, s24;
	s23 =	sadd.s32 $0xC0, s26;
	s12 =	sadd.s32 $0xFFFFFFFE, s2  }
0xd: {  	s5 =	sadd.s32 $0x140, s26;
	s0 =	sor.u32 s9, s7;
	s21 =	sshll.u32 s11, $0x1  }
0xe: {  	s11 =	sand.u32 $0x40, s11;
	s13 =	sshll.u32 s23, $0x1;
	s15 =	smulhi.u32 $0xCCCCCCCD, s12  }
0xf: {  	s17 =	sand.u32 $0x40, s23;
	s26 =	sshll.u32 s5, $0x1;
	s5 =	sand.u32 $0x40, s5  }
0x10: {  	s23 =	smul.u32 $0x14000, s3;
	s22 =	sand.u32 $0x7FFFFF00, s21;
	s24 =	sand.u32 $0x7FFFFF00, s13  }
0x11: {  	s20 =	sor.u32 s11, s22;
	s25 =	sshrl.u32 s15, $0x2;
	s22 =	smul.u32 $0x140000, s8  }
0x12: {  	s21 =	sor.u32 s11, s21;
	s15 =	sadd.s32 $0xFFFFFFFF, s2;
	s6 =	smul.u32 $0x5, s25  }
0x13: {  	s9 =	sor.u32 s17, s24;
	s24 =	smulhi.u32 $0xCCCCCCCD, s15;
	s25 =	sand.u32 $0x7FFFFF00, s26  }
0x14: {  	s13 =	sor.u32 s17, s13;
	s11 =	sor.u32 s5, s26;
	s7 =	sor.u32 s5, s25  }
0x15: {  	s25 =	sadd.s32 $0x8000, s10;
	s26 =	sadd.s32 s23, s22;
	s17 =	sshrl.u32 s24, $0x2  }
0x16: {  	s23 =	sadd.s32 $0xA000, s10;
	s24 =	sadd.s32 $0x6000, s10;
	s17 =	smul.u32 $0x5, s17  }
0x17: {  	s5 =	ssub.s32 s12, s6;
	s12 =	sshrl.u32 s26, $0x3;
	s26 =	sadd.s32 $0xC000, s10  }
0x18: {  	s6 =	ssub.s32 s15, s17;
	s17 =	sadd.s32 s14, s12;
	s12 =	sadd.s32 s22, s16  }
0x19: {  	s15 =	sadd.s32 s22, s18;
	[dreg:$0x8] =	wrdreg s17;
	s10 =	sshrl.u32 s12, $0x3  }
0x1a: {  	s17 =	sadd.s32 s22, s24;
	s12 =	sshrl.u32 s15, $0x3;
	s10 =	sadd.s32 s14, s10  }
0x1b: {  	s15 =	sshrl.u32 s17, $0x3;
	[dreg:$0x9] =	wrdreg s10;
	s10 =	sadd.s32 s14, s12  }
0x1c: {  	s17 =	sadd.s32 s14, s15;
	s12 =	sadd.s32 s22, s25;
	[dreg:$0xa] =	wrdreg s10  }
0x1d: {  	s15 =	sadd.s32 s22, s23;
	[dreg:$0xb] =	wrdreg s17;
	s10 =	sshrl.u32 s12, $0x3  }
0x1e: {  	s17 =	sadd.s32 s22, s26;
	s12 =	sshrl.u32 s15, $0x3;
	s10 =	sadd.s32 s14, s10  }
0x1f: {  	s15 =	sshrl.u32 s17, $0x3;
	[dreg:$0xc] =	wrdreg s10;
	s10 =	sadd.s32 s14, s12  }
0x20: {  	s17 =	sadd.s32 s14, s15;
	s12 =	sadd.s32 s22, s28;
	[dreg:$0xd] =	wrdreg s10  }
0x21: {  	[dreg:$0xe] =	wrdreg s17;
	s15 =	sshrl.u32 s12, $0x3  }
0x22: {  	s10 =	rddreg [dreg:$0x0];
	s17 =	sadd.s32 s22, s29;
	s12 =	sadd.s32 s14, s15  }
0x23: {  	s15 =	sshrl.u32 s17, $0x3;
	s17 =	sadd.s32 s22, s30;
	s22 =	rddreg [dreg:$0x3]  }
0x24: {  	[dreg:$0xf] =	wrdreg s12  }
0x25: {  	s31 =	smul.u32 $0x500, s3;
	s12 =	rddreg [dreg:$0x1];
	s15 =	sadd.s32 s14, s15  }
0x26: {  	p0 =	slt.u32 s2, $0x3;
	s8 =	sshll.u32 s8, $0x7;
	[dreg:$0x10] =	wrdreg s15  }
0x27: {  	s8 =	sor.u32 s8, s31;
	s17 =	sshrl.u32 s17, $0x3;
	s15 =	rddreg [dreg:$0x4]  }
0x28: {  	s8 =	sshrl.u32 s8, $0x3;
	s14 =	sadd.s32 s14, s17;
	s17 =	rddreg [dreg:$0x5]  }
0x29: {  	p4 =	seq.s32 @!p0 s2, $0x3;
	s8 =	sadd.s32 s22, s8;
	[dreg:$0x11] =	wrdreg s14  }
0x2a: {  	s31 =	simm.s32 $0x1EA80;
	_ =	strace $0x80000047;
	[dreg:$0x12] =	wrdreg s8  }
0x2b: {  	p1 =	por p4, p0;
	s16 =	sadd.s32 s16, s15;
	[dreg:$0x7] =	wrdreg s31  }
0x2c: {  	p3 =	slt.u32 @!p1 s2, $0x5;
	s24 =	sadd.s32 s24, s15;
	[dreg:$0x14] =	wrdreg s16  }
0x2d: {  	s9 =	sshrl.u32 s9, $0x3;
	s25 =	sadd.s32 s25, s15;
	[dreg:$0x16] =	wrdreg s24  }
0x2e: {  	p2 =	por @!p0 p3, p4;
	s23 =	sadd.s32 s23, s15;
	[dreg:$0x17] =	wrdreg s25  }
0x2f: {  	p2 =	por p2, p0;
	s26 =	sadd.s32 s26, s15;
	[dreg:$0x18] =	wrdreg s23  }
0x30: {  	s14 =	smul.u32 $0x50000, s3;
	s28 =	sadd.s32 s28, s15;
	[dreg:$0x19] =	wrdreg s26  }
0x31: {  	s29 =	sadd.s32 s29, s15;
	s30 =	sadd.s32 s30, s15;
	[dreg:$0x1a] =	wrdreg s28  }
0x32: {  	s3 =	sshrl.u32 s0, $0x3;
	s31 =	sadd.s32 s18, s15;
	[dreg:$0x1b] =	wrdreg s29  }
0x33: {  	s8 =	sshrl.u32 s19, $0x3;
	s18 =	sadd.s32 s12, s3;
	[dreg:$0x1c] =	wrdreg s30  }
0x34: {  	s19 =	sadd.s32 s1, s17;
	s22 =	sshrl.u32 s14, $0x2;
	[dreg:$0x1e] =	wrdreg s18  }
0x35: {  	s3 =	sor.u32 $0x10, s8;
	s8 =	sshrl.u32 s20, $0x3;
	[dreg:$0x15] =	wrdreg s31  }
0x36: {  	s14 =	sshrl.u32 s21, $0x3;
	[dreg:$0x1d] =	wrdreg s19;
	s1 =	sadd.s32 s12, s3  }
0x37: {  	s18 =	sor.u32 $0x10, s14;
	s14 =	sadd.s32 s12, s9;
	[dreg:$0x1f] =	wrdreg s1  }
0x38: {  	s20 =	sadd.s32 $0x100, s0;
	s9 =	sadd.s32 $0x14, s5;
	[smem:$0x7EA] =	sst s14  }
0x39: {  	s22 =	sadd.s32 s22, s15;
	s21 =	sshrl.u32 s20, $0x3;
	[smem:$0x7F1] =	sst s9  }
0x3a: {  	s3 =	sadd.s32 $0x180, s0;
	s1 =	sadd.s32 s12, s8;
	[dreg:$0x13] =	wrdreg s22  }
0x3b: {  	s20 =	sadd.s32 $0x200, s0;
	[smem:$0x7E6] =	sst s1;
	s1 =	sadd.s32 s12, s18  }
0x3c: {  	s8 =	sshrl.u32 s3, $0x3;
	[smem:$0x7E7] =	sst s1;
	s1 =	sadd.s32 s12, s21  }
0x3d: {  	s18 =	sshrl.u32 s13, $0x3;
	[smem:$0x7E8] =	sst s1;
	s1 =	sadd.s32 s12, s8  }
0x3e: {  	s0 =	sadd.s32 $0x280, s0;
	[smem:$0x7E9] =	sst s1;
	s1 =	sor.u32 $0x10, s18  }
0x3f: {  	s21 =	sshrl.u32 s20, $0x3;
	s18 =	sld [smem:$0x7F4];
	s1 =	sadd.s32 s12, s1  }
0x40: {  	s0 =	sshrl.u32 s0, $0x3;
	[smem:$0x7EB] =	sst s1;
	s1 =	sadd.s32 s12, s21  }
0x41: {  	s0 =	sadd.s32 s12, s0;
	[smem:$0x7EC] =	sst s1;
	s1 =	sshrl.u32 s7, $0x3  }
0x42: {  	s3 =	sshrl.u32 s11, $0x3;
	[smem:$0x7ED] =	sst s0;
	s0 =	sadd.s32 s12, s1  }
0x43: {  	s7 =	sor.u32 $0x10, s3;
	s1 =	smax.u32 s18, $0x1;
	[smem:$0x7EE] =	sst s0  }
0x44: {  	p5 =	seq.s32 @!p2 s2, $0x5;
	s0 =	sadd.s32 s12, s7;
	[smem:$0x7F5] =	sst s1  }
0x45: {  	s14 =	sadd.s32 $0x6, s4;
	s1 =	simm.s32 @!p2 $0x0;
	[smem:$0x7EF] =	sst s0  }
0x46: {  	s1 =	simm.s32 @p2 $0x1;
	s0 =	sshll.u32 s14, $0x6;
	p2 =	por @!p0 !p3, p4  }
0x47: {  	s11 =	sadd.s32 $0xE, s6;
	[smem:$0x7F8] =	sst s0;
	s0 =	simm.s32 @!p2 $0x0  }
0x48: {  	p6 =	por @!p1 p5, p3;
	[smem:$0x7F2] =	sst s11;
	s0 =	simm.s32 @p2 $0x1  }
0x49: {  	p5 =	por @!p1 !p5, p3;
	p6 =	por @!p0 p6, p4;
	[smem:$0x7FA] =	sst s0  }
0x4a: {  	p5 =	por @!p0 !p5, p4;
	s9 =	simm.s32 $0x1;
	s21 =	sld [smem:$0x7FA]  }
0x4b: {  	s13 =	sadd.s32 $0x14, s6;
	s6 =	simm.s32 $0x14A80;
	s11 =	simm.s32 $0x40  }
0x4c: {  	[smem:$0x7F3] =	sst s13;
	s20 =	sshll.u32 s14, $0x7;
	p2 =	por !p5, p0  }
0x4d: {  	p3 =	por p6, p0;
	s0 =	simm.s32 @!p2 $0x0;
	p6 =	seq.s32 s21, $0x1  }
0x4e: {  	[smem:$0x7F7] =	sst s20;
	s0 =	simm.s32 @p2 $0x1;
	p2 =	por !p6, p0  }
0x4f: {  	s8 =	sadd.s32 $0xE, s5;
	[smem:$0x7F9] =	sst s0;
	s0 =	simm.s32 @!p2 $0x0  }
0x50: {  	s5 =	simm.s32 $0x19;
	s0 =	simm.s32 @p2 $0x1;
	p2 =	por !p4, p0  }
.Ltmp0:
0x51: {  	[smem:$0x7FB] =	sst s0;
	s0 =	simm.s32 @!p2 $0x0;
	(pc) =	sbr.rel .LBB2_1-.Ltmp0, $4  }
0x52: {  	[smem:$0x7F0] =	sst s8;
	s0 =	simm.s32 @p2 $0x1;
	p2 =	slt.s32 s2, $0x1  }
0x53: {  	s8 =	simm.s32 $0x13;
	[smem:$0x7FC] =	sst s0;
	s0 =	simm.s32 @!p2 $0x0  }
0x54: {  	s18 =	simm.s32 $0x0;
	[smem:$0x7F6] =	sst s1;
	s0 =	simm.s32 @p2 $0x1  }
0x55: {  	v0 =	vimm.f32 $1.000000000e+00;
	v1 =	vimm.f32 $0.0e+00;
	s7 =	simm.s32 $0x14280;
	p5 =	seq.s32 s2, $0x1;
	[smem:$0x7FD] =	sst s0  }
.LBB2_12:
0x56: {  	s1 =	sshll.u32 @!p4 s29, $0x8;
	s3 =	simm.s32 @!p4 $0x0;
	_ =	swait.ge @!p6 [sflag:s28], $0x40  }
0x57: {  	s7 =	sshrl.u32 @!p4 s14, $0x3;
	s4 =	sor.u32 @!p4 s5, s4;
	[sflag:s28] =	ssyncset.done @!p6 $0x0  }
0x58: {  	s5 =	sadd.s32 @!p4 $0x14280, s1;
	s4 =	sshrl.u32 @!p4 s4, $0x3;
	[sflag:s28] =	ssyncadd.s32 @!p6 $0xFFFFFFC0  }
0x59: {  	[tilespmem:s30], [sflag:s31] =	stream.indirect.gather @!p6 [hbm4b:s10+s26], $0x80, s0, s26, $0xb8;
	[tilespmem:$0x1ED80] =	vst v63  }
0x5a: {  	s4 =	sadd.s32 @!p4 s12, s4;
	s0 =	sor.u32 @!p4 $0x10, s7;
	s7 =	sadd.s32 @!p4 $0x1, s29  }
0x5b: {  	[tilespmem:s5], [sflag:s7] =	stream.linear.gather @!p4 [hbm4b:s4+s3], $0x40, $0x38;
	[tilespmem:$0x1ED80] =	vst v63  }
0x5c: {  	s1 =	sadd.s32 @!p4 $0x14300, s1;
	s0 =	sadd.s32 @!p4 s12, s0  }
0x5d: {  	[tilespmem:s1], [sflag:s7] =	stream.linear.gather @!p4 [hbm4b:s0+s3], $0x40, $0x38;
	[tilespmem:$0x1ED80] =	vst v63  }
0x5e: {  	s0 =	sld [smem:$0x7F0];
	_ =	sdelay $0x2  }
0x5f: {  	_ =	swait.ge @!p5 [sflag:s0], $0x2000  }
0x60: {  	[sflag:s0] =	ssyncset.done @!p5 $0x0  }
0x61: {  	[sflag:s0] =	ssyncadd.s32 @!p5 $0xFFFFE000;
	s0 =	sld [smem:$0x7F1];
	_ =	sdelay $0x2  }
0x62: {  	_ =	swait.ge @!p5 [sflag:s0], $0x40  }
0x63: {  	s25 =	sld [smem:$0x7F2]  }
0x64: {  	[sflag:s0] =	ssyncset.done @!p5 $0x0  }
0x65: {  	[sflag:s0] =	ssyncadd.s32 @!p5 $0xFFFFFFC0  }
0x66: {  	_ =	swait.ge [sflag:s25], $0x2000  }
0x67: {  	s26 =	sld [smem:$0x7F3]  }
0x68: {  	[sflag:s25] =	ssyncset.done $0x0  }
0x69: {  	[sflag:s25] =	ssyncadd.s32 $0xFFFFE000  }
0x6a: {  	_ =	swait.ge [sflag:s26], $0x40  }
0x6b: {  	s22 =	rddreg [dreg:$0x13]  }
0x6c: {  	s16 =	rddreg [dreg:$0x14]  }
0x6d: {  	s31 =	rddreg [dreg:$0x15]  }
0x6e: {  	s24 =	rddreg [dreg:$0x16]  }
0x6f: {  	s25 =	rddreg [dreg:$0x17]  }
0x70: {  	s23 =	rddreg [dreg:$0x18]  }
0x71: {  	s28 =	rddreg [dreg:$0x1a]  }
0x72: {  	s29 =	rddreg [dreg:$0x1b]  }
0x73: {  	s9 =	simm.s32 $0x1;
	s30 =	rddreg [dreg:$0x1c]  }
0x74: {  	s5 =	simm.s32 $0x19;
	[sflag:s26] =	ssyncset.done $0x0;
	s19 =	rddreg [dreg:$0x1d]  }
0x75: {  	s7 =	simm.s32 $0x14280;
	[sflag:s26] =	ssyncadd.s32 $0xFFFFFFC0;
	s26 =	rddreg [dreg:$0x19]  }
.LBB2_13:
0x76: {  	s0 =	stileid.u32  }
0x77: {  	[bflag:$0x0] =	sbarrier.arrive $0xFFFF;
	s0 =	sshll.u32 s0, $0x6  }
0x78: {  	s3 =	sshrl.u32 s22, $0x3;
	s4 =	rddreg [dreg:$0x8];
	s1 =	sor.u32 $0x1C13, s0  }
0x79: {  	[hbm:s4], [sflag:s1] =	dma.local [spmem:s3], $0x400  }
0x7a: {  	s13 =	sshrl.u32 s16, $0x3;
	s4 =	rddreg [dreg:$0x9]  }
0x7b: {  	[hbm:s4], [sflag:s1] =	dma.local [spmem:s13], $0x400  }
0x7c: {  	s14 =	sshrl.u32 s31, $0x3;
	s4 =	rddreg [dreg:$0xa]  }
0x7d: {  	[hbm:s4], [sflag:s1] =	dma.local [spmem:s14], $0x400  }
0x7e: {  	s20 =	sshrl.u32 s24, $0x3;
	s4 =	rddreg [dreg:$0xb]  }
0x7f: {  	[hbm:s4], [sflag:s1] =	dma.local [spmem:s20], $0x400  }
0x80: {  	s21 =	sshrl.u32 s25, $0x3;
	s4 =	rddreg [dreg:$0xc]  }
0x81: {  	[hbm:s4], [sflag:s1] =	dma.local [spmem:s21], $0x400  }
0x82: {  	s13 =	sshrl.u32 s23, $0x3;
	s4 =	rddreg [dreg:$0xd]  }
0x83: {  	[hbm:s4], [sflag:s1] =	dma.local [spmem:s13], $0x400  }
0x84: {  	s14 =	sshrl.u32 s26, $0x3;
	s4 =	rddreg [dreg:$0xe]  }
0x85: {  	[hbm:s4], [sflag:s1] =	dma.local [spmem:s14], $0x400  }
0x86: {  	s20 =	sshrl.u32 s28, $0x3;
	s4 =	rddreg [dreg:$0xf]  }
0x87: {  	[hbm:s4], [sflag:s1] =	dma.local [spmem:s20], $0x400  }
0x88: {  	s0 =	sor.u32 $0x1C19, s0;
	s21 =	sshrl.u32 s29, $0x3;
	s4 =	rddreg [dreg:$0x10]  }
0x89: {  	[hbm:s4], [sflag:s1] =	dma.local [spmem:s21], $0x400  }
0x8a: {  	s13 =	sshrl.u32 s30, $0x3;
	s14 =	sshrl.u32 s19, $0x3;
	s4 =	rddreg [dreg:$0x11]  }
0x8b: {  	[hbm:s4], [sflag:s1] =	dma.local [spmem:s13], $0x400  }
0x8c: {  	s20 =	simm.s32 $0x20;
	s13 =	simm.s32 $0x10;
	s3 =	rddreg [dreg:$0x12]  }
0x8d: {  	[hbm:s3@s20], [sflag:s0] =	dma.strided [spmem:s14@s13], $0x50, s9, $0x10   }
0x8e: {  	_ =	swait.ge [sflag:s5], $0x50  }
0x8f: {  	[sflag:s5] =	ssyncset.done $0x0  }
0x90: {  	[sflag:s5] =	ssyncadd.s32 $0xFFFFFFB0  }
0x91: {  	_ =	swait.ge [sflag:s8], $0x400  }
0x92: {  	[sflag:s8] =	ssyncset.done $0x0  }
0x93: {  	[sflag:s8] =	ssyncadd.s32 $0xFFFFFC00  }
0x94: {  	_ =	swait.ge [sflag:s8], $0x400  }
0x95: {  	[sflag:s8] =	ssyncset.done $0x0  }
0x96: {  	[sflag:s8] =	ssyncadd.s32 $0xFFFFFC00  }
0x97: {  	_ =	swait.ge [sflag:s8], $0x400  }
0x98: {  	[sflag:s8] =	ssyncset.done $0x0  }
0x99: {  	[sflag:s8] =	ssyncadd.s32 $0xFFFFFC00  }
0x9a: {  	_ =	swait.ge [sflag:s8], $0x400  }
0x9b: {  	[sflag:s8] =	ssyncset.done $0x0  }
0x9c: {  	[sflag:s8] =	ssyncadd.s32 $0xFFFFFC00  }
0x9d: {  	_ =	swait.ge [sflag:s8], $0x400  }
0x9e: {  	[sflag:s8] =	ssyncset.done $0x0  }
0x9f: {  	[sflag:s8] =	ssyncadd.s32 $0xFFFFFC00  }
0xa0: {  	_ =	swait.ge [sflag:s8], $0x400  }
0xa1: {  	[sflag:s8] =	ssyncset.done $0x0  }
0xa2: {  	[sflag:s8] =	ssyncadd.s32 $0xFFFFFC00  }
0xa3: {  	_ =	swait.ge [sflag:s8], $0x400  }
0xa4: {  	[sflag:s8] =	ssyncset.done $0x0  }
0xa5: {  	[sflag:s8] =	ssyncadd.s32 $0xFFFFFC00  }
0xa6: {  	_ =	swait.ge [sflag:s8], $0x400  }
0xa7: {  	[sflag:s8] =	ssyncset.done $0x0  }
0xa8: {  	[sflag:s8] =	ssyncadd.s32 $0xFFFFFC00  }
0xa9: {  	_ =	swait.ge [sflag:s8], $0x400  }
0xaa: {  	[sflag:s8] =	ssyncset.done $0x0  }
0xab: {  	[sflag:s8] =	ssyncadd.s32 $0xFFFFFC00  }
0xac: {  	_ =	swait.ge [sflag:s8], $0x400  }
0xad: {  	s21 =	sld [smem:$0x7F5];
	_ =	sdelay $0x1  }
0xae: {  	s18 =	sadd.s32 $0x1, s18  }
0xaf: {  	p2 =	sne.s32 s18, s21  }
.Ltmp1:
0xb0: {  	_ = 	snop;
	(pc) =	sbr.rel @!p2 .LBB2_14-.Ltmp1, $3  }
0xb1: {  	_ =	sdelay $0x1  }
0xb2: {  	[sflag:s8] =	ssyncset.done $0x0  }
0xb3: {  	[sflag:s8] =	ssyncadd.s32 $0xFFFFFC00  }
.LBB2_1:
0xb4: {  	[tilespmem:$0x1EA80] =	vst v0  }
0xb5: {  	[tilespmem:$0x1EA90] =	vst v0  }
0xb6: {  	[tilespmem:$0x1EAA0] =	vst v0  }
0xb7: {  	[tilespmem:$0x1EAB0] =	vst v0  }
0xb8: {  	[tilespmem:$0x1EB00] =	vst v1  }
0xb9: {  	[tilespmem:$0x1EB10] =	vst v1  }
0xba: {  	[tilespmem:$0x1EB20] =	vst v1  }
0xbb: {  	[tilespmem:$0x1EB30] =	vst v1  }
0xbc: {  	[tilespmem:$0x1EB40] =	vst v1  }
0xbd: {  	[tilespmem:$0x1EB50] =	vst v1  }
0xbe: {  	[tilespmem:$0x1EB60] =	vst v1  }
0xbf: {  	[tilespmem:$0x1EB70] =	vst v1  }
0xc0: {  	[tilespmem:$0x1EB80] =	vst v1  }
0xc1: {  	[tilespmem:$0x1EB90] =	vst v1  }
0xc2: {  	[tilespmem:$0x1EBA0] =	vst v1  }
0xc3: {  	[tilespmem:$0x1EBB0] =	vst v1  }
0xc4: {  	[tilespmem:$0x1EBC0] =	vst v1  }
0xc5: {  	[tilespmem:$0x1EBD0] =	vst v1  }
0xc6: {  	[tilespmem:$0x1EBE0] =	vst v1  }
0xc7: {  	[tilespmem:$0x1EBF0] =	vst v1  }
0xc8: {  	[tilespmem:$0x1EC00] =	vst v1  }
0xc9: {  	[tilespmem:$0x1EC10] =	vst v1  }
0xca: {  	[tilespmem:$0x1EC20] =	vst v1  }
0xcb: {  	[tilespmem:$0x1EC30] =	vst v1  }
0xcc: {  	[tilespmem:$0x1EC40] =	vst v1  }
0xcd: {  	[tilespmem:$0x1EC50] =	vst v1  }
0xce: {  	[tilespmem:$0x1EC60] =	vst v1  }
0xcf: {  	[tilespmem:$0x1EC70] =	vst v1  }
0xd0: {  	[tilespmem:$0x1EC80] =	vst v1  }
0xd1: {  	[tilespmem:$0x1EC90] =	vst v1  }
0xd2: {  	[tilespmem:$0x1ECA0] =	vst v1  }
0xd3: {  	[tilespmem:$0x1ECB0] =	vst v1  }
0xd4: {  	[tilespmem:$0x1ECC0] =	vst v1  }
0xd5: {  	[tilespmem:$0x1ECD0] =	vst v1  }
0xd6: {  	[tilespmem:$0x1ECE0] =	vst v1  }
0xd7: {  	[tilespmem:$0x1ECF0] =	vst v1  }
0xd8: {  	[tilespmem:$0x1ED00] =	vst v1  }
0xd9: {  	[tilespmem:$0x1ED10] =	vst v1  }
0xda: {  	[tilespmem:$0x1ED20] =	vst v1  }
0xdb: {  	[tilespmem:$0x1ED30] =	vst v1  }
0xdc: {  	[tilespmem:$0x1ED40] =	vst v1  }
0xdd: {  	[tilespmem:$0x1ED50] =	vst v1  }
0xde: {  	[tilespmem:$0x1ED60] =	vst v1  }
0xdf: {  	[tilespmem:$0x1ED70] =	vst v1;
	s0 =	simm.s32 $0x0;
	s1 =	simm.s32 $0x200  }
.LBB2_2:
0xe0: {  	p4 =	sne.s32 s1, $0x7E00;
	[tilespmem:s0+$0x14AF0] =	vst v1  }
0xe1: {  	[tilespmem:s0+$0x14A80] =	vst v1  }
0xe2: {  	[tilespmem:s0+$0x14A90] =	vst v1  }
.Ltmp2:
0xe3: {  	[tilespmem:s0+$0x14AA0] =	vst v1;
	(pc) =	sbr.rel @p4 .LBB2_2-.Ltmp2, $4  }
0xe4: {  	[tilespmem:s0+$0x14AB0] =	vst v1  }
0xe5: {  	[tilespmem:s0+$0x14AC0] =	vst v1  }
0xe6: {  	[tilespmem:s0+$0x14AD0] =	vst v1  }
0xe7: {  	[tilespmem:s0+$0x14AE0] =	vst v1;
	s0 =	sshra.s32 s1, $0x2;
	s1 =	sadd.s32 $0x200, s1  }
0xe8: {  	[tilespmem:s0+$0x14AF0] =	vst v1  }
0xe9: {  	[tilespmem:s0+$0x14A80] =	vst v1  }
0xea: {  	[tilespmem:s0+$0x14A90] =	vst v1  }
0xeb: {  	[tilespmem:s0+$0x14AA0] =	vst v1  }
0xec: {  	[tilespmem:s0+$0x14AB0] =	vst v1  }
0xed: {  	[tilespmem:s0+$0x14AC0] =	vst v1  }
0xee: {  	[tilespmem:s0+$0x14AD0] =	vst v1  }
0xef: {  	[tilespmem:s0+$0x14AE0] =	vst v1  }
0xf0: {  	[spmem:s22] =	stream.linear.scatter [tilespmem:s6], [sflag:$0x13], $0x2000, $0x38;
	[tilespmem:$0x1ED80] =	vst v63  }
0xf1: {  	_ = 	snop  }
0xf2: {  	[spmem:s16] =	stream.linear.scatter [tilespmem:s6], [sflag:$0x13], $0x2000, $0x38;
	[tilespmem:$0x1ED80] =	vst v63  }
0xf3: {  	_ = 	snop  }
0xf4: {  	[spmem:s31] =	stream.linear.scatter [tilespmem:s6], [sflag:$0x13], $0x2000, $0x38;
	[tilespmem:$0x1ED80] =	vst v63  }
0xf5: {  	_ = 	snop  }
0xf6: {  	[spmem:s24] =	stream.linear.scatter [tilespmem:s6], [sflag:$0x13], $0x2000, $0x38;
	[tilespmem:$0x1ED80] =	vst v63  }
0xf7: {  	_ = 	snop  }
0xf8: {  	[spmem:s25] =	stream.linear.scatter [tilespmem:s6], [sflag:$0x13], $0x2000, $0x38;
	[tilespmem:$0x1ED80] =	vst v63  }
0xf9: {  	_ = 	snop  }
0xfa: {  	[spmem:s23] =	stream.linear.scatter [tilespmem:s6], [sflag:$0x13], $0x2000, $0x38;
	[tilespmem:$0x1ED80] =	vst v63  }
0xfb: {  	_ = 	snop  }
0xfc: {  	[spmem:s26] =	stream.linear.scatter [tilespmem:s6], [sflag:$0x13], $0x2000, $0x38;
	[tilespmem:$0x1ED80] =	vst v63  }
0xfd: {  	_ = 	snop  }
0xfe: {  	[spmem:s28] =	stream.linear.scatter [tilespmem:s6], [sflag:$0x13], $0x2000, $0x38;
	[tilespmem:$0x1ED80] =	vst v63  }
0xff: {  	_ = 	snop  }
0x100: {  	[spmem:s29] =	stream.linear.scatter [tilespmem:s6], [sflag:$0x13], $0x2000, $0x38;
	[tilespmem:$0x1ED80] =	vst v63  }
0x101: {  	_ = 	snop  }
0x102: {  	[spmem:s30] =	stream.linear.scatter [tilespmem:s6], [sflag:$0x13], $0x2000, $0x38;
	[tilespmem:$0x1ED80] =	vst v63  }
0x103: {  	s20 =	simm.s32 $0x1EB00  }
0x104: {  	[spmem:s19] =	stream.linear.scatter [tilespmem:s20], [sflag:$0x19], $0x280, $0x38;
	[tilespmem:$0x1ED80] =	vst v63  }
0x105: {  	_ =	swait.ge [sflag:s5], $0x280  }
0x106: {  	[sflag:s5] =	ssyncset.done $0x0  }
0x107: {  	[sflag:s5] =	ssyncadd.s32 $0xFFFFFD80  }
0x108: {  	_ =	swait.ge [sflag:s8], $0x2000  }
0x109: {  	[sflag:s8] =	ssyncset.done $0x0  }
0x10a: {  	[sflag:s8] =	ssyncadd.s32 $0xFFFFE000  }
0x10b: {  	_ =	swait.ge [sflag:s8], $0x2000  }
0x10c: {  	[sflag:s8] =	ssyncset.done $0x0  }
0x10d: {  	[sflag:s8] =	ssyncadd.s32 $0xFFFFE000  }
0x10e: {  	_ =	swait.ge [sflag:s8], $0x2000  }
0x10f: {  	[sflag:s8] =	ssyncset.done $0x0  }
0x110: {  	[sflag:s8] =	ssyncadd.s32 $0xFFFFE000  }
0x111: {  	_ =	swait.ge [sflag:s8], $0x2000  }
0x112: {  	[sflag:s8] =	ssyncset.done $0x0  }
0x113: {  	[sflag:s8] =	ssyncadd.s32 $0xFFFFE000  }
0x114: {  	_ =	swait.ge [sflag:s8], $0x2000  }
0x115: {  	[sflag:s8] =	ssyncset.done $0x0  }
0x116: {  	[sflag:s8] =	ssyncadd.s32 $0xFFFFE000  }
0x117: {  	_ =	swait.ge [sflag:s8], $0x2000  }
0x118: {  	[sflag:s8] =	ssyncset.done $0x0  }
0x119: {  	[sflag:s8] =	ssyncadd.s32 $0xFFFFE000  }
0x11a: {  	_ =	swait.ge [sflag:s8], $0x2000  }
0x11b: {  	[sflag:s8] =	ssyncset.done $0x0  }
0x11c: {  	[sflag:s8] =	ssyncadd.s32 $0xFFFFE000  }
0x11d: {  	_ =	swait.ge [sflag:s8], $0x2000  }
0x11e: {  	[sflag:s8] =	ssyncset.done $0x0  }
0x11f: {  	[sflag:s8] =	ssyncadd.s32 $0xFFFFE000  }
0x120: {  	_ =	swait.ge [sflag:s8], $0x2000  }
0x121: {  	[sflag:s8] =	ssyncset.done $0x0  }
0x122: {  	[sflag:s8] =	ssyncadd.s32 $0xFFFFE000  }
0x123: {  	_ =	swait.ge [sflag:s8], $0x2000  }
0x124: {  	[sflag:s8] =	ssyncset.done $0x0  }
0x125: {  	[sflag:s8] =	ssyncadd.s32 $0xFFFFE000  }
0x126: {  	[bflag:$0x0] =	sbarrier.arrive $0xFFFF  }
0x127: {  	s21 =	sld [smem:$0x7FD];
	_ =	sdelay $0x2  }
0x128: {  	p2 =	seq.s32 s21, $0x1  }
.Ltmp3:
0x129: {  	_ = 	snop;
	(pc) =	sbr.rel @p2 .LBB2_13-.Ltmp3, $1  }
0x12a: {  	_ =	sdelay $0x3  }
.Ltmp4:
0x12b: {  	(pc) =	sbr.rel @p5 .LBB2_6-.Ltmp4, $4  }
0x12c: {  	s0 =	simm.s32 $0x0;
	s1 =	rddreg [dreg:$0x1e]  }
0x12d: {  	[tilespmem:s7], [sflag:$0x1] =	stream.linear.gather [hbm4b:s1+s0], $0x40, $0x38;
	[tilespmem:$0x1ED80] =	vst v63  }
0x12e: {  	s31 =	rddreg [dreg:$0x1f];
	s3 =	simm.s32 $0x14300;
	p4 =	por $0x0, $0x0  }
0x12f: {  	[tilespmem:s3], [sflag:$0x1] =	stream.linear.gather [hbm4b:s31+s0], $0x40, $0x38;
	[tilespmem:$0x1ED80] =	vst v63  }
0x130: {  	s1 =	sld [smem:$0x7E6];
	_ =	sdelay $0x1  }
0x131: {  	s0 =	simm.s32 $0x0;
	s3 =	simm.s32 $0x14380;
	s25 =	sld [smem:$0x7E7]  }
0x132: {  	[tilespmem:s3], [sflag:$0x2] =	stream.linear.gather [hbm4b:s1+s0], $0x40, $0x38;
	[tilespmem:$0x1ED80] =	vst v63  }
0x133: {  	s26 =	simm.s32 $0x14400;
	s3 =	sld [smem:$0x7E8]  }
0x134: {  	[tilespmem:s26], [sflag:$0x2] =	stream.linear.gather [hbm4b:s25+s0], $0x40, $0x38;
	[tilespmem:$0x1ED80] =	vst v63  }
0x135: {  	s1 =	simm.s32 @!p0 $0x14480;
	s0 =	simm.s32 @!p0 $0x0  }
0x136: {  	[tilespmem:s1], [sflag:$0x3] =	stream.linear.gather @!p0 [hbm4b:s3+s0], $0x40, $0x38;
	[tilespmem:$0x1ED80] =	vst v63  }
0x137: {  	s3 =	sld [smem:$0x7E9];
	_ =	sdelay $0x1  }
0x138: {  	s1 =	simm.s32 @!p0 $0x14500  }
0x139: {  	[tilespmem:s1], [sflag:$0x3] =	stream.linear.gather @!p0 [hbm4b:s3+s0], $0x40, $0x38;
	[tilespmem:$0x1ED80] =	vst v63  }
0x13a: {  	s3 =	sld [smem:$0x7EA];
	_ =	sdelay $0x1  }
0x13b: {  	s0 =	simm.s32 @!p1 $0x0;
	s1 =	simm.s32 @!p1 $0x14580  }
0x13c: {  	[tilespmem:s1], [sflag:$0x4] =	stream.linear.gather @!p1 [hbm4b:s3+s0], $0x40, $0x38;
	[tilespmem:$0x1ED80] =	vst v63  }
0x13d: {  	s3 =	sld [smem:$0x7EB];
	_ =	sdelay $0x1  }
0x13e: {  	s28 =	sld [smem:$0x7F6];
	s1 =	simm.s32 @!p1 $0x14600  }
0x13f: {  	[tilespmem:s1], [sflag:$0x4] =	stream.linear.gather @!p1 [hbm4b:s3+s0], $0x40, $0x38;
	[tilespmem:$0x1ED80] =	vst v63  }
0x140: {  	s3 =	sld [smem:$0x7EC]  }
0x141: {  	p2 =	seq.s32 s28, $0x1  }
0x142: {  	s29 =	sld [smem:$0x7F9];
	s0 =	simm.s32 @!p2 $0x0;
	s1 =	simm.s32 @!p2 $0x14680  }
0x143: {  	[tilespmem:s1], [sflag:$0x5] =	stream.linear.gather @!p2 [hbm4b:s3+s0], $0x40, $0x38;
	[tilespmem:$0x1ED80] =	vst v63  }
0x144: {  	s3 =	sld [smem:$0x7ED]  }
0x145: {  	s30 =	sld [smem:$0x7FB]  }
0x146: {  	p6 =	por @!p3 $0x1, $0x1;
	s31 =	sld [smem:$0x7FC];
	s1 =	simm.s32 @!p2 $0x14700  }
0x147: {  	[tilespmem:s1], [sflag:$0x5] =	stream.linear.gather @!p2 [hbm4b:s3+s0], $0x40, $0x38;
	[tilespmem:$0x1ED80] =	vst v63  }
0x148: {  	p4 =	por @!p2 $0x1, $0x1;
	p2 =	seq.s32 s29, $0x1;
	s3 =	sld [smem:$0x7EE]  }
0x149: {  	p6 =	por @!p2 p4, p4;
	p2 =	por @!p1 $0x1, $0x1;
	p4 =	seq.s32 s30, $0x1  }
0x14a: {  	s0 =	simm.s32 @!p3 $0x0;
	s1 =	simm.s32 @!p3 $0x14780;
	p2 =	por @!p4 p6, p6  }
0x14b: {  	[tilespmem:s1], [sflag:$0x6] =	stream.linear.gather @!p3 [hbm4b:s3+s0], $0x40, $0x38;
	[tilespmem:$0x1ED80] =	vst v63  }
0x14c: {  	p4 =	por @!p0 $0x1, $0x1;
	p6 =	seq.s32 s31, $0x1;
	s3 =	sld [smem:$0x7EF]  }
0x14d: {  	p2 =	por @!p6 p4, p4;
	p4 =	por $0x0, $0x0  }
0x14e: {  	s1 =	simm.s32 @!p3 $0x14800;
	p4 =	por @!p0 p2, p2  }
0x14f: {  	[tilespmem:s1], [sflag:$0x6] =	stream.linear.gather @!p3 [hbm4b:s3+s0], $0x40, $0x38;
	[tilespmem:$0x1ED80] =	vst v63  }
.LBB2_6:
0x150: {  	_ =	swait.ge [sflag:s9], $0x40  }
0x151: {  	[sflag:s9] =	ssyncset.done $0x0  }
.Ltmp5:
0x152: {  	[sflag:s9] =	ssyncadd.s32 $0xFFFFFFC0;
	(pc) =	sbr.rel @!p5 .LBB2_7-.Ltmp5, $4  }
0x153: {  	_ =	swait.ge [sflag:s9], $0x40  }
0x154: {  	[sflag:s9] =	ssyncset.done $0x0  }
0x155: {  	[sflag:s9] =	ssyncadd.s32 $0xFFFFFFC0  }
0x156: {  	[tilespmem:s6], [sflag:$0x9] =	stream.indirect.gather [hbm4b:s10+s11], $0x80, s7, s11, $0xb8;
	[tilespmem:$0x1ED80] =	vst v63  }
.Ltmp6:
0x157: {  	(pc) =	sbr.rel @!p4 .LBB2_10-.Ltmp6, $4  }
.Ltmp7:
0x158: {  	(pc) =	sbr.rel @p4 .LBB2_9-.Ltmp7, $4  }
0x159: {  	_ = 	snop  }
0x15a: {  	_ = 	snop  }
0x15b: {  	_ = 	snop  }
0x15c: {  	_ = 	snop  }
.LBB2_7:
0x15d: {  	s0 =	simm.s32 $0x2  }
0x15e: {  	_ =	swait.ge [sflag:s0], $0x40  }
0x15f: {  	[sflag:s0] =	ssyncset.done $0x0  }
.Ltmp8:
0x160: {  	[sflag:s0] =	ssyncadd.s32 $0xFFFFFFC0;
	(pc) =	sbr.rel @!p4 .LBB2_10-.Ltmp8, $4  }
0x161: {  	_ =	swait.ge [sflag:s0], $0x40  }
0x162: {  	[sflag:s0] =	ssyncset.done $0x0  }
0x163: {  	s31 =	simm.s32 $0x14380;
	s1 =	simm.s32 $0x16A80;
	[sflag:s0] =	ssyncadd.s32 $0xFFFFFFC0  }
0x164: {  	[tilespmem:s1], [sflag:$0xA] =	stream.indirect.gather [hbm4b:s10+s11], $0x80, s31, s11, $0xb8;
	[tilespmem:$0x1ED80] =	vst v63  }
.LBB2_9:
0x165: {  	s0 =	simm.s32 $0x3  }
0x166: {  	_ =	swait.ge [sflag:s0], $0x40  }
0x167: {  	[sflag:s0] =	ssyncset.done $0x0  }
0x168: {  	[sflag:s0] =	ssyncadd.s32 $0xFFFFFFC0  }
0x169: {  	_ =	swait.ge [sflag:s0], $0x40  }
0x16a: {  	[sflag:s0] =	ssyncset.done $0x0  }
0x16b: {  	s31 =	simm.s32 $0x14480;
	s1 =	simm.s32 $0x18A80;
	[sflag:s0] =	ssyncadd.s32 $0xFFFFFFC0  }
0x16c: {  	[tilespmem:s1], [sflag:$0xB] =	stream.indirect.gather [hbm4b:s10+s11], $0x80, s31, s11, $0xb8;
	[tilespmem:$0x1ED80] =	vst v63  }
.LBB2_10:
0x16d: {  	s0 =	simm.s32 $0x0;
	s4 =	simm.s32 $0x3  }
0x16e: {  	s13 =	simm.s32 $0x16A80;
	s16 =	simm.s32 $0x400;
	s1 =	smulhi.u32 $0xCCCCCCCD, s0  }
0x16f: {  	s9 =	sld [smem:$0x7F8];
	p4 =	por $0x1, $0x1;
	p6 =	sle.s32 s2, $0x3  }
0x170: {  	p2 =	sne.s32 s2, $0x1;
	s3 =	smulhi.u32 $0xCCCCCCCD, s4;
	s1 =	sshrl.u32 s1, $0x2  }
0x171: {  	s0 =	sand.u32 $0x1C00, s0;
	s26 =	simm.s32 @!p6 $0x40;
	s5 =	smul.u32 $0xFFFFFFEC, s1  }
0x172: {  	s0 =	sshrl.u32 s0, $0x2;
	s14 =	sshrl.u32 s3, $0x2;
	s1 =	smul.u32 $0xFFFD8000, s1  }
0x173: {  	s0 =	sadd.s32 $0x14300, s0;
	s3 =	sadd.s32 $0x40, s9;
	s20 =	smul.u32 $0xFFFFFFEC, s14  }
0x174: {  	s14 =	smul.u32 $0xFFFD8000, s14;
	s5 =	sshra.s32 s5, $0x2;
	s1 =	sshra.s32 s1, $0x2  }
0x175: {  	s23 =	sshra.s32 s20, $0x2;
	s20 =	simm.s32 $0x1CA80;
	s5 =	sadd.s32 $0x0, s5  }
0x176: {  	s30 =	sshra.s32 s14, $0x2;
	s1 =	sadd.s32 $0x14A80, s1;
	s21 =	sadd.s32 $0x9, s5  }
0x177: {  	s24 =	sadd.s32 $0x17, s23;
	s30 =	sadd.s32 $0x1AA80, s30;
	_ =	swait.ge [sflag:s21], $0x2000  }
0x178: {  	s22 =	sadd.s32 $0xE, s5;
	s5 =	sadd.s32 $0x14, s5;
	[sflag:s21] =	ssyncset.done $0x0  }
0x179: {  	s7 =	sld [smem:$0x7F7];
	[sflag:s21] =	ssyncadd.s32 $0xFFFFE000;
	s21 =	sadd.s32 $0x11, s23  }
0x17a: {  	[spmem:s15] =	stream.indirect.scatter.add.f32 [tilespmem:s1], [sflag:s22], $0x80, s0, s11, $0xb8;
	[tilespmem:$0x1ED80] =	vst v63  }
0x17b: {  	s25 =	rddreg [dreg:$0x7];
	s1 =	sadd.s32 @!p4 $0x0, s21;
	s21 =	simm.s32 $0x4  }
0x17c: {  	[spmem:s17] =	stream.indirect.scatter.add.f32 [tilespmem:s25], [sflag:s5], $0x1, s0, s11, $0xb8;
	[tilespmem:$0x1ED80] =	vst v63  }
0x17d: {  	s22 =	simm.s32 $0x4;
	s19 =	sadd.s32 $0x80, s7;
	_ =	swait.ge @!p4 [sflag:s1], $0x2000  }
0x17e: {  	s5 =	sadd.s32 @!p4 $0x0, s24;
	s0 =	sand.u32 @!p6 $0x7, s4;
	[sflag:s1] =	ssyncset.done @!p4 $0x0  }
0x17f: {  	s25 =	sand.u32 $0x40, s9;
	s4 =	sadd.s32 $0xC, s23;
	[sflag:s1] =	ssyncadd.s32 @!p4 $0xFFFFE000  }
0x180: {  	s28 =	sadd.s32 @!p6 $0x1, s0;
	s0 =	sshll.u32 @!p6 s0, $0x8;
	_ =	swait.ge @!p4 [sflag:s5], $0x40  }
.Ltmp9:
0x181: {  	s14 =	sadd.s32 s25, s7;
	[sflag:s5] =	ssyncset.done @!p4 $0x0;
	(pc) =	sbr.rel @!p2 .LBB2_12-.Ltmp9, $4  }
0x182: {  	s31 =	sadd.s32 @!p6 $0x0, s4;
	s0 =	sadd.s32 @!p6 $0x14280, s0;
	[sflag:s5] =	ssyncadd.s32 @!p4 $0xFFFFFFC0  }
0x183: {  	s1 =	simm.s32 $0x6;
	p4 =	sle.s32 s2, $0x6;
	_ =	swait.ge @!p6 [sflag:s28], $0x40  }
0x184: {  	s29 =	sand.u32 @!p4 $0x7, s1;
	s1 =	simm.s32 $0x1;
	[sflag:s28] =	ssyncset.done @!p6 $0x0  }
0x185: {  	s4 =	sand.u32 @!p4 $0xFFFFFF00, s7;
	s5 =	sand.u32 @!p4 $0x40, s9;
	[sflag:s28] =	ssyncadd.s32 @!p6 $0xFFFFFFC0  }
.LBB2_11:
0x186: {  	s9 =	sshll.u32 @!p4 s29, $0x8  }
0x187: {  	s7 =	simm.s32 @!p4 $0x0;
	_ =	swait.ge @!p6 [sflag:s28], $0x40;
	s4 =	sor.u32 @!p4 s5, s4  }
0x188: {  	s1 =	smulhi.u32 $0xCCCCCCCD, s1;
	[sflag:s28] =	ssyncset.done @!p6 $0x0;
	s4 =	sshrl.u32 @!p4 s4, $0x3  }
0x189: {  	s5 =	sadd.s32 @!p4 $0x14280, s9;
	[sflag:s28] =	ssyncadd.s32 @!p6 $0xFFFFFFC0;
	s4 =	sadd.s32 @!p4 s12, s4  }
0x18a: {  	[tilespmem:s30], [sflag:s31] =	stream.indirect.gather @!p6 [hbm4b:s10+s26], $0x80, s0, s26, $0xb8;
	[tilespmem:$0x1ED80] =	vst v63  }
0x18b: {  	s1 =	sshrl.u32 s1, $0x2;
	s0 =	smulhi.u32 $0xCCCCCCCD, s21;
	s26 =	sadd.s32 @!p4 $0x1, s29  }
0x18c: {  	[tilespmem:s5], [sflag:s26] =	stream.linear.gather @!p4 [hbm4b:s4+s7], $0x40, $0x38;
	[tilespmem:$0x1ED80] =	vst v63  }
0x18d: {  	s14 =	sshrl.u32 @!p4 s14, $0x3;
	s4 =	smul.u32 $0xFFFD8000, s1  }
0x18e: {  	s14 =	sor.u32 @!p4 $0x10, s14;
	s1 =	smul.u32 $0xFFFFFFEC, s1;
	s0 =	sshrl.u32 s0, $0x2  }
0x18f: {  	s5 =	sadd.s32 @!p4 $0x14300, s9;
	s9 =	sadd.s32 @!p4 s12, s14;
	s14 =	smul.u32 $0xFFFFFFEC, s0  }
0x190: {  	[tilespmem:s5], [sflag:s26] =	stream.linear.gather @!p4 [hbm4b:s9+s7], $0x40, $0x38;
	[tilespmem:$0x1ED80] =	vst v63  }
0x191: {  	s23 =	smov.u32 s3;
	s0 =	smul.u32 $0xFFFD8000, s0;
	s1 =	sshra.s32 s1, $0x2  }
0x192: {  	s26 =	sshra.s32 s22, $0x2;
	s4 =	sshra.s32 s4, $0x2;
	s7 =	sand.u32 $0x1C00, s16  }
0x193: {  	s1 =	sadd.s32 s26, s1;
	s4 =	sadd.s32 s4, s13;
	s5 =	sshrl.u32 s7, $0x2  }
0x194: {  	s26 =	sadd.s32 $0xFFFFFFFD, s21;
	s7 =	sshra.s32 s14, $0x2;
	s9 =	sadd.s32 $0x9, s1  }
0x195: {  	s5 =	sadd.s32 $0x14300, s5;
	p4 =	slt.u32 s26, $0x2;
	_ =	swait.ge [sflag:s9], $0x2000  }
0x196: {  	s28 =	sadd.s32 $0xE, s1;
	s26 =	sshra.s32 @!p4 s22, $0x2;
	[sflag:s9] =	ssyncset.done $0x0  }
0x197: {  	[sflag:s9] =	ssyncadd.s32 $0xFFFFE000;
	s9 =	sshra.s32 s0, $0x2;
	s0 =	sadd.s32 $0x11, s7  }
0x198: {  	[spmem:s15] =	stream.indirect.scatter.add.f32 [tilespmem:s4], [sflag:s28], $0x80, s5, s11, $0xb8;
	[tilespmem:$0x1ED80] =	vst v63  }
0x199: {  	s1 =	sadd.s32 $0x14, s1;
	s30 =	rddreg [dreg:$0x7];
	s0 =	sadd.s32 @!p4 s26, s0  }
0x19a: {  	[spmem:s17] =	stream.indirect.scatter.add.f32 [tilespmem:s30], [sflag:s1], $0x1, s5, s11, $0xb8;
	[tilespmem:$0x1ED80] =	vst v63  }
0x19b: {  	s24 =	smov.u32 s19;
	s25 =	smov.u32 s20;
	_ =	swait.ge @!p4 [sflag:s0], $0x2000  }
0x19c: {  	s3 =	sadd.s32 $0x40, s3;
	s14 =	sadd.s32 $0x17, s7;
	[sflag:s0] =	ssyncset.done @!p4 $0x0  }
0x19d: {  	s19 =	sadd.s32 $0x80, s19;
	s1 =	sadd.s32 @!p4 s26, s14;
	[sflag:s0] =	ssyncadd.s32 @!p4 $0xFFFFE000  }
0x19e: {  	s20 =	sadd.s32 $0x2000, s20;
	s31 =	smov.u32 s21;
	_ =	swait.ge @!p4 [sflag:s1], $0x40  }
0x19f: {  	s29 =	smov.u32 s22;
	p6 =	sge.s32 s31, s2;
	[sflag:s1] =	ssyncset.done @!p4 $0x0  }
0x1a0: {  	s4 =	sand.u32 @!p6 $0x7, s31;
	[sflag:s1] =	ssyncadd.s32 @!p4 $0xFFFFFFC0;
	s1 =	sadd.s32 $0x3, s31  }
0x1a1: {  	s28 =	sadd.s32 @!p6 $0x1, s4;
	s0 =	sshll.u32 @!p6 s4, $0x8;
	p4 =	sge.s32 s1, s2  }
0x1a2: {  	s4 =	sshra.s32 @!p6 s29, $0x2;
	s29 =	sand.u32 @!p4 $0x7, s1;
	s1 =	sadd.s32 $0xFFFFFFFB, s1  }
0x1a3: {  	s16 =	sadd.s32 $0x400, s16;
	s13 =	sadd.s32 $0x2000, s13;
	p2 =	sne.s32 s1, s2  }
.Ltmp10:
0x1a4: {  	s21 =	sadd.s32 $0x1, s21;
	s22 =	sadd.s32 $0x4, s22;
	(pc) =	sbr.rel @p2 .LBB2_11-.Ltmp10, $4  }
0x1a5: {  	s26 =	simm.s32 @!p6 $0x40;
	s14 =	sand.u32 $0x40, s23;
	s5 =	sadd.s32 $0xC, s7  }
0x1a6: {  	s30 =	sadd.s32 s9, s25;
	s14 =	sadd.s32 s14, s24;
	_ =	swait.ge @!p6 [sflag:s28], $0x40  }
0x1a7: {  	s0 =	sadd.s32 @!p6 $0x14280, s0;
	s31 =	sadd.s32 @!p6 s4, s5;
	[sflag:s28] =	ssyncset.done @!p6 $0x0  }
0x1a8: {  	s4 =	sand.u32 @!p4 $0xFFFFFF00, s24;
	s5 =	sand.u32 @!p4 $0x40, s23;
	[sflag:s28] =	ssyncadd.s32 @!p6 $0xFFFFFFC0  }
.Ltmp11:
0x1a9: {  	_ = 	snop;
	(pc) =	sbr.rel .LBB2_12-.Ltmp11, $1  }
0x1aa: {  	_ =	sdelay $0x3  }
.LBB2_14:
0x1ab: {  	_ =	sfence.sel $0x180000  }
0x1ac: {  	[bflag:$0x0] =	sbarrier.arrive $0xFFFF  }
0x1ad: {  	_ =	strace $0x90000047  }
0x1ae: {  	s0 =	stileid.u32;
	[bflag:$0x2] =	sbarrier.arrive $0xFFFF  }
0x1af: {  	p0 =	sne.s32 s0, $0x0;
	s0 =	rddreg [dreg:$0x6]  }
0x1b0: {  	s0 =	sadd.s32 @!p0 $0x100000, s0  }
0x1b1: {  	[sflag:s0] =	ssyncadd.tile.s32 @!p0 $0x1;
	_ =	shalt  }
.Lfunc_end2:
_tile_overlayer_lowered:
.L_overlay_start_2:
0x1b2: {  	(tag) =	ssettag $0x2  }
0x1b3: {  	s0 =	rddreg [dreg:$0x0];
	s2 =	stileid.u32  }
0x1b4: {  	s1 =	rddreg [dreg:$0x1];
	p0 =	sne.s32 s2, $0x0  }
0x1b5: {  	s3 =	rddreg [dreg:$0x2];
	[bflag:$0x3] =	sbarrier.arrive $0xFFFF;
	s2 =	simm.s32 @!p0 $0x1C19  }
0x1b6: {  	[timem:s3], [sflag:s2] =	dma.local @!p0 [hbm:s0], s1  }
0x1b7: {  	s0 =	simm.s32 @!p0 $0x19  }
0x1b8: {  	_ =	swait.ge @!p0 [sflag:s0], s1  }
0x1b9: {  	s1 =	ssub.s32 @!p0 $0x0, s1;
	[sflag:s0] =	ssyncset.done @!p0 $0x0  }
0x1ba: {  	[sflag:s0] =	ssyncadd.s32 @!p0 s1  }
0x1bb: {  	[bflag:$0x3] =	sbarrier.arrive $0xFFFF  }
0x1bc: {  	_ =	shalt  }

</sc_bundles>
